<compile_context>
chip_gen: v7x
topology: tpu7x:2x2x1
jax: 0.10.2.dev20260603
libtpu: 0.0.44.dev20260713+nightly
codegen_flags: <defaults>
</compile_context>

<pallas_src>
import functools

import jax
import jax.numpy as jnp
from jax import lax
from jax.experimental import pallas as pl
from jax.experimental.pallas import tpu as pltpu
from jax.experimental.pallas import tpu_sc as plsc

N = 10000
NPAD = 10240
E = 320000
F1 = 128
F2 = 64
NC = 2
NS = 16
NW = NC * NS
CH = 125
NROW = E // CH
NCH = NROW // NS
NBUF = 8
RPT = NPAD // NS
EPT = E // NW
NCH_D = 2 * EPT // CH
NBLK_D = NCH_D // NBUF
RPT_D = 2 * NPAD // NS


@functools.cache
def _mesh():
    return plsc.VectorSubcoreMesh(core_axis_name="c", subcore_axis_name="s",
                                  num_cores=NC, num_subcores=NS)


def _zero_vmem(ref, rows, width):
    zeros16 = jnp.zeros((16,), jnp.float32)

    def body(i, _):
        r = i // (width // 16)
        j = i % (width // 16)
        ref[r, pl.ds(j * 16, 16)] = zeros16
        return 0

    lax.fori_loop(0, rows * (width // 16), body, 0)


def _zero_vmem_1d(ref, n):
    zeros16 = jnp.zeros((16,), jnp.float32)

    def body(i, _):
        ref[pl.ds(i * 16, 16)] = zeros16
        return 0

    lax.fori_loop(0, n // 16, body, 0)


def _rsqrt16(x):
    i = plsc.bitcast(x, jnp.int32)
    i = 0x5F3759DF - lax.shift_right_arithmetic(i, 1)
    y = plsc.bitcast(i, jnp.float32)
    for _ in range(3):
        y = y * (1.5 - 0.5 * x * y * y)
    return y


def _norm_fill(nb, d0, d1):
    def body(k, _):
        d = d0[pl.ds(k * 16, 16)] + d1[pl.ds(k * 16, 16)]
        r = _rsqrt16(jnp.maximum(d, 1.0))
        nb[pl.ds(k * 16, 16)] = jnp.where(d > 0, r, 0.0)
        return 0

    lax.fori_loop(0, RPT // 16, body, 0)


@functools.cache
def _make_deg_kernel():
    return functools.partial(
        pl.kernel,
        out_type=jax.ShapeDtypeStruct((NC * 2 * NPAD,), jnp.float32),
        mesh=_mesh(),
        scratch_types=[
            pltpu.VMEM((NCH_D // 2, CH), jnp.int32),
            pltpu.VMEM((NCH_D // 2, CH), jnp.int32),
            pltpu.VMEM((CH,), jnp.float32),
            pltpu.VMEM((RPT_D,), jnp.float32),
            pltpu.VMEM_SHARED((NPAD,), jnp.float32),
            pltpu.VMEM_SHARED((NPAD,), jnp.float32),
        ] + [pltpu.SemaphoreType.DMA for _ in range(NBUF)],
        compiler_params=pltpu.CompilerParams(use_tc_tiling_on_sc=False),
    )(_deg_body)


def _deg_body(src_hbm, dst_hbm, deg_out, src_v, dst_v, ones_v, zero_v,
              dego_sh, degi_sh, *sems):
    cid = lax.axis_index("c")
    sid = lax.axis_index("s")
    wid = cid * NS + sid
    npair = NCH_D // 2

    pltpu.sync_copy(src_hbm.at[pl.ds(wid * npair, npair)], src_v)
    pltpu.sync_copy(dst_hbm.at[pl.ds(wid * npair, npair)], dst_v)

    ones16 = jnp.ones((16,), jnp.float32)

    def fill_ones(i, _):
        ones_v[pl.ds(i * 16, 16)] = ones16
        return 0

    lax.fori_loop(0, CH // 16, fill_ones, 0)
    ones_v[pl.ds(CH - 16, 16)] = ones16
    _zero_vmem_1d(zero_v, RPT_D)

    h = RPT_D // 2
    pltpu.sync_copy(zero_v.at[pl.ds(0, h)], dego_sh.at[pl.ds(sid * h, h)])
    pltpu.sync_copy(zero_v.at[pl.ds(0, h)], degi_sh.at[pl.ds(sid * h, h)])
    plsc.subcore_barrier()

    def scat(c, parity, b):
        if parity == 0:
            pltpu.async_copy(ones_v, dego_sh.at[src_v.at[c]], sems[b],
                             add=True)
        else:
            pltpu.async_copy(ones_v, degi_sh.at[dst_v.at[c]], sems[b],
                             add=True)

    def wait(b):
        pltpu.make_async_copy(ones_v, dego_sh.at[src_v.at[0]],
                              sems[b]).wait()

    for b in range(NBUF):
        scat(b // 2, b % 2, b)

    def blk_body(blk, _):
        for b in range(NBUF):
            wait(b)
            scat(blk * (NBUF // 2) + b // 2, b % 2, b)
        return 0

    lax.fori_loop(1, NBLK_D, blk_body, 0)
    for b in range(NBUF):
        wait(b)
    plsc.subcore_barrier()

    o = cid * 2 * NPAD + sid * h
    pltpu.sync_copy(dego_sh.at[pl.ds(sid * h, h)], deg_out.at[pl.ds(o, h)])
    pltpu.sync_copy(degi_sh.at[pl.ds(sid * h, h)],
                    deg_out.at[pl.ds(o + NPAD, h)])


@functools.cache
def _make_edge_kernel(FH):
    if FH == 32:
        nbuf, glag, slag = 10, 6, 4
    else:
        nbuf, glag, slag = 6, 4, 2
    assert nbuf == glag + slag
    nblk = NCH // nbuf
    ntail = NCH - nblk * nbuf

    @functools.partial(
        pl.kernel,
        out_type=jax.ShapeDtypeStruct((NC * NPAD, FH), jnp.float32),
        mesh=_mesh(),
        scratch_types=(
            [pltpu.VMEM((NCH, CH), jnp.int32),
             pltpu.VMEM((NCH, CH), jnp.int32)]
            + [pltpu.VMEM((CH, FH), jnp.float32) for _ in range(nbuf)]
            + [pltpu.VMEM_SHARED((NPAD, FH), jnp.float32)]
            + [pltpu.SemaphoreType.DMA for _ in range(2 * nbuf)]
        ),
        compiler_params=pltpu.CompilerParams(use_tc_tiling_on_sc=False),
    )
    def _edge_kernel(yl_hbm, yr_hbm, src_hbm, dst_hbm, out_hbm,
                     src_v, dst_v, *rest):
        rows = list(rest[:nbuf])
        acc_sh = rest[nbuf]
        sems = rest[nbuf + 1:]
        sg = sems[:nbuf]
        ss = sems[nbuf:]
        cid = lax.axis_index("c")
        sid = lax.axis_index("s")
        base_r = sid * RPT

        pltpu.sync_copy(src_hbm.at[pl.ds(sid * NCH, NCH)], src_v)
        pltpu.sync_copy(dst_hbm.at[pl.ds(sid * NCH, NCH)], dst_v)

        _zero_vmem(rows[0], CH, FH)

        def zcopy(i, _):
            pltpu.sync_copy(rows[0], acc_sh.at[pl.ds(base_r + i * CH, CH)])
            return 0

        lax.fori_loop(0, RPT // CH, zcopy, 0)
        pltpu.sync_copy(rows[0].at[pl.ds(0, RPT - (RPT // CH) * CH)],
                        acc_sh.at[pl.ds(base_r + (RPT // CH) * CH,
                                        RPT - (RPT // CH) * CH)])
        plsc.subcore_barrier()

        tl_hbm, tr_hbm = yl_hbm, yr_hbm

        def gat(c, b):
            ix = src_v.at[c]

            @pl.when(cid == 0)
            def _l():
                pltpu.async_copy(tl_hbm.at[ix], rows[b], sg[b])

            @pl.when(cid == 1)
            def _r():
                pltpu.async_copy(tr_hbm.at[ix], rows[b], sg[b])

        def wait_gat(c, b):
            pltpu.make_async_copy(tl_hbm.at[src_v.at[c]], rows[b],
                                  sg[b]).wait()

        def scat(c, b):
            return pltpu.async_copy(rows[b], acc_sh.at[dst_v.at[c]], ss[b],
                                    add=True)

        def wait_scat(c, b):
            pltpu.make_async_copy(rows[b], acc_sh.at[dst_v.at[c]],
                                  ss[b]).wait()

        for j in range(glag):
            gat(j, j)

        def blk_body(blk, _):
            for b in range(nbuf):
                c = blk * nbuf + b
                wait_gat(c, b)
                scat(c, b)
                b2 = (b + glag) % nbuf

                @pl.when(c + glag < NCH)
                def _issue():
                    @pl.when(c >= slag)
                    def _drain():
                        wait_scat(c - slag, b2)

                    gat(c + glag, b2)
            return 0

        lax.fori_loop(0, nblk, blk_body, 0)
        for j in range(ntail):
            c = nblk * nbuf + j
            b = c % nbuf
            wait_gat(c, b)
            scat(c, b)
        for b in range(nbuf):
            wait_scat(0, b)
        plsc.subcore_barrier()

        o = cid * NPAD + base_r
        pltpu.sync_copy(acc_sh.at[pl.ds(base_r, RPT)],
                        out_hbm.at[pl.ds(o, RPT)])

    return _edge_kernel


def _norms(degs_ref):
    dego = degs_ref[:, 0:1] + degs_ref[:, 2:3]
    degi = degs_ref[:, 1:2] + degs_ref[:, 3:4]
    nsrc = jnp.where(dego > 0, lax.rsqrt(jnp.maximum(dego, 1.0)), 0.0)
    ndst = jnp.where(degi > 0, lax.rsqrt(jnp.maximum(degi, 1.0)), 0.0)
    return nsrc, ndst


def _tc0_body(x_ref, w1_ref, y_ref):
    y_ref[...] = jnp.dot(x_ref[...], w1_ref[...],
                         preferred_element_type=jnp.float32)


def _tc1s_body(y_ref, degs_ref, yl_ref, yr_ref):
    nsrc, _ = _norms(degs_ref)
    y = y_ref[...] * nsrc[:N]
    yl_ref[...] = y[:, :F1 // 2]
    yr_ref[...] = y[:, F1 // 2:]


def _tc2_body(a_ref, degs_ref, w2_ref, b1_ref, yl_ref, yr_ref):
    nsrc, ndst = _norms(degs_ref)
    a = jnp.concatenate([a_ref[0], a_ref[1]], axis=1)
    h = jax.nn.relu(a * ndst + b1_ref[...])
    y = jnp.dot(h, w2_ref[...],
                preferred_element_type=jnp.float32) * nsrc
    yl_ref[...] = y[:N, :F2 // 2]
    yr_ref[...] = y[:N, F2 // 2:]


def _tc3_body(a_ref, degs_ref, b2_ref, y_ref):
    _, ndst = _norms(degs_ref)
    a = jnp.concatenate([a_ref[0], a_ref[1]], axis=1)
    y_ref[...] = (a * ndst + b2_ref[...])[:N]


_tc0 = pl.pallas_call(
    _tc0_body, out_shape=jax.ShapeDtypeStruct((N, F1), jnp.float32))
_tc1s = pl.pallas_call(
    _tc1s_body, out_shape=[
        jax.ShapeDtypeStruct((N, F1 // 2), jnp.float32),
        jax.ShapeDtypeStruct((N, F1 // 2), jnp.float32)])
_tc2 = pl.pallas_call(
    _tc2_body, out_shape=[
        jax.ShapeDtypeStruct((N, F2 // 2), jnp.float32),
        jax.ShapeDtypeStruct((N, F2 // 2), jnp.float32)])
_tc3 = pl.pallas_call(
    _tc3_body, out_shape=jax.ShapeDtypeStruct((N, F2), jnp.float32))


def kernel(features, edge_index, W1, b1, W2, b2):
    src = edge_index[0].astype(jnp.int32)
    dst = edge_index[1].astype(jnp.int32)
    src2 = src.reshape(NROW, CH)
    dst2 = dst.reshape(NROW, CH)

    deg_f = _make_deg_kernel()(src2, dst2)
    degs = deg_f.reshape(NC * 2, NPAD).T

    y1 = _tc0(features, W1)
    y1l, y1r = _tc1s(y1, degs)
    a1 = _make_edge_kernel(F1 // 2)(y1l, y1r, src2, dst2)
    a1 = a1.reshape(NC, NPAD, F1 // 2)
    y2l, y2r = _tc2(a1, degs, W2, b1.reshape(1, F1))
    a2 = _make_edge_kernel(F2 // 2)(y2l, y2r, src2, dst2)
    a2 = a2.reshape(NC, NPAD, F2 // 2)
    out = _tc3(a2, degs, b2.reshape(1, F2))
    return out

# --- scband reference (transcript-rebuilt; emitter-appended) ---
"""Pipeline reference for scband-drug-interaction-model-80187039416464 (READ-ONLY COPY).

The authoritative reference and input builder live on the scoring server;
editing this copy changes nothing except your own understanding.
"""

import jax, jax.numpy as jnp
import numpy as np

N_NODES = 10000
N_EDGES = 320000
IN_FEATS = 128
HIDDEN = 128
NUM_CLASSES = 64


def setup_inputs(seed: int = 0) -> dict:
    key = jax.random.key(seed)
    k1, k2, k3, k4, k5, k6 = jax.random.split(key, 6)
    features = jax.random.normal(k1, (N_NODES, IN_FEATS), dtype=jnp.float32)
    edge_index = jax.random.randint(k2, (2, N_EDGES), 0, N_NODES, dtype=jnp.int64)
    # Glorot-style init for GraphConv weights
    W1 = jax.random.normal(k3, (IN_FEATS, HIDDEN), dtype=jnp.float32) * (1.0 / np.sqrt(IN_FEATS))
    b1 = jnp.zeros((HIDDEN,), dtype=jnp.float32)
    W2 = jax.random.normal(k4, (HIDDEN, NUM_CLASSES), dtype=jnp.float32) * (1.0 / np.sqrt(HIDDEN))
    b2 = jnp.zeros((NUM_CLASSES,), dtype=jnp.float32)
    return {"features": features, "edge_index": edge_index, "W1": W1, "b1": b1, "W2": W2, "b2": b2}


def _gcn_layer(x, edge_index, W, b):
    # DGL GraphConv with norm='both': out = D_dst^{-1/2} A (D_src^{-1/2} x) W + b
    n = x.shape[0]
    src = edge_index[0]
    dst = edge_index[1]
    ones = jnp.ones((edge_index.shape[1],), dtype=jnp.float32)
    deg_out = jnp.zeros((n,), dtype=jnp.float32).at[src].add(ones)
    deg_in = jnp.zeros((n,), dtype=jnp.float32).at[dst].add(ones)
    norm_src = jnp.where(deg_out > 0, jax.lax.rsqrt(jnp.maximum(deg_out, 1.0)), 0.0)
    norm_dst = jnp.where(deg_in > 0, jax.lax.rsqrt(jnp.maximum(deg_in, 1.0)), 0.0)
    h = x * norm_src[:, None]
    msgs = jnp.take(h, src, axis=0)                       # gather (SparseCore)
    agg = jax.ops.segment_sum(msgs, dst, num_segments=n)  # scatter-add
    agg = agg * norm_dst[:, None]
    return agg @ W + b


def reference(features, edge_index, W1, b1, W2, b2):
    h = _gcn_layer(features, edge_index, W1, b1)
    h = jax.nn.relu(h)
    h = _gcn_layer(h, edge_index, W2, b2)
    return h

if __name__ == "__main__":
    import jax
    _d = setup_inputs()
    print(jax.jit(kernel)(*tuple(_d.values())))

</pallas_src>

<mosaic_0001>
#map = affine_map<(d0, d1) -> (0, 0)>
module attributes {stable_mosaic.version = 14 : i64} {
  func.func @_edge_kernel(%arg0: i32, %arg1: i32, %arg2: memref<10000x64xf32, #tpu.memory_space<hbm>>, %arg3: memref<10000x64xf32, #tpu.memory_space<hbm>>, %arg4: memref<2560x125xi32, #tpu.memory_space<hbm>>, %arg5: memref<2560x125xi32, #tpu.memory_space<hbm>>, %arg6: memref<20480x64xf32, #tpu.memory_space<hbm>>, %arg7: memref<160x125xi32, #tpu.memory_space<vmem>>, %arg8: memref<160x125xi32, #tpu.memory_space<vmem>>, %arg9: memref<125x64xf32, #tpu.memory_space<vmem>>, %arg10: memref<125x64xf32, #tpu.memory_space<vmem>>, %arg11: memref<125x64xf32, #tpu.memory_space<vmem>>, %arg12: memref<125x64xf32, #tpu.memory_space<vmem>>, %arg13: memref<125x64xf32, #tpu.memory_space<vmem>>, %arg14: memref<125x64xf32, #tpu.memory_space<vmem>>, %arg15: memref<10240x64xf32, #tpu.memory_space<vmem_shared>>, %arg16: memref<!tpu.dma_semaphore, #tpu.memory_space<semaphore_mem>>, %arg17: memref<!tpu.dma_semaphore, #tpu.memory_space<semaphore_mem>>, %arg18: memref<!tpu.dma_semaphore, #tpu.memory_space<semaphore_mem>>, %arg19: memref<!tpu.dma_semaphore, #tpu.memory_space<semaphore_mem>>, %arg20: memref<!tpu.dma_semaphore, #tpu.memory_space<semaphore_mem>>, %arg21: memref<!tpu.dma_semaphore, #tpu.memory_space<semaphore_mem>>, %arg22: memref<!tpu.dma_semaphore, #tpu.memory_space<semaphore_mem>>, %arg23: memref<!tpu.dma_semaphore, #tpu.memory_space<semaphore_mem>>, %arg24: memref<!tpu.dma_semaphore, #tpu.memory_space<semaphore_mem>>, %arg25: memref<!tpu.dma_semaphore, #tpu.memory_space<semaphore_mem>>, %arg26: memref<!tpu.dma_semaphore, #tpu.memory_space<semaphore_mem>>, %arg27: memref<!tpu.dma_semaphore, #tpu.memory_space<semaphore_mem>>) attributes {dimension_semantics = [#tpu.dimension_semantics<core_parallel>, #tpu.dimension_semantics<subcore_parallel>], iteration_bounds = array<i64: 2, 16>, scalar_prefetch = 0 : i64, scratch_operands = 21 : i64, tpu.core_type = #tpu.core_type<sc_vector_subcore>, window_params = [{transform_indices = #map}, {transform_indices = #map}, {transform_indices = #map}, {transform_indices = #map}, {transform_indices = #map}]} {
    %mul3A = arith.constant 640 : i32
    %mul3A_0 = arith.muli %arg1, %mul3A : i32
    %mul3A_1 = arith.constant 160 : i32
    %mul3A_2 = arith.muli %arg1, %mul3A_1 : i32
    "tpu.region"() ({
      %run_scoped3A = tpu.sem_alloc : memref<!tpu.dma_semaphore, #tpu.memory_space<semaphore_mem>>
      %dma_start3A_172 = arith.constant 0 : i32
      %dma_start3A_173 = tpu.memref_slice %arg4[%mul3A_2, %dma_start3A_172] : memref<2560x125xi32, #tpu.memory_space<hbm>> -> memref<160x125xi32, #tpu.memory_space<hbm>>
      %dma_start3A_174 = arith.constant 0 : i32
      %dma_start3A_175 = tpu.memref_slice %arg4[%mul3A_2, %dma_start3A_174] : memref<2560x125xi32, #tpu.memory_space<hbm>> -> memref<160x125xi32, #tpu.memory_space<hbm>>
      tpu.enqueue_dma source(%dma_start3A_175 : memref<160x125xi32, #tpu.memory_space<hbm>>) target(%arg7 : memref<160x125xi32, #tpu.memory_space<vmem>>) target_semaphore(%run_scoped3A : memref<!tpu.dma_semaphore, #tpu.memory_space<semaphore_mem>>)
      %dma_wait3A_176 = arith.constant 0 : i32
      %dma_wait3A_177 = tpu.memref_slice %arg4[%mul3A_2, %dma_wait3A_176] : memref<2560x125xi32, #tpu.memory_space<hbm>> -> memref<160x125xi32, #tpu.memory_space<hbm>>
      %dma_wait3A_178 = arith.constant 0 : i32
      %dma_wait3A_179 = tpu.memref_slice %arg4[%mul3A_2, %dma_wait3A_178] : memref<2560x125xi32, #tpu.memory_space<hbm>> -> memref<160x125xi32, #tpu.memory_space<hbm>>
      tpu.wait_dma2 semaphore(%run_scoped3A : memref<!tpu.dma_semaphore, #tpu.memory_space<semaphore_mem>>) src(%dma_wait3A_179 : memref<160x125xi32, #tpu.memory_space<hbm>>) dst(%arg7 : memref<160x125xi32, #tpu.memory_space<vmem>>)
      tpu.yield
    }) : () -> ()
    %mul3A_3 = arith.constant 160 : i32
    %mul3A_4 = arith.muli %arg1, %mul3A_3 : i32
    "tpu.region"() ({
      %run_scoped3A = tpu.sem_alloc : memref<!tpu.dma_semaphore, #tpu.memory_space<semaphore_mem>>
      %dma_start3A_172 = arith.constant 0 : i32
      %dma_start3A_173 = tpu.memref_slice %arg5[%mul3A_4, %dma_start3A_172] : memref<2560x125xi32, #tpu.memory_space<hbm>> -> memref<160x125xi32, #tpu.memory_space<hbm>>
      %dma_start3A_174 = arith.constant 0 : i32
      %dma_start3A_175 = tpu.memref_slice %arg5[%mul3A_4, %dma_start3A_174] : memref<2560x125xi32, #tpu.memory_space<hbm>> -> memref<160x125xi32, #tpu.memory_space<hbm>>
      tpu.enqueue_dma source(%dma_start3A_175 : memref<160x125xi32, #tpu.memory_space<hbm>>) target(%arg8 : memref<160x125xi32, #tpu.memory_space<vmem>>) target_semaphore(%run_scoped3A : memref<!tpu.dma_semaphore, #tpu.memory_space<semaphore_mem>>)
      %dma_wait3A_176 = arith.constant 0 : i32
      %dma_wait3A_177 = tpu.memref_slice %arg5[%mul3A_4, %dma_wait3A_176] : memref<2560x125xi32, #tpu.memory_space<hbm>> -> memref<160x125xi32, #tpu.memory_space<hbm>>
      %dma_wait3A_178 = arith.constant 0 : i32
      %dma_wait3A_179 = tpu.memref_slice %arg5[%mul3A_4, %dma_wait3A_178] : memref<2560x125xi32, #tpu.memory_space<hbm>> -> memref<160x125xi32, #tpu.memory_space<hbm>>
      tpu.wait_dma2 semaphore(%run_scoped3A : memref<!tpu.dma_semaphore, #tpu.memory_space<semaphore_mem>>) src(%dma_wait3A_179 : memref<160x125xi32, #tpu.memory_space<hbm>>) dst(%arg8 : memref<160x125xi32, #tpu.memory_space<vmem>>)
      tpu.yield
    }) : () -> ()
    %broadcast_in_dim3A = arith.constant 0.000000e+00 : f32
    %broadcast_in_dim3A_5 = vector.broadcast %broadcast_in_dim3A : f32 to vector<16xf32>
    %scan3A = arith.constant 0 : i32
    %scan3A_6 = arith.constant 0 : i32
    %scan3A_7 = arith.constant 500 : i32
    %scan3A_8 = arith.addi %scan3A_6, %scan3A_7 : i32
    %scan3A_9 = arith.constant 1 : i32
    %scan3A_10 = scf.for %scan3A_172 = %scan3A_6 to %scan3A_8 step %scan3A_9 iter_args(%scan3A_173 = %scan3A) -> (i32)  : i32 {
      %jit3A = arith.constant 4 : i32
      %div3A = arith.divsi %scan3A_172, %jit3A : i32
      %sign3A = arith.constant 0 : i32
      %sign3A_174 = arith.cmpi sgt, %scan3A_172, %sign3A : i32
      %sign3A_175 = arith.extui %sign3A_174 : i1 to i32
      %sign3A_176 = arith.constant 0 : i32
      %sign3A_177 = arith.cmpi slt, %scan3A_172, %sign3A_176 : i32
      %sign3A_178 = arith.extui %sign3A_177 : i1 to i32
      %sign3A_179 = arith.subi %sign3A_175, %sign3A_178 : i32
      %sign3A_180 = arith.constant 0 : i32
      %sign3A_181 = arith.cmpi sgt, %jit3A, %sign3A_180 : i32
      %sign3A_182 = arith.extui %sign3A_181 : i1 to i32
      %sign3A_183 = arith.constant 0 : i32
      %sign3A_184 = arith.cmpi slt, %jit3A, %sign3A_183 : i32
      %sign3A_185 = arith.extui %sign3A_184 : i1 to i32
      %sign3A_186 = arith.subi %sign3A_182, %sign3A_185 : i32
      %ne3A = arith.cmpi ne, %sign3A_179, %sign3A_186 : i32
      %rem3A = arith.remsi %scan3A_172, %jit3A : i32
      %ne3A_187 = arith.constant 0 : i32
      %ne3A_188 = arith.cmpi ne, %rem3A, %ne3A_187 : i32
      %and3A = arith.andi %ne3A, %ne3A_188 : i1
      %sub3A = arith.constant 1 : i32
      %sub3A_189 = arith.subi %div3A, %sub3A : i32
      %select_n3A = arith.select %and3A, %sub3A_189, %div3A : i32
      %jit3A_190 = arith.constant 4 : i32
      %eq3A_191 = arith.constant 0 : i32
      %eq3A_192 = arith.cmpi eq, %jit3A_190, %eq3A_191 : i32
      %jit3A_193 = arith.constant 1 : i32
      %select_n3A_194 = arith.select %eq3A_192, %jit3A_193, %jit3A_190 : i32
      %rem3A_195 = arith.remsi %scan3A_172, %select_n3A_194 : i32
      %ne3A_196 = arith.constant 0 : i32
      %ne3A_197 = arith.cmpi ne, %rem3A_195, %ne3A_196 : i32
      %lt3A = arith.constant 0 : i32
      %lt3A_198 = arith.cmpi slt, %rem3A_195, %lt3A : i32
      %lt3A_199 = arith.constant 0 : i32
      %lt3A_200 = arith.cmpi slt, %select_n3A_194, %lt3A_199 : i32
      %ne3A_201 = arith.xori %lt3A_198, %lt3A_200 : i1
      %and3A_202 = arith.andi %ne3A_201, %ne3A_197 : i1
      %add3A_203 = arith.addi %rem3A_195, %select_n3A_194 : i32
      %select_n3A_204 = arith.select %and3A_202, %add3A_203, %rem3A_195 : i32
      %mul3A_205 = arith.constant 16 : i32
      %mul3A_206 = arith.muli %select_n3A_204, %mul3A_205 : i32
      %swap3A = arith.index_cast %select_n3A : i32 to index
      %swap3A_207 = arith.index_cast %mul3A_206 : i32 to index
      %swap3A_208 = tpu.vector_load %arg9[%swap3A, %swap3A_207] {strides = array<i32>} : memref<125x64xf32, #tpu.memory_space<vmem>>, vector<1x16xf32>,
      %swap3A_209 = vector.shape_cast %swap3A_208 : vector<1x16xf32> to vector<16xf32>
      %swap3A_210 = vector.shape_cast %broadcast_in_dim3A_5 : vector<16xf32> to vector<1x16xf32>
      tpu.vector_store %arg9[%swap3A, %swap3A_207], %swap3A_210 {strides = array<i32>} : memref<125x64xf32, #tpu.memory_space<vmem>>, vector<1x16xf32>,
      %scan3A_211 = arith.constant 0 : i32
      scf.yield %scan3A_211 : i32
    }
    %scan3A_11 = arith.constant 500 : i32
    %scan3A_12 = arith.constant 0 : i32
    %scan3A_13 = arith.constant 0 : i32
    %scan3A_14 = arith.constant 5 : i32
    %scan3A_15 = arith.addi %scan3A_13, %scan3A_14 : i32
    %scan3A_16 = arith.constant 1 : i32
    %scan3A_17 = scf.for %scan3A_172 = %scan3A_13 to %scan3A_15 step %scan3A_16 iter_args(%scan3A_173 = %scan3A_12) -> (i32)  : i32 {
      %mul3A_174 = arith.constant 125 : i32
      %mul3A_175 = arith.muli %scan3A_172, %mul3A_174 : i32
      %add3A_176 = arith.addi %mul3A_0, %mul3A_175 : i32
      "tpu.region"() ({
        %run_scoped3A = tpu.sem_alloc : memref<!tpu.dma_semaphore, #tpu.memory_space<semaphore_mem>>
        %dma_start3A_178 = arith.constant 0 : i32
        %dma_start3A_179 = tpu.memref_slice %arg15[%add3A_176, %dma_start3A_178] : memref<10240x64xf32, #tpu.memory_space<vmem_shared>> -> memref<125x64xf32, #tpu.memory_space<vmem_shared>>
        %dma_start3A_180 = arith.constant 0 : i32
        %dma_start3A_181 = tpu.memref_slice %arg15[%add3A_176, %dma_start3A_180] : memref<10240x64xf32, #tpu.memory_space<vmem_shared>> -> memref<125x64xf32, #tpu.memory_space<vmem_shared>>
        tpu.enqueue_dma source(%arg9 : memref<125x64xf32, #tpu.memory_space<vmem>>) target(%dma_start3A_181 : memref<125x64xf32, #tpu.memory_space<vmem_shared>>) target_semaphore(%run_scoped3A : memref<!tpu.dma_semaphore, #tpu.memory_space<semaphore_mem>>)
        %dma_wait3A_182 = arith.constant 0 : i32
        %dma_wait3A_183 = tpu.memref_slice %arg15[%add3A_176, %dma_wait3A_182] : memref<10240x64xf32, #tpu.memory_space<vmem_shared>> -> memref<125x64xf32, #tpu.memory_space<vmem_shared>>
        %dma_wait3A_184 = arith.constant 0 : i32
        %dma_wait3A_185 = tpu.memref_slice %arg15[%add3A_176, %dma_wait3A_184] : memref<10240x64xf32, #tpu.memory_space<vmem_shared>> -> memref<125x64xf32, #tpu.memory_space<vmem_shared>>
        tpu.wait_dma2 semaphore(%run_scoped3A : memref<!tpu.dma_semaphore, #tpu.memory_space<semaphore_mem>>) src(%arg9 : memref<125x64xf32, #tpu.memory_space<vmem>>) dst(%dma_wait3A_185 : memref<125x64xf32, #tpu.memory_space<vmem_shared>>)
        tpu.yield
      }) : () -> ()
      %scan3A_177 = arith.constant 0 : i32
      scf.yield %scan3A_177 : i32
    }
    %scan3A_18 = arith.constant 5 : i32
    %add3A = arith.constant 625 : i32
    %add3A_19 = arith.addi %mul3A_0, %add3A : i32
    "tpu.region"() ({
      %run_scoped3A = tpu.sem_alloc : memref<!tpu.dma_semaphore, #tpu.memory_space<semaphore_mem>>
      %dma_start3A_172 = arith.constant 0 : i32
      %dma_start3A_173 = arith.constant 0 : i32
      %dma_start3A_174 = tpu.memref_slice %arg9[%dma_start3A_172, %dma_start3A_173] : memref<125x64xf32, #tpu.memory_space<vmem>> -> memref<15x64xf32, #tpu.memory_space<vmem>>
      %dma_start3A_175 = arith.constant 0 : i32
      %dma_start3A_176 = tpu.memref_slice %arg15[%add3A_19, %dma_start3A_175] : memref<10240x64xf32, #tpu.memory_space<vmem_shared>> -> memref<15x64xf32, #tpu.memory_space<vmem_shared>>
      %dma_start3A_177 = arith.constant 0 : i32
      %dma_start3A_178 = tpu.memref_slice %arg15[%add3A_19, %dma_start3A_177] : memref<10240x64xf32, #tpu.memory_space<vmem_shared>> -> memref<15x64xf32, #tpu.memory_space<vmem_shared>>
      %dma_start3A_179 = arith.constant 0 : i32
      %dma_start3A_180 = arith.constant 0 : i32
      %dma_start3A_181 = tpu.memref_slice %arg9[%dma_start3A_179, %dma_start3A_180] : memref<125x64xf32, #tpu.memory_space<vmem>> -> memref<15x64xf32, #tpu.memory_space<vmem>>
      tpu.enqueue_dma source(%dma_start3A_181 : memref<15x64xf32, #tpu.memory_space<vmem>>) target(%dma_start3A_178 : memref<15x64xf32, #tpu.memory_space<vmem_shared>>) target_semaphore(%run_scoped3A : memref<!tpu.dma_semaphore, #tpu.memory_space<semaphore_mem>>)
      %dma_wait3A_182 = arith.constant 0 : i32
      %dma_wait3A_183 = arith.constant 0 : i32
      %dma_wait3A_184 = tpu.memref_slice %arg9[%dma_wait3A_182, %dma_wait3A_183] : memref<125x64xf32, #tpu.memory_space<vmem>> -> memref<15x64xf32, #tpu.memory_space<vmem>>
      %dma_wait3A_185 = arith.constant 0 : i32
      %dma_wait3A_186 = tpu.memref_slice %arg15[%add3A_19, %dma_wait3A_185] : memref<10240x64xf32, #tpu.memory_space<vmem_shared>> -> memref<15x64xf32, #tpu.memory_space<vmem_shared>>
      %dma_wait3A_187 = arith.constant 0 : i32
      %dma_wait3A_188 = tpu.memref_slice %arg15[%add3A_19, %dma_wait3A_187] : memref<10240x64xf32, #tpu.memory_space<vmem_shared>> -> memref<15x64xf32, #tpu.memory_space<vmem_shared>>
      %dma_wait3A_189 = arith.constant 0 : i32
      %dma_wait3A_190 = arith.constant 0 : i32
      %dma_wait3A_191 = tpu.memref_slice %arg9[%dma_wait3A_189, %dma_wait3A_190] : memref<125x64xf32, #tpu.memory_space<vmem>> -> memref<15x64xf32, #tpu.memory_space<vmem>>
      tpu.wait_dma2 semaphore(%run_scoped3A : memref<!tpu.dma_semaphore, #tpu.memory_space<semaphore_mem>>) src(%dma_wait3A_191 : memref<15x64xf32, #tpu.memory_space<vmem>>) dst(%dma_wait3A_188 : memref<15x64xf32, #tpu.memory_space<vmem_shared>>)
      tpu.yield
    }) : () -> ()
    %barrier3A = arith.constant 0 : index
    tpu.barrier barrier_id(%barrier3A)
    %eq3A = arith.constant 0 : i32
    %eq3A_20 = arith.cmpi eq, %arg0, %eq3A : i32
    %convert_element_type3A = arith.extui %eq3A_20 : i1 to i32
    %cond3A = arith.constant 0 : i32
    %cond3A_21 = arith.constant 0 : i32
    %cond3A_22 = arith.cmpi ne, %convert_element_type3A, %cond3A_21 : i32
    scf.if %cond3A_22 {
      %dma_start3A_172 = arith.constant 0 : i32
      %dma_start3A_173 = tpu.memref_slice %arg7[%cond3A, %dma_start3A_172] : memref<160x125xi32, #tpu.memory_space<vmem>> -> memref<1x125xi32, #tpu.memory_space<vmem>>
      %dma_start3A_174 = tpu.memref_squeeze %dma_start3A_173 : memref<1x125xi32, #tpu.memory_space<vmem>> -> memref<125xi32, #tpu.memory_space<vmem>>
      %dma_start3A_175 = arith.constant 0 : i32
      %dma_start3A_176 = arith.constant 0 : i32
      %dma_start3A_177 = tpu.memref_slice %arg2[%dma_start3A_175, %dma_start3A_176] : memref<10000x64xf32, #tpu.memory_space<hbm>> -> memref<10000x64xf32, #tpu.memory_space<hbm>>
      tpu.enqueue_indirect_dma source(%dma_start3A_177 : memref<10000x64xf32, #tpu.memory_space<hbm>>) target(%arg9 : memref<125x64xf32, #tpu.memory_space<vmem>>) offsets(%dma_start3A_174 : memref<125xi32, #tpu.memory_space<vmem>>) semaphore(%arg16 : memref<!tpu.dma_semaphore, #tpu.memory_space<semaphore_mem>>)
    } else {
    }
    %eq3A_23 = arith.constant 1 : i32
    %eq3A_24 = arith.cmpi eq, %arg0, %eq3A_23 : i32
    %convert_element_type3A_25 = arith.extui %eq3A_24 : i1 to i32
    %cond3A_26 = arith.constant 0 : i32
    %cond3A_27 = arith.constant 0 : i32
    %cond3A_28 = arith.cmpi ne, %convert_element_type3A_25, %cond3A_27 : i32
    scf.if %cond3A_28 {
      %dma_start3A_172 = arith.constant 0 : i32
      %dma_start3A_173 = tpu.memref_slice %arg7[%cond3A_26, %dma_start3A_172] : memref<160x125xi32, #tpu.memory_space<vmem>> -> memref<1x125xi32, #tpu.memory_space<vmem>>
      %dma_start3A_174 = tpu.memref_squeeze %dma_start3A_173 : memref<1x125xi32, #tpu.memory_space<vmem>> -> memref<125xi32, #tpu.memory_space<vmem>>
      %dma_start3A_175 = arith.constant 0 : i32
      %dma_start3A_176 = arith.constant 0 : i32
      %dma_start3A_177 = tpu.memref_slice %arg3[%dma_start3A_175, %dma_start3A_176] : memref<10000x64xf32, #tpu.memory_space<hbm>> -> memref<10000x64xf32, #tpu.memory_space<hbm>>
      tpu.enqueue_indirect_dma source(%dma_start3A_177 : memref<10000x64xf32, #tpu.memory_space<hbm>>) target(%arg9 : memref<125x64xf32, #tpu.memory_space<vmem>>) offsets(%dma_start3A_174 : memref<125xi32, #tpu.memory_space<vmem>>) semaphore(%arg16 : memref<!tpu.dma_semaphore, #tpu.memory_space<semaphore_mem>>)
    } else {
    }
    %eq3A_29 = arith.constant 0 : i32
    %eq3A_30 = arith.cmpi eq, %arg0, %eq3A_29 : i32
    %convert_element_type3A_31 = arith.extui %eq3A_30 : i1 to i32
    %cond3A_32 = arith.constant 1 : i32
    %cond3A_33 = arith.constant 0 : i32
    %cond3A_34 = arith.cmpi ne, %convert_element_type3A_31, %cond3A_33 : i32
    scf.if %cond3A_34 {
      %dma_start3A_172 = arith.constant 0 : i32
      %dma_start3A_173 = tpu.memref_slice %arg7[%cond3A_32, %dma_start3A_172] : memref<160x125xi32, #tpu.memory_space<vmem>> -> memref<1x125xi32, #tpu.memory_space<vmem>>
      %dma_start3A_174 = tpu.memref_squeeze %dma_start3A_173 : memref<1x125xi32, #tpu.memory_space<vmem>> -> memref<125xi32, #tpu.memory_space<vmem>>
      %dma_start3A_175 = arith.constant 0 : i32
      %dma_start3A_176 = arith.constant 0 : i32
      %dma_start3A_177 = tpu.memref_slice %arg2[%dma_start3A_175, %dma_start3A_176] : memref<10000x64xf32, #tpu.memory_space<hbm>> -> memref<10000x64xf32, #tpu.memory_space<hbm>>
      tpu.enqueue_indirect_dma source(%dma_start3A_177 : memref<10000x64xf32, #tpu.memory_space<hbm>>) target(%arg10 : memref<125x64xf32, #tpu.memory_space<vmem>>) offsets(%dma_start3A_174 : memref<125xi32, #tpu.memory_space<vmem>>) semaphore(%arg17 : memref<!tpu.dma_semaphore, #tpu.memory_space<semaphore_mem>>)
    } else {
    }
    %eq3A_35 = arith.constant 1 : i32
    %eq3A_36 = arith.cmpi eq, %arg0, %eq3A_35 : i32
    %convert_element_type3A_37 = arith.extui %eq3A_36 : i1 to i32
    %cond3A_38 = arith.constant 1 : i32
    %cond3A_39 = arith.constant 0 : i32
    %cond3A_40 = arith.cmpi ne, %convert_element_type3A_37, %cond3A_39 : i32
    scf.if %cond3A_40 {
      %dma_start3A_172 = arith.constant 0 : i32
      %dma_start3A_173 = tpu.memref_slice %arg7[%cond3A_38, %dma_start3A_172] : memref<160x125xi32, #tpu.memory_space<vmem>> -> memref<1x125xi32, #tpu.memory_space<vmem>>
      %dma_start3A_174 = tpu.memref_squeeze %dma_start3A_173 : memref<1x125xi32, #tpu.memory_space<vmem>> -> memref<125xi32, #tpu.memory_space<vmem>>
      %dma_start3A_175 = arith.constant 0 : i32
      %dma_start3A_176 = arith.constant 0 : i32
      %dma_start3A_177 = tpu.memref_slice %arg3[%dma_start3A_175, %dma_start3A_176] : memref<10000x64xf32, #tpu.memory_space<hbm>> -> memref<10000x64xf32, #tpu.memory_space<hbm>>
      tpu.enqueue_indirect_dma source(%dma_start3A_177 : memref<10000x64xf32, #tpu.memory_space<hbm>>) target(%arg10 : memref<125x64xf32, #tpu.memory_space<vmem>>) offsets(%dma_start3A_174 : memref<125xi32, #tpu.memory_space<vmem>>) semaphore(%arg17 : memref<!tpu.dma_semaphore, #tpu.memory_space<semaphore_mem>>)
    } else {
    }
    %eq3A_41 = arith.constant 0 : i32
    %eq3A_42 = arith.cmpi eq, %arg0, %eq3A_41 : i32
    %convert_element_type3A_43 = arith.extui %eq3A_42 : i1 to i32
    %cond3A_44 = arith.constant 2 : i32
    %cond3A_45 = arith.constant 0 : i32
    %cond3A_46 = arith.cmpi ne, %convert_element_type3A_43, %cond3A_45 : i32
    scf.if %cond3A_46 {
      %dma_start3A_172 = arith.constant 0 : i32
      %dma_start3A_173 = tpu.memref_slice %arg7[%cond3A_44, %dma_start3A_172] : memref<160x125xi32, #tpu.memory_space<vmem>> -> memref<1x125xi32, #tpu.memory_space<vmem>>
      %dma_start3A_174 = tpu.memref_squeeze %dma_start3A_173 : memref<1x125xi32, #tpu.memory_space<vmem>> -> memref<125xi32, #tpu.memory_space<vmem>>
      %dma_start3A_175 = arith.constant 0 : i32
      %dma_start3A_176 = arith.constant 0 : i32
      %dma_start3A_177 = tpu.memref_slice %arg2[%dma_start3A_175, %dma_start3A_176] : memref<10000x64xf32, #tpu.memory_space<hbm>> -> memref<10000x64xf32, #tpu.memory_space<hbm>>
      tpu.enqueue_indirect_dma source(%dma_start3A_177 : memref<10000x64xf32, #tpu.memory_space<hbm>>) target(%arg11 : memref<125x64xf32, #tpu.memory_space<vmem>>) offsets(%dma_start3A_174 : memref<125xi32, #tpu.memory_space<vmem>>) semaphore(%arg18 : memref<!tpu.dma_semaphore, #tpu.memory_space<semaphore_mem>>)
    } else {
    }
    %eq3A_47 = arith.constant 1 : i32
    %eq3A_48 = arith.cmpi eq, %arg0, %eq3A_47 : i32
    %convert_element_type3A_49 = arith.extui %eq3A_48 : i1 to i32
    %cond3A_50 = arith.constant 2 : i32
    %cond3A_51 = arith.constant 0 : i32
    %cond3A_52 = arith.cmpi ne, %convert_element_type3A_49, %cond3A_51 : i32
    scf.if %cond3A_52 {
      %dma_start3A_172 = arith.constant 0 : i32
      %dma_start3A_173 = tpu.memref_slice %arg7[%cond3A_50, %dma_start3A_172] : memref<160x125xi32, #tpu.memory_space<vmem>> -> memref<1x125xi32, #tpu.memory_space<vmem>>
      %dma_start3A_174 = tpu.memref_squeeze %dma_start3A_173 : memref<1x125xi32, #tpu.memory_space<vmem>> -> memref<125xi32, #tpu.memory_space<vmem>>
      %dma_start3A_175 = arith.constant 0 : i32
      %dma_start3A_176 = arith.constant 0 : i32
      %dma_start3A_177 = tpu.memref_slice %arg3[%dma_start3A_175, %dma_start3A_176] : memref<10000x64xf32, #tpu.memory_space<hbm>> -> memref<10000x64xf32, #tpu.memory_space<hbm>>
      tpu.enqueue_indirect_dma source(%dma_start3A_177 : memref<10000x64xf32, #tpu.memory_space<hbm>>) target(%arg11 : memref<125x64xf32, #tpu.memory_space<vmem>>) offsets(%dma_start3A_174 : memref<125xi32, #tpu.memory_space<vmem>>) semaphore(%arg18 : memref<!tpu.dma_semaphore, #tpu.memory_space<semaphore_mem>>)
    } else {
    }
    %eq3A_53 = arith.constant 0 : i32
    %eq3A_54 = arith.cmpi eq, %arg0, %eq3A_53 : i32
    %convert_element_type3A_55 = arith.extui %eq3A_54 : i1 to i32
    %cond3A_56 = arith.constant 3 : i32
    %cond3A_57 = arith.constant 0 : i32
    %cond3A_58 = arith.cmpi ne, %convert_element_type3A_55, %cond3A_57 : i32
    scf.if %cond3A_58 {
      %dma_start3A_172 = arith.constant 0 : i32
      %dma_start3A_173 = tpu.memref_slice %arg7[%cond3A_56, %dma_start3A_172] : memref<160x125xi32, #tpu.memory_space<vmem>> -> memref<1x125xi32, #tpu.memory_space<vmem>>
      %dma_start3A_174 = tpu.memref_squeeze %dma_start3A_173 : memref<1x125xi32, #tpu.memory_space<vmem>> -> memref<125xi32, #tpu.memory_space<vmem>>
      %dma_start3A_175 = arith.constant 0 : i32
      %dma_start3A_176 = arith.constant 0 : i32
      %dma_start3A_177 = tpu.memref_slice %arg2[%dma_start3A_175, %dma_start3A_176] : memref<10000x64xf32, #tpu.memory_space<hbm>> -> memref<10000x64xf32, #tpu.memory_space<hbm>>
      tpu.enqueue_indirect_dma source(%dma_start3A_177 : memref<10000x64xf32, #tpu.memory_space<hbm>>) target(%arg12 : memref<125x64xf32, #tpu.memory_space<vmem>>) offsets(%dma_start3A_174 : memref<125xi32, #tpu.memory_space<vmem>>) semaphore(%arg19 : memref<!tpu.dma_semaphore, #tpu.memory_space<semaphore_mem>>)
    } else {
    }
    %eq3A_59 = arith.constant 1 : i32
    %eq3A_60 = arith.cmpi eq, %arg0, %eq3A_59 : i32
    %convert_element_type3A_61 = arith.extui %eq3A_60 : i1 to i32
    %cond3A_62 = arith.constant 3 : i32
    %cond3A_63 = arith.constant 0 : i32
    %cond3A_64 = arith.cmpi ne, %convert_element_type3A_61, %cond3A_63 : i32
    scf.if %cond3A_64 {
      %dma_start3A_172 = arith.constant 0 : i32
      %dma_start3A_173 = tpu.memref_slice %arg7[%cond3A_62, %dma_start3A_172] : memref<160x125xi32, #tpu.memory_space<vmem>> -> memref<1x125xi32, #tpu.memory_space<vmem>>
      %dma_start3A_174 = tpu.memref_squeeze %dma_start3A_173 : memref<1x125xi32, #tpu.memory_space<vmem>> -> memref<125xi32, #tpu.memory_space<vmem>>
      %dma_start3A_175 = arith.constant 0 : i32
      %dma_start3A_176 = arith.constant 0 : i32
      %dma_start3A_177 = tpu.memref_slice %arg3[%dma_start3A_175, %dma_start3A_176] : memref<10000x64xf32, #tpu.memory_space<hbm>> -> memref<10000x64xf32, #tpu.memory_space<hbm>>
      tpu.enqueue_indirect_dma source(%dma_start3A_177 : memref<10000x64xf32, #tpu.memory_space<hbm>>) target(%arg12 : memref<125x64xf32, #tpu.memory_space<vmem>>) offsets(%dma_start3A_174 : memref<125xi32, #tpu.memory_space<vmem>>) semaphore(%arg19 : memref<!tpu.dma_semaphore, #tpu.memory_space<semaphore_mem>>)
    } else {
    }
    %scan3A_65 = arith.constant 0 : i32
    %scan3A_66 = arith.constant 0 : i32
    %scan3A_67 = arith.constant 26 : i32
    %scan3A_68 = arith.addi %scan3A_66, %scan3A_67 : i32
    %scan3A_69 = arith.constant 1 : i32
    %scan3A_70 = scf.for %scan3A_172 = %scan3A_66 to %scan3A_68 step %scan3A_69 iter_args(%scan3A_173 = %scan3A_65) -> (i32)  : i32 {
      %mul3A_174 = arith.constant 6 : i32
      %mul3A_175 = arith.muli %scan3A_172, %mul3A_174 : i32
      %add3A_176 = arith.constant 0 : i32
      %add3A_177 = arith.addi %mul3A_175, %add3A_176 : i32
      %dma_wait3A_178 = arith.constant 0 : i32
      %dma_wait3A_179 = tpu.memref_slice %arg7[%add3A_177, %dma_wait3A_178] : memref<160x125xi32, #tpu.memory_space<vmem>> -> memref<1x125xi32, #tpu.memory_space<vmem>>
      %dma_wait3A_180 = tpu.memref_squeeze %dma_wait3A_179 : memref<1x125xi32, #tpu.memory_space<vmem>> -> memref<125xi32, #tpu.memory_space<vmem>>
      %dma_wait3A_181 = arith.constant 0 : i32
      %dma_wait3A_182 = arith.constant 0 : i32
      %dma_wait3A_183 = tpu.memref_slice %arg2[%dma_wait3A_181, %dma_wait3A_182] : memref<10000x64xf32, #tpu.memory_space<hbm>> -> memref<10000x64xf32, #tpu.memory_space<hbm>>
      tpu.wait_indirect_dma semaphore(%arg16 : memref<!tpu.dma_semaphore, #tpu.memory_space<semaphore_mem>>) src(%dma_wait3A_183 : memref<10000x64xf32, #tpu.memory_space<hbm>>) dst(%arg9 : memref<125x64xf32, #tpu.memory_space<vmem>>)
      %dma_start3A_184 = arith.constant 0 : i32
      %dma_start3A_185 = tpu.memref_slice %arg8[%add3A_177, %dma_start3A_184] : memref<160x125xi32, #tpu.memory_space<vmem>> -> memref<1x125xi32, #tpu.memory_space<vmem>>
      %dma_start3A_186 = tpu.memref_squeeze %dma_start3A_185 : memref<1x125xi32, #tpu.memory_space<vmem>> -> memref<125xi32, #tpu.memory_space<vmem>>
      %dma_start3A_187 = arith.constant 0 : i32
      %dma_start3A_188 = arith.constant 0 : i32
      %dma_start3A_189 = tpu.memref_slice %arg15[%dma_start3A_187, %dma_start3A_188] : memref<10240x64xf32, #tpu.memory_space<vmem_shared>> -> memref<10240x64xf32, #tpu.memory_space<vmem_shared>>
      tpu.enqueue_indirect_dma source(%arg9 : memref<125x64xf32, #tpu.memory_space<vmem>>) target(%dma_start3A_189 : memref<10240x64xf32, #tpu.memory_space<vmem_shared>>) offsets(%dma_start3A_186 : memref<125xi32, #tpu.memory_space<vmem>>) semaphore(%arg22 : memref<!tpu.dma_semaphore, #tpu.memory_space<semaphore_mem>>) {add = true}
      %add3A_190 = arith.constant 4 : i32
      %add3A_191 = arith.addi %add3A_177, %add3A_190 : i32
      %lt3A = arith.constant 160 : i32
      %lt3A_192 = arith.cmpi slt, %add3A_191, %lt3A : i32
      %convert_element_type3A_193 = arith.extui %lt3A_192 : i1 to i32
      %cond3A_194 = arith.constant 0 : i32
      %cond3A_195 = arith.cmpi ne, %convert_element_type3A_193, %cond3A_194 : i32
      scf.if %cond3A_195 {
        %ge3A = arith.constant 2 : i32
        %ge3A_312 = arith.cmpi sge, %add3A_177, %ge3A : i32
        %convert_element_type3A_313 = arith.extui %ge3A_312 : i1 to i32
        %cond3A_314 = arith.constant 0 : i32
        %cond3A_315 = arith.cmpi ne, %convert_element_type3A_313, %cond3A_314 : i32
        scf.if %cond3A_315 {
          %sub3A = arith.constant 2 : i32
          %sub3A_328 = arith.subi %add3A_177, %sub3A : i32
          %dma_wait3A_329 = arith.constant 0 : i32
          %dma_wait3A_330 = tpu.memref_slice %arg8[%sub3A_328, %dma_wait3A_329] : memref<160x125xi32, #tpu.memory_space<vmem>> -> memref<1x125xi32, #tpu.memory_space<vmem>>
          %dma_wait3A_331 = tpu.memref_squeeze %dma_wait3A_330 : memref<1x125xi32, #tpu.memory_space<vmem>> -> memref<125xi32, #tpu.memory_space<vmem>>
          %dma_wait3A_332 = arith.constant 0 : i32
          %dma_wait3A_333 = arith.constant 0 : i32
          %dma_wait3A_334 = tpu.memref_slice %arg15[%dma_wait3A_332, %dma_wait3A_333] : memref<10240x64xf32, #tpu.memory_space<vmem_shared>> -> memref<10240x64xf32, #tpu.memory_space<vmem_shared>>
          tpu.wait_indirect_dma semaphore(%arg26 : memref<!tpu.dma_semaphore, #tpu.memory_space<semaphore_mem>>) src(%arg13 : memref<125x64xf32, #tpu.memory_space<vmem>>) dst(%dma_wait3A_334 : memref<10240x64xf32, #tpu.memory_space<vmem_shared>>)
        } else {
        }
        %add3A_316 = arith.constant 4 : i32
        %add3A_317 = arith.addi %add3A_177, %add3A_316 : i32
        %eq3A_318 = arith.constant 0 : i32
        %eq3A_319 = arith.cmpi eq, %arg0, %eq3A_318 : i32
        %convert_element_type3A_320 = arith.extui %eq3A_319 : i1 to i32
        %cond3A_321 = arith.constant 0 : i32
        %cond3A_322 = arith.cmpi ne, %convert_element_type3A_320, %cond3A_321 : i32
        scf.if %cond3A_322 {
          %dma_start3A_328 = arith.constant 0 : i32
          %dma_start3A_329 = tpu.memref_slice %arg7[%add3A_317, %dma_start3A_328] : memref<160x125xi32, #tpu.memory_space<vmem>> -> memref<1x125xi32, #tpu.memory_space<vmem>>
          %dma_start3A_330 = tpu.memref_squeeze %dma_start3A_329 : memref<1x125xi32, #tpu.memory_space<vmem>> -> memref<125xi32, #tpu.memory_space<vmem>>
          %dma_start3A_331 = arith.constant 0 : i32
          %dma_start3A_332 = arith.constant 0 : i32
          %dma_start3A_333 = tpu.memref_slice %arg2[%dma_start3A_331, %dma_start3A_332] : memref<10000x64xf32, #tpu.memory_space<hbm>> -> memref<10000x64xf32, #tpu.memory_space<hbm>>
          tpu.enqueue_indirect_dma source(%dma_start3A_333 : memref<10000x64xf32, #tpu.memory_space<hbm>>) target(%arg13 : memref<125x64xf32, #tpu.memory_space<vmem>>) offsets(%dma_start3A_330 : memref<125xi32, #tpu.memory_space<vmem>>) semaphore(%arg20 : memref<!tpu.dma_semaphore, #tpu.memory_space<semaphore_mem>>)
        } else {
        }
        %eq3A_323 = arith.constant 1 : i32
        %eq3A_324 = arith.cmpi eq, %arg0, %eq3A_323 : i32
        %convert_element_type3A_325 = arith.extui %eq3A_324 : i1 to i32
        %cond3A_326 = arith.constant 0 : i32
        %cond3A_327 = arith.cmpi ne, %convert_element_type3A_325, %cond3A_326 : i32
        scf.if %cond3A_327 {
          %dma_start3A_328 = arith.constant 0 : i32
          %dma_start3A_329 = tpu.memref_slice %arg7[%add3A_317, %dma_start3A_328] : memref<160x125xi32, #tpu.memory_space<vmem>> -> memref<1x125xi32, #tpu.memory_space<vmem>>
          %dma_start3A_330 = tpu.memref_squeeze %dma_start3A_329 : memref<1x125xi32, #tpu.memory_space<vmem>> -> memref<125xi32, #tpu.memory_space<vmem>>
          %dma_start3A_331 = arith.constant 0 : i32
          %dma_start3A_332 = arith.constant 0 : i32
          %dma_start3A_333 = tpu.memref_slice %arg3[%dma_start3A_331, %dma_start3A_332] : memref<10000x64xf32, #tpu.memory_space<hbm>> -> memref<10000x64xf32, #tpu.memory_space<hbm>>
          tpu.enqueue_indirect_dma source(%dma_start3A_333 : memref<10000x64xf32, #tpu.memory_space<hbm>>) target(%arg13 : memref<125x64xf32, #tpu.memory_space<vmem>>) offsets(%dma_start3A_330 : memref<125xi32, #tpu.memory_space<vmem>>) semaphore(%arg20 : memref<!tpu.dma_semaphore, #tpu.memory_space<semaphore_mem>>)
        } else {
        }
      } else {
      }
      %mul3A_196 = arith.constant 6 : i32
      %mul3A_197 = arith.muli %scan3A_172, %mul3A_196 : i32
      %add3A_198 = arith.constant 1 : i32
      %add3A_199 = arith.addi %mul3A_197, %add3A_198 : i32
      %dma_wait3A_200 = arith.constant 0 : i32
      %dma_wait3A_201 = tpu.memref_slice %arg7[%add3A_199, %dma_wait3A_200] : memref<160x125xi32, #tpu.memory_space<vmem>> -> memref<1x125xi32, #tpu.memory_space<vmem>>
      %dma_wait3A_202 = tpu.memref_squeeze %dma_wait3A_201 : memref<1x125xi32, #tpu.memory_space<vmem>> -> memref<125xi32, #tpu.memory_space<vmem>>
      %dma_wait3A_203 = arith.constant 0 : i32
      %dma_wait3A_204 = arith.constant 0 : i32
      %dma_wait3A_205 = tpu.memref_slice %arg2[%dma_wait3A_203, %dma_wait3A_204] : memref<10000x64xf32, #tpu.memory_space<hbm>> -> memref<10000x64xf32, #tpu.memory_space<hbm>>
      tpu.wait_indirect_dma semaphore(%arg17 : memref<!tpu.dma_semaphore, #tpu.memory_space<semaphore_mem>>) src(%dma_wait3A_205 : memref<10000x64xf32, #tpu.memory_space<hbm>>) dst(%arg10 : memref<125x64xf32, #tpu.memory_space<vmem>>)
      %dma_start3A_206 = arith.constant 0 : i32
      %dma_start3A_207 = tpu.memref_slice %arg8[%add3A_199, %dma_start3A_206] : memref<160x125xi32, #tpu.memory_space<vmem>> -> memref<1x125xi32, #tpu.memory_space<vmem>>
      %dma_start3A_208 = tpu.memref_squeeze %dma_start3A_207 : memref<1x125xi32, #tpu.memory_space<vmem>> -> memref<125xi32, #tpu.memory_space<vmem>>
      %dma_start3A_209 = arith.constant 0 : i32
      %dma_start3A_210 = arith.constant 0 : i32
      %dma_start3A_211 = tpu.memref_slice %arg15[%dma_start3A_209, %dma_start3A_210] : memref<10240x64xf32, #tpu.memory_space<vmem_shared>> -> memref<10240x64xf32, #tpu.memory_space<vmem_shared>>
      tpu.enqueue_indirect_dma source(%arg10 : memref<125x64xf32, #tpu.memory_space<vmem>>) target(%dma_start3A_211 : memref<10240x64xf32, #tpu.memory_space<vmem_shared>>) offsets(%dma_start3A_208 : memref<125xi32, #tpu.memory_space<vmem>>) semaphore(%arg23 : memref<!tpu.dma_semaphore, #tpu.memory_space<semaphore_mem>>) {add = true}
      %add3A_212 = arith.constant 4 : i32
      %add3A_213 = arith.addi %add3A_199, %add3A_212 : i32
      %lt3A_214 = arith.constant 160 : i32
      %lt3A_215 = arith.cmpi slt, %add3A_213, %lt3A_214 : i32
      %convert_element_type3A_216 = arith.extui %lt3A_215 : i1 to i32
      %cond3A_217 = arith.constant 0 : i32
      %cond3A_218 = arith.cmpi ne, %convert_element_type3A_216, %cond3A_217 : i32
      scf.if %cond3A_218 {
        %ge3A = arith.constant 2 : i32
        %ge3A_312 = arith.cmpi sge, %add3A_199, %ge3A : i32
        %convert_element_type3A_313 = arith.extui %ge3A_312 : i1 to i32
        %cond3A_314 = arith.constant 0 : i32
        %cond3A_315 = arith.cmpi ne, %convert_element_type3A_313, %cond3A_314 : i32
        scf.if %cond3A_315 {
          %sub3A = arith.constant 2 : i32
          %sub3A_328 = arith.subi %add3A_199, %sub3A : i32
          %dma_wait3A_329 = arith.constant 0 : i32
          %dma_wait3A_330 = tpu.memref_slice %arg8[%sub3A_328, %dma_wait3A_329] : memref<160x125xi32, #tpu.memory_space<vmem>> -> memref<1x125xi32, #tpu.memory_space<vmem>>
          %dma_wait3A_331 = tpu.memref_squeeze %dma_wait3A_330 : memref<1x125xi32, #tpu.memory_space<vmem>> -> memref<125xi32, #tpu.memory_space<vmem>>
          %dma_wait3A_332 = arith.constant 0 : i32
          %dma_wait3A_333 = arith.constant 0 : i32
          %dma_wait3A_334 = tpu.memref_slice %arg15[%dma_wait3A_332, %dma_wait3A_333] : memref<10240x64xf32, #tpu.memory_space<vmem_shared>> -> memref<10240x64xf32, #tpu.memory_space<vmem_shared>>
          tpu.wait_indirect_dma semaphore(%arg27 : memref<!tpu.dma_semaphore, #tpu.memory_space<semaphore_mem>>) src(%arg14 : memref<125x64xf32, #tpu.memory_space<vmem>>) dst(%dma_wait3A_334 : memref<10240x64xf32, #tpu.memory_space<vmem_shared>>)
        } else {
        }
        %add3A_316 = arith.constant 4 : i32
        %add3A_317 = arith.addi %add3A_199, %add3A_316 : i32
        %eq3A_318 = arith.constant 0 : i32
        %eq3A_319 = arith.cmpi eq, %arg0, %eq3A_318 : i32
        %convert_element_type3A_320 = arith.extui %eq3A_319 : i1 to i32
        %cond3A_321 = arith.constant 0 : i32
        %cond3A_322 = arith.cmpi ne, %convert_element_type3A_320, %cond3A_321 : i32
        scf.if %cond3A_322 {
          %dma_start3A_328 = arith.constant 0 : i32
          %dma_start3A_329 = tpu.memref_slice %arg7[%add3A_317, %dma_start3A_328] : memref<160x125xi32, #tpu.memory_space<vmem>> -> memref<1x125xi32, #tpu.memory_space<vmem>>
          %dma_start3A_330 = tpu.memref_squeeze %dma_start3A_329 : memref<1x125xi32, #tpu.memory_space<vmem>> -> memref<125xi32, #tpu.memory_space<vmem>>
          %dma_start3A_331 = arith.constant 0 : i32
          %dma_start3A_332 = arith.constant 0 : i32
          %dma_start3A_333 = tpu.memref_slice %arg2[%dma_start3A_331, %dma_start3A_332] : memref<10000x64xf32, #tpu.memory_space<hbm>> -> memref<10000x64xf32, #tpu.memory_space<hbm>>
          tpu.enqueue_indirect_dma source(%dma_start3A_333 : memref<10000x64xf32, #tpu.memory_space<hbm>>) target(%arg14 : memref<125x64xf32, #tpu.memory_space<vmem>>) offsets(%dma_start3A_330 : memref<125xi32, #tpu.memory_space<vmem>>) semaphore(%arg21 : memref<!tpu.dma_semaphore, #tpu.memory_space<semaphore_mem>>)
        } else {
        }
        %eq3A_323 = arith.constant 1 : i32
        %eq3A_324 = arith.cmpi eq, %arg0, %eq3A_323 : i32
        %convert_element_type3A_325 = arith.extui %eq3A_324 : i1 to i32
        %cond3A_326 = arith.constant 0 : i32
        %cond3A_327 = arith.cmpi ne, %convert_element_type3A_325, %cond3A_326 : i32
        scf.if %cond3A_327 {
          %dma_start3A_328 = arith.constant 0 : i32
          %dma_start3A_329 = tpu.memref_slice %arg7[%add3A_317, %dma_start3A_328] : memref<160x125xi32, #tpu.memory_space<vmem>> -> memref<1x125xi32, #tpu.memory_space<vmem>>
          %dma_start3A_330 = tpu.memref_squeeze %dma_start3A_329 : memref<1x125xi32, #tpu.memory_space<vmem>> -> memref<125xi32, #tpu.memory_space<vmem>>
          %dma_start3A_331 = arith.constant 0 : i32
          %dma_start3A_332 = arith.constant 0 : i32
          %dma_start3A_333 = tpu.memref_slice %arg3[%dma_start3A_331, %dma_start3A_332] : memref<10000x64xf32, #tpu.memory_space<hbm>> -> memref<10000x64xf32, #tpu.memory_space<hbm>>
          tpu.enqueue_indirect_dma source(%dma_start3A_333 : memref<10000x64xf32, #tpu.memory_space<hbm>>) target(%arg14 : memref<125x64xf32, #tpu.memory_space<vmem>>) offsets(%dma_start3A_330 : memref<125xi32, #tpu.memory_space<vmem>>) semaphore(%arg21 : memref<!tpu.dma_semaphore, #tpu.memory_space<semaphore_mem>>)
        } else {
        }
      } else {
      }
      %mul3A_219 = arith.constant 6 : i32
      %mul3A_220 = arith.muli %scan3A_172, %mul3A_219 : i32
      %add3A_221 = arith.constant 2 : i32
      %add3A_222 = arith.addi %mul3A_220, %add3A_221 : i32
      %dma_wait3A_223 = arith.constant 0 : i32
      %dma_wait3A_224 = tpu.memref_slice %arg7[%add3A_222, %dma_wait3A_223] : memref<160x125xi32, #tpu.memory_space<vmem>> -> memref<1x125xi32, #tpu.memory_space<vmem>>
      %dma_wait3A_225 = tpu.memref_squeeze %dma_wait3A_224 : memref<1x125xi32, #tpu.memory_space<vmem>> -> memref<125xi32, #tpu.memory_space<vmem>>
      %dma_wait3A_226 = arith.constant 0 : i32
      %dma_wait3A_227 = arith.constant 0 : i32
      %dma_wait3A_228 = tpu.memref_slice %arg2[%dma_wait3A_226, %dma_wait3A_227] : memref<10000x64xf32, #tpu.memory_space<hbm>> -> memref<10000x64xf32, #tpu.memory_space<hbm>>
      tpu.wait_indirect_dma semaphore(%arg18 : memref<!tpu.dma_semaphore, #tpu.memory_space<semaphore_mem>>) src(%dma_wait3A_228 : memref<10000x64xf32, #tpu.memory_space<hbm>>) dst(%arg11 : memref<125x64xf32, #tpu.memory_space<vmem>>)
      %dma_start3A_229 = arith.constant 0 : i32
      %dma_start3A_230 = tpu.memref_slice %arg8[%add3A_222, %dma_start3A_229] : memref<160x125xi32, #tpu.memory_space<vmem>> -> memref<1x125xi32, #tpu.memory_space<vmem>>
      %dma_start3A_231 = tpu.memref_squeeze %dma_start3A_230 : memref<1x125xi32, #tpu.memory_space<vmem>> -> memref<125xi32, #tpu.memory_space<vmem>>
      %dma_start3A_232 = arith.constant 0 : i32
      %dma_start3A_233 = arith.constant 0 : i32
      %dma_start3A_234 = tpu.memref_slice %arg15[%dma_start3A_232, %dma_start3A_233] : memref<10240x64xf32, #tpu.memory_space<vmem_shared>> -> memref<10240x64xf32, #tpu.memory_space<vmem_shared>>
      tpu.enqueue_indirect_dma source(%arg11 : memref<125x64xf32, #tpu.memory_space<vmem>>) target(%dma_start3A_234 : memref<10240x64xf32, #tpu.memory_space<vmem_shared>>) offsets(%dma_start3A_231 : memref<125xi32, #tpu.memory_space<vmem>>) semaphore(%arg24 : memref<!tpu.dma_semaphore, #tpu.memory_space<semaphore_mem>>) {add = true}
      %add3A_235 = arith.constant 4 : i32
      %add3A_236 = arith.addi %add3A_222, %add3A_235 : i32
      %lt3A_237 = arith.constant 160 : i32
      %lt3A_238 = arith.cmpi slt, %add3A_236, %lt3A_237 : i32
      %convert_element_type3A_239 = arith.extui %lt3A_238 : i1 to i32
      %cond3A_240 = arith.constant 0 : i32
      %cond3A_241 = arith.cmpi ne, %convert_element_type3A_239, %cond3A_240 : i32
      scf.if %cond3A_241 {
        %ge3A = arith.constant 2 : i32
        %ge3A_312 = arith.cmpi sge, %add3A_222, %ge3A : i32
        %convert_element_type3A_313 = arith.extui %ge3A_312 : i1 to i32
        %cond3A_314 = arith.constant 0 : i32
        %cond3A_315 = arith.cmpi ne, %convert_element_type3A_313, %cond3A_314 : i32
        scf.if %cond3A_315 {
          %sub3A = arith.constant 2 : i32
          %sub3A_328 = arith.subi %add3A_222, %sub3A : i32
          %dma_wait3A_329 = arith.constant 0 : i32
          %dma_wait3A_330 = tpu.memref_slice %arg8[%sub3A_328, %dma_wait3A_329] : memref<160x125xi32, #tpu.memory_space<vmem>> -> memref<1x125xi32, #tpu.memory_space<vmem>>
          %dma_wait3A_331 = tpu.memref_squeeze %dma_wait3A_330 : memref<1x125xi32, #tpu.memory_space<vmem>> -> memref<125xi32, #tpu.memory_space<vmem>>
          %dma_wait3A_332 = arith.constant 0 : i32
          %dma_wait3A_333 = arith.constant 0 : i32
          %dma_wait3A_334 = tpu.memref_slice %arg15[%dma_wait3A_332, %dma_wait3A_333] : memref<10240x64xf32, #tpu.memory_space<vmem_shared>> -> memref<10240x64xf32, #tpu.memory_space<vmem_shared>>
          tpu.wait_indirect_dma semaphore(%arg22 : memref<!tpu.dma_semaphore, #tpu.memory_space<semaphore_mem>>) src(%arg9 : memref<125x64xf32, #tpu.memory_space<vmem>>) dst(%dma_wait3A_334 : memref<10240x64xf32, #tpu.memory_space<vmem_shared>>)
        } else {
        }
        %add3A_316 = arith.constant 4 : i32
        %add3A_317 = arith.addi %add3A_222, %add3A_316 : i32
        %eq3A_318 = arith.constant 0 : i32
        %eq3A_319 = arith.cmpi eq, %arg0, %eq3A_318 : i32
        %convert_element_type3A_320 = arith.extui %eq3A_319 : i1 to i32
        %cond3A_321 = arith.constant 0 : i32
        %cond3A_322 = arith.cmpi ne, %convert_element_type3A_320, %cond3A_321 : i32
        scf.if %cond3A_322 {
          %dma_start3A_328 = arith.constant 0 : i32
          %dma_start3A_329 = tpu.memref_slice %arg7[%add3A_317, %dma_start3A_328] : memref<160x125xi32, #tpu.memory_space<vmem>> -> memref<1x125xi32, #tpu.memory_space<vmem>>
          %dma_start3A_330 = tpu.memref_squeeze %dma_start3A_329 : memref<1x125xi32, #tpu.memory_space<vmem>> -> memref<125xi32, #tpu.memory_space<vmem>>
          %dma_start3A_331 = arith.constant 0 : i32
          %dma_start3A_332 = arith.constant 0 : i32
          %dma_start3A_333 = tpu.memref_slice %arg2[%dma_start3A_331, %dma_start3A_332] : memref<10000x64xf32, #tpu.memory_space<hbm>> -> memref<10000x64xf32, #tpu.memory_space<hbm>>
          tpu.enqueue_indirect_dma source(%dma_start3A_333 : memref<10000x64xf32, #tpu.memory_space<hbm>>) target(%arg9 : memref<125x64xf32, #tpu.memory_space<vmem>>) offsets(%dma_start3A_330 : memref<125xi32, #tpu.memory_space<vmem>>) semaphore(%arg16 : memref<!tpu.dma_semaphore, #tpu.memory_space<semaphore_mem>>)
        } else {
        }
        %eq3A_323 = arith.constant 1 : i32
        %eq3A_324 = arith.cmpi eq, %arg0, %eq3A_323 : i32
        %convert_element_type3A_325 = arith.extui %eq3A_324 : i1 to i32
        %cond3A_326 = arith.constant 0 : i32
        %cond3A_327 = arith.cmpi ne, %convert_element_type3A_325, %cond3A_326 : i32
        scf.if %cond3A_327 {
          %dma_start3A_328 = arith.constant 0 : i32
          %dma_start3A_329 = tpu.memref_slice %arg7[%add3A_317, %dma_start3A_328] : memref<160x125xi32, #tpu.memory_space<vmem>> -> memref<1x125xi32, #tpu.memory_space<vmem>>
          %dma_start3A_330 = tpu.memref_squeeze %dma_start3A_329 : memref<1x125xi32, #tpu.memory_space<vmem>> -> memref<125xi32, #tpu.memory_space<vmem>>
          %dma_start3A_331 = arith.constant 0 : i32
          %dma_start3A_332 = arith.constant 0 : i32
          %dma_start3A_333 = tpu.memref_slice %arg3[%dma_start3A_331, %dma_start3A_332] : memref<10000x64xf32, #tpu.memory_space<hbm>> -> memref<10000x64xf32, #tpu.memory_space<hbm>>
          tpu.enqueue_indirect_dma source(%dma_start3A_333 : memref<10000x64xf32, #tpu.memory_space<hbm>>) target(%arg9 : memref<125x64xf32, #tpu.memory_space<vmem>>) offsets(%dma_start3A_330 : memref<125xi32, #tpu.memory_space<vmem>>) semaphore(%arg16 : memref<!tpu.dma_semaphore, #tpu.memory_space<semaphore_mem>>)
        } else {
        }
      } else {
      }
      %mul3A_242 = arith.constant 6 : i32
      %mul3A_243 = arith.muli %scan3A_172, %mul3A_242 : i32
      %add3A_244 = arith.constant 3 : i32
      %add3A_245 = arith.addi %mul3A_243, %add3A_244 : i32
      %dma_wait3A_246 = arith.constant 0 : i32
      %dma_wait3A_247 = tpu.memref_slice %arg7[%add3A_245, %dma_wait3A_246] : memref<160x125xi32, #tpu.memory_space<vmem>> -> memref<1x125xi32, #tpu.memory_space<vmem>>
      %dma_wait3A_248 = tpu.memref_squeeze %dma_wait3A_247 : memref<1x125xi32, #tpu.memory_space<vmem>> -> memref<125xi32, #tpu.memory_space<vmem>>
      %dma_wait3A_249 = arith.constant 0 : i32
      %dma_wait3A_250 = arith.constant 0 : i32
      %dma_wait3A_251 = tpu.memref_slice %arg2[%dma_wait3A_249, %dma_wait3A_250] : memref<10000x64xf32, #tpu.memory_space<hbm>> -> memref<10000x64xf32, #tpu.memory_space<hbm>>
      tpu.wait_indirect_dma semaphore(%arg19 : memref<!tpu.dma_semaphore, #tpu.memory_space<semaphore_mem>>) src(%dma_wait3A_251 : memref<10000x64xf32, #tpu.memory_space<hbm>>) dst(%arg12 : memref<125x64xf32, #tpu.memory_space<vmem>>)
      %dma_start3A_252 = arith.constant 0 : i32
      %dma_start3A_253 = tpu.memref_slice %arg8[%add3A_245, %dma_start3A_252] : memref<160x125xi32, #tpu.memory_space<vmem>> -> memref<1x125xi32, #tpu.memory_space<vmem>>
      %dma_start3A_254 = tpu.memref_squeeze %dma_start3A_253 : memref<1x125xi32, #tpu.memory_space<vmem>> -> memref<125xi32, #tpu.memory_space<vmem>>
      %dma_start3A_255 = arith.constant 0 : i32
      %dma_start3A_256 = arith.constant 0 : i32
      %dma_start3A_257 = tpu.memref_slice %arg15[%dma_start3A_255, %dma_start3A_256] : memref<10240x64xf32, #tpu.memory_space<vmem_shared>> -> memref<10240x64xf32, #tpu.memory_space<vmem_shared>>
      tpu.enqueue_indirect_dma source(%arg12 : memref<125x64xf32, #tpu.memory_space<vmem>>) target(%dma_start3A_257 : memref<10240x64xf32, #tpu.memory_space<vmem_shared>>) offsets(%dma_start3A_254 : memref<125xi32, #tpu.memory_space<vmem>>) semaphore(%arg25 : memref<!tpu.dma_semaphore, #tpu.memory_space<semaphore_mem>>) {add = true}
      %add3A_258 = arith.constant 4 : i32
      %add3A_259 = arith.addi %add3A_245, %add3A_258 : i32
      %lt3A_260 = arith.constant 160 : i32
      %lt3A_261 = arith.cmpi slt, %add3A_259, %lt3A_260 : i32
      %convert_element_type3A_262 = arith.extui %lt3A_261 : i1 to i32
      %cond3A_263 = arith.constant 0 : i32
      %cond3A_264 = arith.cmpi ne, %convert_element_type3A_262, %cond3A_263 : i32
      scf.if %cond3A_264 {
        %ge3A = arith.constant 2 : i32
        %ge3A_312 = arith.cmpi sge, %add3A_245, %ge3A : i32
        %convert_element_type3A_313 = arith.extui %ge3A_312 : i1 to i32
        %cond3A_314 = arith.constant 0 : i32
        %cond3A_315 = arith.cmpi ne, %convert_element_type3A_313, %cond3A_314 : i32
        scf.if %cond3A_315 {
          %sub3A = arith.constant 2 : i32
          %sub3A_328 = arith.subi %add3A_245, %sub3A : i32
          %dma_wait3A_329 = arith.constant 0 : i32
          %dma_wait3A_330 = tpu.memref_slice %arg8[%sub3A_328, %dma_wait3A_329] : memref<160x125xi32, #tpu.memory_space<vmem>> -> memref<1x125xi32, #tpu.memory_space<vmem>>
          %dma_wait3A_331 = tpu.memref_squeeze %dma_wait3A_330 : memref<1x125xi32, #tpu.memory_space<vmem>> -> memref<125xi32, #tpu.memory_space<vmem>>
          %dma_wait3A_332 = arith.constant 0 : i32
          %dma_wait3A_333 = arith.constant 0 : i32
          %dma_wait3A_334 = tpu.memref_slice %arg15[%dma_wait3A_332, %dma_wait3A_333] : memref<10240x64xf32, #tpu.memory_space<vmem_shared>> -> memref<10240x64xf32, #tpu.memory_space<vmem_shared>>
          tpu.wait_indirect_dma semaphore(%arg23 : memref<!tpu.dma_semaphore, #tpu.memory_space<semaphore_mem>>) src(%arg10 : memref<125x64xf32, #tpu.memory_space<vmem>>) dst(%dma_wait3A_334 : memref<10240x64xf32, #tpu.memory_space<vmem_shared>>)
        } else {
        }
        %add3A_316 = arith.constant 4 : i32
        %add3A_317 = arith.addi %add3A_245, %add3A_316 : i32
        %eq3A_318 = arith.constant 0 : i32
        %eq3A_319 = arith.cmpi eq, %arg0, %eq3A_318 : i32
        %convert_element_type3A_320 = arith.extui %eq3A_319 : i1 to i32
        %cond3A_321 = arith.constant 0 : i32
        %cond3A_322 = arith.cmpi ne, %convert_element_type3A_320, %cond3A_321 : i32
        scf.if %cond3A_322 {
          %dma_start3A_328 = arith.constant 0 : i32
          %dma_start3A_329 = tpu.memref_slice %arg7[%add3A_317, %dma_start3A_328] : memref<160x125xi32, #tpu.memory_space<vmem>> -> memref<1x125xi32, #tpu.memory_space<vmem>>
          %dma_start3A_330 = tpu.memref_squeeze %dma_start3A_329 : memref<1x125xi32, #tpu.memory_space<vmem>> -> memref<125xi32, #tpu.memory_space<vmem>>
          %dma_start3A_331 = arith.constant 0 : i32
          %dma_start3A_332 = arith.constant 0 : i32
          %dma_start3A_333 = tpu.memref_slice %arg2[%dma_start3A_331, %dma_start3A_332] : memref<10000x64xf32, #tpu.memory_space<hbm>> -> memref<10000x64xf32, #tpu.memory_space<hbm>>
          tpu.enqueue_indirect_dma source(%dma_start3A_333 : memref<10000x64xf32, #tpu.memory_space<hbm>>) target(%arg10 : memref<125x64xf32, #tpu.memory_space<vmem>>) offsets(%dma_start3A_330 : memref<125xi32, #tpu.memory_space<vmem>>) semaphore(%arg17 : memref<!tpu.dma_semaphore, #tpu.memory_space<semaphore_mem>>)
        } else {
        }
        %eq3A_323 = arith.constant 1 : i32
        %eq3A_324 = arith.cmpi eq, %arg0, %eq3A_323 : i32
        %convert_element_type3A_325 = arith.extui %eq3A_324 : i1 to i32
        %cond3A_326 = arith.constant 0 : i32
        %cond3A_327 = arith.cmpi ne, %convert_element_type3A_325, %cond3A_326 : i32
        scf.if %cond3A_327 {
          %dma_start3A_328 = arith.constant 0 : i32
          %dma_start3A_329 = tpu.memref_slice %arg7[%add3A_317, %dma_start3A_328] : memref<160x125xi32, #tpu.memory_space<vmem>> -> memref<1x125xi32, #tpu.memory_space<vmem>>
          %dma_start3A_330 = tpu.memref_squeeze %dma_start3A_329 : memref<1x125xi32, #tpu.memory_space<vmem>> -> memref<125xi32, #tpu.memory_space<vmem>>
          %dma_start3A_331 = arith.constant 0 : i32
          %dma_start3A_332 = arith.constant 0 : i32
          %dma_start3A_333 = tpu.memref_slice %arg3[%dma_start3A_331, %dma_start3A_332] : memref<10000x64xf32, #tpu.memory_space<hbm>> -> memref<10000x64xf32, #tpu.memory_space<hbm>>
          tpu.enqueue_indirect_dma source(%dma_start3A_333 : memref<10000x64xf32, #tpu.memory_space<hbm>>) target(%arg10 : memref<125x64xf32, #tpu.memory_space<vmem>>) offsets(%dma_start3A_330 : memref<125xi32, #tpu.memory_space<vmem>>) semaphore(%arg17 : memref<!tpu.dma_semaphore, #tpu.memory_space<semaphore_mem>>)
        } else {
        }
      } else {
      }
      %mul3A_265 = arith.constant 6 : i32
      %mul3A_266 = arith.muli %scan3A_172, %mul3A_265 : i32
      %add3A_267 = arith.constant 4 : i32
      %add3A_268 = arith.addi %mul3A_266, %add3A_267 : i32
      %dma_wait3A_269 = arith.constant 0 : i32
      %dma_wait3A_270 = tpu.memref_slice %arg7[%add3A_268, %dma_wait3A_269] : memref<160x125xi32, #tpu.memory_space<vmem>> -> memref<1x125xi32, #tpu.memory_space<vmem>>
      %dma_wait3A_271 = tpu.memref_squeeze %dma_wait3A_270 : memref<1x125xi32, #tpu.memory_space<vmem>> -> memref<125xi32, #tpu.memory_space<vmem>>
      %dma_wait3A_272 = arith.constant 0 : i32
      %dma_wait3A_273 = arith.constant 0 : i32
      %dma_wait3A_274 = tpu.memref_slice %arg2[%dma_wait3A_272, %dma_wait3A_273] : memref<10000x64xf32, #tpu.memory_space<hbm>> -> memref<10000x64xf32, #tpu.memory_space<hbm>>
      tpu.wait_indirect_dma semaphore(%arg20 : memref<!tpu.dma_semaphore, #tpu.memory_space<semaphore_mem>>) src(%dma_wait3A_274 : memref<10000x64xf32, #tpu.memory_space<hbm>>) dst(%arg13 : memref<125x64xf32, #tpu.memory_space<vmem>>)
      %dma_start3A_275 = arith.constant 0 : i32
      %dma_start3A_276 = tpu.memref_slice %arg8[%add3A_268, %dma_start3A_275] : memref<160x125xi32, #tpu.memory_space<vmem>> -> memref<1x125xi32, #tpu.memory_space<vmem>>
      %dma_start3A_277 = tpu.memref_squeeze %dma_start3A_276 : memref<1x125xi32, #tpu.memory_space<vmem>> -> memref<125xi32, #tpu.memory_space<vmem>>
      %dma_start3A_278 = arith.constant 0 : i32
      %dma_start3A_279 = arith.constant 0 : i32
      %dma_start3A_280 = tpu.memref_slice %arg15[%dma_start3A_278, %dma_start3A_279] : memref<10240x64xf32, #tpu.memory_space<vmem_shared>> -> memref<10240x64xf32, #tpu.memory_space<vmem_shared>>
      tpu.enqueue_indirect_dma source(%arg13 : memref<125x64xf32, #tpu.memory_space<vmem>>) target(%dma_start3A_280 : memref<10240x64xf32, #tpu.memory_space<vmem_shared>>) offsets(%dma_start3A_277 : memref<125xi32, #tpu.memory_space<vmem>>) semaphore(%arg26 : memref<!tpu.dma_semaphore, #tpu.memory_space<semaphore_mem>>) {add = true}
      %add3A_281 = arith.constant 4 : i32
      %add3A_282 = arith.addi %add3A_268, %add3A_281 : i32
      %lt3A_283 = arith.constant 160 : i32
      %lt3A_284 = arith.cmpi slt, %add3A_282, %lt3A_283 : i32
      %convert_element_type3A_285 = arith.extui %lt3A_284 : i1 to i32
      %cond3A_286 = arith.constant 0 : i32
      %cond3A_287 = arith.cmpi ne, %convert_element_type3A_285, %cond3A_286 : i32
      scf.if %cond3A_287 {
        %ge3A = arith.constant 2 : i32
        %ge3A_312 = arith.cmpi sge, %add3A_268, %ge3A : i32
        %convert_element_type3A_313 = arith.extui %ge3A_312 : i1 to i32
        %cond3A_314 = arith.constant 0 : i32
        %cond3A_315 = arith.cmpi ne, %convert_element_type3A_313, %cond3A_314 : i32
        scf.if %cond3A_315 {
          %sub3A = arith.constant 2 : i32
          %sub3A_328 = arith.subi %add3A_268, %sub3A : i32
          %dma_wait3A_329 = arith.constant 0 : i32
          %dma_wait3A_330 = tpu.memref_slice %arg8[%sub3A_328, %dma_wait3A_329] : memref<160x125xi32, #tpu.memory_space<vmem>> -> memref<1x125xi32, #tpu.memory_space<vmem>>
          %dma_wait3A_331 = tpu.memref_squeeze %dma_wait3A_330 : memref<1x125xi32, #tpu.memory_space<vmem>> -> memref<125xi32, #tpu.memory_space<vmem>>
          %dma_wait3A_332 = arith.constant 0 : i32
          %dma_wait3A_333 = arith.constant 0 : i32
          %dma_wait3A_334 = tpu.memref_slice %arg15[%dma_wait3A_332, %dma_wait3A_333] : memref<10240x64xf32, #tpu.memory_space<vmem_shared>> -> memref<10240x64xf32, #tpu.memory_space<vmem_shared>>
          tpu.wait_indirect_dma semaphore(%arg24 : memref<!tpu.dma_semaphore, #tpu.memory_space<semaphore_mem>>) src(%arg11 : memref<125x64xf32, #tpu.memory_space<vmem>>) dst(%dma_wait3A_334 : memref<10240x64xf32, #tpu.memory_space<vmem_shared>>)
        } else {
        }
        %add3A_316 = arith.constant 4 : i32
        %add3A_317 = arith.addi %add3A_268, %add3A_316 : i32
        %eq3A_318 = arith.constant 0 : i32
        %eq3A_319 = arith.cmpi eq, %arg0, %eq3A_318 : i32
        %convert_element_type3A_320 = arith.extui %eq3A_319 : i1 to i32
        %cond3A_321 = arith.constant 0 : i32
        %cond3A_322 = arith.cmpi ne, %convert_element_type3A_320, %cond3A_321 : i32
        scf.if %cond3A_322 {
          %dma_start3A_328 = arith.constant 0 : i32
          %dma_start3A_329 = tpu.memref_slice %arg7[%add3A_317, %dma_start3A_328] : memref<160x125xi32, #tpu.memory_space<vmem>> -> memref<1x125xi32, #tpu.memory_space<vmem>>
          %dma_start3A_330 = tpu.memref_squeeze %dma_start3A_329 : memref<1x125xi32, #tpu.memory_space<vmem>> -> memref<125xi32, #tpu.memory_space<vmem>>
          %dma_start3A_331 = arith.constant 0 : i32
          %dma_start3A_332 = arith.constant 0 : i32
          %dma_start3A_333 = tpu.memref_slice %arg2[%dma_start3A_331, %dma_start3A_332] : memref<10000x64xf32, #tpu.memory_space<hbm>> -> memref<10000x64xf32, #tpu.memory_space<hbm>>
          tpu.enqueue_indirect_dma source(%dma_start3A_333 : memref<10000x64xf32, #tpu.memory_space<hbm>>) target(%arg11 : memref<125x64xf32, #tpu.memory_space<vmem>>) offsets(%dma_start3A_330 : memref<125xi32, #tpu.memory_space<vmem>>) semaphore(%arg18 : memref<!tpu.dma_semaphore, #tpu.memory_space<semaphore_mem>>)
        } else {
        }
        %eq3A_323 = arith.constant 1 : i32
        %eq3A_324 = arith.cmpi eq, %arg0, %eq3A_323 : i32
        %convert_element_type3A_325 = arith.extui %eq3A_324 : i1 to i32
        %cond3A_326 = arith.constant 0 : i32
        %cond3A_327 = arith.cmpi ne, %convert_element_type3A_325, %cond3A_326 : i32
        scf.if %cond3A_327 {
          %dma_start3A_328 = arith.constant 0 : i32
          %dma_start3A_329 = tpu.memref_slice %arg7[%add3A_317, %dma_start3A_328] : memref<160x125xi32, #tpu.memory_space<vmem>> -> memref<1x125xi32, #tpu.memory_space<vmem>>
          %dma_start3A_330 = tpu.memref_squeeze %dma_start3A_329 : memref<1x125xi32, #tpu.memory_space<vmem>> -> memref<125xi32, #tpu.memory_space<vmem>>
          %dma_start3A_331 = arith.constant 0 : i32
          %dma_start3A_332 = arith.constant 0 : i32
          %dma_start3A_333 = tpu.memref_slice %arg3[%dma_start3A_331, %dma_start3A_332] : memref<10000x64xf32, #tpu.memory_space<hbm>> -> memref<10000x64xf32, #tpu.memory_space<hbm>>
          tpu.enqueue_indirect_dma source(%dma_start3A_333 : memref<10000x64xf32, #tpu.memory_space<hbm>>) target(%arg11 : memref<125x64xf32, #tpu.memory_space<vmem>>) offsets(%dma_start3A_330 : memref<125xi32, #tpu.memory_space<vmem>>) semaphore(%arg18 : memref<!tpu.dma_semaphore, #tpu.memory_space<semaphore_mem>>)
        } else {
        }
      } else {
      }
      %mul3A_288 = arith.constant 6 : i32
      %mul3A_289 = arith.muli %scan3A_172, %mul3A_288 : i32
      %add3A_290 = arith.constant 5 : i32
      %add3A_291 = arith.addi %mul3A_289, %add3A_290 : i32
      %dma_wait3A_292 = arith.constant 0 : i32
      %dma_wait3A_293 = tpu.memref_slice %arg7[%add3A_291, %dma_wait3A_292] : memref<160x125xi32, #tpu.memory_space<vmem>> -> memref<1x125xi32, #tpu.memory_space<vmem>>
      %dma_wait3A_294 = tpu.memref_squeeze %dma_wait3A_293 : memref<1x125xi32, #tpu.memory_space<vmem>> -> memref<125xi32, #tpu.memory_space<vmem>>
      %dma_wait3A_295 = arith.constant 0 : i32
      %dma_wait3A_296 = arith.constant 0 : i32
      %dma_wait3A_297 = tpu.memref_slice %arg2[%dma_wait3A_295, %dma_wait3A_296] : memref<10000x64xf32, #tpu.memory_space<hbm>> -> memref<10000x64xf32, #tpu.memory_space<hbm>>
      tpu.wait_indirect_dma semaphore(%arg21 : memref<!tpu.dma_semaphore, #tpu.memory_space<semaphore_mem>>) src(%dma_wait3A_297 : memref<10000x64xf32, #tpu.memory_space<hbm>>) dst(%arg14 : memref<125x64xf32, #tpu.memory_space<vmem>>)
      %dma_start3A_298 = arith.constant 0 : i32
      %dma_start3A_299 = tpu.memref_slice %arg8[%add3A_291, %dma_start3A_298] : memref<160x125xi32, #tpu.memory_space<vmem>> -> memref<1x125xi32, #tpu.memory_space<vmem>>
      %dma_start3A_300 = tpu.memref_squeeze %dma_start3A_299 : memref<1x125xi32, #tpu.memory_space<vmem>> -> memref<125xi32, #tpu.memory_space<vmem>>
      %dma_start3A_301 = arith.constant 0 : i32
      %dma_start3A_302 = arith.constant 0 : i32
      %dma_start3A_303 = tpu.memref_slice %arg15[%dma_start3A_301, %dma_start3A_302] : memref<10240x64xf32, #tpu.memory_space<vmem_shared>> -> memref<10240x64xf32, #tpu.memory_space<vmem_shared>>
      tpu.enqueue_indirect_dma source(%arg14 : memref<125x64xf32, #tpu.memory_space<vmem>>) target(%dma_start3A_303 : memref<10240x64xf32, #tpu.memory_space<vmem_shared>>) offsets(%dma_start3A_300 : memref<125xi32, #tpu.memory_space<vmem>>) semaphore(%arg27 : memref<!tpu.dma_semaphore, #tpu.memory_space<semaphore_mem>>) {add = true}
      %add3A_304 = arith.constant 4 : i32
      %add3A_305 = arith.addi %add3A_291, %add3A_304 : i32
      %lt3A_306 = arith.constant 160 : i32
      %lt3A_307 = arith.cmpi slt, %add3A_305, %lt3A_306 : i32
      %convert_element_type3A_308 = arith.extui %lt3A_307 : i1 to i32
      %cond3A_309 = arith.constant 0 : i32
      %cond3A_310 = arith.cmpi ne, %convert_element_type3A_308, %cond3A_309 : i32
      scf.if %cond3A_310 {
        %ge3A = arith.constant 2 : i32
        %ge3A_312 = arith.cmpi sge, %add3A_291, %ge3A : i32
        %convert_element_type3A_313 = arith.extui %ge3A_312 : i1 to i32
        %cond3A_314 = arith.constant 0 : i32
        %cond3A_315 = arith.cmpi ne, %convert_element_type3A_313, %cond3A_314 : i32
        scf.if %cond3A_315 {
          %sub3A = arith.constant 2 : i32
          %sub3A_328 = arith.subi %add3A_291, %sub3A : i32
          %dma_wait3A_329 = arith.constant 0 : i32
          %dma_wait3A_330 = tpu.memref_slice %arg8[%sub3A_328, %dma_wait3A_329] : memref<160x125xi32, #tpu.memory_space<vmem>> -> memref<1x125xi32, #tpu.memory_space<vmem>>
          %dma_wait3A_331 = tpu.memref_squeeze %dma_wait3A_330 : memref<1x125xi32, #tpu.memory_space<vmem>> -> memref<125xi32, #tpu.memory_space<vmem>>
          %dma_wait3A_332 = arith.constant 0 : i32
          %dma_wait3A_333 = arith.constant 0 : i32
          %dma_wait3A_334 = tpu.memref_slice %arg15[%dma_wait3A_332, %dma_wait3A_333] : memref<10240x64xf32, #tpu.memory_space<vmem_shared>> -> memref<10240x64xf32, #tpu.memory_space<vmem_shared>>
          tpu.wait_indirect_dma semaphore(%arg25 : memref<!tpu.dma_semaphore, #tpu.memory_space<semaphore_mem>>) src(%arg12 : memref<125x64xf32, #tpu.memory_space<vmem>>) dst(%dma_wait3A_334 : memref<10240x64xf32, #tpu.memory_space<vmem_shared>>)
        } else {
        }
        %add3A_316 = arith.constant 4 : i32
        %add3A_317 = arith.addi %add3A_291, %add3A_316 : i32
        %eq3A_318 = arith.constant 0 : i32
        %eq3A_319 = arith.cmpi eq, %arg0, %eq3A_318 : i32
        %convert_element_type3A_320 = arith.extui %eq3A_319 : i1 to i32
        %cond3A_321 = arith.constant 0 : i32
        %cond3A_322 = arith.cmpi ne, %convert_element_type3A_320, %cond3A_321 : i32
        scf.if %cond3A_322 {
          %dma_start3A_328 = arith.constant 0 : i32
          %dma_start3A_329 = tpu.memref_slice %arg7[%add3A_317, %dma_start3A_328] : memref<160x125xi32, #tpu.memory_space<vmem>> -> memref<1x125xi32, #tpu.memory_space<vmem>>
          %dma_start3A_330 = tpu.memref_squeeze %dma_start3A_329 : memref<1x125xi32, #tpu.memory_space<vmem>> -> memref<125xi32, #tpu.memory_space<vmem>>
          %dma_start3A_331 = arith.constant 0 : i32
          %dma_start3A_332 = arith.constant 0 : i32
          %dma_start3A_333 = tpu.memref_slice %arg2[%dma_start3A_331, %dma_start3A_332] : memref<10000x64xf32, #tpu.memory_space<hbm>> -> memref<10000x64xf32, #tpu.memory_space<hbm>>
          tpu.enqueue_indirect_dma source(%dma_start3A_333 : memref<10000x64xf32, #tpu.memory_space<hbm>>) target(%arg12 : memref<125x64xf32, #tpu.memory_space<vmem>>) offsets(%dma_start3A_330 : memref<125xi32, #tpu.memory_space<vmem>>) semaphore(%arg19 : memref<!tpu.dma_semaphore, #tpu.memory_space<semaphore_mem>>)
        } else {
        }
        %eq3A_323 = arith.constant 1 : i32
        %eq3A_324 = arith.cmpi eq, %arg0, %eq3A_323 : i32
        %convert_element_type3A_325 = arith.extui %eq3A_324 : i1 to i32
        %cond3A_326 = arith.constant 0 : i32
        %cond3A_327 = arith.cmpi ne, %convert_element_type3A_325, %cond3A_326 : i32
        scf.if %cond3A_327 {
          %dma_start3A_328 = arith.constant 0 : i32
          %dma_start3A_329 = tpu.memref_slice %arg7[%add3A_317, %dma_start3A_328] : memref<160x125xi32, #tpu.memory_space<vmem>> -> memref<1x125xi32, #tpu.memory_space<vmem>>
          %dma_start3A_330 = tpu.memref_squeeze %dma_start3A_329 : memref<1x125xi32, #tpu.memory_space<vmem>> -> memref<125xi32, #tpu.memory_space<vmem>>
          %dma_start3A_331 = arith.constant 0 : i32
          %dma_start3A_332 = arith.constant 0 : i32
          %dma_start3A_333 = tpu.memref_slice %arg3[%dma_start3A_331, %dma_start3A_332] : memref<10000x64xf32, #tpu.memory_space<hbm>> -> memref<10000x64xf32, #tpu.memory_space<hbm>>
          tpu.enqueue_indirect_dma source(%dma_start3A_333 : memref<10000x64xf32, #tpu.memory_space<hbm>>) target(%arg12 : memref<125x64xf32, #tpu.memory_space<vmem>>) offsets(%dma_start3A_330 : memref<125xi32, #tpu.memory_space<vmem>>) semaphore(%arg19 : memref<!tpu.dma_semaphore, #tpu.memory_space<semaphore_mem>>)
        } else {
        }
      } else {
      }
      %scan3A_311 = arith.constant 0 : i32
      scf.yield %scan3A_311 : i32
    }
    %scan3A_71 = arith.constant 26 : i32
    %dma_wait3A = arith.constant 156 : i32
    %dma_wait3A_72 = arith.constant 0 : i32
    %dma_wait3A_73 = tpu.memref_slice %arg7[%dma_wait3A, %dma_wait3A_72] : memref<160x125xi32, #tpu.memory_space<vmem>> -> memref<1x125xi32, #tpu.memory_space<vmem>>
    %dma_wait3A_74 = tpu.memref_squeeze %dma_wait3A_73 : memref<1x125xi32, #tpu.memory_space<vmem>> -> memref<125xi32, #tpu.memory_space<vmem>>
    %dma_wait3A_75 = arith.constant 0 : i32
    %dma_wait3A_76 = arith.constant 0 : i32
    %dma_wait3A_77 = tpu.memref_slice %arg2[%dma_wait3A_75, %dma_wait3A_76] : memref<10000x64xf32, #tpu.memory_space<hbm>> -> memref<10000x64xf32, #tpu.memory_space<hbm>>
    tpu.wait_indirect_dma semaphore(%arg16 : memref<!tpu.dma_semaphore, #tpu.memory_space<semaphore_mem>>) src(%dma_wait3A_77 : memref<10000x64xf32, #tpu.memory_space<hbm>>) dst(%arg9 : memref<125x64xf32, #tpu.memory_space<vmem>>)
    %dma_start3A = arith.constant 156 : i32
    %dma_start3A_78 = arith.constant 0 : i32
    %dma_start3A_79 = tpu.memref_slice %arg8[%dma_start3A, %dma_start3A_78] : memref<160x125xi32, #tpu.memory_space<vmem>> -> memref<1x125xi32, #tpu.memory_space<vmem>>
    %dma_start3A_80 = tpu.memref_squeeze %dma_start3A_79 : memref<1x125xi32, #tpu.memory_space<vmem>> -> memref<125xi32, #tpu.memory_space<vmem>>
    %dma_start3A_81 = arith.constant 0 : i32
    %dma_start3A_82 = arith.constant 0 : i32
    %dma_start3A_83 = tpu.memref_slice %arg15[%dma_start3A_81, %dma_start3A_82] : memref<10240x64xf32, #tpu.memory_space<vmem_shared>> -> memref<10240x64xf32, #tpu.memory_space<vmem_shared>>
    tpu.enqueue_indirect_dma source(%arg9 : memref<125x64xf32, #tpu.memory_space<vmem>>) target(%dma_start3A_83 : memref<10240x64xf32, #tpu.memory_space<vmem_shared>>) offsets(%dma_start3A_80 : memref<125xi32, #tpu.memory_space<vmem>>) semaphore(%arg22 : memref<!tpu.dma_semaphore, #tpu.memory_space<semaphore_mem>>) {add = true}
    %dma_wait3A_84 = arith.constant 157 : i32
    %dma_wait3A_85 = arith.constant 0 : i32
    %dma_wait3A_86 = tpu.memref_slice %arg7[%dma_wait3A_84, %dma_wait3A_85] : memref<160x125xi32, #tpu.memory_space<vmem>> -> memref<1x125xi32, #tpu.memory_space<vmem>>
    %dma_wait3A_87 = tpu.memref_squeeze %dma_wait3A_86 : memref<1x125xi32, #tpu.memory_space<vmem>> -> memref<125xi32, #tpu.memory_space<vmem>>
    %dma_wait3A_88 = arith.constant 0 : i32
    %dma_wait3A_89 = arith.constant 0 : i32
    %dma_wait3A_90 = tpu.memref_slice %arg2[%dma_wait3A_88, %dma_wait3A_89] : memref<10000x64xf32, #tpu.memory_space<hbm>> -> memref<10000x64xf32, #tpu.memory_space<hbm>>
    tpu.wait_indirect_dma semaphore(%arg17 : memref<!tpu.dma_semaphore, #tpu.memory_space<semaphore_mem>>) src(%dma_wait3A_90 : memref<10000x64xf32, #tpu.memory_space<hbm>>) dst(%arg10 : memref<125x64xf32, #tpu.memory_space<vmem>>)
    %dma_start3A_91 = arith.constant 157 : i32
    %dma_start3A_92 = arith.constant 0 : i32
    %dma_start3A_93 = tpu.memref_slice %arg8[%dma_start3A_91, %dma_start3A_92] : memref<160x125xi32, #tpu.memory_space<vmem>> -> memref<1x125xi32, #tpu.memory_space<vmem>>
    %dma_start3A_94 = tpu.memref_squeeze %dma_start3A_93 : memref<1x125xi32, #tpu.memory_space<vmem>> -> memref<125xi32, #tpu.memory_space<vmem>>
    %dma_start3A_95 = arith.constant 0 : i32
    %dma_start3A_96 = arith.constant 0 : i32
    %dma_start3A_97 = tpu.memref_slice %arg15[%dma_start3A_95, %dma_start3A_96] : memref<10240x64xf32, #tpu.memory_space<vmem_shared>> -> memref<10240x64xf32, #tpu.memory_space<vmem_shared>>
    tpu.enqueue_indirect_dma source(%arg10 : memref<125x64xf32, #tpu.memory_space<vmem>>) target(%dma_start3A_97 : memref<10240x64xf32, #tpu.memory_space<vmem_shared>>) offsets(%dma_start3A_94 : memref<125xi32, #tpu.memory_space<vmem>>) semaphore(%arg23 : memref<!tpu.dma_semaphore, #tpu.memory_space<semaphore_mem>>) {add = true}
    %dma_wait3A_98 = arith.constant 158 : i32
    %dma_wait3A_99 = arith.constant 0 : i32
    %dma_wait3A_100 = tpu.memref_slice %arg7[%dma_wait3A_98, %dma_wait3A_99] : memref<160x125xi32, #tpu.memory_space<vmem>> -> memref<1x125xi32, #tpu.memory_space<vmem>>
    %dma_wait3A_101 = tpu.memref_squeeze %dma_wait3A_100 : memref<1x125xi32, #tpu.memory_space<vmem>> -> memref<125xi32, #tpu.memory_space<vmem>>
    %dma_wait3A_102 = arith.constant 0 : i32
    %dma_wait3A_103 = arith.constant 0 : i32
    %dma_wait3A_104 = tpu.memref_slice %arg2[%dma_wait3A_102, %dma_wait3A_103] : memref<10000x64xf32, #tpu.memory_space<hbm>> -> memref<10000x64xf32, #tpu.memory_space<hbm>>
    tpu.wait_indirect_dma semaphore(%arg18 : memref<!tpu.dma_semaphore, #tpu.memory_space<semaphore_mem>>) src(%dma_wait3A_104 : memref<10000x64xf32, #tpu.memory_space<hbm>>) dst(%arg11 : memref<125x64xf32, #tpu.memory_space<vmem>>)
    %dma_start3A_105 = arith.constant 158 : i32
    %dma_start3A_106 = arith.constant 0 : i32
    %dma_start3A_107 = tpu.memref_slice %arg8[%dma_start3A_105, %dma_start3A_106] : memref<160x125xi32, #tpu.memory_space<vmem>> -> memref<1x125xi32, #tpu.memory_space<vmem>>
    %dma_start3A_108 = tpu.memref_squeeze %dma_start3A_107 : memref<1x125xi32, #tpu.memory_space<vmem>> -> memref<125xi32, #tpu.memory_space<vmem>>
    %dma_start3A_109 = arith.constant 0 : i32
    %dma_start3A_110 = arith.constant 0 : i32
    %dma_start3A_111 = tpu.memref_slice %arg15[%dma_start3A_109, %dma_start3A_110] : memref<10240x64xf32, #tpu.memory_space<vmem_shared>> -> memref<10240x64xf32, #tpu.memory_space<vmem_shared>>
    tpu.enqueue_indirect_dma source(%arg11 : memref<125x64xf32, #tpu.memory_space<vmem>>) target(%dma_start3A_111 : memref<10240x64xf32, #tpu.memory_space<vmem_shared>>) offsets(%dma_start3A_108 : memref<125xi32, #tpu.memory_space<vmem>>) semaphore(%arg24 : memref<!tpu.dma_semaphore, #tpu.memory_space<semaphore_mem>>) {add = true}
    %dma_wait3A_112 = arith.constant 159 : i32
    %dma_wait3A_113 = arith.constant 0 : i32
    %dma_wait3A_114 = tpu.memref_slice %arg7[%dma_wait3A_112, %dma_wait3A_113] : memref<160x125xi32, #tpu.memory_space<vmem>> -> memref<1x125xi32, #tpu.memory_space<vmem>>
    %dma_wait3A_115 = tpu.memref_squeeze %dma_wait3A_114 : memref<1x125xi32, #tpu.memory_space<vmem>> -> memref<125xi32, #tpu.memory_space<vmem>>
    %dma_wait3A_116 = arith.constant 0 : i32
    %dma_wait3A_117 = arith.constant 0 : i32
    %dma_wait3A_118 = tpu.memref_slice %arg2[%dma_wait3A_116, %dma_wait3A_117] : memref<10000x64xf32, #tpu.memory_space<hbm>> -> memref<10000x64xf32, #tpu.memory_space<hbm>>
    tpu.wait_indirect_dma semaphore(%arg19 : memref<!tpu.dma_semaphore, #tpu.memory_space<semaphore_mem>>) src(%dma_wait3A_118 : memref<10000x64xf32, #tpu.memory_space<hbm>>) dst(%arg12 : memref<125x64xf32, #tpu.memory_space<vmem>>)
    %dma_start3A_119 = arith.constant 159 : i32
    %dma_start3A_120 = arith.constant 0 : i32
    %dma_start3A_121 = tpu.memref_slice %arg8[%dma_start3A_119, %dma_start3A_120] : memref<160x125xi32, #tpu.memory_space<vmem>> -> memref<1x125xi32, #tpu.memory_space<vmem>>
    %dma_start3A_122 = tpu.memref_squeeze %dma_start3A_121 : memref<1x125xi32, #tpu.memory_space<vmem>> -> memref<125xi32, #tpu.memory_space<vmem>>
    %dma_start3A_123 = arith.constant 0 : i32
    %dma_start3A_124 = arith.constant 0 : i32
    %dma_start3A_125 = tpu.memref_slice %arg15[%dma_start3A_123, %dma_start3A_124] : memref<10240x64xf32, #tpu.memory_space<vmem_shared>> -> memref<10240x64xf32, #tpu.memory_space<vmem_shared>>
    tpu.enqueue_indirect_dma source(%arg12 : memref<125x64xf32, #tpu.memory_space<vmem>>) target(%dma_start3A_125 : memref<10240x64xf32, #tpu.memory_space<vmem_shared>>) offsets(%dma_start3A_122 : memref<125xi32, #tpu.memory_space<vmem>>) semaphore(%arg25 : memref<!tpu.dma_semaphore, #tpu.memory_space<semaphore_mem>>) {add = true}
    %dma_wait3A_126 = arith.constant 0 : i32
    %dma_wait3A_127 = arith.constant 0 : i32
    %dma_wait3A_128 = tpu.memref_slice %arg8[%dma_wait3A_126, %dma_wait3A_127] : memref<160x125xi32, #tpu.memory_space<vmem>> -> memref<1x125xi32, #tpu.memory_space<vmem>>
    %dma_wait3A_129 = tpu.memref_squeeze %dma_wait3A_128 : memref<1x125xi32, #tpu.memory_space<vmem>> -> memref<125xi32, #tpu.memory_space<vmem>>
    %dma_wait3A_130 = arith.constant 0 : i32
    %dma_wait3A_131 = arith.constant 0 : i32
    %dma_wait3A_132 = tpu.memref_slice %arg15[%dma_wait3A_130, %dma_wait3A_131] : memref<10240x64xf32, #tpu.memory_space<vmem_shared>> -> memref<10240x64xf32, #tpu.memory_space<vmem_shared>>
    tpu.wait_indirect_dma semaphore(%arg22 : memref<!tpu.dma_semaphore, #tpu.memory_space<semaphore_mem>>) src(%arg9 : memref<125x64xf32, #tpu.memory_space<vmem>>) dst(%dma_wait3A_132 : memref<10240x64xf32, #tpu.memory_space<vmem_shared>>)
    %dma_wait3A_133 = arith.constant 0 : i32
    %dma_wait3A_134 = arith.constant 0 : i32
    %dma_wait3A_135 = tpu.memref_slice %arg8[%dma_wait3A_133, %dma_wait3A_134] : memref<160x125xi32, #tpu.memory_space<vmem>> -> memref<1x125xi32, #tpu.memory_space<vmem>>
    %dma_wait3A_136 = tpu.memref_squeeze %dma_wait3A_135 : memref<1x125xi32, #tpu.memory_space<vmem>> -> memref<125xi32, #tpu.memory_space<vmem>>
    %dma_wait3A_137 = arith.constant 0 : i32
    %dma_wait3A_138 = arith.constant 0 : i32
    %dma_wait3A_139 = tpu.memref_slice %arg15[%dma_wait3A_137, %dma_wait3A_138] : memref<10240x64xf32, #tpu.memory_space<vmem_shared>> -> memref<10240x64xf32, #tpu.memory_space<vmem_shared>>
    tpu.wait_indirect_dma semaphore(%arg23 : memref<!tpu.dma_semaphore, #tpu.memory_space<semaphore_mem>>) src(%arg10 : memref<125x64xf32, #tpu.memory_space<vmem>>) dst(%dma_wait3A_139 : memref<10240x64xf32, #tpu.memory_space<vmem_shared>>)
    %dma_wait3A_140 = arith.constant 0 : i32
    %dma_wait3A_141 = arith.constant 0 : i32
    %dma_wait3A_142 = tpu.memref_slice %arg8[%dma_wait3A_140, %dma_wait3A_141] : memref<160x125xi32, #tpu.memory_space<vmem>> -> memref<1x125xi32, #tpu.memory_space<vmem>>
    %dma_wait3A_143 = tpu.memref_squeeze %dma_wait3A_142 : memref<1x125xi32, #tpu.memory_space<vmem>> -> memref<125xi32, #tpu.memory_space<vmem>>
    %dma_wait3A_144 = arith.constant 0 : i32
    %dma_wait3A_145 = arith.constant 0 : i32
    %dma_wait3A_146 = tpu.memref_slice %arg15[%dma_wait3A_144, %dma_wait3A_145] : memref<10240x64xf32, #tpu.memory_space<vmem_shared>> -> memref<10240x64xf32, #tpu.memory_space<vmem_shared>>
    tpu.wait_indirect_dma semaphore(%arg24 : memref<!tpu.dma_semaphore, #tpu.memory_space<semaphore_mem>>) src(%arg11 : memref<125x64xf32, #tpu.memory_space<vmem>>) dst(%dma_wait3A_146 : memref<10240x64xf32, #tpu.memory_space<vmem_shared>>)
    %dma_wait3A_147 = arith.constant 0 : i32
    %dma_wait3A_148 = arith.constant 0 : i32
    %dma_wait3A_149 = tpu.memref_slice %arg8[%dma_wait3A_147, %dma_wait3A_148] : memref<160x125xi32, #tpu.memory_space<vmem>> -> memref<1x125xi32, #tpu.memory_space<vmem>>
    %dma_wait3A_150 = tpu.memref_squeeze %dma_wait3A_149 : memref<1x125xi32, #tpu.memory_space<vmem>> -> memref<125xi32, #tpu.memory_space<vmem>>
    %dma_wait3A_151 = arith.constant 0 : i32
    %dma_wait3A_152 = arith.constant 0 : i32
    %dma_wait3A_153 = tpu.memref_slice %arg15[%dma_wait3A_151, %dma_wait3A_152] : memref<10240x64xf32, #tpu.memory_space<vmem_shared>> -> memref<10240x64xf32, #tpu.memory_space<vmem_shared>>
    tpu.wait_indirect_dma semaphore(%arg25 : memref<!tpu.dma_semaphore, #tpu.memory_space<semaphore_mem>>) src(%arg12 : memref<125x64xf32, #tpu.memory_space<vmem>>) dst(%dma_wait3A_153 : memref<10240x64xf32, #tpu.memory_space<vmem_shared>>)
    %dma_wait3A_154 = arith.constant 0 : i32
    %dma_wait3A_155 = arith.constant 0 : i32
    %dma_wait3A_156 = tpu.memref_slice %arg8[%dma_wait3A_154, %dma_wait3A_155] : memref<160x125xi32, #tpu.memory_space<vmem>> -> memref<1x125xi32, #tpu.memory_space<vmem>>
    %dma_wait3A_157 = tpu.memref_squeeze %dma_wait3A_156 : memref<1x125xi32, #tpu.memory_space<vmem>> -> memref<125xi32, #tpu.memory_space<vmem>>
    %dma_wait3A_158 = arith.constant 0 : i32
    %dma_wait3A_159 = arith.constant 0 : i32
    %dma_wait3A_160 = tpu.memref_slice %arg15[%dma_wait3A_158, %dma_wait3A_159] : memref<10240x64xf32, #tpu.memory_space<vmem_shared>> -> memref<10240x64xf32, #tpu.memory_space<vmem_shared>>
    tpu.wait_indirect_dma semaphore(%arg26 : memref<!tpu.dma_semaphore, #tpu.memory_space<semaphore_mem>>) src(%arg13 : memref<125x64xf32, #tpu.memory_space<vmem>>) dst(%dma_wait3A_160 : memref<10240x64xf32, #tpu.memory_space<vmem_shared>>)
    %dma_wait3A_161 = arith.constant 0 : i32
    %dma_wait3A_162 = arith.constant 0 : i32
    %dma_wait3A_163 = tpu.memref_slice %arg8[%dma_wait3A_161, %dma_wait3A_162] : memref<160x125xi32, #tpu.memory_space<vmem>> -> memref<1x125xi32, #tpu.memory_space<vmem>>
    %dma_wait3A_164 = tpu.memref_squeeze %dma_wait3A_163 : memref<1x125xi32, #tpu.memory_space<vmem>> -> memref<125xi32, #tpu.memory_space<vmem>>
    %dma_wait3A_165 = arith.constant 0 : i32
    %dma_wait3A_166 = arith.constant 0 : i32
    %dma_wait3A_167 = tpu.memref_slice %arg15[%dma_wait3A_165, %dma_wait3A_166] : memref<10240x64xf32, #tpu.memory_space<vmem_shared>> -> memref<10240x64xf32, #tpu.memory_space<vmem_shared>>
    tpu.wait_indirect_dma semaphore(%arg27 : memref<!tpu.dma_semaphore, #tpu.memory_space<semaphore_mem>>) src(%arg14 : memref<125x64xf32, #tpu.memory_space<vmem>>) dst(%dma_wait3A_167 : memref<10240x64xf32, #tpu.memory_space<vmem_shared>>)
    %barrier3A_168 = arith.constant 0 : index
    tpu.barrier barrier_id(%barrier3A_168)
    %mul3A_169 = arith.constant 10240 : i32
    %mul3A_170 = arith.muli %arg0, %mul3A_169 : i32
    %add3A_171 = arith.addi %mul3A_170, %mul3A_0 : i32
    "tpu.region"() ({
      %run_scoped3A = tpu.sem_alloc : memref<!tpu.dma_semaphore, #tpu.memory_space<semaphore_mem>>
      %dma_start3A_172 = arith.constant 0 : i32
      %dma_start3A_173 = tpu.memref_slice %arg6[%add3A_171, %dma_start3A_172] : memref<20480x64xf32, #tpu.memory_space<hbm>> -> memref<640x64xf32, #tpu.memory_space<hbm>>
      %dma_start3A_174 = arith.constant 0 : i32
      %dma_start3A_175 = tpu.memref_slice %arg15[%mul3A_0, %dma_start3A_174] : memref<10240x64xf32, #tpu.memory_space<vmem_shared>> -> memref<640x64xf32, #tpu.memory_space<vmem_shared>>
      tpu.enqueue_dma source(%dma_start3A_175 : memref<640x64xf32, #tpu.memory_space<vmem_shared>>) target(%dma_start3A_173 : memref<640x64xf32, #tpu.memory_space<hbm>>) target_semaphore(%run_scoped3A : memref<!tpu.dma_semaphore, #tpu.memory_space<semaphore_mem>>)
      %dma_wait3A_176 = arith.constant 0 : i32
      %dma_wait3A_177 = tpu.memref_slice %arg6[%add3A_171, %dma_wait3A_176] : memref<20480x64xf32, #tpu.memory_space<hbm>> -> memref<640x64xf32, #tpu.memory_space<hbm>>
      %dma_wait3A_178 = arith.constant 0 : i32
      %dma_wait3A_179 = tpu.memref_slice %arg15[%mul3A_0, %dma_wait3A_178] : memref<10240x64xf32, #tpu.memory_space<vmem_shared>> -> memref<640x64xf32, #tpu.memory_space<vmem_shared>>
      tpu.wait_dma2 semaphore(%run_scoped3A : memref<!tpu.dma_semaphore, #tpu.memory_space<semaphore_mem>>) src(%dma_wait3A_179 : memref<640x64xf32, #tpu.memory_space<vmem_shared>>) dst(%dma_wait3A_177 : memref<640x64xf32, #tpu.memory_space<hbm>>)
      tpu.yield
    }) : () -> ()
    return
  }
}

#map = affine_map<(d0, d1) -> (0, 0)>
module attributes {stable_mosaic.version = 14 : i64} {
  func.func @_edge_kernel(%arg0: i32, %arg1: i32, %arg2: memref<10000x32xf32, #tpu.memory_space<hbm>>, %arg3: memref<10000x32xf32, #tpu.memory_space<hbm>>, %arg4: memref<2560x125xi32, #tpu.memory_space<hbm>>, %arg5: memref<2560x125xi32, #tpu.memory_space<hbm>>, %arg6: memref<20480x32xf32, #tpu.memory_space<hbm>>, %arg7: memref<160x125xi32, #tpu.memory_space<vmem>>, %arg8: memref<160x125xi32, #tpu.memory_space<vmem>>, %arg9: memref<125x32xf32, #tpu.memory_space<vmem>>, %arg10: memref<125x32xf32, #tpu.memory_space<vmem>>, %arg11: memref<125x32xf32, #tpu.memory_space<vmem>>, %arg12: memref<125x32xf32, #tpu.memory_space<vmem>>, %arg13: memref<125x32xf32, #tpu.memory_space<vmem>>, %arg14: memref<125x32xf32, #tpu.memory_space<vmem>>, %arg15: memref<125x32xf32, #tpu.memory_space<vmem>>, %arg16: memref<125x32xf32, #tpu.memory_space<vmem>>, %arg17: memref<125x32xf32, #tpu.memory_space<vmem>>, %arg18: memref<125x32xf32, #tpu.memory_space<vmem>>, %arg19: memref<10240x32xf32, #tpu.memory_space<vmem_shared>>, %arg20: memref<!tpu.dma_semaphore, #tpu.memory_space<semaphore_mem>>, %arg21: memref<!tpu.dma_semaphore, #tpu.memory_space<semaphore_mem>>, %arg22: memref<!tpu.dma_semaphore, #tpu.memory_space<semaphore_mem>>, %arg23: memref<!tpu.dma_semaphore, #tpu.memory_space<semaphore_mem>>, %arg24: memref<!tpu.dma_semaphore, #tpu.memory_space<semaphore_mem>>, %arg25: memref<!tpu.dma_semaphore, #tpu.memory_space<semaphore_mem>>, %arg26: memref<!tpu.dma_semaphore, #tpu.memory_space<semaphore_mem>>, %arg27: memref<!tpu.dma_semaphore, #tpu.memory_space<semaphore_mem>>, %arg28: memref<!tpu.dma_semaphore, #tpu.memory_space<semaphore_mem>>, %arg29: memref<!tpu.dma_semaphore, #tpu.memory_space<semaphore_mem>>, %arg30: memref<!tpu.dma_semaphore, #tpu.memory_space<semaphore_mem>>, %arg31: memref<!tpu.dma_semaphore, #tpu.memory_space<semaphore_mem>>, %arg32: memref<!tpu.dma_semaphore, #tpu.memory_space<semaphore_mem>>, %arg33: memref<!tpu.dma_semaphore, #tpu.memory_space<semaphore_mem>>, %arg34: memref<!tpu.dma_semaphore, #tpu.memory_space<semaphore_mem>>, %arg35: memref<!tpu.dma_semaphore, #tpu.memory_space<semaphore_mem>>, %arg36: memref<!tpu.dma_semaphore, #tpu.memory_space<semaphore_mem>>, %arg37: memref<!tpu.dma_semaphore, #tpu.memory_space<semaphore_mem>>, %arg38: memref<!tpu.dma_semaphore, #tpu.memory_space<semaphore_mem>>, %arg39: memref<!tpu.dma_semaphore, #tpu.memory_space<semaphore_mem>>) attributes {dimension_semantics = [#tpu.dimension_semantics<core_parallel>, #tpu.dimension_semantics<subcore_parallel>], iteration_bounds = array<i64: 2, 16>, scalar_prefetch = 0 : i64, scratch_operands = 33 : i64, tpu.core_type = #tpu.core_type<sc_vector_subcore>, window_params = [{transform_indices = #map}, {transform_indices = #map}, {transform_indices = #map}, {transform_indices = #map}, {transform_indices = #map}]} {
    %mul3A = arith.constant 640 : i32
    %mul3A_0 = arith.muli %arg1, %mul3A : i32
    %mul3A_1 = arith.constant 160 : i32
    %mul3A_2 = arith.muli %arg1, %mul3A_1 : i32
    "tpu.region"() ({
      %run_scoped3A = tpu.sem_alloc : memref<!tpu.dma_semaphore, #tpu.memory_space<semaphore_mem>>
      %dma_start3A = arith.constant 0 : i32
      %dma_start3A_169 = tpu.memref_slice %arg4[%mul3A_2, %dma_start3A] : memref<2560x125xi32, #tpu.memory_space<hbm>> -> memref<160x125xi32, #tpu.memory_space<hbm>>
      %dma_start3A_170 = arith.constant 0 : i32
      %dma_start3A_171 = tpu.memref_slice %arg4[%mul3A_2, %dma_start3A_170] : memref<2560x125xi32, #tpu.memory_space<hbm>> -> memref<160x125xi32, #tpu.memory_space<hbm>>
      tpu.enqueue_dma source(%dma_start3A_171 : memref<160x125xi32, #tpu.memory_space<hbm>>) target(%arg7 : memref<160x125xi32, #tpu.memory_space<vmem>>) target_semaphore(%run_scoped3A : memref<!tpu.dma_semaphore, #tpu.memory_space<semaphore_mem>>)
      %dma_wait3A_172 = arith.constant 0 : i32
      %dma_wait3A_173 = tpu.memref_slice %arg4[%mul3A_2, %dma_wait3A_172] : memref<2560x125xi32, #tpu.memory_space<hbm>> -> memref<160x125xi32, #tpu.memory_space<hbm>>
      %dma_wait3A_174 = arith.constant 0 : i32
      %dma_wait3A_175 = tpu.memref_slice %arg4[%mul3A_2, %dma_wait3A_174] : memref<2560x125xi32, #tpu.memory_space<hbm>> -> memref<160x125xi32, #tpu.memory_space<hbm>>
      tpu.wait_dma2 semaphore(%run_scoped3A : memref<!tpu.dma_semaphore, #tpu.memory_space<semaphore_mem>>) src(%dma_wait3A_175 : memref<160x125xi32, #tpu.memory_space<hbm>>) dst(%arg7 : memref<160x125xi32, #tpu.memory_space<vmem>>)
      tpu.yield
    }) : () -> ()
    %mul3A_3 = arith.constant 160 : i32
    %mul3A_4 = arith.muli %arg1, %mul3A_3 : i32
    "tpu.region"() ({
      %run_scoped3A = tpu.sem_alloc : memref<!tpu.dma_semaphore, #tpu.memory_space<semaphore_mem>>
      %dma_start3A = arith.constant 0 : i32
      %dma_start3A_169 = tpu.memref_slice %arg5[%mul3A_4, %dma_start3A] : memref<2560x125xi32, #tpu.memory_space<hbm>> -> memref<160x125xi32, #tpu.memory_space<hbm>>
      %dma_start3A_170 = arith.constant 0 : i32
      %dma_start3A_171 = tpu.memref_slice %arg5[%mul3A_4, %dma_start3A_170] : memref<2560x125xi32, #tpu.memory_space<hbm>> -> memref<160x125xi32, #tpu.memory_space<hbm>>
      tpu.enqueue_dma source(%dma_start3A_171 : memref<160x125xi32, #tpu.memory_space<hbm>>) target(%arg8 : memref<160x125xi32, #tpu.memory_space<vmem>>) target_semaphore(%run_scoped3A : memref<!tpu.dma_semaphore, #tpu.memory_space<semaphore_mem>>)
      %dma_wait3A_172 = arith.constant 0 : i32
      %dma_wait3A_173 = tpu.memref_slice %arg5[%mul3A_4, %dma_wait3A_172] : memref<2560x125xi32, #tpu.memory_space<hbm>> -> memref<160x125xi32, #tpu.memory_space<hbm>>
      %dma_wait3A_174 = arith.constant 0 : i32
      %dma_wait3A_175 = tpu.memref_slice %arg5[%mul3A_4, %dma_wait3A_174] : memref<2560x125xi32, #tpu.memory_space<hbm>> -> memref<160x125xi32, #tpu.memory_space<hbm>>
      tpu.wait_dma2 semaphore(%run_scoped3A : memref<!tpu.dma_semaphore, #tpu.memory_space<semaphore_mem>>) src(%dma_wait3A_175 : memref<160x125xi32, #tpu.memory_space<hbm>>) dst(%arg8 : memref<160x125xi32, #tpu.memory_space<vmem>>)
      tpu.yield
    }) : () -> ()
    %broadcast_in_dim3A = arith.constant 0.000000e+00 : f32
    %broadcast_in_dim3A_5 = vector.broadcast %broadcast_in_dim3A : f32 to vector<16xf32>
    %scan3A = arith.constant 0 : i32
    %scan3A_6 = arith.constant 0 : i32
    %scan3A_7 = arith.constant 250 : i32
    %scan3A_8 = arith.addi %scan3A_6, %scan3A_7 : i32
    %scan3A_9 = arith.constant 1 : i32
    %scan3A_10 = scf.for %scan3A_169 = %scan3A_6 to %scan3A_8 step %scan3A_9 iter_args(%scan3A_170 = %scan3A) -> (i32)  : i32 {
      %jit3A = arith.constant 2 : i32
      %div3A = arith.divsi %scan3A_169, %jit3A : i32
      %sign3A = arith.constant 0 : i32
      %sign3A_171 = arith.cmpi sgt, %scan3A_169, %sign3A : i32
      %sign3A_172 = arith.extui %sign3A_171 : i1 to i32
      %sign3A_173 = arith.constant 0 : i32
      %sign3A_174 = arith.cmpi slt, %scan3A_169, %sign3A_173 : i32
      %sign3A_175 = arith.extui %sign3A_174 : i1 to i32
      %sign3A_176 = arith.subi %sign3A_172, %sign3A_175 : i32
      %sign3A_177 = arith.constant 0 : i32
      %sign3A_178 = arith.cmpi sgt, %jit3A, %sign3A_177 : i32
      %sign3A_179 = arith.extui %sign3A_178 : i1 to i32
      %sign3A_180 = arith.constant 0 : i32
      %sign3A_181 = arith.cmpi slt, %jit3A, %sign3A_180 : i32
      %sign3A_182 = arith.extui %sign3A_181 : i1 to i32
      %sign3A_183 = arith.subi %sign3A_179, %sign3A_182 : i32
      %ne3A = arith.cmpi ne, %sign3A_176, %sign3A_183 : i32
      %rem3A = arith.remsi %scan3A_169, %jit3A : i32
      %ne3A_184 = arith.constant 0 : i32
      %ne3A_185 = arith.cmpi ne, %rem3A, %ne3A_184 : i32
      %and3A = arith.andi %ne3A, %ne3A_185 : i1
      %sub3A = arith.constant 1 : i32
      %sub3A_186 = arith.subi %div3A, %sub3A : i32
      %select_n3A = arith.select %and3A, %sub3A_186, %div3A : i32
      %jit3A_187 = arith.constant 2 : i32
      %eq3A_188 = arith.constant 0 : i32
      %eq3A_189 = arith.cmpi eq, %jit3A_187, %eq3A_188 : i32
      %jit3A_190 = arith.constant 1 : i32
      %select_n3A_191 = arith.select %eq3A_189, %jit3A_190, %jit3A_187 : i32
      %rem3A_192 = arith.remsi %scan3A_169, %select_n3A_191 : i32
      %ne3A_193 = arith.constant 0 : i32
      %ne3A_194 = arith.cmpi ne, %rem3A_192, %ne3A_193 : i32
      %lt3A = arith.constant 0 : i32
      %lt3A_195 = arith.cmpi slt, %rem3A_192, %lt3A : i32
      %lt3A_196 = arith.constant 0 : i32
      %lt3A_197 = arith.cmpi slt, %select_n3A_191, %lt3A_196 : i32
      %ne3A_198 = arith.xori %lt3A_195, %lt3A_197 : i1
      %and3A_199 = arith.andi %ne3A_198, %ne3A_194 : i1
      %add3A_200 = arith.addi %rem3A_192, %select_n3A_191 : i32
      %select_n3A_201 = arith.select %and3A_199, %add3A_200, %rem3A_192 : i32
      %mul3A_202 = arith.constant 16 : i32
      %mul3A_203 = arith.muli %select_n3A_201, %mul3A_202 : i32
      %swap3A = arith.index_cast %select_n3A : i32 to index
      %swap3A_204 = arith.index_cast %mul3A_203 : i32 to index
      %swap3A_205 = tpu.vector_load %arg9[%swap3A, %swap3A_204] {strides = array<i32>} : memref<125x32xf32, #tpu.memory_space<vmem>>, vector<1x16xf32>,
      %swap3A_206 = vector.shape_cast %swap3A_205 : vector<1x16xf32> to vector<16xf32>
      %swap3A_207 = vector.shape_cast %broadcast_in_dim3A_5 : vector<16xf32> to vector<1x16xf32>
      tpu.vector_store %arg9[%swap3A, %swap3A_204], %swap3A_207 {strides = array<i32>} : memref<125x32xf32, #tpu.memory_space<vmem>>, vector<1x16xf32>,
      %scan3A_208 = arith.constant 0 : i32
      scf.yield %scan3A_208 : i32
    }
    %scan3A_11 = arith.constant 250 : i32
    %scan3A_12 = arith.constant 0 : i32
    %scan3A_13 = arith.constant 0 : i32
    %scan3A_14 = arith.constant 5 : i32
    %scan3A_15 = arith.addi %scan3A_13, %scan3A_14 : i32
    %scan3A_16 = arith.constant 1 : i32
    %scan3A_17 = scf.for %scan3A_169 = %scan3A_13 to %scan3A_15 step %scan3A_16 iter_args(%scan3A_170 = %scan3A_12) -> (i32)  : i32 {
      %mul3A_171 = arith.constant 125 : i32
      %mul3A_172 = arith.muli %scan3A_169, %mul3A_171 : i32
      %add3A_173 = arith.addi %mul3A_0, %mul3A_172 : i32
      "tpu.region"() ({
        %run_scoped3A = tpu.sem_alloc : memref<!tpu.dma_semaphore, #tpu.memory_space<semaphore_mem>>
        %dma_start3A = arith.constant 0 : i32
        %dma_start3A_175 = tpu.memref_slice %arg19[%add3A_173, %dma_start3A] : memref<10240x32xf32, #tpu.memory_space<vmem_shared>> -> memref<125x32xf32, #tpu.memory_space<vmem_shared>>
        %dma_start3A_176 = arith.constant 0 : i32
        %dma_start3A_177 = tpu.memref_slice %arg19[%add3A_173, %dma_start3A_176] : memref<10240x32xf32, #tpu.memory_space<vmem_shared>> -> memref<125x32xf32, #tpu.memory_space<vmem_shared>>
        tpu.enqueue_dma source(%arg9 : memref<125x32xf32, #tpu.memory_space<vmem>>) target(%dma_start3A_177 : memref<125x32xf32, #tpu.memory_space<vmem_shared>>) target_semaphore(%run_scoped3A : memref<!tpu.dma_semaphore, #tpu.memory_space<semaphore_mem>>)
        %dma_wait3A_178 = arith.constant 0 : i32
        %dma_wait3A_179 = tpu.memref_slice %arg19[%add3A_173, %dma_wait3A_178] : memref<10240x32xf32, #tpu.memory_space<vmem_shared>> -> memref<125x32xf32, #tpu.memory_space<vmem_shared>>
        %dma_wait3A_180 = arith.constant 0 : i32
        %dma_wait3A_181 = tpu.memref_slice %arg19[%add3A_173, %dma_wait3A_180] : memref<10240x32xf32, #tpu.memory_space<vmem_shared>> -> memref<125x32xf32, #tpu.memory_space<vmem_shared>>
        tpu.wait_dma2 semaphore(%run_scoped3A : memref<!tpu.dma_semaphore, #tpu.memory_space<semaphore_mem>>) src(%arg9 : memref<125x32xf32, #tpu.memory_space<vmem>>) dst(%dma_wait3A_181 : memref<125x32xf32, #tpu.memory_space<vmem_shared>>)
        tpu.yield
      }) : () -> ()
      %scan3A_174 = arith.constant 0 : i32
      scf.yield %scan3A_174 : i32
    }
    %scan3A_18 = arith.constant 5 : i32
    %add3A = arith.constant 625 : i32
    %add3A_19 = arith.addi %mul3A_0, %add3A : i32
    "tpu.region"() ({
      %run_scoped3A = tpu.sem_alloc : memref<!tpu.dma_semaphore, #tpu.memory_space<semaphore_mem>>
      %dma_start3A = arith.constant 0 : i32
      %dma_start3A_169 = arith.constant 0 : i32
      %dma_start3A_170 = tpu.memref_slice %arg9[%dma_start3A, %dma_start3A_169] : memref<125x32xf32, #tpu.memory_space<vmem>> -> memref<15x32xf32, #tpu.memory_space<vmem>>
      %dma_start3A_171 = arith.constant 0 : i32
      %dma_start3A_172 = tpu.memref_slice %arg19[%add3A_19, %dma_start3A_171] : memref<10240x32xf32, #tpu.memory_space<vmem_shared>> -> memref<15x32xf32, #tpu.memory_space<vmem_shared>>
      %dma_start3A_173 = arith.constant 0 : i32
      %dma_start3A_174 = tpu.memref_slice %arg19[%add3A_19, %dma_start3A_173] : memref<10240x32xf32, #tpu.memory_space<vmem_shared>> -> memref<15x32xf32, #tpu.memory_space<vmem_shared>>
      %dma_start3A_175 = arith.constant 0 : i32
      %dma_start3A_176 = arith.constant 0 : i32
      %dma_start3A_177 = tpu.memref_slice %arg9[%dma_start3A_175, %dma_start3A_176] : memref<125x32xf32, #tpu.memory_space<vmem>> -> memref<15x32xf32, #tpu.memory_space<vmem>>
      tpu.enqueue_dma source(%dma_start3A_177 : memref<15x32xf32, #tpu.memory_space<vmem>>) target(%dma_start3A_174 : memref<15x32xf32, #tpu.memory_space<vmem_shared>>) target_semaphore(%run_scoped3A : memref<!tpu.dma_semaphore, #tpu.memory_space<semaphore_mem>>)
      %dma_wait3A_178 = arith.constant 0 : i32
      %dma_wait3A_179 = arith.constant 0 : i32
      %dma_wait3A_180 = tpu.memref_slice %arg9[%dma_wait3A_178, %dma_wait3A_179] : memref<125x32xf32, #tpu.memory_space<vmem>> -> memref<15x32xf32, #tpu.memory_space<vmem>>
      %dma_wait3A_181 = arith.constant 0 : i32
      %dma_wait3A_182 = tpu.memref_slice %arg19[%add3A_19, %dma_wait3A_181] : memref<10240x32xf32, #tpu.memory_space<vmem_shared>> -> memref<15x32xf32, #tpu.memory_space<vmem_shared>>
      %dma_wait3A_183 = arith.constant 0 : i32
      %dma_wait3A_184 = tpu.memref_slice %arg19[%add3A_19, %dma_wait3A_183] : memref<10240x32xf32, #tpu.memory_space<vmem_shared>> -> memref<15x32xf32, #tpu.memory_space<vmem_shared>>
      %dma_wait3A_185 = arith.constant 0 : i32
      %dma_wait3A_186 = arith.constant 0 : i32
      %dma_wait3A_187 = tpu.memref_slice %arg9[%dma_wait3A_185, %dma_wait3A_186] : memref<125x32xf32, #tpu.memory_space<vmem>> -> memref<15x32xf32, #tpu.memory_space<vmem>>
      tpu.wait_dma2 semaphore(%run_scoped3A : memref<!tpu.dma_semaphore, #tpu.memory_space<semaphore_mem>>) src(%dma_wait3A_187 : memref<15x32xf32, #tpu.memory_space<vmem>>) dst(%dma_wait3A_184 : memref<15x32xf32, #tpu.memory_space<vmem_shared>>)
      tpu.yield
    }) : () -> ()
    %barrier3A = arith.constant 0 : index
    tpu.barrier barrier_id(%barrier3A)
    %eq3A = arith.constant 0 : i32
    %eq3A_20 = arith.cmpi eq, %arg0, %eq3A : i32
    %convert_element_type3A = arith.extui %eq3A_20 : i1 to i32
    %cond3A = arith.constant 0 : i32
    %cond3A_21 = arith.constant 0 : i32
    %cond3A_22 = arith.cmpi ne, %convert_element_type3A, %cond3A_21 : i32
    scf.if %cond3A_22 {
      %dma_start3A = arith.constant 0 : i32
      %dma_start3A_169 = tpu.memref_slice %arg7[%cond3A, %dma_start3A] : memref<160x125xi32, #tpu.memory_space<vmem>> -> memref<1x125xi32, #tpu.memory_space<vmem>>
      %dma_start3A_170 = tpu.memref_squeeze %dma_start3A_169 : memref<1x125xi32, #tpu.memory_space<vmem>> -> memref<125xi32, #tpu.memory_space<vmem>>
      %dma_start3A_171 = arith.constant 0 : i32
      %dma_start3A_172 = arith.constant 0 : i32
      %dma_start3A_173 = tpu.memref_slice %arg2[%dma_start3A_171, %dma_start3A_172] : memref<10000x32xf32, #tpu.memory_space<hbm>> -> memref<10000x32xf32, #tpu.memory_space<hbm>>
      tpu.enqueue_indirect_dma source(%dma_start3A_173 : memref<10000x32xf32, #tpu.memory_space<hbm>>) target(%arg9 : memref<125x32xf32, #tpu.memory_space<vmem>>) offsets(%dma_start3A_170 : memref<125xi32, #tpu.memory_space<vmem>>) semaphore(%arg20 : memref<!tpu.dma_semaphore, #tpu.memory_space<semaphore_mem>>)
    } else {
    }
    %eq3A_23 = arith.constant 1 : i32
    %eq3A_24 = arith.cmpi eq, %arg0, %eq3A_23 : i32
    %convert_element_type3A_25 = arith.extui %eq3A_24 : i1 to i32
    %cond3A_26 = arith.constant 0 : i32
    %cond3A_27 = arith.constant 0 : i32
    %cond3A_28 = arith.cmpi ne, %convert_element_type3A_25, %cond3A_27 : i32
    scf.if %cond3A_28 {
      %dma_start3A = arith.constant 0 : i32
      %dma_start3A_169 = tpu.memref_slice %arg7[%cond3A_26, %dma_start3A] : memref<160x125xi32, #tpu.memory_space<vmem>> -> memref<1x125xi32, #tpu.memory_space<vmem>>
      %dma_start3A_170 = tpu.memref_squeeze %dma_start3A_169 : memref<1x125xi32, #tpu.memory_space<vmem>> -> memref<125xi32, #tpu.memory_space<vmem>>
      %dma_start3A_171 = arith.constant 0 : i32
      %dma_start3A_172 = arith.constant 0 : i32
      %dma_start3A_173 = tpu.memref_slice %arg3[%dma_start3A_171, %dma_start3A_172] : memref<10000x32xf32, #tpu.memory_space<hbm>> -> memref<10000x32xf32, #tpu.memory_space<hbm>>
      tpu.enqueue_indirect_dma source(%dma_start3A_173 : memref<10000x32xf32, #tpu.memory_space<hbm>>) target(%arg9 : memref<125x32xf32, #tpu.memory_space<vmem>>) offsets(%dma_start3A_170 : memref<125xi32, #tpu.memory_space<vmem>>) semaphore(%arg20 : memref<!tpu.dma_semaphore, #tpu.memory_space<semaphore_mem>>)
    } else {
    }
    %eq3A_29 = arith.constant 0 : i32
    %eq3A_30 = arith.cmpi eq, %arg0, %eq3A_29 : i32
    %convert_element_type3A_31 = arith.extui %eq3A_30 : i1 to i32
    %cond3A_32 = arith.constant 1 : i32
    %cond3A_33 = arith.constant 0 : i32
    %cond3A_34 = arith.cmpi ne, %convert_element_type3A_31, %cond3A_33 : i32
    scf.if %cond3A_34 {
      %dma_start3A = arith.constant 0 : i32
      %dma_start3A_169 = tpu.memref_slice %arg7[%cond3A_32, %dma_start3A] : memref<160x125xi32, #tpu.memory_space<vmem>> -> memref<1x125xi32, #tpu.memory_space<vmem>>
      %dma_start3A_170 = tpu.memref_squeeze %dma_start3A_169 : memref<1x125xi32, #tpu.memory_space<vmem>> -> memref<125xi32, #tpu.memory_space<vmem>>
      %dma_start3A_171 = arith.constant 0 : i32
      %dma_start3A_172 = arith.constant 0 : i32
      %dma_start3A_173 = tpu.memref_slice %arg2[%dma_start3A_171, %dma_start3A_172] : memref<10000x32xf32, #tpu.memory_space<hbm>> -> memref<10000x32xf32, #tpu.memory_space<hbm>>
      tpu.enqueue_indirect_dma source(%dma_start3A_173 : memref<10000x32xf32, #tpu.memory_space<hbm>>) target(%arg10 : memref<125x32xf32, #tpu.memory_space<vmem>>) offsets(%dma_start3A_170 : memref<125xi32, #tpu.memory_space<vmem>>) semaphore(%arg21 : memref<!tpu.dma_semaphore, #tpu.memory_space<semaphore_mem>>)
    } else {
    }
    %eq3A_35 = arith.constant 1 : i32
    %eq3A_36 = arith.cmpi eq, %arg0, %eq3A_35 : i32
    %convert_element_type3A_37 = arith.extui %eq3A_36 : i1 to i32
    %cond3A_38 = arith.constant 1 : i32
    %cond3A_39 = arith.constant 0 : i32
    %cond3A_40 = arith.cmpi ne, %convert_element_type3A_37, %cond3A_39 : i32
    scf.if %cond3A_40 {
      %dma_start3A = arith.constant 0 : i32
      %dma_start3A_169 = tpu.memref_slice %arg7[%cond3A_38, %dma_start3A] : memref<160x125xi32, #tpu.memory_space<vmem>> -> memref<1x125xi32, #tpu.memory_space<vmem>>
      %dma_start3A_170 = tpu.memref_squeeze %dma_start3A_169 : memref<1x125xi32, #tpu.memory_space<vmem>> -> memref<125xi32, #tpu.memory_space<vmem>>
      %dma_start3A_171 = arith.constant 0 : i32
      %dma_start3A_172 = arith.constant 0 : i32
      %dma_start3A_173 = tpu.memref_slice %arg3[%dma_start3A_171, %dma_start3A_172] : memref<10000x32xf32, #tpu.memory_space<hbm>> -> memref<10000x32xf32, #tpu.memory_space<hbm>>
      tpu.enqueue_indirect_dma source(%dma_start3A_173 : memref<10000x32xf32, #tpu.memory_space<hbm>>) target(%arg10 : memref<125x32xf32, #tpu.memory_space<vmem>>) offsets(%dma_start3A_170 : memref<125xi32, #tpu.memory_space<vmem>>) semaphore(%arg21 : memref<!tpu.dma_semaphore, #tpu.memory_space<semaphore_mem>>)
    } else {
    }
    %eq3A_41 = arith.constant 0 : i32
    %eq3A_42 = arith.cmpi eq, %arg0, %eq3A_41 : i32
    %convert_element_type3A_43 = arith.extui %eq3A_42 : i1 to i32
    %cond3A_44 = arith.constant 2 : i32
    %cond3A_45 = arith.constant 0 : i32
    %cond3A_46 = arith.cmpi ne, %convert_element_type3A_43, %cond3A_45 : i32
    scf.if %cond3A_46 {
      %dma_start3A = arith.constant 0 : i32
      %dma_start3A_169 = tpu.memref_slice %arg7[%cond3A_44, %dma_start3A] : memref<160x125xi32, #tpu.memory_space<vmem>> -> memref<1x125xi32, #tpu.memory_space<vmem>>
      %dma_start3A_170 = tpu.memref_squeeze %dma_start3A_169 : memref<1x125xi32, #tpu.memory_space<vmem>> -> memref<125xi32, #tpu.memory_space<vmem>>
      %dma_start3A_171 = arith.constant 0 : i32
      %dma_start3A_172 = arith.constant 0 : i32
      %dma_start3A_173 = tpu.memref_slice %arg2[%dma_start3A_171, %dma_start3A_172] : memref<10000x32xf32, #tpu.memory_space<hbm>> -> memref<10000x32xf32, #tpu.memory_space<hbm>>
      tpu.enqueue_indirect_dma source(%dma_start3A_173 : memref<10000x32xf32, #tpu.memory_space<hbm>>) target(%arg11 : memref<125x32xf32, #tpu.memory_space<vmem>>) offsets(%dma_start3A_170 : memref<125xi32, #tpu.memory_space<vmem>>) semaphore(%arg22 : memref<!tpu.dma_semaphore, #tpu.memory_space<semaphore_mem>>)
    } else {
    }
    %eq3A_47 = arith.constant 1 : i32
    %eq3A_48 = arith.cmpi eq, %arg0, %eq3A_47 : i32
    %convert_element_type3A_49 = arith.extui %eq3A_48 : i1 to i32
    %cond3A_50 = arith.constant 2 : i32
    %cond3A_51 = arith.constant 0 : i32
    %cond3A_52 = arith.cmpi ne, %convert_element_type3A_49, %cond3A_51 : i32
    scf.if %cond3A_52 {
      %dma_start3A = arith.constant 0 : i32
      %dma_start3A_169 = tpu.memref_slice %arg7[%cond3A_50, %dma_start3A] : memref<160x125xi32, #tpu.memory_space<vmem>> -> memref<1x125xi32, #tpu.memory_space<vmem>>
      %dma_start3A_170 = tpu.memref_squeeze %dma_start3A_169 : memref<1x125xi32, #tpu.memory_space<vmem>> -> memref<125xi32, #tpu.memory_space<vmem>>
      %dma_start3A_171 = arith.constant 0 : i32
      %dma_start3A_172 = arith.constant 0 : i32
      %dma_start3A_173 = tpu.memref_slice %arg3[%dma_start3A_171, %dma_start3A_172] : memref<10000x32xf32, #tpu.memory_space<hbm>> -> memref<10000x32xf32, #tpu.memory_space<hbm>>
      tpu.enqueue_indirect_dma source(%dma_start3A_173 : memref<10000x32xf32, #tpu.memory_space<hbm>>) target(%arg11 : memref<125x32xf32, #tpu.memory_space<vmem>>) offsets(%dma_start3A_170 : memref<125xi32, #tpu.memory_space<vmem>>) semaphore(%arg22 : memref<!tpu.dma_semaphore, #tpu.memory_space<semaphore_mem>>)
    } else {
    }
    %eq3A_53 = arith.constant 0 : i32
    %eq3A_54 = arith.cmpi eq, %arg0, %eq3A_53 : i32
    %convert_element_type3A_55 = arith.extui %eq3A_54 : i1 to i32
    %cond3A_56 = arith.constant 3 : i32
    %cond3A_57 = arith.constant 0 : i32
    %cond3A_58 = arith.cmpi ne, %convert_element_type3A_55, %cond3A_57 : i32
    scf.if %cond3A_58 {
      %dma_start3A = arith.constant 0 : i32
      %dma_start3A_169 = tpu.memref_slice %arg7[%cond3A_56, %dma_start3A] : memref<160x125xi32, #tpu.memory_space<vmem>> -> memref<1x125xi32, #tpu.memory_space<vmem>>
      %dma_start3A_170 = tpu.memref_squeeze %dma_start3A_169 : memref<1x125xi32, #tpu.memory_space<vmem>> -> memref<125xi32, #tpu.memory_space<vmem>>
      %dma_start3A_171 = arith.constant 0 : i32
      %dma_start3A_172 = arith.constant 0 : i32
      %dma_start3A_173 = tpu.memref_slice %arg2[%dma_start3A_171, %dma_start3A_172] : memref<10000x32xf32, #tpu.memory_space<hbm>> -> memref<10000x32xf32, #tpu.memory_space<hbm>>
      tpu.enqueue_indirect_dma source(%dma_start3A_173 : memref<10000x32xf32, #tpu.memory_space<hbm>>) target(%arg12 : memref<125x32xf32, #tpu.memory_space<vmem>>) offsets(%dma_start3A_170 : memref<125xi32, #tpu.memory_space<vmem>>) semaphore(%arg23 : memref<!tpu.dma_semaphore, #tpu.memory_space<semaphore_mem>>)
    } else {
    }
    %eq3A_59 = arith.constant 1 : i32
    %eq3A_60 = arith.cmpi eq, %arg0, %eq3A_59 : i32
    %convert_element_type3A_61 = arith.extui %eq3A_60 : i1 to i32
    %cond3A_62 = arith.constant 3 : i32
    %cond3A_63 = arith.constant 0 : i32
    %cond3A_64 = arith.cmpi ne, %convert_element_type3A_61, %cond3A_63 : i32
    scf.if %cond3A_64 {
      %dma_start3A = arith.constant 0 : i32
      %dma_start3A_169 = tpu.memref_slice %arg7[%cond3A_62, %dma_start3A] : memref<160x125xi32, #tpu.memory_space<vmem>> -> memref<1x125xi32, #tpu.memory_space<vmem>>
      %dma_start3A_170 = tpu.memref_squeeze %dma_start3A_169 : memref<1x125xi32, #tpu.memory_space<vmem>> -> memref<125xi32, #tpu.memory_space<vmem>>
      %dma_start3A_171 = arith.constant 0 : i32
      %dma_start3A_172 = arith.constant 0 : i32
      %dma_start3A_173 = tpu.memref_slice %arg3[%dma_start3A_171, %dma_start3A_172] : memref<10000x32xf32, #tpu.memory_space<hbm>> -> memref<10000x32xf32, #tpu.memory_space<hbm>>
      tpu.enqueue_indirect_dma source(%dma_start3A_173 : memref<10000x32xf32, #tpu.memory_space<hbm>>) target(%arg12 : memref<125x32xf32, #tpu.memory_space<vmem>>) offsets(%dma_start3A_170 : memref<125xi32, #tpu.memory_space<vmem>>) semaphore(%arg23 : memref<!tpu.dma_semaphore, #tpu.memory_space<semaphore_mem>>)
    } else {
    }
    %eq3A_65 = arith.constant 0 : i32
    %eq3A_66 = arith.cmpi eq, %arg0, %eq3A_65 : i32
    %convert_element_type3A_67 = arith.extui %eq3A_66 : i1 to i32
    %cond3A_68 = arith.constant 4 : i32
    %cond3A_69 = arith.constant 0 : i32
    %cond3A_70 = arith.cmpi ne, %convert_element_type3A_67, %cond3A_69 : i32
    scf.if %cond3A_70 {
      %dma_start3A = arith.constant 0 : i32
      %dma_start3A_169 = tpu.memref_slice %arg7[%cond3A_68, %dma_start3A] : memref<160x125xi32, #tpu.memory_space<vmem>> -> memref<1x125xi32, #tpu.memory_space<vmem>>
      %dma_start3A_170 = tpu.memref_squeeze %dma_start3A_169 : memref<1x125xi32, #tpu.memory_space<vmem>> -> memref<125xi32, #tpu.memory_space<vmem>>
      %dma_start3A_171 = arith.constant 0 : i32
      %dma_start3A_172 = arith.constant 0 : i32
      %dma_start3A_173 = tpu.memref_slice %arg2[%dma_start3A_171, %dma_start3A_172] : memref<10000x32xf32, #tpu.memory_space<hbm>> -> memref<10000x32xf32, #tpu.memory_space<hbm>>
      tpu.enqueue_indirect_dma source(%dma_start3A_173 : memref<10000x32xf32, #tpu.memory_space<hbm>>) target(%arg13 : memref<125x32xf32, #tpu.memory_space<vmem>>) offsets(%dma_start3A_170 : memref<125xi32, #tpu.memory_space<vmem>>) semaphore(%arg24 : memref<!tpu.dma_semaphore, #tpu.memory_space<semaphore_mem>>)
    } else {
    }
    %eq3A_71 = arith.constant 1 : i32
    %eq3A_72 = arith.cmpi eq, %arg0, %eq3A_71 : i32
    %convert_element_type3A_73 = arith.extui %eq3A_72 : i1 to i32
    %cond3A_74 = arith.constant 4 : i32
    %cond3A_75 = arith.constant 0 : i32
    %cond3A_76 = arith.cmpi ne, %convert_element_type3A_73, %cond3A_75 : i32
    scf.if %cond3A_76 {
      %dma_start3A = arith.constant 0 : i32
      %dma_start3A_169 = tpu.memref_slice %arg7[%cond3A_74, %dma_start3A] : memref<160x125xi32, #tpu.memory_space<vmem>> -> memref<1x125xi32, #tpu.memory_space<vmem>>
      %dma_start3A_170 = tpu.memref_squeeze %dma_start3A_169 : memref<1x125xi32, #tpu.memory_space<vmem>> -> memref<125xi32, #tpu.memory_space<vmem>>
      %dma_start3A_171 = arith.constant 0 : i32
      %dma_start3A_172 = arith.constant 0 : i32
      %dma_start3A_173 = tpu.memref_slice %arg3[%dma_start3A_171, %dma_start3A_172] : memref<10000x32xf32, #tpu.memory_space<hbm>> -> memref<10000x32xf32, #tpu.memory_space<hbm>>
      tpu.enqueue_indirect_dma source(%dma_start3A_173 : memref<10000x32xf32, #tpu.memory_space<hbm>>) target(%arg13 : memref<125x32xf32, #tpu.memory_space<vmem>>) offsets(%dma_start3A_170 : memref<125xi32, #tpu.memory_space<vmem>>) semaphore(%arg24 : memref<!tpu.dma_semaphore, #tpu.memory_space<semaphore_mem>>)
    } else {
    }
    %eq3A_77 = arith.constant 0 : i32
    %eq3A_78 = arith.cmpi eq, %arg0, %eq3A_77 : i32
    %convert_element_type3A_79 = arith.extui %eq3A_78 : i1 to i32
    %cond3A_80 = arith.constant 5 : i32
    %cond3A_81 = arith.constant 0 : i32
    %cond3A_82 = arith.cmpi ne, %convert_element_type3A_79, %cond3A_81 : i32
    scf.if %cond3A_82 {
      %dma_start3A = arith.constant 0 : i32
      %dma_start3A_169 = tpu.memref_slice %arg7[%cond3A_80, %dma_start3A] : memref<160x125xi32, #tpu.memory_space<vmem>> -> memref<1x125xi32, #tpu.memory_space<vmem>>
      %dma_start3A_170 = tpu.memref_squeeze %dma_start3A_169 : memref<1x125xi32, #tpu.memory_space<vmem>> -> memref<125xi32, #tpu.memory_space<vmem>>
      %dma_start3A_171 = arith.constant 0 : i32
      %dma_start3A_172 = arith.constant 0 : i32
      %dma_start3A_173 = tpu.memref_slice %arg2[%dma_start3A_171, %dma_start3A_172] : memref<10000x32xf32, #tpu.memory_space<hbm>> -> memref<10000x32xf32, #tpu.memory_space<hbm>>
      tpu.enqueue_indirect_dma source(%dma_start3A_173 : memref<10000x32xf32, #tpu.memory_space<hbm>>) target(%arg14 : memref<125x32xf32, #tpu.memory_space<vmem>>) offsets(%dma_start3A_170 : memref<125xi32, #tpu.memory_space<vmem>>) semaphore(%arg25 : memref<!tpu.dma_semaphore, #tpu.memory_space<semaphore_mem>>)
    } else {
    }
    %eq3A_83 = arith.constant 1 : i32
    %eq3A_84 = arith.cmpi eq, %arg0, %eq3A_83 : i32
    %convert_element_type3A_85 = arith.extui %eq3A_84 : i1 to i32
    %cond3A_86 = arith.constant 5 : i32
    %cond3A_87 = arith.constant 0 : i32
    %cond3A_88 = arith.cmpi ne, %convert_element_type3A_85, %cond3A_87 : i32
    scf.if %cond3A_88 {
      %dma_start3A = arith.constant 0 : i32
      %dma_start3A_169 = tpu.memref_slice %arg7[%cond3A_86, %dma_start3A] : memref<160x125xi32, #tpu.memory_space<vmem>> -> memref<1x125xi32, #tpu.memory_space<vmem>>
      %dma_start3A_170 = tpu.memref_squeeze %dma_start3A_169 : memref<1x125xi32, #tpu.memory_space<vmem>> -> memref<125xi32, #tpu.memory_space<vmem>>
      %dma_start3A_171 = arith.constant 0 : i32
      %dma_start3A_172 = arith.constant 0 : i32
      %dma_start3A_173 = tpu.memref_slice %arg3[%dma_start3A_171, %dma_start3A_172] : memref<10000x32xf32, #tpu.memory_space<hbm>> -> memref<10000x32xf32, #tpu.memory_space<hbm>>
      tpu.enqueue_indirect_dma source(%dma_start3A_173 : memref<10000x32xf32, #tpu.memory_space<hbm>>) target(%arg14 : memref<125x32xf32, #tpu.memory_space<vmem>>) offsets(%dma_start3A_170 : memref<125xi32, #tpu.memory_space<vmem>>) semaphore(%arg25 : memref<!tpu.dma_semaphore, #tpu.memory_space<semaphore_mem>>)
    } else {
    }
    %scan3A_89 = arith.constant 0 : i32
    %scan3A_90 = arith.constant 0 : i32
    %scan3A_91 = arith.constant 16 : i32
    %scan3A_92 = arith.addi %scan3A_90, %scan3A_91 : i32
    %scan3A_93 = arith.constant 1 : i32
    %scan3A_94 = scf.for %scan3A_169 = %scan3A_90 to %scan3A_92 step %scan3A_93 iter_args(%scan3A_170 = %scan3A_89) -> (i32)  : i32 {
      %mul3A_171 = arith.constant 10 : i32
      %mul3A_172 = arith.muli %scan3A_169, %mul3A_171 : i32
      %add3A_173 = arith.constant 0 : i32
      %add3A_174 = arith.addi %mul3A_172, %add3A_173 : i32
      %dma_wait3A_175 = arith.constant 0 : i32
      %dma_wait3A_176 = tpu.memref_slice %arg7[%add3A_174, %dma_wait3A_175] : memref<160x125xi32, #tpu.memory_space<vmem>> -> memref<1x125xi32, #tpu.memory_space<vmem>>
      %dma_wait3A_177 = tpu.memref_squeeze %dma_wait3A_176 : memref<1x125xi32, #tpu.memory_space<vmem>> -> memref<125xi32, #tpu.memory_space<vmem>>
      %dma_wait3A_178 = arith.constant 0 : i32
      %dma_wait3A_179 = arith.constant 0 : i32
      %dma_wait3A_180 = tpu.memref_slice %arg2[%dma_wait3A_178, %dma_wait3A_179] : memref<10000x32xf32, #tpu.memory_space<hbm>> -> memref<10000x32xf32, #tpu.memory_space<hbm>>
      tpu.wait_indirect_dma semaphore(%arg20 : memref<!tpu.dma_semaphore, #tpu.memory_space<semaphore_mem>>) src(%dma_wait3A_180 : memref<10000x32xf32, #tpu.memory_space<hbm>>) dst(%arg9 : memref<125x32xf32, #tpu.memory_space<vmem>>)
      %dma_start3A = arith.constant 0 : i32
      %dma_start3A_181 = tpu.memref_slice %arg8[%add3A_174, %dma_start3A] : memref<160x125xi32, #tpu.memory_space<vmem>> -> memref<1x125xi32, #tpu.memory_space<vmem>>
      %dma_start3A_182 = tpu.memref_squeeze %dma_start3A_181 : memref<1x125xi32, #tpu.memory_space<vmem>> -> memref<125xi32, #tpu.memory_space<vmem>>
      %dma_start3A_183 = arith.constant 0 : i32
      %dma_start3A_184 = arith.constant 0 : i32
      %dma_start3A_185 = tpu.memref_slice %arg19[%dma_start3A_183, %dma_start3A_184] : memref<10240x32xf32, #tpu.memory_space<vmem_shared>> -> memref<10240x32xf32, #tpu.memory_space<vmem_shared>>
      tpu.enqueue_indirect_dma source(%arg9 : memref<125x32xf32, #tpu.memory_space<vmem>>) target(%dma_start3A_185 : memref<10240x32xf32, #tpu.memory_space<vmem_shared>>) offsets(%dma_start3A_182 : memref<125xi32, #tpu.memory_space<vmem>>) semaphore(%arg30 : memref<!tpu.dma_semaphore, #tpu.memory_space<semaphore_mem>>) {add = true}
      %add3A_186 = arith.constant 6 : i32
      %add3A_187 = arith.addi %add3A_174, %add3A_186 : i32
      %lt3A = arith.constant 160 : i32
      %lt3A_188 = arith.cmpi slt, %add3A_187, %lt3A : i32
      %convert_element_type3A_189 = arith.extui %lt3A_188 : i1 to i32
      %cond3A_190 = arith.constant 0 : i32
      %cond3A_191 = arith.cmpi ne, %convert_element_type3A_189, %cond3A_190 : i32
      scf.if %cond3A_191 {
        %ge3A = arith.constant 4 : i32
        %ge3A_400 = arith.cmpi sge, %add3A_174, %ge3A : i32
        %convert_element_type3A_401 = arith.extui %ge3A_400 : i1 to i32
        %cond3A_402 = arith.constant 0 : i32
        %cond3A_403 = arith.cmpi ne, %convert_element_type3A_401, %cond3A_402 : i32
        scf.if %cond3A_403 {
          %sub3A = arith.constant 4 : i32
          %sub3A_416 = arith.subi %add3A_174, %sub3A : i32
          %dma_wait3A_417 = arith.constant 0 : i32
          %dma_wait3A_418 = tpu.memref_slice %arg8[%sub3A_416, %dma_wait3A_417] : memref<160x125xi32, #tpu.memory_space<vmem>> -> memref<1x125xi32, #tpu.memory_space<vmem>>
          %dma_wait3A_419 = tpu.memref_squeeze %dma_wait3A_418 : memref<1x125xi32, #tpu.memory_space<vmem>> -> memref<125xi32, #tpu.memory_space<vmem>>
          %dma_wait3A_420 = arith.constant 0 : i32
          %dma_wait3A_421 = arith.constant 0 : i32
          %dma_wait3A_422 = tpu.memref_slice %arg19[%dma_wait3A_420, %dma_wait3A_421] : memref<10240x32xf32, #tpu.memory_space<vmem_shared>> -> memref<10240x32xf32, #tpu.memory_space<vmem_shared>>
          tpu.wait_indirect_dma semaphore(%arg36 : memref<!tpu.dma_semaphore, #tpu.memory_space<semaphore_mem>>) src(%arg15 : memref<125x32xf32, #tpu.memory_space<vmem>>) dst(%dma_wait3A_422 : memref<10240x32xf32, #tpu.memory_space<vmem_shared>>)
        } else {
        }
        %add3A_404 = arith.constant 6 : i32
        %add3A_405 = arith.addi %add3A_174, %add3A_404 : i32
        %eq3A_406 = arith.constant 0 : i32
        %eq3A_407 = arith.cmpi eq, %arg0, %eq3A_406 : i32
        %convert_element_type3A_408 = arith.extui %eq3A_407 : i1 to i32
        %cond3A_409 = arith.constant 0 : i32
        %cond3A_410 = arith.cmpi ne, %convert_element_type3A_408, %cond3A_409 : i32
        scf.if %cond3A_410 {
          %dma_start3A_416 = arith.constant 0 : i32
          %dma_start3A_417 = tpu.memref_slice %arg7[%add3A_405, %dma_start3A_416] : memref<160x125xi32, #tpu.memory_space<vmem>> -> memref<1x125xi32, #tpu.memory_space<vmem>>
          %dma_start3A_418 = tpu.memref_squeeze %dma_start3A_417 : memref<1x125xi32, #tpu.memory_space<vmem>> -> memref<125xi32, #tpu.memory_space<vmem>>
          %dma_start3A_419 = arith.constant 0 : i32
          %dma_start3A_420 = arith.constant 0 : i32
          %dma_start3A_421 = tpu.memref_slice %arg2[%dma_start3A_419, %dma_start3A_420] : memref<10000x32xf32, #tpu.memory_space<hbm>> -> memref<10000x32xf32, #tpu.memory_space<hbm>>
          tpu.enqueue_indirect_dma source(%dma_start3A_421 : memref<10000x32xf32, #tpu.memory_space<hbm>>) target(%arg15 : memref<125x32xf32, #tpu.memory_space<vmem>>) offsets(%dma_start3A_418 : memref<125xi32, #tpu.memory_space<vmem>>) semaphore(%arg26 : memref<!tpu.dma_semaphore, #tpu.memory_space<semaphore_mem>>)
        } else {
        }
        %eq3A_411 = arith.constant 1 : i32
        %eq3A_412 = arith.cmpi eq, %arg0, %eq3A_411 : i32
        %convert_element_type3A_413 = arith.extui %eq3A_412 : i1 to i32
        %cond3A_414 = arith.constant 0 : i32
        %cond3A_415 = arith.cmpi ne, %convert_element_type3A_413, %cond3A_414 : i32
        scf.if %cond3A_415 {
          %dma_start3A_416 = arith.constant 0 : i32
          %dma_start3A_417 = tpu.memref_slice %arg7[%add3A_405, %dma_start3A_416] : memref<160x125xi32, #tpu.memory_space<vmem>> -> memref<1x125xi32, #tpu.memory_space<vmem>>
          %dma_start3A_418 = tpu.memref_squeeze %dma_start3A_417 : memref<1x125xi32, #tpu.memory_space<vmem>> -> memref<125xi32, #tpu.memory_space<vmem>>
          %dma_start3A_419 = arith.constant 0 : i32
          %dma_start3A_420 = arith.constant 0 : i32
          %dma_start3A_421 = tpu.memref_slice %arg3[%dma_start3A_419, %dma_start3A_420] : memref<10000x32xf32, #tpu.memory_space<hbm>> -> memref<10000x32xf32, #tpu.memory_space<hbm>>
          tpu.enqueue_indirect_dma source(%dma_start3A_421 : memref<10000x32xf32, #tpu.memory_space<hbm>>) target(%arg15 : memref<125x32xf32, #tpu.memory_space<vmem>>) offsets(%dma_start3A_418 : memref<125xi32, #tpu.memory_space<vmem>>) semaphore(%arg26 : memref<!tpu.dma_semaphore, #tpu.memory_space<semaphore_mem>>)
        } else {
        }
      } else {
      }
      %mul3A_192 = arith.constant 10 : i32
      %mul3A_193 = arith.muli %scan3A_169, %mul3A_192 : i32
      %add3A_194 = arith.constant 1 : i32
      %add3A_195 = arith.addi %mul3A_193, %add3A_194 : i32
      %dma_wait3A_196 = arith.constant 0 : i32
      %dma_wait3A_197 = tpu.memref_slice %arg7[%add3A_195, %dma_wait3A_196] : memref<160x125xi32, #tpu.memory_space<vmem>> -> memref<1x125xi32, #tpu.memory_space<vmem>>
      %dma_wait3A_198 = tpu.memref_squeeze %dma_wait3A_197 : memref<1x125xi32, #tpu.memory_space<vmem>> -> memref<125xi32, #tpu.memory_space<vmem>>
      %dma_wait3A_199 = arith.constant 0 : i32
      %dma_wait3A_200 = arith.constant 0 : i32
      %dma_wait3A_201 = tpu.memref_slice %arg2[%dma_wait3A_199, %dma_wait3A_200] : memref<10000x32xf32, #tpu.memory_space<hbm>> -> memref<10000x32xf32, #tpu.memory_space<hbm>>
      tpu.wait_indirect_dma semaphore(%arg21 : memref<!tpu.dma_semaphore, #tpu.memory_space<semaphore_mem>>) src(%dma_wait3A_201 : memref<10000x32xf32, #tpu.memory_space<hbm>>) dst(%arg10 : memref<125x32xf32, #tpu.memory_space<vmem>>)
      %dma_start3A_202 = arith.constant 0 : i32
      %dma_start3A_203 = tpu.memref_slice %arg8[%add3A_195, %dma_start3A_202] : memref<160x125xi32, #tpu.memory_space<vmem>> -> memref<1x125xi32, #tpu.memory_space<vmem>>
      %dma_start3A_204 = tpu.memref_squeeze %dma_start3A_203 : memref<1x125xi32, #tpu.memory_space<vmem>> -> memref<125xi32, #tpu.memory_space<vmem>>
      %dma_start3A_205 = arith.constant 0 : i32
      %dma_start3A_206 = arith.constant 0 : i32
      %dma_start3A_207 = tpu.memref_slice %arg19[%dma_start3A_205, %dma_start3A_206] : memref<10240x32xf32, #tpu.memory_space<vmem_shared>> -> memref<10240x32xf32, #tpu.memory_space<vmem_shared>>
      tpu.enqueue_indirect_dma source(%arg10 : memref<125x32xf32, #tpu.memory_space<vmem>>) target(%dma_start3A_207 : memref<10240x32xf32, #tpu.memory_space<vmem_shared>>) offsets(%dma_start3A_204 : memref<125xi32, #tpu.memory_space<vmem>>) semaphore(%arg31 : memref<!tpu.dma_semaphore, #tpu.memory_space<semaphore_mem>>) {add = true}
      %add3A_208 = arith.constant 6 : i32
      %add3A_209 = arith.addi %add3A_195, %add3A_208 : i32
      %lt3A_210 = arith.constant 160 : i32
      %lt3A_211 = arith.cmpi slt, %add3A_209, %lt3A_210 : i32
      %convert_element_type3A_212 = arith.extui %lt3A_211 : i1 to i32
      %cond3A_213 = arith.constant 0 : i32
      %cond3A_214 = arith.cmpi ne, %convert_element_type3A_212, %cond3A_213 : i32
      scf.if %cond3A_214 {
        %ge3A = arith.constant 4 : i32
        %ge3A_400 = arith.cmpi sge, %add3A_195, %ge3A : i32
        %convert_element_type3A_401 = arith.extui %ge3A_400 : i1 to i32
        %cond3A_402 = arith.constant 0 : i32
        %cond3A_403 = arith.cmpi ne, %convert_element_type3A_401, %cond3A_402 : i32
        scf.if %cond3A_403 {
          %sub3A = arith.constant 4 : i32
          %sub3A_416 = arith.subi %add3A_195, %sub3A : i32
          %dma_wait3A_417 = arith.constant 0 : i32
          %dma_wait3A_418 = tpu.memref_slice %arg8[%sub3A_416, %dma_wait3A_417] : memref<160x125xi32, #tpu.memory_space<vmem>> -> memref<1x125xi32, #tpu.memory_space<vmem>>
          %dma_wait3A_419 = tpu.memref_squeeze %dma_wait3A_418 : memref<1x125xi32, #tpu.memory_space<vmem>> -> memref<125xi32, #tpu.memory_space<vmem>>
          %dma_wait3A_420 = arith.constant 0 : i32
          %dma_wait3A_421 = arith.constant 0 : i32
          %dma_wait3A_422 = tpu.memref_slice %arg19[%dma_wait3A_420, %dma_wait3A_421] : memref<10240x32xf32, #tpu.memory_space<vmem_shared>> -> memref<10240x32xf32, #tpu.memory_space<vmem_shared>>
          tpu.wait_indirect_dma semaphore(%arg37 : memref<!tpu.dma_semaphore, #tpu.memory_space<semaphore_mem>>) src(%arg16 : memref<125x32xf32, #tpu.memory_space<vmem>>) dst(%dma_wait3A_422 : memref<10240x32xf32, #tpu.memory_space<vmem_shared>>)
        } else {
        }
        %add3A_404 = arith.constant 6 : i32
        %add3A_405 = arith.addi %add3A_195, %add3A_404 : i32
        %eq3A_406 = arith.constant 0 : i32
        %eq3A_407 = arith.cmpi eq, %arg0, %eq3A_406 : i32
        %convert_element_type3A_408 = arith.extui %eq3A_407 : i1 to i32
        %cond3A_409 = arith.constant 0 : i32
        %cond3A_410 = arith.cmpi ne, %convert_element_type3A_408, %cond3A_409 : i32
        scf.if %cond3A_410 {
          %dma_start3A_416 = arith.constant 0 : i32
          %dma_start3A_417 = tpu.memref_slice %arg7[%add3A_405, %dma_start3A_416] : memref<160x125xi32, #tpu.memory_space<vmem>> -> memref<1x125xi32, #tpu.memory_space<vmem>>
          %dma_start3A_418 = tpu.memref_squeeze %dma_start3A_417 : memref<1x125xi32, #tpu.memory_space<vmem>> -> memref<125xi32, #tpu.memory_space<vmem>>
          %dma_start3A_419 = arith.constant 0 : i32
          %dma_start3A_420 = arith.constant 0 : i32
          %dma_start3A_421 = tpu.memref_slice %arg2[%dma_start3A_419, %dma_start3A_420] : memref<10000x32xf32, #tpu.memory_space<hbm>> -> memref<10000x32xf32, #tpu.memory_space<hbm>>
          tpu.enqueue_indirect_dma source(%dma_start3A_421 : memref<10000x32xf32, #tpu.memory_space<hbm>>) target(%arg16 : memref<125x32xf32, #tpu.memory_space<vmem>>) offsets(%dma_start3A_418 : memref<125xi32, #tpu.memory_space<vmem>>) semaphore(%arg27 : memref<!tpu.dma_semaphore, #tpu.memory_space<semaphore_mem>>)
        } else {
        }
        %eq3A_411 = arith.constant 1 : i32
        %eq3A_412 = arith.cmpi eq, %arg0, %eq3A_411 : i32
        %convert_element_type3A_413 = arith.extui %eq3A_412 : i1 to i32
        %cond3A_414 = arith.constant 0 : i32
        %cond3A_415 = arith.cmpi ne, %convert_element_type3A_413, %cond3A_414 : i32
        scf.if %cond3A_415 {
          %dma_start3A_416 = arith.constant 0 : i32
          %dma_start3A_417 = tpu.memref_slice %arg7[%add3A_405, %dma_start3A_416] : memref<160x125xi32, #tpu.memory_space<vmem>> -> memref<1x125xi32, #tpu.memory_space<vmem>>
          %dma_start3A_418 = tpu.memref_squeeze %dma_start3A_417 : memref<1x125xi32, #tpu.memory_space<vmem>> -> memref<125xi32, #tpu.memory_space<vmem>>
          %dma_start3A_419 = arith.constant 0 : i32
          %dma_start3A_420 = arith.constant 0 : i32
          %dma_start3A_421 = tpu.memref_slice %arg3[%dma_start3A_419, %dma_start3A_420] : memref<10000x32xf32, #tpu.memory_space<hbm>> -> memref<10000x32xf32, #tpu.memory_space<hbm>>
          tpu.enqueue_indirect_dma source(%dma_start3A_421 : memref<10000x32xf32, #tpu.memory_space<hbm>>) target(%arg16 : memref<125x32xf32, #tpu.memory_space<vmem>>) offsets(%dma_start3A_418 : memref<125xi32, #tpu.memory_space<vmem>>) semaphore(%arg27 : memref<!tpu.dma_semaphore, #tpu.memory_space<semaphore_mem>>)
        } else {
        }
      } else {
      }
      %mul3A_215 = arith.constant 10 : i32
      %mul3A_216 = arith.muli %scan3A_169, %mul3A_215 : i32
      %add3A_217 = arith.constant 2 : i32
      %add3A_218 = arith.addi %mul3A_216, %add3A_217 : i32
      %dma_wait3A_219 = arith.constant 0 : i32
      %dma_wait3A_220 = tpu.memref_slice %arg7[%add3A_218, %dma_wait3A_219] : memref<160x125xi32, #tpu.memory_space<vmem>> -> memref<1x125xi32, #tpu.memory_space<vmem>>
      %dma_wait3A_221 = tpu.memref_squeeze %dma_wait3A_220 : memref<1x125xi32, #tpu.memory_space<vmem>> -> memref<125xi32, #tpu.memory_space<vmem>>
      %dma_wait3A_222 = arith.constant 0 : i32
      %dma_wait3A_223 = arith.constant 0 : i32
      %dma_wait3A_224 = tpu.memref_slice %arg2[%dma_wait3A_222, %dma_wait3A_223] : memref<10000x32xf32, #tpu.memory_space<hbm>> -> memref<10000x32xf32, #tpu.memory_space<hbm>>
      tpu.wait_indirect_dma semaphore(%arg22 : memref<!tpu.dma_semaphore, #tpu.memory_space<semaphore_mem>>) src(%dma_wait3A_224 : memref<10000x32xf32, #tpu.memory_space<hbm>>) dst(%arg11 : memref<125x32xf32, #tpu.memory_space<vmem>>)
      %dma_start3A_225 = arith.constant 0 : i32
      %dma_start3A_226 = tpu.memref_slice %arg8[%add3A_218, %dma_start3A_225] : memref<160x125xi32, #tpu.memory_space<vmem>> -> memref<1x125xi32, #tpu.memory_space<vmem>>
      %dma_start3A_227 = tpu.memref_squeeze %dma_start3A_226 : memref<1x125xi32, #tpu.memory_space<vmem>> -> memref<125xi32, #tpu.memory_space<vmem>>
      %dma_start3A_228 = arith.constant 0 : i32
      %dma_start3A_229 = arith.constant 0 : i32
      %dma_start3A_230 = tpu.memref_slice %arg19[%dma_start3A_228, %dma_start3A_229] : memref<10240x32xf32, #tpu.memory_space<vmem_shared>> -> memref<10240x32xf32, #tpu.memory_space<vmem_shared>>
      tpu.enqueue_indirect_dma source(%arg11 : memref<125x32xf32, #tpu.memory_space<vmem>>) target(%dma_start3A_230 : memref<10240x32xf32, #tpu.memory_space<vmem_shared>>) offsets(%dma_start3A_227 : memref<125xi32, #tpu.memory_space<vmem>>) semaphore(%arg32 : memref<!tpu.dma_semaphore, #tpu.memory_space<semaphore_mem>>) {add = true}
      %add3A_231 = arith.constant 6 : i32
      %add3A_232 = arith.addi %add3A_218, %add3A_231 : i32
      %lt3A_233 = arith.constant 160 : i32
      %lt3A_234 = arith.cmpi slt, %add3A_232, %lt3A_233 : i32
      %convert_element_type3A_235 = arith.extui %lt3A_234 : i1 to i32
      %cond3A_236 = arith.constant 0 : i32
      %cond3A_237 = arith.cmpi ne, %convert_element_type3A_235, %cond3A_236 : i32
      scf.if %cond3A_237 {
        %ge3A = arith.constant 4 : i32
        %ge3A_400 = arith.cmpi sge, %add3A_218, %ge3A : i32
        %convert_element_type3A_401 = arith.extui %ge3A_400 : i1 to i32
        %cond3A_402 = arith.constant 0 : i32
        %cond3A_403 = arith.cmpi ne, %convert_element_type3A_401, %cond3A_402 : i32
        scf.if %cond3A_403 {
          %sub3A = arith.constant 4 : i32
          %sub3A_416 = arith.subi %add3A_218, %sub3A : i32
          %dma_wait3A_417 = arith.constant 0 : i32
          %dma_wait3A_418 = tpu.memref_slice %arg8[%sub3A_416, %dma_wait3A_417] : memref<160x125xi32, #tpu.memory_space<vmem>> -> memref<1x125xi32, #tpu.memory_space<vmem>>
          %dma_wait3A_419 = tpu.memref_squeeze %dma_wait3A_418 : memref<1x125xi32, #tpu.memory_space<vmem>> -> memref<125xi32, #tpu.memory_space<vmem>>
          %dma_wait3A_420 = arith.constant 0 : i32
          %dma_wait3A_421 = arith.constant 0 : i32
          %dma_wait3A_422 = tpu.memref_slice %arg19[%dma_wait3A_420, %dma_wait3A_421] : memref<10240x32xf32, #tpu.memory_space<vmem_shared>> -> memref<10240x32xf32, #tpu.memory_space<vmem_shared>>
          tpu.wait_indirect_dma semaphore(%arg38 : memref<!tpu.dma_semaphore, #tpu.memory_space<semaphore_mem>>) src(%arg17 : memref<125x32xf32, #tpu.memory_space<vmem>>) dst(%dma_wait3A_422 : memref<10240x32xf32, #tpu.memory_space<vmem_shared>>)
        } else {
        }
        %add3A_404 = arith.constant 6 : i32
        %add3A_405 = arith.addi %add3A_218, %add3A_404 : i32
        %eq3A_406 = arith.constant 0 : i32
        %eq3A_407 = arith.cmpi eq, %arg0, %eq3A_406 : i32
        %convert_element_type3A_408 = arith.extui %eq3A_407 : i1 to i32
        %cond3A_409 = arith.constant 0 : i32
        %cond3A_410 = arith.cmpi ne, %convert_element_type3A_408, %cond3A_409 : i32
        scf.if %cond3A_410 {
          %dma_start3A_416 = arith.constant 0 : i32
          %dma_start3A_417 = tpu.memref_slice %arg7[%add3A_405, %dma_start3A_416] : memref<160x125xi32, #tpu.memory_space<vmem>> -> memref<1x125xi32, #tpu.memory_space<vmem>>
          %dma_start3A_418 = tpu.memref_squeeze %dma_start3A_417 : memref<1x125xi32, #tpu.memory_space<vmem>> -> memref<125xi32, #tpu.memory_space<vmem>>
          %dma_start3A_419 = arith.constant 0 : i32
          %dma_start3A_420 = arith.constant 0 : i32
          %dma_start3A_421 = tpu.memref_slice %arg2[%dma_start3A_419, %dma_start3A_420] : memref<10000x32xf32, #tpu.memory_space<hbm>> -> memref<10000x32xf32, #tpu.memory_space<hbm>>
          tpu.enqueue_indirect_dma source(%dma_start3A_421 : memref<10000x32xf32, #tpu.memory_space<hbm>>) target(%arg17 : memref<125x32xf32, #tpu.memory_space<vmem>>) offsets(%dma_start3A_418 : memref<125xi32, #tpu.memory_space<vmem>>) semaphore(%arg28 : memref<!tpu.dma_semaphore, #tpu.memory_space<semaphore_mem>>)
        } else {
        }
        %eq3A_411 = arith.constant 1 : i32
        %eq3A_412 = arith.cmpi eq, %arg0, %eq3A_411 : i32
        %convert_element_type3A_413 = arith.extui %eq3A_412 : i1 to i32
        %cond3A_414 = arith.constant 0 : i32
        %cond3A_415 = arith.cmpi ne, %convert_element_type3A_413, %cond3A_414 : i32
        scf.if %cond3A_415 {
          %dma_start3A_416 = arith.constant 0 : i32
          %dma_start3A_417 = tpu.memref_slice %arg7[%add3A_405, %dma_start3A_416] : memref<160x125xi32, #tpu.memory_space<vmem>> -> memref<1x125xi32, #tpu.memory_space<vmem>>
          %dma_start3A_418 = tpu.memref_squeeze %dma_start3A_417 : memref<1x125xi32, #tpu.memory_space<vmem>> -> memref<125xi32, #tpu.memory_space<vmem>>
          %dma_start3A_419 = arith.constant 0 : i32
          %dma_start3A_420 = arith.constant 0 : i32
          %dma_start3A_421 = tpu.memref_slice %arg3[%dma_start3A_419, %dma_start3A_420] : memref<10000x32xf32, #tpu.memory_space<hbm>> -> memref<10000x32xf32, #tpu.memory_space<hbm>>
          tpu.enqueue_indirect_dma source(%dma_start3A_421 : memref<10000x32xf32, #tpu.memory_space<hbm>>) target(%arg17 : memref<125x32xf32, #tpu.memory_space<vmem>>) offsets(%dma_start3A_418 : memref<125xi32, #tpu.memory_space<vmem>>) semaphore(%arg28 : memref<!tpu.dma_semaphore, #tpu.memory_space<semaphore_mem>>)
        } else {
        }
      } else {
      }
      %mul3A_238 = arith.constant 10 : i32
      %mul3A_239 = arith.muli %scan3A_169, %mul3A_238 : i32
      %add3A_240 = arith.constant 3 : i32
      %add3A_241 = arith.addi %mul3A_239, %add3A_240 : i32
      %dma_wait3A_242 = arith.constant 0 : i32
      %dma_wait3A_243 = tpu.memref_slice %arg7[%add3A_241, %dma_wait3A_242] : memref<160x125xi32, #tpu.memory_space<vmem>> -> memref<1x125xi32, #tpu.memory_space<vmem>>
      %dma_wait3A_244 = tpu.memref_squeeze %dma_wait3A_243 : memref<1x125xi32, #tpu.memory_space<vmem>> -> memref<125xi32, #tpu.memory_space<vmem>>
      %dma_wait3A_245 = arith.constant 0 : i32
      %dma_wait3A_246 = arith.constant 0 : i32
      %dma_wait3A_247 = tpu.memref_slice %arg2[%dma_wait3A_245, %dma_wait3A_246] : memref<10000x32xf32, #tpu.memory_space<hbm>> -> memref<10000x32xf32, #tpu.memory_space<hbm>>
      tpu.wait_indirect_dma semaphore(%arg23 : memref<!tpu.dma_semaphore, #tpu.memory_space<semaphore_mem>>) src(%dma_wait3A_247 : memref<10000x32xf32, #tpu.memory_space<hbm>>) dst(%arg12 : memref<125x32xf32, #tpu.memory_space<vmem>>)
      %dma_start3A_248 = arith.constant 0 : i32
      %dma_start3A_249 = tpu.memref_slice %arg8[%add3A_241, %dma_start3A_248] : memref<160x125xi32, #tpu.memory_space<vmem>> -> memref<1x125xi32, #tpu.memory_space<vmem>>
      %dma_start3A_250 = tpu.memref_squeeze %dma_start3A_249 : memref<1x125xi32, #tpu.memory_space<vmem>> -> memref<125xi32, #tpu.memory_space<vmem>>
      %dma_start3A_251 = arith.constant 0 : i32
      %dma_start3A_252 = arith.constant 0 : i32
      %dma_start3A_253 = tpu.memref_slice %arg19[%dma_start3A_251, %dma_start3A_252] : memref<10240x32xf32, #tpu.memory_space<vmem_shared>> -> memref<10240x32xf32, #tpu.memory_space<vmem_shared>>
      tpu.enqueue_indirect_dma source(%arg12 : memref<125x32xf32, #tpu.memory_space<vmem>>) target(%dma_start3A_253 : memref<10240x32xf32, #tpu.memory_space<vmem_shared>>) offsets(%dma_start3A_250 : memref<125xi32, #tpu.memory_space<vmem>>) semaphore(%arg33 : memref<!tpu.dma_semaphore, #tpu.memory_space<semaphore_mem>>) {add = true}
      %add3A_254 = arith.constant 6 : i32
      %add3A_255 = arith.addi %add3A_241, %add3A_254 : i32
      %lt3A_256 = arith.constant 160 : i32
      %lt3A_257 = arith.cmpi slt, %add3A_255, %lt3A_256 : i32
      %convert_element_type3A_258 = arith.extui %lt3A_257 : i1 to i32
      %cond3A_259 = arith.constant 0 : i32
      %cond3A_260 = arith.cmpi ne, %convert_element_type3A_258, %cond3A_259 : i32
      scf.if %cond3A_260 {
        %ge3A = arith.constant 4 : i32
        %ge3A_400 = arith.cmpi sge, %add3A_241, %ge3A : i32
        %convert_element_type3A_401 = arith.extui %ge3A_400 : i1 to i32
        %cond3A_402 = arith.constant 0 : i32
        %cond3A_403 = arith.cmpi ne, %convert_element_type3A_401, %cond3A_402 : i32
        scf.if %cond3A_403 {
          %sub3A = arith.constant 4 : i32
          %sub3A_416 = arith.subi %add3A_241, %sub3A : i32
          %dma_wait3A_417 = arith.constant 0 : i32
          %dma_wait3A_418 = tpu.memref_slice %arg8[%sub3A_416, %dma_wait3A_417] : memref<160x125xi32, #tpu.memory_space<vmem>> -> memref<1x125xi32, #tpu.memory_space<vmem>>
          %dma_wait3A_419 = tpu.memref_squeeze %dma_wait3A_418 : memref<1x125xi32, #tpu.memory_space<vmem>> -> memref<125xi32, #tpu.memory_space<vmem>>
          %dma_wait3A_420 = arith.constant 0 : i32
          %dma_wait3A_421 = arith.constant 0 : i32
          %dma_wait3A_422 = tpu.memref_slice %arg19[%dma_wait3A_420, %dma_wait3A_421] : memref<10240x32xf32, #tpu.memory_space<vmem_shared>> -> memref<10240x32xf32, #tpu.memory_space<vmem_shared>>
          tpu.wait_indirect_dma semaphore(%arg39 : memref<!tpu.dma_semaphore, #tpu.memory_space<semaphore_mem>>) src(%arg18 : memref<125x32xf32, #tpu.memory_space<vmem>>) dst(%dma_wait3A_422 : memref<10240x32xf32, #tpu.memory_space<vmem_shared>>)
        } else {
        }
        %add3A_404 = arith.constant 6 : i32
        %add3A_405 = arith.addi %add3A_241, %add3A_404 : i32
        %eq3A_406 = arith.constant 0 : i32
        %eq3A_407 = arith.cmpi eq, %arg0, %eq3A_406 : i32
        %convert_element_type3A_408 = arith.extui %eq3A_407 : i1 to i32
        %cond3A_409 = arith.constant 0 : i32
        %cond3A_410 = arith.cmpi ne, %convert_element_type3A_408, %cond3A_409 : i32
        scf.if %cond3A_410 {
          %dma_start3A_416 = arith.constant 0 : i32
          %dma_start3A_417 = tpu.memref_slice %arg7[%add3A_405, %dma_start3A_416] : memref<160x125xi32, #tpu.memory_space<vmem>> -> memref<1x125xi32, #tpu.memory_space<vmem>>
          %dma_start3A_418 = tpu.memref_squeeze %dma_start3A_417 : memref<1x125xi32, #tpu.memory_space<vmem>> -> memref<125xi32, #tpu.memory_space<vmem>>
          %dma_start3A_419 = arith.constant 0 : i32
          %dma_start3A_420 = arith.constant 0 : i32
          %dma_start3A_421 = tpu.memref_slice %arg2[%dma_start3A_419, %dma_start3A_420] : memref<10000x32xf32, #tpu.memory_space<hbm>> -> memref<10000x32xf32, #tpu.memory_space<hbm>>
          tpu.enqueue_indirect_dma source(%dma_start3A_421 : memref<10000x32xf32, #tpu.memory_space<hbm>>) target(%arg18 : memref<125x32xf32, #tpu.memory_space<vmem>>) offsets(%dma_start3A_418 : memref<125xi32, #tpu.memory_space<vmem>>) semaphore(%arg29 : memref<!tpu.dma_semaphore, #tpu.memory_space<semaphore_mem>>)
        } else {
        }
        %eq3A_411 = arith.constant 1 : i32
        %eq3A_412 = arith.cmpi eq, %arg0, %eq3A_411 : i32
        %convert_element_type3A_413 = arith.extui %eq3A_412 : i1 to i32
        %cond3A_414 = arith.constant 0 : i32
        %cond3A_415 = arith.cmpi ne, %convert_element_type3A_413, %cond3A_414 : i32
        scf.if %cond3A_415 {
          %dma_start3A_416 = arith.constant 0 : i32
          %dma_start3A_417 = tpu.memref_slice %arg7[%add3A_405, %dma_start3A_416] : memref<160x125xi32, #tpu.memory_space<vmem>> -> memref<1x125xi32, #tpu.memory_space<vmem>>
          %dma_start3A_418 = tpu.memref_squeeze %dma_start3A_417 : memref<1x125xi32, #tpu.memory_space<vmem>> -> memref<125xi32, #tpu.memory_space<vmem>>
          %dma_start3A_419 = arith.constant 0 : i32
          %dma_start3A_420 = arith.constant 0 : i32
          %dma_start3A_421 = tpu.memref_slice %arg3[%dma_start3A_419, %dma_start3A_420] : memref<10000x32xf32, #tpu.memory_space<hbm>> -> memref<10000x32xf32, #tpu.memory_space<hbm>>
          tpu.enqueue_indirect_dma source(%dma_start3A_421 : memref<10000x32xf32, #tpu.memory_space<hbm>>) target(%arg18 : memref<125x32xf32, #tpu.memory_space<vmem>>) offsets(%dma_start3A_418 : memref<125xi32, #tpu.memory_space<vmem>>) semaphore(%arg29 : memref<!tpu.dma_semaphore, #tpu.memory_space<semaphore_mem>>)
        } else {
        }
      } else {
      }
      %mul3A_261 = arith.constant 10 : i32
      %mul3A_262 = arith.muli %scan3A_169, %mul3A_261 : i32
      %add3A_263 = arith.constant 4 : i32
      %add3A_264 = arith.addi %mul3A_262, %add3A_263 : i32
      %dma_wait3A_265 = arith.constant 0 : i32
      %dma_wait3A_266 = tpu.memref_slice %arg7[%add3A_264, %dma_wait3A_265] : memref<160x125xi32, #tpu.memory_space<vmem>> -> memref<1x125xi32, #tpu.memory_space<vmem>>
      %dma_wait3A_267 = tpu.memref_squeeze %dma_wait3A_266 : memref<1x125xi32, #tpu.memory_space<vmem>> -> memref<125xi32, #tpu.memory_space<vmem>>
      %dma_wait3A_268 = arith.constant 0 : i32
      %dma_wait3A_269 = arith.constant 0 : i32
      %dma_wait3A_270 = tpu.memref_slice %arg2[%dma_wait3A_268, %dma_wait3A_269] : memref<10000x32xf32, #tpu.memory_space<hbm>> -> memref<10000x32xf32, #tpu.memory_space<hbm>>
      tpu.wait_indirect_dma semaphore(%arg24 : memref<!tpu.dma_semaphore, #tpu.memory_space<semaphore_mem>>) src(%dma_wait3A_270 : memref<10000x32xf32, #tpu.memory_space<hbm>>) dst(%arg13 : memref<125x32xf32, #tpu.memory_space<vmem>>)
      %dma_start3A_271 = arith.constant 0 : i32
      %dma_start3A_272 = tpu.memref_slice %arg8[%add3A_264, %dma_start3A_271] : memref<160x125xi32, #tpu.memory_space<vmem>> -> memref<1x125xi32, #tpu.memory_space<vmem>>
      %dma_start3A_273 = tpu.memref_squeeze %dma_start3A_272 : memref<1x125xi32, #tpu.memory_space<vmem>> -> memref<125xi32, #tpu.memory_space<vmem>>
      %dma_start3A_274 = arith.constant 0 : i32
      %dma_start3A_275 = arith.constant 0 : i32
      %dma_start3A_276 = tpu.memref_slice %arg19[%dma_start3A_274, %dma_start3A_275] : memref<10240x32xf32, #tpu.memory_space<vmem_shared>> -> memref<10240x32xf32, #tpu.memory_space<vmem_shared>>
      tpu.enqueue_indirect_dma source(%arg13 : memref<125x32xf32, #tpu.memory_space<vmem>>) target(%dma_start3A_276 : memref<10240x32xf32, #tpu.memory_space<vmem_shared>>) offsets(%dma_start3A_273 : memref<125xi32, #tpu.memory_space<vmem>>) semaphore(%arg34 : memref<!tpu.dma_semaphore, #tpu.memory_space<semaphore_mem>>) {add = true}
      %add3A_277 = arith.constant 6 : i32
      %add3A_278 = arith.addi %add3A_264, %add3A_277 : i32
      %lt3A_279 = arith.constant 160 : i32
      %lt3A_280 = arith.cmpi slt, %add3A_278, %lt3A_279 : i32
      %convert_element_type3A_281 = arith.extui %lt3A_280 : i1 to i32
      %cond3A_282 = arith.constant 0 : i32
      %cond3A_283 = arith.cmpi ne, %convert_element_type3A_281, %cond3A_282 : i32
      scf.if %cond3A_283 {
        %ge3A = arith.constant 4 : i32
        %ge3A_400 = arith.cmpi sge, %add3A_264, %ge3A : i32
        %convert_element_type3A_401 = arith.extui %ge3A_400 : i1 to i32
        %cond3A_402 = arith.constant 0 : i32
        %cond3A_403 = arith.cmpi ne, %convert_element_type3A_401, %cond3A_402 : i32
        scf.if %cond3A_403 {
          %sub3A = arith.constant 4 : i32
          %sub3A_416 = arith.subi %add3A_264, %sub3A : i32
          %dma_wait3A_417 = arith.constant 0 : i32
          %dma_wait3A_418 = tpu.memref_slice %arg8[%sub3A_416, %dma_wait3A_417] : memref<160x125xi32, #tpu.memory_space<vmem>> -> memref<1x125xi32, #tpu.memory_space<vmem>>
          %dma_wait3A_419 = tpu.memref_squeeze %dma_wait3A_418 : memref<1x125xi32, #tpu.memory_space<vmem>> -> memref<125xi32, #tpu.memory_space<vmem>>
          %dma_wait3A_420 = arith.constant 0 : i32
          %dma_wait3A_421 = arith.constant 0 : i32
          %dma_wait3A_422 = tpu.memref_slice %arg19[%dma_wait3A_420, %dma_wait3A_421] : memref<10240x32xf32, #tpu.memory_space<vmem_shared>> -> memref<10240x32xf32, #tpu.memory_space<vmem_shared>>
          tpu.wait_indirect_dma semaphore(%arg30 : memref<!tpu.dma_semaphore, #tpu.memory_space<semaphore_mem>>) src(%arg9 : memref<125x32xf32, #tpu.memory_space<vmem>>) dst(%dma_wait3A_422 : memref<10240x32xf32, #tpu.memory_space<vmem_shared>>)
        } else {
        }
        %add3A_404 = arith.constant 6 : i32
        %add3A_405 = arith.addi %add3A_264, %add3A_404 : i32
        %eq3A_406 = arith.constant 0 : i32
        %eq3A_407 = arith.cmpi eq, %arg0, %eq3A_406 : i32
        %convert_element_type3A_408 = arith.extui %eq3A_407 : i1 to i32
        %cond3A_409 = arith.constant 0 : i32
        %cond3A_410 = arith.cmpi ne, %convert_element_type3A_408, %cond3A_409 : i32
        scf.if %cond3A_410 {
          %dma_start3A_416 = arith.constant 0 : i32
          %dma_start3A_417 = tpu.memref_slice %arg7[%add3A_405, %dma_start3A_416] : memref<160x125xi32, #tpu.memory_space<vmem>> -> memref<1x125xi32, #tpu.memory_space<vmem>>
          %dma_start3A_418 = tpu.memref_squeeze %dma_start3A_417 : memref<1x125xi32, #tpu.memory_space<vmem>> -> memref<125xi32, #tpu.memory_space<vmem>>
          %dma_start3A_419 = arith.constant 0 : i32
          %dma_start3A_420 = arith.constant 0 : i32
          %dma_start3A_421 = tpu.memref_slice %arg2[%dma_start3A_419, %dma_start3A_420] : memref<10000x32xf32, #tpu.memory_space<hbm>> -> memref<10000x32xf32, #tpu.memory_space<hbm>>
          tpu.enqueue_indirect_dma source(%dma_start3A_421 : memref<10000x32xf32, #tpu.memory_space<hbm>>) target(%arg9 : memref<125x32xf32, #tpu.memory_space<vmem>>) offsets(%dma_start3A_418 : memref<125xi32, #tpu.memory_space<vmem>>) semaphore(%arg20 : memref<!tpu.dma_semaphore, #tpu.memory_space<semaphore_mem>>)
        } else {
        }
        %eq3A_411 = arith.constant 1 : i32
        %eq3A_412 = arith.cmpi eq, %arg0, %eq3A_411 : i32
        %convert_element_type3A_413 = arith.extui %eq3A_412 : i1 to i32
        %cond3A_414 = arith.constant 0 : i32
        %cond3A_415 = arith.cmpi ne, %convert_element_type3A_413, %cond3A_414 : i32
        scf.if %cond3A_415 {
          %dma_start3A_416 = arith.constant 0 : i32
          %dma_start3A_417 = tpu.memref_slice %arg7[%add3A_405, %dma_start3A_416] : memref<160x125xi32, #tpu.memory_space<vmem>> -> memref<1x125xi32, #tpu.memory_space<vmem>>
          %dma_start3A_418 = tpu.memref_squeeze %dma_start3A_417 : memref<1x125xi32, #tpu.memory_space<vmem>> -> memref<125xi32, #tpu.memory_space<vmem>>
          %dma_start3A_419 = arith.constant 0 : i32
          %dma_start3A_420 = arith.constant 0 : i32
          %dma_start3A_421 = tpu.memref_slice %arg3[%dma_start3A_419, %dma_start3A_420] : memref<10000x32xf32, #tpu.memory_space<hbm>> -> memref<10000x32xf32, #tpu.memory_space<hbm>>
          tpu.enqueue_indirect_dma source(%dma_start3A_421 : memref<10000x32xf32, #tpu.memory_space<hbm>>) target(%arg9 : memref<125x32xf32, #tpu.memory_space<vmem>>) offsets(%dma_start3A_418 : memref<125xi32, #tpu.memory_space<vmem>>) semaphore(%arg20 : memref<!tpu.dma_semaphore, #tpu.memory_space<semaphore_mem>>)
        } else {
        }
      } else {
      }
      %mul3A_284 = arith.constant 10 : i32
      %mul3A_285 = arith.muli %scan3A_169, %mul3A_284 : i32
      %add3A_286 = arith.constant 5 : i32
      %add3A_287 = arith.addi %mul3A_285, %add3A_286 : i32
      %dma_wait3A_288 = arith.constant 0 : i32
      %dma_wait3A_289 = tpu.memref_slice %arg7[%add3A_287, %dma_wait3A_288] : memref<160x125xi32, #tpu.memory_space<vmem>> -> memref<1x125xi32, #tpu.memory_space<vmem>>
      %dma_wait3A_290 = tpu.memref_squeeze %dma_wait3A_289 : memref<1x125xi32, #tpu.memory_space<vmem>> -> memref<125xi32, #tpu.memory_space<vmem>>
      %dma_wait3A_291 = arith.constant 0 : i32
      %dma_wait3A_292 = arith.constant 0 : i32
      %dma_wait3A_293 = tpu.memref_slice %arg2[%dma_wait3A_291, %dma_wait3A_292] : memref<10000x32xf32, #tpu.memory_space<hbm>> -> memref<10000x32xf32, #tpu.memory_space<hbm>>
      tpu.wait_indirect_dma semaphore(%arg25 : memref<!tpu.dma_semaphore, #tpu.memory_space<semaphore_mem>>) src(%dma_wait3A_293 : memref<10000x32xf32, #tpu.memory_space<hbm>>) dst(%arg14 : memref<125x32xf32, #tpu.memory_space<vmem>>)
      %dma_start3A_294 = arith.constant 0 : i32
      %dma_start3A_295 = tpu.memref_slice %arg8[%add3A_287, %dma_start3A_294] : memref<160x125xi32, #tpu.memory_space<vmem>> -> memref<1x125xi32, #tpu.memory_space<vmem>>
      %dma_start3A_296 = tpu.memref_squeeze %dma_start3A_295 : memref<1x125xi32, #tpu.memory_space<vmem>> -> memref<125xi32, #tpu.memory_space<vmem>>
      %dma_start3A_297 = arith.constant 0 : i32
      %dma_start3A_298 = arith.constant 0 : i32
      %dma_start3A_299 = tpu.memref_slice %arg19[%dma_start3A_297, %dma_start3A_298] : memref<10240x32xf32, #tpu.memory_space<vmem_shared>> -> memref<10240x32xf32, #tpu.memory_space<vmem_shared>>
      tpu.enqueue_indirect_dma source(%arg14 : memref<125x32xf32, #tpu.memory_space<vmem>>) target(%dma_start3A_299 : memref<10240x32xf32, #tpu.memory_space<vmem_shared>>) offsets(%dma_start3A_296 : memref<125xi32, #tpu.memory_space<vmem>>) semaphore(%arg35 : memref<!tpu.dma_semaphore, #tpu.memory_space<semaphore_mem>>) {add = true}
      %add3A_300 = arith.constant 6 : i32
      %add3A_301 = arith.addi %add3A_287, %add3A_300 : i32
      %lt3A_302 = arith.constant 160 : i32
      %lt3A_303 = arith.cmpi slt, %add3A_301, %lt3A_302 : i32
      %convert_element_type3A_304 = arith.extui %lt3A_303 : i1 to i32
      %cond3A_305 = arith.constant 0 : i32
      %cond3A_306 = arith.cmpi ne, %convert_element_type3A_304, %cond3A_305 : i32
      scf.if %cond3A_306 {
        %ge3A = arith.constant 4 : i32
        %ge3A_400 = arith.cmpi sge, %add3A_287, %ge3A : i32
        %convert_element_type3A_401 = arith.extui %ge3A_400 : i1 to i32
        %cond3A_402 = arith.constant 0 : i32
        %cond3A_403 = arith.cmpi ne, %convert_element_type3A_401, %cond3A_402 : i32
        scf.if %cond3A_403 {
          %sub3A = arith.constant 4 : i32
          %sub3A_416 = arith.subi %add3A_287, %sub3A : i32
          %dma_wait3A_417 = arith.constant 0 : i32
          %dma_wait3A_418 = tpu.memref_slice %arg8[%sub3A_416, %dma_wait3A_417] : memref<160x125xi32, #tpu.memory_space<vmem>> -> memref<1x125xi32, #tpu.memory_space<vmem>>
          %dma_wait3A_419 = tpu.memref_squeeze %dma_wait3A_418 : memref<1x125xi32, #tpu.memory_space<vmem>> -> memref<125xi32, #tpu.memory_space<vmem>>
          %dma_wait3A_420 = arith.constant 0 : i32
          %dma_wait3A_421 = arith.constant 0 : i32
          %dma_wait3A_422 = tpu.memref_slice %arg19[%dma_wait3A_420, %dma_wait3A_421] : memref<10240x32xf32, #tpu.memory_space<vmem_shared>> -> memref<10240x32xf32, #tpu.memory_space<vmem_shared>>
          tpu.wait_indirect_dma semaphore(%arg31 : memref<!tpu.dma_semaphore, #tpu.memory_space<semaphore_mem>>) src(%arg10 : memref<125x32xf32, #tpu.memory_space<vmem>>) dst(%dma_wait3A_422 : memref<10240x32xf32, #tpu.memory_space<vmem_shared>>)
        } else {
        }
        %add3A_404 = arith.constant 6 : i32
        %add3A_405 = arith.addi %add3A_287, %add3A_404 : i32
        %eq3A_406 = arith.constant 0 : i32
        %eq3A_407 = arith.cmpi eq, %arg0, %eq3A_406 : i32
        %convert_element_type3A_408 = arith.extui %eq3A_407 : i1 to i32
        %cond3A_409 = arith.constant 0 : i32
        %cond3A_410 = arith.cmpi ne, %convert_element_type3A_408, %cond3A_409 : i32
        scf.if %cond3A_410 {
          %dma_start3A_416 = arith.constant 0 : i32
          %dma_start3A_417 = tpu.memref_slice %arg7[%add3A_405, %dma_start3A_416] : memref<160x125xi32, #tpu.memory_space<vmem>> -> memref<1x125xi32, #tpu.memory_space<vmem>>
          %dma_start3A_418 = tpu.memref_squeeze %dma_start3A_417 : memref<1x125xi32, #tpu.memory_space<vmem>> -> memref<125xi32, #tpu.memory_space<vmem>>
          %dma_start3A_419 = arith.constant 0 : i32
          %dma_start3A_420 = arith.constant 0 : i32
          %dma_start3A_421 = tpu.memref_slice %arg2[%dma_start3A_419, %dma_start3A_420] : memref<10000x32xf32, #tpu.memory_space<hbm>> -> memref<10000x32xf32, #tpu.memory_space<hbm>>
          tpu.enqueue_indirect_dma source(%dma_start3A_421 : memref<10000x32xf32, #tpu.memory_space<hbm>>) target(%arg10 : memref<125x32xf32, #tpu.memory_space<vmem>>) offsets(%dma_start3A_418 : memref<125xi32, #tpu.memory_space<vmem>>) semaphore(%arg21 : memref<!tpu.dma_semaphore, #tpu.memory_space<semaphore_mem>>)
        } else {
        }
        %eq3A_411 = arith.constant 1 : i32
        %eq3A_412 = arith.cmpi eq, %arg0, %eq3A_411 : i32
        %convert_element_type3A_413 = arith.extui %eq3A_412 : i1 to i32
        %cond3A_414 = arith.constant 0 : i32
        %cond3A_415 = arith.cmpi ne, %convert_element_type3A_413, %cond3A_414 : i32
        scf.if %cond3A_415 {
          %dma_start3A_416 = arith.constant 0 : i32
          %dma_start3A_417 = tpu.memref_slice %arg7[%add3A_405, %dma_start3A_416] : memref<160x125xi32, #tpu.memory_space<vmem>> -> memref<1x125xi32, #tpu.memory_space<vmem>>
          %dma_start3A_418 = tpu.memref_squeeze %dma_start3A_417 : memref<1x125xi32, #tpu.memory_space<vmem>> -> memref<125xi32, #tpu.memory_space<vmem>>
          %dma_start3A_419 = arith.constant 0 : i32
          %dma_start3A_420 = arith.constant 0 : i32
          %dma_start3A_421 = tpu.memref_slice %arg3[%dma_start3A_419, %dma_start3A_420] : memref<10000x32xf32, #tpu.memory_space<hbm>> -> memref<10000x32xf32, #tpu.memory_space<hbm>>
          tpu.enqueue_indirect_dma source(%dma_start3A_421 : memref<10000x32xf32, #tpu.memory_space<hbm>>) target(%arg10 : memref<125x32xf32, #tpu.memory_space<vmem>>) offsets(%dma_start3A_418 : memref<125xi32, #tpu.memory_space<vmem>>) semaphore(%arg21 : memref<!tpu.dma_semaphore, #tpu.memory_space<semaphore_mem>>)
        } else {
        }
      } else {
      }
      %mul3A_307 = arith.constant 10 : i32
      %mul3A_308 = arith.muli %scan3A_169, %mul3A_307 : i32
      %add3A_309 = arith.constant 6 : i32
      %add3A_310 = arith.addi %mul3A_308, %add3A_309 : i32
      %dma_wait3A_311 = arith.constant 0 : i32
      %dma_wait3A_312 = tpu.memref_slice %arg7[%add3A_310, %dma_wait3A_311] : memref<160x125xi32, #tpu.memory_space<vmem>> -> memref<1x125xi32, #tpu.memory_space<vmem>>
      %dma_wait3A_313 = tpu.memref_squeeze %dma_wait3A_312 : memref<1x125xi32, #tpu.memory_space<vmem>> -> memref<125xi32, #tpu.memory_space<vmem>>
      %dma_wait3A_314 = arith.constant 0 : i32
      %dma_wait3A_315 = arith.constant 0 : i32
      %dma_wait3A_316 = tpu.memref_slice %arg2[%dma_wait3A_314, %dma_wait3A_315] : memref<10000x32xf32, #tpu.memory_space<hbm>> -> memref<10000x32xf32, #tpu.memory_space<hbm>>
      tpu.wait_indirect_dma semaphore(%arg26 : memref<!tpu.dma_semaphore, #tpu.memory_space<semaphore_mem>>) src(%dma_wait3A_316 : memref<10000x32xf32, #tpu.memory_space<hbm>>) dst(%arg15 : memref<125x32xf32, #tpu.memory_space<vmem>>)
      %dma_start3A_317 = arith.constant 0 : i32
      %dma_start3A_318 = tpu.memref_slice %arg8[%add3A_310, %dma_start3A_317] : memref<160x125xi32, #tpu.memory_space<vmem>> -> memref<1x125xi32, #tpu.memory_space<vmem>>
      %dma_start3A_319 = tpu.memref_squeeze %dma_start3A_318 : memref<1x125xi32, #tpu.memory_space<vmem>> -> memref<125xi32, #tpu.memory_space<vmem>>
      %dma_start3A_320 = arith.constant 0 : i32
      %dma_start3A_321 = arith.constant 0 : i32
      %dma_start3A_322 = tpu.memref_slice %arg19[%dma_start3A_320, %dma_start3A_321] : memref<10240x32xf32, #tpu.memory_space<vmem_shared>> -> memref<10240x32xf32, #tpu.memory_space<vmem_shared>>
      tpu.enqueue_indirect_dma source(%arg15 : memref<125x32xf32, #tpu.memory_space<vmem>>) target(%dma_start3A_322 : memref<10240x32xf32, #tpu.memory_space<vmem_shared>>) offsets(%dma_start3A_319 : memref<125xi32, #tpu.memory_space<vmem>>) semaphore(%arg36 : memref<!tpu.dma_semaphore, #tpu.memory_space<semaphore_mem>>) {add = true}
      %add3A_323 = arith.constant 6 : i32
      %add3A_324 = arith.addi %add3A_310, %add3A_323 : i32
      %lt3A_325 = arith.constant 160 : i32
      %lt3A_326 = arith.cmpi slt, %add3A_324, %lt3A_325 : i32
      %convert_element_type3A_327 = arith.extui %lt3A_326 : i1 to i32
      %cond3A_328 = arith.constant 0 : i32
      %cond3A_329 = arith.cmpi ne, %convert_element_type3A_327, %cond3A_328 : i32
      scf.if %cond3A_329 {
        %ge3A = arith.constant 4 : i32
        %ge3A_400 = arith.cmpi sge, %add3A_310, %ge3A : i32
        %convert_element_type3A_401 = arith.extui %ge3A_400 : i1 to i32
        %cond3A_402 = arith.constant 0 : i32
        %cond3A_403 = arith.cmpi ne, %convert_element_type3A_401, %cond3A_402 : i32
        scf.if %cond3A_403 {
          %sub3A = arith.constant 4 : i32
          %sub3A_416 = arith.subi %add3A_310, %sub3A : i32
          %dma_wait3A_417 = arith.constant 0 : i32
          %dma_wait3A_418 = tpu.memref_slice %arg8[%sub3A_416, %dma_wait3A_417] : memref<160x125xi32, #tpu.memory_space<vmem>> -> memref<1x125xi32, #tpu.memory_space<vmem>>
          %dma_wait3A_419 = tpu.memref_squeeze %dma_wait3A_418 : memref<1x125xi32, #tpu.memory_space<vmem>> -> memref<125xi32, #tpu.memory_space<vmem>>
          %dma_wait3A_420 = arith.constant 0 : i32
          %dma_wait3A_421 = arith.constant 0 : i32
          %dma_wait3A_422 = tpu.memref_slice %arg19[%dma_wait3A_420, %dma_wait3A_421] : memref<10240x32xf32, #tpu.memory_space<vmem_shared>> -> memref<10240x32xf32, #tpu.memory_space<vmem_shared>>
          tpu.wait_indirect_dma semaphore(%arg32 : memref<!tpu.dma_semaphore, #tpu.memory_space<semaphore_mem>>) src(%arg11 : memref<125x32xf32, #tpu.memory_space<vmem>>) dst(%dma_wait3A_422 : memref<10240x32xf32, #tpu.memory_space<vmem_shared>>)
        } else {
        }
        %add3A_404 = arith.constant 6 : i32
        %add3A_405 = arith.addi %add3A_310, %add3A_404 : i32
        %eq3A_406 = arith.constant 0 : i32
        %eq3A_407 = arith.cmpi eq, %arg0, %eq3A_406 : i32
        %convert_element_type3A_408 = arith.extui %eq3A_407 : i1 to i32
        %cond3A_409 = arith.constant 0 : i32
        %cond3A_410 = arith.cmpi ne, %convert_element_type3A_408, %cond3A_409 : i32
        scf.if %cond3A_410 {
          %dma_start3A_416 = arith.constant 0 : i32
          %dma_start3A_417 = tpu.memref_slice %arg7[%add3A_405, %dma_start3A_416] : memref<160x125xi32, #tpu.memory_space<vmem>> -> memref<1x125xi32, #tpu.memory_space<vmem>>
          %dma_start3A_418 = tpu.memref_squeeze %dma_start3A_417 : memref<1x125xi32, #tpu.memory_space<vmem>> -> memref<125xi32, #tpu.memory_space<vmem>>
          %dma_start3A_419 = arith.constant 0 : i32
          %dma_start3A_420 = arith.constant 0 : i32
          %dma_start3A_421 = tpu.memref_slice %arg2[%dma_start3A_419, %dma_start3A_420] : memref<10000x32xf32, #tpu.memory_space<hbm>> -> memref<10000x32xf32, #tpu.memory_space<hbm>>
          tpu.enqueue_indirect_dma source(%dma_start3A_421 : memref<10000x32xf32, #tpu.memory_space<hbm>>) target(%arg11 : memref<125x32xf32, #tpu.memory_space<vmem>>) offsets(%dma_start3A_418 : memref<125xi32, #tpu.memory_space<vmem>>) semaphore(%arg22 : memref<!tpu.dma_semaphore, #tpu.memory_space<semaphore_mem>>)
        } else {
        }
        %eq3A_411 = arith.constant 1 : i32
        %eq3A_412 = arith.cmpi eq, %arg0, %eq3A_411 : i32
        %convert_element_type3A_413 = arith.extui %eq3A_412 : i1 to i32
        %cond3A_414 = arith.constant 0 : i32
        %cond3A_415 = arith.cmpi ne, %convert_element_type3A_413, %cond3A_414 : i32
        scf.if %cond3A_415 {
          %dma_start3A_416 = arith.constant 0 : i32
          %dma_start3A_417 = tpu.memref_slice %arg7[%add3A_405, %dma_start3A_416] : memref<160x125xi32, #tpu.memory_space<vmem>> -> memref<1x125xi32, #tpu.memory_space<vmem>>
          %dma_start3A_418 = tpu.memref_squeeze %dma_start3A_417 : memref<1x125xi32, #tpu.memory_space<vmem>> -> memref<125xi32, #tpu.memory_space<vmem>>
          %dma_start3A_419 = arith.constant 0 : i32
          %dma_start3A_420 = arith.constant 0 : i32
          %dma_start3A_421 = tpu.memref_slice %arg3[%dma_start3A_419, %dma_start3A_420] : memref<10000x32xf32, #tpu.memory_space<hbm>> -> memref<10000x32xf32, #tpu.memory_space<hbm>>
          tpu.enqueue_indirect_dma source(%dma_start3A_421 : memref<10000x32xf32, #tpu.memory_space<hbm>>) target(%arg11 : memref<125x32xf32, #tpu.memory_space<vmem>>) offsets(%dma_start3A_418 : memref<125xi32, #tpu.memory_space<vmem>>) semaphore(%arg22 : memref<!tpu.dma_semaphore, #tpu.memory_space<semaphore_mem>>)
        } else {
        }
      } else {
      }
      %mul3A_330 = arith.constant 10 : i32
      %mul3A_331 = arith.muli %scan3A_169, %mul3A_330 : i32
      %add3A_332 = arith.constant 7 : i32
      %add3A_333 = arith.addi %mul3A_331, %add3A_332 : i32
      %dma_wait3A_334 = arith.constant 0 : i32
      %dma_wait3A_335 = tpu.memref_slice %arg7[%add3A_333, %dma_wait3A_334] : memref<160x125xi32, #tpu.memory_space<vmem>> -> memref<1x125xi32, #tpu.memory_space<vmem>>
      %dma_wait3A_336 = tpu.memref_squeeze %dma_wait3A_335 : memref<1x125xi32, #tpu.memory_space<vmem>> -> memref<125xi32, #tpu.memory_space<vmem>>
      %dma_wait3A_337 = arith.constant 0 : i32
      %dma_wait3A_338 = arith.constant 0 : i32
      %dma_wait3A_339 = tpu.memref_slice %arg2[%dma_wait3A_337, %dma_wait3A_338] : memref<10000x32xf32, #tpu.memory_space<hbm>> -> memref<10000x32xf32, #tpu.memory_space<hbm>>
      tpu.wait_indirect_dma semaphore(%arg27 : memref<!tpu.dma_semaphore, #tpu.memory_space<semaphore_mem>>) src(%dma_wait3A_339 : memref<10000x32xf32, #tpu.memory_space<hbm>>) dst(%arg16 : memref<125x32xf32, #tpu.memory_space<vmem>>)
      %dma_start3A_340 = arith.constant 0 : i32
      %dma_start3A_341 = tpu.memref_slice %arg8[%add3A_333, %dma_start3A_340] : memref<160x125xi32, #tpu.memory_space<vmem>> -> memref<1x125xi32, #tpu.memory_space<vmem>>
      %dma_start3A_342 = tpu.memref_squeeze %dma_start3A_341 : memref<1x125xi32, #tpu.memory_space<vmem>> -> memref<125xi32, #tpu.memory_space<vmem>>
      %dma_start3A_343 = arith.constant 0 : i32
      %dma_start3A_344 = arith.constant 0 : i32
      %dma_start3A_345 = tpu.memref_slice %arg19[%dma_start3A_343, %dma_start3A_344] : memref<10240x32xf32, #tpu.memory_space<vmem_shared>> -> memref<10240x32xf32, #tpu.memory_space<vmem_shared>>
      tpu.enqueue_indirect_dma source(%arg16 : memref<125x32xf32, #tpu.memory_space<vmem>>) target(%dma_start3A_345 : memref<10240x32xf32, #tpu.memory_space<vmem_shared>>) offsets(%dma_start3A_342 : memref<125xi32, #tpu.memory_space<vmem>>) semaphore(%arg37 : memref<!tpu.dma_semaphore, #tpu.memory_space<semaphore_mem>>) {add = true}
      %add3A_346 = arith.constant 6 : i32
      %add3A_347 = arith.addi %add3A_333, %add3A_346 : i32
      %lt3A_348 = arith.constant 160 : i32
      %lt3A_349 = arith.cmpi slt, %add3A_347, %lt3A_348 : i32
      %convert_element_type3A_350 = arith.extui %lt3A_349 : i1 to i32
      %cond3A_351 = arith.constant 0 : i32
      %cond3A_352 = arith.cmpi ne, %convert_element_type3A_350, %cond3A_351 : i32
      scf.if %cond3A_352 {
        %ge3A = arith.constant 4 : i32
        %ge3A_400 = arith.cmpi sge, %add3A_333, %ge3A : i32
        %convert_element_type3A_401 = arith.extui %ge3A_400 : i1 to i32
        %cond3A_402 = arith.constant 0 : i32
        %cond3A_403 = arith.cmpi ne, %convert_element_type3A_401, %cond3A_402 : i32
        scf.if %cond3A_403 {
          %sub3A = arith.constant 4 : i32
          %sub3A_416 = arith.subi %add3A_333, %sub3A : i32
          %dma_wait3A_417 = arith.constant 0 : i32
          %dma_wait3A_418 = tpu.memref_slice %arg8[%sub3A_416, %dma_wait3A_417] : memref<160x125xi32, #tpu.memory_space<vmem>> -> memref<1x125xi32, #tpu.memory_space<vmem>>
          %dma_wait3A_419 = tpu.memref_squeeze %dma_wait3A_418 : memref<1x125xi32, #tpu.memory_space<vmem>> -> memref<125xi32, #tpu.memory_space<vmem>>
          %dma_wait3A_420 = arith.constant 0 : i32
          %dma_wait3A_421 = arith.constant 0 : i32
          %dma_wait3A_422 = tpu.memref_slice %arg19[%dma_wait3A_420, %dma_wait3A_421] : memref<10240x32xf32, #tpu.memory_space<vmem_shared>> -> memref<10240x32xf32, #tpu.memory_space<vmem_shared>>
          tpu.wait_indirect_dma semaphore(%arg33 : memref<!tpu.dma_semaphore, #tpu.memory_space<semaphore_mem>>) src(%arg12 : memref<125x32xf32, #tpu.memory_space<vmem>>) dst(%dma_wait3A_422 : memref<10240x32xf32, #tpu.memory_space<vmem_shared>>)
        } else {
        }
        %add3A_404 = arith.constant 6 : i32
        %add3A_405 = arith.addi %add3A_333, %add3A_404 : i32
        %eq3A_406 = arith.constant 0 : i32
        %eq3A_407 = arith.cmpi eq, %arg0, %eq3A_406 : i32
        %convert_element_type3A_408 = arith.extui %eq3A_407 : i1 to i32
        %cond3A_409 = arith.constant 0 : i32
        %cond3A_410 = arith.cmpi ne, %convert_element_type3A_408, %cond3A_409 : i32
        scf.if %cond3A_410 {
          %dma_start3A_416 = arith.constant 0 : i32
          %dma_start3A_417 = tpu.memref_slice %arg7[%add3A_405, %dma_start3A_416] : memref<160x125xi32, #tpu.memory_space<vmem>> -> memref<1x125xi32, #tpu.memory_space<vmem>>
          %dma_start3A_418 = tpu.memref_squeeze %dma_start3A_417 : memref<1x125xi32, #tpu.memory_space<vmem>> -> memref<125xi32, #tpu.memory_space<vmem>>
          %dma_start3A_419 = arith.constant 0 : i32
          %dma_start3A_420 = arith.constant 0 : i32
          %dma_start3A_421 = tpu.memref_slice %arg2[%dma_start3A_419, %dma_start3A_420] : memref<10000x32xf32, #tpu.memory_space<hbm>> -> memref<10000x32xf32, #tpu.memory_space<hbm>>
          tpu.enqueue_indirect_dma source(%dma_start3A_421 : memref<10000x32xf32, #tpu.memory_space<hbm>>) target(%arg12 : memref<125x32xf32, #tpu.memory_space<vmem>>) offsets(%dma_start3A_418 : memref<125xi32, #tpu.memory_space<vmem>>) semaphore(%arg23 : memref<!tpu.dma_semaphore, #tpu.memory_space<semaphore_mem>>)
        } else {
        }
        %eq3A_411 = arith.constant 1 : i32
        %eq3A_412 = arith.cmpi eq, %arg0, %eq3A_411 : i32
        %convert_element_type3A_413 = arith.extui %eq3A_412 : i1 to i32
        %cond3A_414 = arith.constant 0 : i32
        %cond3A_415 = arith.cmpi ne, %convert_element_type3A_413, %cond3A_414 : i32
        scf.if %cond3A_415 {
          %dma_start3A_416 = arith.constant 0 : i32
          %dma_start3A_417 = tpu.memref_slice %arg7[%add3A_405, %dma_start3A_416] : memref<160x125xi32, #tpu.memory_space<vmem>> -> memref<1x125xi32, #tpu.memory_space<vmem>>
          %dma_start3A_418 = tpu.memref_squeeze %dma_start3A_417 : memref<1x125xi32, #tpu.memory_space<vmem>> -> memref<125xi32, #tpu.memory_space<vmem>>
          %dma_start3A_419 = arith.constant 0 : i32
          %dma_start3A_420 = arith.constant 0 : i32
          %dma_start3A_421 = tpu.memref_slice %arg3[%dma_start3A_419, %dma_start3A_420] : memref<10000x32xf32, #tpu.memory_space<hbm>> -> memref<10000x32xf32, #tpu.memory_space<hbm>>
          tpu.enqueue_indirect_dma source(%dma_start3A_421 : memref<10000x32xf32, #tpu.memory_space<hbm>>) target(%arg12 : memref<125x32xf32, #tpu.memory_space<vmem>>) offsets(%dma_start3A_418 : memref<125xi32, #tpu.memory_space<vmem>>) semaphore(%arg23 : memref<!tpu.dma_semaphore, #tpu.memory_space<semaphore_mem>>)
        } else {
        }
      } else {
      }
      %mul3A_353 = arith.constant 10 : i32
      %mul3A_354 = arith.muli %scan3A_169, %mul3A_353 : i32
      %add3A_355 = arith.constant 8 : i32
      %add3A_356 = arith.addi %mul3A_354, %add3A_355 : i32
      %dma_wait3A_357 = arith.constant 0 : i32
      %dma_wait3A_358 = tpu.memref_slice %arg7[%add3A_356, %dma_wait3A_357] : memref<160x125xi32, #tpu.memory_space<vmem>> -> memref<1x125xi32, #tpu.memory_space<vmem>>
      %dma_wait3A_359 = tpu.memref_squeeze %dma_wait3A_358 : memref<1x125xi32, #tpu.memory_space<vmem>> -> memref<125xi32, #tpu.memory_space<vmem>>
      %dma_wait3A_360 = arith.constant 0 : i32
      %dma_wait3A_361 = arith.constant 0 : i32
      %dma_wait3A_362 = tpu.memref_slice %arg2[%dma_wait3A_360, %dma_wait3A_361] : memref<10000x32xf32, #tpu.memory_space<hbm>> -> memref<10000x32xf32, #tpu.memory_space<hbm>>
      tpu.wait_indirect_dma semaphore(%arg28 : memref<!tpu.dma_semaphore, #tpu.memory_space<semaphore_mem>>) src(%dma_wait3A_362 : memref<10000x32xf32, #tpu.memory_space<hbm>>) dst(%arg17 : memref<125x32xf32, #tpu.memory_space<vmem>>)
      %dma_start3A_363 = arith.constant 0 : i32
      %dma_start3A_364 = tpu.memref_slice %arg8[%add3A_356, %dma_start3A_363] : memref<160x125xi32, #tpu.memory_space<vmem>> -> memref<1x125xi32, #tpu.memory_space<vmem>>
      %dma_start3A_365 = tpu.memref_squeeze %dma_start3A_364 : memref<1x125xi32, #tpu.memory_space<vmem>> -> memref<125xi32, #tpu.memory_space<vmem>>
      %dma_start3A_366 = arith.constant 0 : i32
      %dma_start3A_367 = arith.constant 0 : i32
      %dma_start3A_368 = tpu.memref_slice %arg19[%dma_start3A_366, %dma_start3A_367] : memref<10240x32xf32, #tpu.memory_space<vmem_shared>> -> memref<10240x32xf32, #tpu.memory_space<vmem_shared>>
      tpu.enqueue_indirect_dma source(%arg17 : memref<125x32xf32, #tpu.memory_space<vmem>>) target(%dma_start3A_368 : memref<10240x32xf32, #tpu.memory_space<vmem_shared>>) offsets(%dma_start3A_365 : memref<125xi32, #tpu.memory_space<vmem>>) semaphore(%arg38 : memref<!tpu.dma_semaphore, #tpu.memory_space<semaphore_mem>>) {add = true}
      %add3A_369 = arith.constant 6 : i32
      %add3A_370 = arith.addi %add3A_356, %add3A_369 : i32
      %lt3A_371 = arith.constant 160 : i32
      %lt3A_372 = arith.cmpi slt, %add3A_370, %lt3A_371 : i32
      %convert_element_type3A_373 = arith.extui %lt3A_372 : i1 to i32
      %cond3A_374 = arith.constant 0 : i32
      %cond3A_375 = arith.cmpi ne, %convert_element_type3A_373, %cond3A_374 : i32
      scf.if %cond3A_375 {
        %ge3A = arith.constant 4 : i32
        %ge3A_400 = arith.cmpi sge, %add3A_356, %ge3A : i32
        %convert_element_type3A_401 = arith.extui %ge3A_400 : i1 to i32
        %cond3A_402 = arith.constant 0 : i32
        %cond3A_403 = arith.cmpi ne, %convert_element_type3A_401, %cond3A_402 : i32
        scf.if %cond3A_403 {
          %sub3A = arith.constant 4 : i32
          %sub3A_416 = arith.subi %add3A_356, %sub3A : i32
          %dma_wait3A_417 = arith.constant 0 : i32
          %dma_wait3A_418 = tpu.memref_slice %arg8[%sub3A_416, %dma_wait3A_417] : memref<160x125xi32, #tpu.memory_space<vmem>> -> memref<1x125xi32, #tpu.memory_space<vmem>>
          %dma_wait3A_419 = tpu.memref_squeeze %dma_wait3A_418 : memref<1x125xi32, #tpu.memory_space<vmem>> -> memref<125xi32, #tpu.memory_space<vmem>>
          %dma_wait3A_420 = arith.constant 0 : i32
          %dma_wait3A_421 = arith.constant 0 : i32
          %dma_wait3A_422 = tpu.memref_slice %arg19[%dma_wait3A_420, %dma_wait3A_421] : memref<10240x32xf32, #tpu.memory_space<vmem_shared>> -> memref<10240x32xf32, #tpu.memory_space<vmem_shared>>
          tpu.wait_indirect_dma semaphore(%arg34 : memref<!tpu.dma_semaphore, #tpu.memory_space<semaphore_mem>>) src(%arg13 : memref<125x32xf32, #tpu.memory_space<vmem>>) dst(%dma_wait3A_422 : memref<10240x32xf32, #tpu.memory_space<vmem_shared>>)
        } else {
        }
        %add3A_404 = arith.constant 6 : i32
        %add3A_405 = arith.addi %add3A_356, %add3A_404 : i32
        %eq3A_406 = arith.constant 0 : i32
        %eq3A_407 = arith.cmpi eq, %arg0, %eq3A_406 : i32
        %convert_element_type3A_408 = arith.extui %eq3A_407 : i1 to i32
        %cond3A_409 = arith.constant 0 : i32
        %cond3A_410 = arith.cmpi ne, %convert_element_type3A_408, %cond3A_409 : i32
        scf.if %cond3A_410 {
          %dma_start3A_416 = arith.constant 0 : i32
          %dma_start3A_417 = tpu.memref_slice %arg7[%add3A_405, %dma_start3A_416] : memref<160x125xi32, #tpu.memory_space<vmem>> -> memref<1x125xi32, #tpu.memory_space<vmem>>
          %dma_start3A_418 = tpu.memref_squeeze %dma_start3A_417 : memref<1x125xi32, #tpu.memory_space<vmem>> -> memref<125xi32, #tpu.memory_space<vmem>>
          %dma_start3A_419 = arith.constant 0 : i32
          %dma_start3A_420 = arith.constant 0 : i32
          %dma_start3A_421 = tpu.memref_slice %arg2[%dma_start3A_419, %dma_start3A_420] : memref<10000x32xf32, #tpu.memory_space<hbm>> -> memref<10000x32xf32, #tpu.memory_space<hbm>>
          tpu.enqueue_indirect_dma source(%dma_start3A_421 : memref<10000x32xf32, #tpu.memory_space<hbm>>) target(%arg13 : memref<125x32xf32, #tpu.memory_space<vmem>>) offsets(%dma_start3A_418 : memref<125xi32, #tpu.memory_space<vmem>>) semaphore(%arg24 : memref<!tpu.dma_semaphore, #tpu.memory_space<semaphore_mem>>)
        } else {
        }
        %eq3A_411 = arith.constant 1 : i32
        %eq3A_412 = arith.cmpi eq, %arg0, %eq3A_411 : i32
        %convert_element_type3A_413 = arith.extui %eq3A_412 : i1 to i32
        %cond3A_414 = arith.constant 0 : i32
        %cond3A_415 = arith.cmpi ne, %convert_element_type3A_413, %cond3A_414 : i32
        scf.if %cond3A_415 {
          %dma_start3A_416 = arith.constant 0 : i32
          %dma_start3A_417 = tpu.memref_slice %arg7[%add3A_405, %dma_start3A_416] : memref<160x125xi32, #tpu.memory_space<vmem>> -> memref<1x125xi32, #tpu.memory_space<vmem>>
          %dma_start3A_418 = tpu.memref_squeeze %dma_start3A_417 : memref<1x125xi32, #tpu.memory_space<vmem>> -> memref<125xi32, #tpu.memory_space<vmem>>
          %dma_start3A_419 = arith.constant 0 : i32
          %dma_start3A_420 = arith.constant 0 : i32
          %dma_start3A_421 = tpu.memref_slice %arg3[%dma_start3A_419, %dma_start3A_420] : memref<10000x32xf32, #tpu.memory_space<hbm>> -> memref<10000x32xf32, #tpu.memory_space<hbm>>
          tpu.enqueue_indirect_dma source(%dma_start3A_421 : memref<10000x32xf32, #tpu.memory_space<hbm>>) target(%arg13 : memref<125x32xf32, #tpu.memory_space<vmem>>) offsets(%dma_start3A_418 : memref<125xi32, #tpu.memory_space<vmem>>) semaphore(%arg24 : memref<!tpu.dma_semaphore, #tpu.memory_space<semaphore_mem>>)
        } else {
        }
      } else {
      }
      %mul3A_376 = arith.constant 10 : i32
      %mul3A_377 = arith.muli %scan3A_169, %mul3A_376 : i32
      %add3A_378 = arith.constant 9 : i32
      %add3A_379 = arith.addi %mul3A_377, %add3A_378 : i32
      %dma_wait3A_380 = arith.constant 0 : i32
      %dma_wait3A_381 = tpu.memref_slice %arg7[%add3A_379, %dma_wait3A_380] : memref<160x125xi32, #tpu.memory_space<vmem>> -> memref<1x125xi32, #tpu.memory_space<vmem>>
      %dma_wait3A_382 = tpu.memref_squeeze %dma_wait3A_381 : memref<1x125xi32, #tpu.memory_space<vmem>> -> memref<125xi32, #tpu.memory_space<vmem>>
      %dma_wait3A_383 = arith.constant 0 : i32
      %dma_wait3A_384 = arith.constant 0 : i32
      %dma_wait3A_385 = tpu.memref_slice %arg2[%dma_wait3A_383, %dma_wait3A_384] : memref<10000x32xf32, #tpu.memory_space<hbm>> -> memref<10000x32xf32, #tpu.memory_space<hbm>>
      tpu.wait_indirect_dma semaphore(%arg29 : memref<!tpu.dma_semaphore, #tpu.memory_space<semaphore_mem>>) src(%dma_wait3A_385 : memref<10000x32xf32, #tpu.memory_space<hbm>>) dst(%arg18 : memref<125x32xf32, #tpu.memory_space<vmem>>)
      %dma_start3A_386 = arith.constant 0 : i32
      %dma_start3A_387 = tpu.memref_slice %arg8[%add3A_379, %dma_start3A_386] : memref<160x125xi32, #tpu.memory_space<vmem>> -> memref<1x125xi32, #tpu.memory_space<vmem>>
      %dma_start3A_388 = tpu.memref_squeeze %dma_start3A_387 : memref<1x125xi32, #tpu.memory_space<vmem>> -> memref<125xi32, #tpu.memory_space<vmem>>
      %dma_start3A_389 = arith.constant 0 : i32
      %dma_start3A_390 = arith.constant 0 : i32
      %dma_start3A_391 = tpu.memref_slice %arg19[%dma_start3A_389, %dma_start3A_390] : memref<10240x32xf32, #tpu.memory_space<vmem_shared>> -> memref<10240x32xf32, #tpu.memory_space<vmem_shared>>
      tpu.enqueue_indirect_dma source(%arg18 : memref<125x32xf32, #tpu.memory_space<vmem>>) target(%dma_start3A_391 : memref<10240x32xf32, #tpu.memory_space<vmem_shared>>) offsets(%dma_start3A_388 : memref<125xi32, #tpu.memory_space<vmem>>) semaphore(%arg39 : memref<!tpu.dma_semaphore, #tpu.memory_space<semaphore_mem>>) {add = true}
      %add3A_392 = arith.constant 6 : i32
      %add3A_393 = arith.addi %add3A_379, %add3A_392 : i32
      %lt3A_394 = arith.constant 160 : i32
      %lt3A_395 = arith.cmpi slt, %add3A_393, %lt3A_394 : i32
      %convert_element_type3A_396 = arith.extui %lt3A_395 : i1 to i32
      %cond3A_397 = arith.constant 0 : i32
      %cond3A_398 = arith.cmpi ne, %convert_element_type3A_396, %cond3A_397 : i32
      scf.if %cond3A_398 {
        %ge3A = arith.constant 4 : i32
        %ge3A_400 = arith.cmpi sge, %add3A_379, %ge3A : i32
        %convert_element_type3A_401 = arith.extui %ge3A_400 : i1 to i32
        %cond3A_402 = arith.constant 0 : i32
        %cond3A_403 = arith.cmpi ne, %convert_element_type3A_401, %cond3A_402 : i32
        scf.if %cond3A_403 {
          %sub3A = arith.constant 4 : i32
          %sub3A_416 = arith.subi %add3A_379, %sub3A : i32
          %dma_wait3A_417 = arith.constant 0 : i32
          %dma_wait3A_418 = tpu.memref_slice %arg8[%sub3A_416, %dma_wait3A_417] : memref<160x125xi32, #tpu.memory_space<vmem>> -> memref<1x125xi32, #tpu.memory_space<vmem>>
          %dma_wait3A_419 = tpu.memref_squeeze %dma_wait3A_418 : memref<1x125xi32, #tpu.memory_space<vmem>> -> memref<125xi32, #tpu.memory_space<vmem>>
          %dma_wait3A_420 = arith.constant 0 : i32
          %dma_wait3A_421 = arith.constant 0 : i32
          %dma_wait3A_422 = tpu.memref_slice %arg19[%dma_wait3A_420, %dma_wait3A_421] : memref<10240x32xf32, #tpu.memory_space<vmem_shared>> -> memref<10240x32xf32, #tpu.memory_space<vmem_shared>>
          tpu.wait_indirect_dma semaphore(%arg35 : memref<!tpu.dma_semaphore, #tpu.memory_space<semaphore_mem>>) src(%arg14 : memref<125x32xf32, #tpu.memory_space<vmem>>) dst(%dma_wait3A_422 : memref<10240x32xf32, #tpu.memory_space<vmem_shared>>)
        } else {
        }
        %add3A_404 = arith.constant 6 : i32
        %add3A_405 = arith.addi %add3A_379, %add3A_404 : i32
        %eq3A_406 = arith.constant 0 : i32
        %eq3A_407 = arith.cmpi eq, %arg0, %eq3A_406 : i32
        %convert_element_type3A_408 = arith.extui %eq3A_407 : i1 to i32
        %cond3A_409 = arith.constant 0 : i32
        %cond3A_410 = arith.cmpi ne, %convert_element_type3A_408, %cond3A_409 : i32
        scf.if %cond3A_410 {
          %dma_start3A_416 = arith.constant 0 : i32
          %dma_start3A_417 = tpu.memref_slice %arg7[%add3A_405, %dma_start3A_416] : memref<160x125xi32, #tpu.memory_space<vmem>> -> memref<1x125xi32, #tpu.memory_space<vmem>>
          %dma_start3A_418 = tpu.memref_squeeze %dma_start3A_417 : memref<1x125xi32, #tpu.memory_space<vmem>> -> memref<125xi32, #tpu.memory_space<vmem>>
          %dma_start3A_419 = arith.constant 0 : i32
          %dma_start3A_420 = arith.constant 0 : i32
          %dma_start3A_421 = tpu.memref_slice %arg2[%dma_start3A_419, %dma_start3A_420] : memref<10000x32xf32, #tpu.memory_space<hbm>> -> memref<10000x32xf32, #tpu.memory_space<hbm>>
          tpu.enqueue_indirect_dma source(%dma_start3A_421 : memref<10000x32xf32, #tpu.memory_space<hbm>>) target(%arg14 : memref<125x32xf32, #tpu.memory_space<vmem>>) offsets(%dma_start3A_418 : memref<125xi32, #tpu.memory_space<vmem>>) semaphore(%arg25 : memref<!tpu.dma_semaphore, #tpu.memory_space<semaphore_mem>>)
        } else {
        }
        %eq3A_411 = arith.constant 1 : i32
        %eq3A_412 = arith.cmpi eq, %arg0, %eq3A_411 : i32
        %convert_element_type3A_413 = arith.extui %eq3A_412 : i1 to i32
        %cond3A_414 = arith.constant 0 : i32
        %cond3A_415 = arith.cmpi ne, %convert_element_type3A_413, %cond3A_414 : i32
        scf.if %cond3A_415 {
          %dma_start3A_416 = arith.constant 0 : i32
          %dma_start3A_417 = tpu.memref_slice %arg7[%add3A_405, %dma_start3A_416] : memref<160x125xi32, #tpu.memory_space<vmem>> -> memref<1x125xi32, #tpu.memory_space<vmem>>
          %dma_start3A_418 = tpu.memref_squeeze %dma_start3A_417 : memref<1x125xi32, #tpu.memory_space<vmem>> -> memref<125xi32, #tpu.memory_space<vmem>>
          %dma_start3A_419 = arith.constant 0 : i32
          %dma_start3A_420 = arith.constant 0 : i32
          %dma_start3A_421 = tpu.memref_slice %arg3[%dma_start3A_419, %dma_start3A_420] : memref<10000x32xf32, #tpu.memory_space<hbm>> -> memref<10000x32xf32, #tpu.memory_space<hbm>>
          tpu.enqueue_indirect_dma source(%dma_start3A_421 : memref<10000x32xf32, #tpu.memory_space<hbm>>) target(%arg14 : memref<125x32xf32, #tpu.memory_space<vmem>>) offsets(%dma_start3A_418 : memref<125xi32, #tpu.memory_space<vmem>>) semaphore(%arg25 : memref<!tpu.dma_semaphore, #tpu.memory_space<semaphore_mem>>)
        } else {
        }
      } else {
      }
      %scan3A_399 = arith.constant 0 : i32
      scf.yield %scan3A_399 : i32
    }
    %scan3A_95 = arith.constant 16 : i32
    %dma_wait3A = arith.constant 0 : i32
    %dma_wait3A_96 = arith.constant 0 : i32
    %dma_wait3A_97 = tpu.memref_slice %arg8[%dma_wait3A, %dma_wait3A_96] : memref<160x125xi32, #tpu.memory_space<vmem>> -> memref<1x125xi32, #tpu.memory_space<vmem>>
    %dma_wait3A_98 = tpu.memref_squeeze %dma_wait3A_97 : memref<1x125xi32, #tpu.memory_space<vmem>> -> memref<125xi32, #tpu.memory_space<vmem>>
    %dma_wait3A_99 = arith.constant 0 : i32
    %dma_wait3A_100 = arith.constant 0 : i32
    %dma_wait3A_101 = tpu.memref_slice %arg19[%dma_wait3A_99, %dma_wait3A_100] : memref<10240x32xf32, #tpu.memory_space<vmem_shared>> -> memref<10240x32xf32, #tpu.memory_space<vmem_shared>>
    tpu.wait_indirect_dma semaphore(%arg30 : memref<!tpu.dma_semaphore, #tpu.memory_space<semaphore_mem>>) src(%arg9 : memref<125x32xf32, #tpu.memory_space<vmem>>) dst(%dma_wait3A_101 : memref<10240x32xf32, #tpu.memory_space<vmem_shared>>)
    %dma_wait3A_102 = arith.constant 0 : i32
    %dma_wait3A_103 = arith.constant 0 : i32
    %dma_wait3A_104 = tpu.memref_slice %arg8[%dma_wait3A_102, %dma_wait3A_103] : memref<160x125xi32, #tpu.memory_space<vmem>> -> memref<1x125xi32, #tpu.memory_space<vmem>>
    %dma_wait3A_105 = tpu.memref_squeeze %dma_wait3A_104 : memref<1x125xi32, #tpu.memory_space<vmem>> -> memref<125xi32, #tpu.memory_space<vmem>>
    %dma_wait3A_106 = arith.constant 0 : i32
    %dma_wait3A_107 = arith.constant 0 : i32
    %dma_wait3A_108 = tpu.memref_slice %arg19[%dma_wait3A_106, %dma_wait3A_107] : memref<10240x32xf32, #tpu.memory_space<vmem_shared>> -> memref<10240x32xf32, #tpu.memory_space<vmem_shared>>
    tpu.wait_indirect_dma semaphore(%arg31 : memref<!tpu.dma_semaphore, #tpu.memory_space<semaphore_mem>>) src(%arg10 : memref<125x32xf32, #tpu.memory_space<vmem>>) dst(%dma_wait3A_108 : memref<10240x32xf32, #tpu.memory_space<vmem_shared>>)
    %dma_wait3A_109 = arith.constant 0 : i32
    %dma_wait3A_110 = arith.constant 0 : i32
    %dma_wait3A_111 = tpu.memref_slice %arg8[%dma_wait3A_109, %dma_wait3A_110] : memref<160x125xi32, #tpu.memory_space<vmem>> -> memref<1x125xi32, #tpu.memory_space<vmem>>
    %dma_wait3A_112 = tpu.memref_squeeze %dma_wait3A_111 : memref<1x125xi32, #tpu.memory_space<vmem>> -> memref<125xi32, #tpu.memory_space<vmem>>
    %dma_wait3A_113 = arith.constant 0 : i32
    %dma_wait3A_114 = arith.constant 0 : i32
    %dma_wait3A_115 = tpu.memref_slice %arg19[%dma_wait3A_113, %dma_wait3A_114] : memref<10240x32xf32, #tpu.memory_space<vmem_shared>> -> memref<10240x32xf32, #tpu.memory_space<vmem_shared>>
    tpu.wait_indirect_dma semaphore(%arg32 : memref<!tpu.dma_semaphore, #tpu.memory_space<semaphore_mem>>) src(%arg11 : memref<125x32xf32, #tpu.memory_space<vmem>>) dst(%dma_wait3A_115 : memref<10240x32xf32, #tpu.memory_space<vmem_shared>>)
    %dma_wait3A_116 = arith.constant 0 : i32
    %dma_wait3A_117 = arith.constant 0 : i32
    %dma_wait3A_118 = tpu.memref_slice %arg8[%dma_wait3A_116, %dma_wait3A_117] : memref<160x125xi32, #tpu.memory_space<vmem>> -> memref<1x125xi32, #tpu.memory_space<vmem>>
    %dma_wait3A_119 = tpu.memref_squeeze %dma_wait3A_118 : memref<1x125xi32, #tpu.memory_space<vmem>> -> memref<125xi32, #tpu.memory_space<vmem>>
    %dma_wait3A_120 = arith.constant 0 : i32
    %dma_wait3A_121 = arith.constant 0 : i32
    %dma_wait3A_122 = tpu.memref_slice %arg19[%dma_wait3A_120, %dma_wait3A_121] : memref<10240x32xf32, #tpu.memory_space<vmem_shared>> -> memref<10240x32xf32, #tpu.memory_space<vmem_shared>>
    tpu.wait_indirect_dma semaphore(%arg33 : memref<!tpu.dma_semaphore, #tpu.memory_space<semaphore_mem>>) src(%arg12 : memref<125x32xf32, #tpu.memory_space<vmem>>) dst(%dma_wait3A_122 : memref<10240x32xf32, #tpu.memory_space<vmem_shared>>)
    %dma_wait3A_123 = arith.constant 0 : i32
    %dma_wait3A_124 = arith.constant 0 : i32
    %dma_wait3A_125 = tpu.memref_slice %arg8[%dma_wait3A_123, %dma_wait3A_124] : memref<160x125xi32, #tpu.memory_space<vmem>> -> memref<1x125xi32, #tpu.memory_space<vmem>>
    %dma_wait3A_126 = tpu.memref_squeeze %dma_wait3A_125 : memref<1x125xi32, #tpu.memory_space<vmem>> -> memref<125xi32, #tpu.memory_space<vmem>>
    %dma_wait3A_127 = arith.constant 0 : i32
    %dma_wait3A_128 = arith.constant 0 : i32
    %dma_wait3A_129 = tpu.memref_slice %arg19[%dma_wait3A_127, %dma_wait3A_128] : memref<10240x32xf32, #tpu.memory_space<vmem_shared>> -> memref<10240x32xf32, #tpu.memory_space<vmem_shared>>
    tpu.wait_indirect_dma semaphore(%arg34 : memref<!tpu.dma_semaphore, #tpu.memory_space<semaphore_mem>>) src(%arg13 : memref<125x32xf32, #tpu.memory_space<vmem>>) dst(%dma_wait3A_129 : memref<10240x32xf32, #tpu.memory_space<vmem_shared>>)
    %dma_wait3A_130 = arith.constant 0 : i32
    %dma_wait3A_131 = arith.constant 0 : i32
    %dma_wait3A_132 = tpu.memref_slice %arg8[%dma_wait3A_130, %dma_wait3A_131] : memref<160x125xi32, #tpu.memory_space<vmem>> -> memref<1x125xi32, #tpu.memory_space<vmem>>
    %dma_wait3A_133 = tpu.memref_squeeze %dma_wait3A_132 : memref<1x125xi32, #tpu.memory_space<vmem>> -> memref<125xi32, #tpu.memory_space<vmem>>
    %dma_wait3A_134 = arith.constant 0 : i32
    %dma_wait3A_135 = arith.constant 0 : i32
    %dma_wait3A_136 = tpu.memref_slice %arg19[%dma_wait3A_134, %dma_wait3A_135] : memref<10240x32xf32, #tpu.memory_space<vmem_shared>> -> memref<10240x32xf32, #tpu.memory_space<vmem_shared>>
    tpu.wait_indirect_dma semaphore(%arg35 : memref<!tpu.dma_semaphore, #tpu.memory_space<semaphore_mem>>) src(%arg14 : memref<125x32xf32, #tpu.memory_space<vmem>>) dst(%dma_wait3A_136 : memref<10240x32xf32, #tpu.memory_space<vmem_shared>>)
    %dma_wait3A_137 = arith.constant 0 : i32
    %dma_wait3A_138 = arith.constant 0 : i32
    %dma_wait3A_139 = tpu.memref_slice %arg8[%dma_wait3A_137, %dma_wait3A_138] : memref<160x125xi32, #tpu.memory_space<vmem>> -> memref<1x125xi32, #tpu.memory_space<vmem>>
    %dma_wait3A_140 = tpu.memref_squeeze %dma_wait3A_139 : memref<1x125xi32, #tpu.memory_space<vmem>> -> memref<125xi32, #tpu.memory_space<vmem>>
    %dma_wait3A_141 = arith.constant 0 : i32
    %dma_wait3A_142 = arith.constant 0 : i32
    %dma_wait3A_143 = tpu.memref_slice %arg19[%dma_wait3A_141, %dma_wait3A_142] : memref<10240x32xf32, #tpu.memory_space<vmem_shared>> -> memref<10240x32xf32, #tpu.memory_space<vmem_shared>>
    tpu.wait_indirect_dma semaphore(%arg36 : memref<!tpu.dma_semaphore, #tpu.memory_space<semaphore_mem>>) src(%arg15 : memref<125x32xf32, #tpu.memory_space<vmem>>) dst(%dma_wait3A_143 : memref<10240x32xf32, #tpu.memory_space<vmem_shared>>)
    %dma_wait3A_144 = arith.constant 0 : i32
    %dma_wait3A_145 = arith.constant 0 : i32
    %dma_wait3A_146 = tpu.memref_slice %arg8[%dma_wait3A_144, %dma_wait3A_145] : memref<160x125xi32, #tpu.memory_space<vmem>> -> memref<1x125xi32, #tpu.memory_space<vmem>>
    %dma_wait3A_147 = tpu.memref_squeeze %dma_wait3A_146 : memref<1x125xi32, #tpu.memory_space<vmem>> -> memref<125xi32, #tpu.memory_space<vmem>>
    %dma_wait3A_148 = arith.constant 0 : i32
    %dma_wait3A_149 = arith.constant 0 : i32
    %dma_wait3A_150 = tpu.memref_slice %arg19[%dma_wait3A_148, %dma_wait3A_149] : memref<10240x32xf32, #tpu.memory_space<vmem_shared>> -> memref<10240x32xf32, #tpu.memory_space<vmem_shared>>
    tpu.wait_indirect_dma semaphore(%arg37 : memref<!tpu.dma_semaphore, #tpu.memory_space<semaphore_mem>>) src(%arg16 : memref<125x32xf32, #tpu.memory_space<vmem>>) dst(%dma_wait3A_150 : memref<10240x32xf32, #tpu.memory_space<vmem_shared>>)
    %dma_wait3A_151 = arith.constant 0 : i32
    %dma_wait3A_152 = arith.constant 0 : i32
    %dma_wait3A_153 = tpu.memref_slice %arg8[%dma_wait3A_151, %dma_wait3A_152] : memref<160x125xi32, #tpu.memory_space<vmem>> -> memref<1x125xi32, #tpu.memory_space<vmem>>
    %dma_wait3A_154 = tpu.memref_squeeze %dma_wait3A_153 : memref<1x125xi32, #tpu.memory_space<vmem>> -> memref<125xi32, #tpu.memory_space<vmem>>
    %dma_wait3A_155 = arith.constant 0 : i32
    %dma_wait3A_156 = arith.constant 0 : i32
    %dma_wait3A_157 = tpu.memref_slice %arg19[%dma_wait3A_155, %dma_wait3A_156] : memref<10240x32xf32, #tpu.memory_space<vmem_shared>> -> memref<10240x32xf32, #tpu.memory_space<vmem_shared>>
    tpu.wait_indirect_dma semaphore(%arg38 : memref<!tpu.dma_semaphore, #tpu.memory_space<semaphore_mem>>) src(%arg17 : memref<125x32xf32, #tpu.memory_space<vmem>>) dst(%dma_wait3A_157 : memref<10240x32xf32, #tpu.memory_space<vmem_shared>>)
    %dma_wait3A_158 = arith.constant 0 : i32
    %dma_wait3A_159 = arith.constant 0 : i32
    %dma_wait3A_160 = tpu.memref_slice %arg8[%dma_wait3A_158, %dma_wait3A_159] : memref<160x125xi32, #tpu.memory_space<vmem>> -> memref<1x125xi32, #tpu.memory_space<vmem>>
    %dma_wait3A_161 = tpu.memref_squeeze %dma_wait3A_160 : memref<1x125xi32, #tpu.memory_space<vmem>> -> memref<125xi32, #tpu.memory_space<vmem>>
    %dma_wait3A_162 = arith.constant 0 : i32
    %dma_wait3A_163 = arith.constant 0 : i32
    %dma_wait3A_164 = tpu.memref_slice %arg19[%dma_wait3A_162, %dma_wait3A_163] : memref<10240x32xf32, #tpu.memory_space<vmem_shared>> -> memref<10240x32xf32, #tpu.memory_space<vmem_shared>>
    tpu.wait_indirect_dma semaphore(%arg39 : memref<!tpu.dma_semaphore, #tpu.memory_space<semaphore_mem>>) src(%arg18 : memref<125x32xf32, #tpu.memory_space<vmem>>) dst(%dma_wait3A_164 : memref<10240x32xf32, #tpu.memory_space<vmem_shared>>)
    %barrier3A_165 = arith.constant 0 : index
    tpu.barrier barrier_id(%barrier3A_165)
    %mul3A_166 = arith.constant 10240 : i32
    %mul3A_167 = arith.muli %arg0, %mul3A_166 : i32
    %add3A_168 = arith.addi %mul3A_167, %mul3A_0 : i32
    "tpu.region"() ({
      %run_scoped3A = tpu.sem_alloc : memref<!tpu.dma_semaphore, #tpu.memory_space<semaphore_mem>>
      %dma_start3A = arith.constant 0 : i32
      %dma_start3A_169 = tpu.memref_slice %arg6[%add3A_168, %dma_start3A] : memref<20480x32xf32, #tpu.memory_space<hbm>> -> memref<640x32xf32, #tpu.memory_space<hbm>>
      %dma_start3A_170 = arith.constant 0 : i32
      %dma_start3A_171 = tpu.memref_slice %arg19[%mul3A_0, %dma_start3A_170] : memref<10240x32xf32, #tpu.memory_space<vmem_shared>> -> memref<640x32xf32, #tpu.memory_space<vmem_shared>>
      tpu.enqueue_dma source(%dma_start3A_171 : memref<640x32xf32, #tpu.memory_space<vmem_shared>>) target(%dma_start3A_169 : memref<640x32xf32, #tpu.memory_space<hbm>>) target_semaphore(%run_scoped3A : memref<!tpu.dma_semaphore, #tpu.memory_space<semaphore_mem>>)
      %dma_wait3A_172 = arith.constant 0 : i32
      %dma_wait3A_173 = tpu.memref_slice %arg6[%add3A_168, %dma_wait3A_172] : memref<20480x32xf32, #tpu.memory_space<hbm>> -> memref<640x32xf32, #tpu.memory_space<hbm>>
      %dma_wait3A_174 = arith.constant 0 : i32
      %dma_wait3A_175 = tpu.memref_slice %arg19[%mul3A_0, %dma_wait3A_174] : memref<10240x32xf32, #tpu.memory_space<vmem_shared>> -> memref<640x32xf32, #tpu.memory_space<vmem_shared>>
      tpu.wait_dma2 semaphore(%run_scoped3A : memref<!tpu.dma_semaphore, #tpu.memory_space<semaphore_mem>>) src(%dma_wait3A_175 : memref<640x32xf32, #tpu.memory_space<vmem_shared>>) dst(%dma_wait3A_173 : memref<640x32xf32, #tpu.memory_space<hbm>>)
      tpu.yield
    }) : () -> ()
    return
  }
}

#map = affine_map<(d0, d1) -> (0, 0)>
#map1 = affine_map<(d0, d1) -> (0)>
module attributes {stable_mosaic.version = 14 : i64} {
  func.func @_deg_body(%arg0: i32, %arg1: i32, %arg2: memref<2560x125xi32, #tpu.memory_space<hbm>>, %arg3: memref<2560x125xi32, #tpu.memory_space<hbm>>, %arg4: memref<40960xf32, #tpu.memory_space<hbm>>, %arg5: memref<80x125xi32, #tpu.memory_space<vmem>>, %arg6: memref<80x125xi32, #tpu.memory_space<vmem>>, %arg7: memref<125xf32, #tpu.memory_space<vmem>>, %arg8: memref<1280xf32, #tpu.memory_space<vmem>>, %arg9: memref<10240xf32, #tpu.memory_space<vmem_shared>>, %arg10: memref<10240xf32, #tpu.memory_space<vmem_shared>>, %arg11: memref<!tpu.dma_semaphore, #tpu.memory_space<semaphore_mem>>, %arg12: memref<!tpu.dma_semaphore, #tpu.memory_space<semaphore_mem>>, %arg13: memref<!tpu.dma_semaphore, #tpu.memory_space<semaphore_mem>>, %arg14: memref<!tpu.dma_semaphore, #tpu.memory_space<semaphore_mem>>, %arg15: memref<!tpu.dma_semaphore, #tpu.memory_space<semaphore_mem>>, %arg16: memref<!tpu.dma_semaphore, #tpu.memory_space<semaphore_mem>>, %arg17: memref<!tpu.dma_semaphore, #tpu.memory_space<semaphore_mem>>, %arg18: memref<!tpu.dma_semaphore, #tpu.memory_space<semaphore_mem>>) attributes {dimension_semantics = [#tpu.dimension_semantics<core_parallel>, #tpu.dimension_semantics<subcore_parallel>], iteration_bounds = array<i64: 2, 16>, scalar_prefetch = 0 : i64, scratch_operands = 14 : i64, tpu.core_type = #tpu.core_type<sc_vector_subcore>, window_params = [{transform_indices = #map}, {transform_indices = #map}, {transform_indices = #map1}]} {
    %mul3A = arith.constant 16 : i32
    %mul3A_0 = arith.muli %arg0, %mul3A : i32
    %add3A = arith.addi %mul3A_0, %arg1 : i32
    %mul3A_1 = arith.constant 80 : i32
    %mul3A_2 = arith.muli %add3A, %mul3A_1 : i32
    "tpu.region"() ({
      %run_scoped3A = tpu.sem_alloc : memref<!tpu.dma_semaphore, #tpu.memory_space<semaphore_mem>>
      %dma_start3A_143 = arith.constant 0 : i32
      %dma_start3A_144 = tpu.memref_slice %arg2[%mul3A_2, %dma_start3A_143] : memref<2560x125xi32, #tpu.memory_space<hbm>> -> memref<80x125xi32, #tpu.memory_space<hbm>>
      %dma_start3A_145 = arith.constant 0 : i32
      %dma_start3A_146 = tpu.memref_slice %arg2[%mul3A_2, %dma_start3A_145] : memref<2560x125xi32, #tpu.memory_space<hbm>> -> memref<80x125xi32, #tpu.memory_space<hbm>>
      tpu.enqueue_dma source(%dma_start3A_146 : memref<80x125xi32, #tpu.memory_space<hbm>>) target(%arg5 : memref<80x125xi32, #tpu.memory_space<vmem>>) target_semaphore(%run_scoped3A : memref<!tpu.dma_semaphore, #tpu.memory_space<semaphore_mem>>)
      %dma_wait3A_147 = arith.constant 0 : i32
      %dma_wait3A_148 = tpu.memref_slice %arg2[%mul3A_2, %dma_wait3A_147] : memref<2560x125xi32, #tpu.memory_space<hbm>> -> memref<80x125xi32, #tpu.memory_space<hbm>>
      %dma_wait3A_149 = arith.constant 0 : i32
      %dma_wait3A_150 = tpu.memref_slice %arg2[%mul3A_2, %dma_wait3A_149] : memref<2560x125xi32, #tpu.memory_space<hbm>> -> memref<80x125xi32, #tpu.memory_space<hbm>>
      tpu.wait_dma2 semaphore(%run_scoped3A : memref<!tpu.dma_semaphore, #tpu.memory_space<semaphore_mem>>) src(%dma_wait3A_150 : memref<80x125xi32, #tpu.memory_space<hbm>>) dst(%arg5 : memref<80x125xi32, #tpu.memory_space<vmem>>)
      tpu.yield
    }) : () -> ()
    %mul3A_3 = arith.constant 80 : i32
    %mul3A_4 = arith.muli %add3A, %mul3A_3 : i32
    "tpu.region"() ({
      %run_scoped3A = tpu.sem_alloc : memref<!tpu.dma_semaphore, #tpu.memory_space<semaphore_mem>>
      %dma_start3A_143 = arith.constant 0 : i32
      %dma_start3A_144 = tpu.memref_slice %arg3[%mul3A_4, %dma_start3A_143] : memref<2560x125xi32, #tpu.memory_space<hbm>> -> memref<80x125xi32, #tpu.memory_space<hbm>>
      %dma_start3A_145 = arith.constant 0 : i32
      %dma_start3A_146 = tpu.memref_slice %arg3[%mul3A_4, %dma_start3A_145] : memref<2560x125xi32, #tpu.memory_space<hbm>> -> memref<80x125xi32, #tpu.memory_space<hbm>>
      tpu.enqueue_dma source(%dma_start3A_146 : memref<80x125xi32, #tpu.memory_space<hbm>>) target(%arg6 : memref<80x125xi32, #tpu.memory_space<vmem>>) target_semaphore(%run_scoped3A : memref<!tpu.dma_semaphore, #tpu.memory_space<semaphore_mem>>)
      %dma_wait3A_147 = arith.constant 0 : i32
      %dma_wait3A_148 = tpu.memref_slice %arg3[%mul3A_4, %dma_wait3A_147] : memref<2560x125xi32, #tpu.memory_space<hbm>> -> memref<80x125xi32, #tpu.memory_space<hbm>>
      %dma_wait3A_149 = arith.constant 0 : i32
      %dma_wait3A_150 = tpu.memref_slice %arg3[%mul3A_4, %dma_wait3A_149] : memref<2560x125xi32, #tpu.memory_space<hbm>> -> memref<80x125xi32, #tpu.memory_space<hbm>>
      tpu.wait_dma2 semaphore(%run_scoped3A : memref<!tpu.dma_semaphore, #tpu.memory_space<semaphore_mem>>) src(%dma_wait3A_150 : memref<80x125xi32, #tpu.memory_space<hbm>>) dst(%arg6 : memref<80x125xi32, #tpu.memory_space<vmem>>)
      tpu.yield
    }) : () -> ()
    %broadcast_in_dim3A = arith.constant 1.000000e+00 : f32
    %broadcast_in_dim3A_5 = vector.broadcast %broadcast_in_dim3A : f32 to vector<16xf32>
    %scan3A = arith.constant 0 : i32
    %scan3A_6 = arith.constant 0 : i32
    %scan3A_7 = arith.constant 7 : i32
    %scan3A_8 = arith.addi %scan3A_6, %scan3A_7 : i32
    %scan3A_9 = arith.constant 1 : i32
    %scan3A_10 = scf.for %scan3A_143 = %scan3A_6 to %scan3A_8 step %scan3A_9 iter_args(%scan3A_144 = %scan3A) -> (i32)  : i32 {
      %mul3A_145 = arith.constant 16 : i32
      %mul3A_146 = arith.muli %scan3A_143, %mul3A_145 : i32
      %swap3A_147 = arith.index_cast %mul3A_146 : i32 to index
      %swap3A_148 = tpu.vector_load %arg7[%swap3A_147] {strides = array<i32>} : memref<125xf32, #tpu.memory_space<vmem>>, vector<16xf32>,
      %swap3A_149 = vector.shape_cast %swap3A_148 : vector<16xf32> to vector<16xf32>
      %swap3A_150 = vector.shape_cast %broadcast_in_dim3A_5 : vector<16xf32> to vector<16xf32>
      tpu.vector_store %arg7[%swap3A_147], %swap3A_150 {strides = array<i32>} : memref<125xf32, #tpu.memory_space<vmem>>, vector<16xf32>,
      %scan3A_151 = arith.constant 0 : i32
      scf.yield %scan3A_151 : i32
    }
    %scan3A_11 = arith.constant 7 : i32
    %swap3A = arith.constant 109 : index
    %swap3A_12 = tpu.vector_load %arg7[%swap3A] {strides = array<i32>} : memref<125xf32, #tpu.memory_space<vmem>>, vector<16xf32>,
    %swap3A_13 = vector.shape_cast %swap3A_12 : vector<16xf32> to vector<16xf32>
    %swap3A_14 = vector.shape_cast %broadcast_in_dim3A_5 : vector<16xf32> to vector<16xf32>
    tpu.vector_store %arg7[%swap3A], %swap3A_14 {strides = array<i32>} : memref<125xf32, #tpu.memory_space<vmem>>, vector<16xf32>,
    %broadcast_in_dim3A_15 = arith.constant 0.000000e+00 : f32
    %broadcast_in_dim3A_16 = vector.broadcast %broadcast_in_dim3A_15 : f32 to vector<16xf32>
    %scan3A_17 = arith.constant 0 : i32
    %scan3A_18 = arith.constant 0 : i32
    %scan3A_19 = arith.constant 80 : i32
    %scan3A_20 = arith.addi %scan3A_18, %scan3A_19 : i32
    %scan3A_21 = arith.constant 1 : i32
    %scan3A_22 = scf.for %scan3A_143 = %scan3A_18 to %scan3A_20 step %scan3A_21 iter_args(%scan3A_144 = %scan3A_17) -> (i32)  : i32 {
      %mul3A_145 = arith.constant 16 : i32
      %mul3A_146 = arith.muli %scan3A_143, %mul3A_145 : i32
      %swap3A_147 = arith.index_cast %mul3A_146 : i32 to index
      %swap3A_148 = tpu.vector_load %arg8[%swap3A_147] {strides = array<i32>} : memref<1280xf32, #tpu.memory_space<vmem>>, vector<16xf32>,
      %swap3A_149 = vector.shape_cast %swap3A_148 : vector<16xf32> to vector<16xf32>
      %swap3A_150 = vector.shape_cast %broadcast_in_dim3A_16 : vector<16xf32> to vector<16xf32>
      tpu.vector_store %arg8[%swap3A_147], %swap3A_150 {strides = array<i32>} : memref<1280xf32, #tpu.memory_space<vmem>>, vector<16xf32>,
      %scan3A_151 = arith.constant 0 : i32
      scf.yield %scan3A_151 : i32
    }
    %scan3A_23 = arith.constant 80 : i32
    %mul3A_24 = arith.constant 640 : i32
    %mul3A_25 = arith.muli %arg1, %mul3A_24 : i32
    "tpu.region"() ({
      %run_scoped3A = tpu.sem_alloc : memref<!tpu.dma_semaphore, #tpu.memory_space<semaphore_mem>>
      %dma_start3A_143 = arith.constant 0 : i32
      %dma_start3A_144 = tpu.memref_slice %arg8[%dma_start3A_143] : memref<1280xf32, #tpu.memory_space<vmem>> -> memref<640xf32, #tpu.memory_space<vmem>>
      %dma_start3A_145 = tpu.memref_slice %arg9[%mul3A_25] : memref<10240xf32, #tpu.memory_space<vmem_shared>> -> memref<640xf32, #tpu.memory_space<vmem_shared>>
      %dma_start3A_146 = tpu.memref_slice %arg9[%mul3A_25] : memref<10240xf32, #tpu.memory_space<vmem_shared>> -> memref<640xf32, #tpu.memory_space<vmem_shared>>
      %dma_start3A_147 = arith.constant 0 : i32
      %dma_start3A_148 = tpu.memref_slice %arg8[%dma_start3A_147] : memref<1280xf32, #tpu.memory_space<vmem>> -> memref<640xf32, #tpu.memory_space<vmem>>
      tpu.enqueue_dma source(%dma_start3A_148 : memref<640xf32, #tpu.memory_space<vmem>>) target(%dma_start3A_146 : memref<640xf32, #tpu.memory_space<vmem_shared>>) target_semaphore(%run_scoped3A : memref<!tpu.dma_semaphore, #tpu.memory_space<semaphore_mem>>)
      %dma_wait3A_149 = arith.constant 0 : i32
      %dma_wait3A_150 = tpu.memref_slice %arg8[%dma_wait3A_149] : memref<1280xf32, #tpu.memory_space<vmem>> -> memref<640xf32, #tpu.memory_space<vmem>>
      %dma_wait3A_151 = tpu.memref_slice %arg9[%mul3A_25] : memref<10240xf32, #tpu.memory_space<vmem_shared>> -> memref<640xf32, #tpu.memory_space<vmem_shared>>
      %dma_wait3A_152 = tpu.memref_slice %arg9[%mul3A_25] : memref<10240xf32, #tpu.memory_space<vmem_shared>> -> memref<640xf32, #tpu.memory_space<vmem_shared>>
      %dma_wait3A_153 = arith.constant 0 : i32
      %dma_wait3A_154 = tpu.memref_slice %arg8[%dma_wait3A_153] : memref<1280xf32, #tpu.memory_space<vmem>> -> memref<640xf32, #tpu.memory_space<vmem>>
      tpu.wait_dma2 semaphore(%run_scoped3A : memref<!tpu.dma_semaphore, #tpu.memory_space<semaphore_mem>>) src(%dma_wait3A_154 : memref<640xf32, #tpu.memory_space<vmem>>) dst(%dma_wait3A_152 : memref<640xf32, #tpu.memory_space<vmem_shared>>)
      tpu.yield
    }) : () -> ()
    %mul3A_26 = arith.constant 640 : i32
    %mul3A_27 = arith.muli %arg1, %mul3A_26 : i32
    "tpu.region"() ({
      %run_scoped3A = tpu.sem_alloc : memref<!tpu.dma_semaphore, #tpu.memory_space<semaphore_mem>>
      %dma_start3A_143 = arith.constant 0 : i32
      %dma_start3A_144 = tpu.memref_slice %arg8[%dma_start3A_143] : memref<1280xf32, #tpu.memory_space<vmem>> -> memref<640xf32, #tpu.memory_space<vmem>>
      %dma_start3A_145 = tpu.memref_slice %arg10[%mul3A_27] : memref<10240xf32, #tpu.memory_space<vmem_shared>> -> memref<640xf32, #tpu.memory_space<vmem_shared>>
      %dma_start3A_146 = tpu.memref_slice %arg10[%mul3A_27] : memref<10240xf32, #tpu.memory_space<vmem_shared>> -> memref<640xf32, #tpu.memory_space<vmem_shared>>
      %dma_start3A_147 = arith.constant 0 : i32
      %dma_start3A_148 = tpu.memref_slice %arg8[%dma_start3A_147] : memref<1280xf32, #tpu.memory_space<vmem>> -> memref<640xf32, #tpu.memory_space<vmem>>
      tpu.enqueue_dma source(%dma_start3A_148 : memref<640xf32, #tpu.memory_space<vmem>>) target(%dma_start3A_146 : memref<640xf32, #tpu.memory_space<vmem_shared>>) target_semaphore(%run_scoped3A : memref<!tpu.dma_semaphore, #tpu.memory_space<semaphore_mem>>)
      %dma_wait3A_149 = arith.constant 0 : i32
      %dma_wait3A_150 = tpu.memref_slice %arg8[%dma_wait3A_149] : memref<1280xf32, #tpu.memory_space<vmem>> -> memref<640xf32, #tpu.memory_space<vmem>>
      %dma_wait3A_151 = tpu.memref_slice %arg10[%mul3A_27] : memref<10240xf32, #tpu.memory_space<vmem_shared>> -> memref<640xf32, #tpu.memory_space<vmem_shared>>
      %dma_wait3A_152 = tpu.memref_slice %arg10[%mul3A_27] : memref<10240xf32, #tpu.memory_space<vmem_shared>> -> memref<640xf32, #tpu.memory_space<vmem_shared>>
      %dma_wait3A_153 = arith.constant 0 : i32
      %dma_wait3A_154 = tpu.memref_slice %arg8[%dma_wait3A_153] : memref<1280xf32, #tpu.memory_space<vmem>> -> memref<640xf32, #tpu.memory_space<vmem>>
      tpu.wait_dma2 semaphore(%run_scoped3A : memref<!tpu.dma_semaphore, #tpu.memory_space<semaphore_mem>>) src(%dma_wait3A_154 : memref<640xf32, #tpu.memory_space<vmem>>) dst(%dma_wait3A_152 : memref<640xf32, #tpu.memory_space<vmem_shared>>)
      tpu.yield
    }) : () -> ()
    %barrier3A = arith.constant 0 : index
    tpu.barrier barrier_id(%barrier3A)
    %dma_start3A = arith.constant 0 : i32
    %dma_start3A_28 = arith.constant 0 : i32
    %dma_start3A_29 = tpu.memref_slice %arg5[%dma_start3A, %dma_start3A_28] : memref<80x125xi32, #tpu.memory_space<vmem>> -> memref<1x125xi32, #tpu.memory_space<vmem>>
    %dma_start3A_30 = tpu.memref_squeeze %dma_start3A_29 : memref<1x125xi32, #tpu.memory_space<vmem>> -> memref<125xi32, #tpu.memory_space<vmem>>
    %dma_start3A_31 = arith.constant 0 : i32
    %dma_start3A_32 = tpu.memref_slice %arg9[%dma_start3A_31] : memref<10240xf32, #tpu.memory_space<vmem_shared>> -> memref<10240xf32, #tpu.memory_space<vmem_shared>>
    tpu.enqueue_indirect_dma source(%arg7 : memref<125xf32, #tpu.memory_space<vmem>>) target(%dma_start3A_32 : memref<10240xf32, #tpu.memory_space<vmem_shared>>) offsets(%dma_start3A_30 : memref<125xi32, #tpu.memory_space<vmem>>) semaphore(%arg11 : memref<!tpu.dma_semaphore, #tpu.memory_space<semaphore_mem>>) {add = true}
    %dma_start3A_33 = arith.constant 0 : i32
    %dma_start3A_34 = arith.constant 0 : i32
    %dma_start3A_35 = tpu.memref_slice %arg6[%dma_start3A_33, %dma_start3A_34] : memref<80x125xi32, #tpu.memory_space<vmem>> -> memref<1x125xi32, #tpu.memory_space<vmem>>
    %dma_start3A_36 = tpu.memref_squeeze %dma_start3A_35 : memref<1x125xi32, #tpu.memory_space<vmem>> -> memref<125xi32, #tpu.memory_space<vmem>>
    %dma_start3A_37 = arith.constant 0 : i32
    %dma_start3A_38 = tpu.memref_slice %arg10[%dma_start3A_37] : memref<10240xf32, #tpu.memory_space<vmem_shared>> -> memref<10240xf32, #tpu.memory_space<vmem_shared>>
    tpu.enqueue_indirect_dma source(%arg7 : memref<125xf32, #tpu.memory_space<vmem>>) target(%dma_start3A_38 : memref<10240xf32, #tpu.memory_space<vmem_shared>>) offsets(%dma_start3A_36 : memref<125xi32, #tpu.memory_space<vmem>>) semaphore(%arg12 : memref<!tpu.dma_semaphore, #tpu.memory_space<semaphore_mem>>) {add = true}
    %dma_start3A_39 = arith.constant 1 : i32
    %dma_start3A_40 = arith.constant 0 : i32
    %dma_start3A_41 = tpu.memref_slice %arg5[%dma_start3A_39, %dma_start3A_40] : memref<80x125xi32, #tpu.memory_space<vmem>> -> memref<1x125xi32, #tpu.memory_space<vmem>>
    %dma_start3A_42 = tpu.memref_squeeze %dma_start3A_41 : memref<1x125xi32, #tpu.memory_space<vmem>> -> memref<125xi32, #tpu.memory_space<vmem>>
    %dma_start3A_43 = arith.constant 0 : i32
    %dma_start3A_44 = tpu.memref_slice %arg9[%dma_start3A_43] : memref<10240xf32, #tpu.memory_space<vmem_shared>> -> memref<10240xf32, #tpu.memory_space<vmem_shared>>
    tpu.enqueue_indirect_dma source(%arg7 : memref<125xf32, #tpu.memory_space<vmem>>) target(%dma_start3A_44 : memref<10240xf32, #tpu.memory_space<vmem_shared>>) offsets(%dma_start3A_42 : memref<125xi32, #tpu.memory_space<vmem>>) semaphore(%arg13 : memref<!tpu.dma_semaphore, #tpu.memory_space<semaphore_mem>>) {add = true}
    %dma_start3A_45 = arith.constant 1 : i32
    %dma_start3A_46 = arith.constant 0 : i32
    %dma_start3A_47 = tpu.memref_slice %arg6[%dma_start3A_45, %dma_start3A_46] : memref<80x125xi32, #tpu.memory_space<vmem>> -> memref<1x125xi32, #tpu.memory_space<vmem>>
    %dma_start3A_48 = tpu.memref_squeeze %dma_start3A_47 : memref<1x125xi32, #tpu.memory_space<vmem>> -> memref<125xi32, #tpu.memory_space<vmem>>
    %dma_start3A_49 = arith.constant 0 : i32
    %dma_start3A_50 = tpu.memref_slice %arg10[%dma_start3A_49] : memref<10240xf32, #tpu.memory_space<vmem_shared>> -> memref<10240xf32, #tpu.memory_space<vmem_shared>>
    tpu.enqueue_indirect_dma source(%arg7 : memref<125xf32, #tpu.memory_space<vmem>>) target(%dma_start3A_50 : memref<10240xf32, #tpu.memory_space<vmem_shared>>) offsets(%dma_start3A_48 : memref<125xi32, #tpu.memory_space<vmem>>) semaphore(%arg14 : memref<!tpu.dma_semaphore, #tpu.memory_space<semaphore_mem>>) {add = true}
    %dma_start3A_51 = arith.constant 2 : i32
    %dma_start3A_52 = arith.constant 0 : i32
    %dma_start3A_53 = tpu.memref_slice %arg5[%dma_start3A_51, %dma_start3A_52] : memref<80x125xi32, #tpu.memory_space<vmem>> -> memref<1x125xi32, #tpu.memory_space<vmem>>
    %dma_start3A_54 = tpu.memref_squeeze %dma_start3A_53 : memref<1x125xi32, #tpu.memory_space<vmem>> -> memref<125xi32, #tpu.memory_space<vmem>>
    %dma_start3A_55 = arith.constant 0 : i32
    %dma_start3A_56 = tpu.memref_slice %arg9[%dma_start3A_55] : memref<10240xf32, #tpu.memory_space<vmem_shared>> -> memref<10240xf32, #tpu.memory_space<vmem_shared>>
    tpu.enqueue_indirect_dma source(%arg7 : memref<125xf32, #tpu.memory_space<vmem>>) target(%dma_start3A_56 : memref<10240xf32, #tpu.memory_space<vmem_shared>>) offsets(%dma_start3A_54 : memref<125xi32, #tpu.memory_space<vmem>>) semaphore(%arg15 : memref<!tpu.dma_semaphore, #tpu.memory_space<semaphore_mem>>) {add = true}
    %dma_start3A_57 = arith.constant 2 : i32
    %dma_start3A_58 = arith.constant 0 : i32
    %dma_start3A_59 = tpu.memref_slice %arg6[%dma_start3A_57, %dma_start3A_58] : memref<80x125xi32, #tpu.memory_space<vmem>> -> memref<1x125xi32, #tpu.memory_space<vmem>>
    %dma_start3A_60 = tpu.memref_squeeze %dma_start3A_59 : memref<1x125xi32, #tpu.memory_space<vmem>> -> memref<125xi32, #tpu.memory_space<vmem>>
    %dma_start3A_61 = arith.constant 0 : i32
    %dma_start3A_62 = tpu.memref_slice %arg10[%dma_start3A_61] : memref<10240xf32, #tpu.memory_space<vmem_shared>> -> memref<10240xf32, #tpu.memory_space<vmem_shared>>
    tpu.enqueue_indirect_dma source(%arg7 : memref<125xf32, #tpu.memory_space<vmem>>) target(%dma_start3A_62 : memref<10240xf32, #tpu.memory_space<vmem_shared>>) offsets(%dma_start3A_60 : memref<125xi32, #tpu.memory_space<vmem>>) semaphore(%arg16 : memref<!tpu.dma_semaphore, #tpu.memory_space<semaphore_mem>>) {add = true}
    %dma_start3A_63 = arith.constant 3 : i32
    %dma_start3A_64 = arith.constant 0 : i32
    %dma_start3A_65 = tpu.memref_slice %arg5[%dma_start3A_63, %dma_start3A_64] : memref<80x125xi32, #tpu.memory_space<vmem>> -> memref<1x125xi32, #tpu.memory_space<vmem>>
    %dma_start3A_66 = tpu.memref_squeeze %dma_start3A_65 : memref<1x125xi32, #tpu.memory_space<vmem>> -> memref<125xi32, #tpu.memory_space<vmem>>
    %dma_start3A_67 = arith.constant 0 : i32
    %dma_start3A_68 = tpu.memref_slice %arg9[%dma_start3A_67] : memref<10240xf32, #tpu.memory_space<vmem_shared>> -> memref<10240xf32, #tpu.memory_space<vmem_shared>>
    tpu.enqueue_indirect_dma source(%arg7 : memref<125xf32, #tpu.memory_space<vmem>>) target(%dma_start3A_68 : memref<10240xf32, #tpu.memory_space<vmem_shared>>) offsets(%dma_start3A_66 : memref<125xi32, #tpu.memory_space<vmem>>) semaphore(%arg17 : memref<!tpu.dma_semaphore, #tpu.memory_space<semaphore_mem>>) {add = true}
    %dma_start3A_69 = arith.constant 3 : i32
    %dma_start3A_70 = arith.constant 0 : i32
    %dma_start3A_71 = tpu.memref_slice %arg6[%dma_start3A_69, %dma_start3A_70] : memref<80x125xi32, #tpu.memory_space<vmem>> -> memref<1x125xi32, #tpu.memory_space<vmem>>
    %dma_start3A_72 = tpu.memref_squeeze %dma_start3A_71 : memref<1x125xi32, #tpu.memory_space<vmem>> -> memref<125xi32, #tpu.memory_space<vmem>>
    %dma_start3A_73 = arith.constant 0 : i32
    %dma_start3A_74 = tpu.memref_slice %arg10[%dma_start3A_73] : memref<10240xf32, #tpu.memory_space<vmem_shared>> -> memref<10240xf32, #tpu.memory_space<vmem_shared>>
    tpu.enqueue_indirect_dma source(%arg7 : memref<125xf32, #tpu.memory_space<vmem>>) target(%dma_start3A_74 : memref<10240xf32, #tpu.memory_space<vmem_shared>>) offsets(%dma_start3A_72 : memref<125xi32, #tpu.memory_space<vmem>>) semaphore(%arg18 : memref<!tpu.dma_semaphore, #tpu.memory_space<semaphore_mem>>) {add = true}
    %scan3A_75 = arith.constant 0 : i32
    %scan3A_76 = arith.constant 1 : i32
    %scan3A_77 = arith.constant 19 : i32
    %scan3A_78 = arith.addi %scan3A_76, %scan3A_77 : i32
    %scan3A_79 = arith.constant 1 : i32
    %scan3A_80 = scf.for %scan3A_143 = %scan3A_76 to %scan3A_78 step %scan3A_79 iter_args(%scan3A_144 = %scan3A_75) -> (i32)  : i32 {
      %dma_wait3A_145 = arith.constant 0 : i32
      %dma_wait3A_146 = arith.constant 0 : i32
      %dma_wait3A_147 = tpu.memref_slice %arg5[%dma_wait3A_145, %dma_wait3A_146] : memref<80x125xi32, #tpu.memory_space<vmem>> -> memref<1x125xi32, #tpu.memory_space<vmem>>
      %dma_wait3A_148 = tpu.memref_squeeze %dma_wait3A_147 : memref<1x125xi32, #tpu.memory_space<vmem>> -> memref<125xi32, #tpu.memory_space<vmem>>
      %dma_wait3A_149 = arith.constant 0 : i32
      %dma_wait3A_150 = tpu.memref_slice %arg9[%dma_wait3A_149] : memref<10240xf32, #tpu.memory_space<vmem_shared>> -> memref<10240xf32, #tpu.memory_space<vmem_shared>>
      tpu.wait_indirect_dma semaphore(%arg11 : memref<!tpu.dma_semaphore, #tpu.memory_space<semaphore_mem>>) src(%arg7 : memref<125xf32, #tpu.memory_space<vmem>>) dst(%dma_wait3A_150 : memref<10240xf32, #tpu.memory_space<vmem_shared>>)
      %mul3A_151 = arith.constant 4 : i32
      %mul3A_152 = arith.muli %scan3A_143, %mul3A_151 : i32
      %add3A_153 = arith.constant 0 : i32
      %add3A_154 = arith.addi %mul3A_152, %add3A_153 : i32
      %dma_start3A_155 = arith.constant 0 : i32
      %dma_start3A_156 = tpu.memref_slice %arg5[%add3A_154, %dma_start3A_155] : memref<80x125xi32, #tpu.memory_space<vmem>> -> memref<1x125xi32, #tpu.memory_space<vmem>>
      %dma_start3A_157 = tpu.memref_squeeze %dma_start3A_156 : memref<1x125xi32, #tpu.memory_space<vmem>> -> memref<125xi32, #tpu.memory_space<vmem>>
      %dma_start3A_158 = arith.constant 0 : i32
      %dma_start3A_159 = tpu.memref_slice %arg9[%dma_start3A_158] : memref<10240xf32, #tpu.memory_space<vmem_shared>> -> memref<10240xf32, #tpu.memory_space<vmem_shared>>
      tpu.enqueue_indirect_dma source(%arg7 : memref<125xf32, #tpu.memory_space<vmem>>) target(%dma_start3A_159 : memref<10240xf32, #tpu.memory_space<vmem_shared>>) offsets(%dma_start3A_157 : memref<125xi32, #tpu.memory_space<vmem>>) semaphore(%arg11 : memref<!tpu.dma_semaphore, #tpu.memory_space<semaphore_mem>>) {add = true}
      %dma_wait3A_160 = arith.constant 0 : i32
      %dma_wait3A_161 = arith.constant 0 : i32
      %dma_wait3A_162 = tpu.memref_slice %arg5[%dma_wait3A_160, %dma_wait3A_161] : memref<80x125xi32, #tpu.memory_space<vmem>> -> memref<1x125xi32, #tpu.memory_space<vmem>>
      %dma_wait3A_163 = tpu.memref_squeeze %dma_wait3A_162 : memref<1x125xi32, #tpu.memory_space<vmem>> -> memref<125xi32, #tpu.memory_space<vmem>>
      %dma_wait3A_164 = arith.constant 0 : i32
      %dma_wait3A_165 = tpu.memref_slice %arg9[%dma_wait3A_164] : memref<10240xf32, #tpu.memory_space<vmem_shared>> -> memref<10240xf32, #tpu.memory_space<vmem_shared>>
      tpu.wait_indirect_dma semaphore(%arg12 : memref<!tpu.dma_semaphore, #tpu.memory_space<semaphore_mem>>) src(%arg7 : memref<125xf32, #tpu.memory_space<vmem>>) dst(%dma_wait3A_165 : memref<10240xf32, #tpu.memory_space<vmem_shared>>)
      %mul3A_166 = arith.constant 4 : i32
      %mul3A_167 = arith.muli %scan3A_143, %mul3A_166 : i32
      %add3A_168 = arith.constant 0 : i32
      %add3A_169 = arith.addi %mul3A_167, %add3A_168 : i32
      %dma_start3A_170 = arith.constant 0 : i32
      %dma_start3A_171 = tpu.memref_slice %arg6[%add3A_169, %dma_start3A_170] : memref<80x125xi32, #tpu.memory_space<vmem>> -> memref<1x125xi32, #tpu.memory_space<vmem>>
      %dma_start3A_172 = tpu.memref_squeeze %dma_start3A_171 : memref<1x125xi32, #tpu.memory_space<vmem>> -> memref<125xi32, #tpu.memory_space<vmem>>
      %dma_start3A_173 = arith.constant 0 : i32
      %dma_start3A_174 = tpu.memref_slice %arg10[%dma_start3A_173] : memref<10240xf32, #tpu.memory_space<vmem_shared>> -> memref<10240xf32, #tpu.memory_space<vmem_shared>>
      tpu.enqueue_indirect_dma source(%arg7 : memref<125xf32, #tpu.memory_space<vmem>>) target(%dma_start3A_174 : memref<10240xf32, #tpu.memory_space<vmem_shared>>) offsets(%dma_start3A_172 : memref<125xi32, #tpu.memory_space<vmem>>) semaphore(%arg12 : memref<!tpu.dma_semaphore, #tpu.memory_space<semaphore_mem>>) {add = true}
      %dma_wait3A_175 = arith.constant 0 : i32
      %dma_wait3A_176 = arith.constant 0 : i32
      %dma_wait3A_177 = tpu.memref_slice %arg5[%dma_wait3A_175, %dma_wait3A_176] : memref<80x125xi32, #tpu.memory_space<vmem>> -> memref<1x125xi32, #tpu.memory_space<vmem>>
      %dma_wait3A_178 = tpu.memref_squeeze %dma_wait3A_177 : memref<1x125xi32, #tpu.memory_space<vmem>> -> memref<125xi32, #tpu.memory_space<vmem>>
      %dma_wait3A_179 = arith.constant 0 : i32
      %dma_wait3A_180 = tpu.memref_slice %arg9[%dma_wait3A_179] : memref<10240xf32, #tpu.memory_space<vmem_shared>> -> memref<10240xf32, #tpu.memory_space<vmem_shared>>
      tpu.wait_indirect_dma semaphore(%arg13 : memref<!tpu.dma_semaphore, #tpu.memory_space<semaphore_mem>>) src(%arg7 : memref<125xf32, #tpu.memory_space<vmem>>) dst(%dma_wait3A_180 : memref<10240xf32, #tpu.memory_space<vmem_shared>>)
      %mul3A_181 = arith.constant 4 : i32
      %mul3A_182 = arith.muli %scan3A_143, %mul3A_181 : i32
      %add3A_183 = arith.constant 1 : i32
      %add3A_184 = arith.addi %mul3A_182, %add3A_183 : i32
      %dma_start3A_185 = arith.constant 0 : i32
      %dma_start3A_186 = tpu.memref_slice %arg5[%add3A_184, %dma_start3A_185] : memref<80x125xi32, #tpu.memory_space<vmem>> -> memref<1x125xi32, #tpu.memory_space<vmem>>
      %dma_start3A_187 = tpu.memref_squeeze %dma_start3A_186 : memref<1x125xi32, #tpu.memory_space<vmem>> -> memref<125xi32, #tpu.memory_space<vmem>>
      %dma_start3A_188 = arith.constant 0 : i32
      %dma_start3A_189 = tpu.memref_slice %arg9[%dma_start3A_188] : memref<10240xf32, #tpu.memory_space<vmem_shared>> -> memref<10240xf32, #tpu.memory_space<vmem_shared>>
      tpu.enqueue_indirect_dma source(%arg7 : memref<125xf32, #tpu.memory_space<vmem>>) target(%dma_start3A_189 : memref<10240xf32, #tpu.memory_space<vmem_shared>>) offsets(%dma_start3A_187 : memref<125xi32, #tpu.memory_space<vmem>>) semaphore(%arg13 : memref<!tpu.dma_semaphore, #tpu.memory_space<semaphore_mem>>) {add = true}
      %dma_wait3A_190 = arith.constant 0 : i32
      %dma_wait3A_191 = arith.constant 0 : i32
      %dma_wait3A_192 = tpu.memref_slice %arg5[%dma_wait3A_190, %dma_wait3A_191] : memref<80x125xi32, #tpu.memory_space<vmem>> -> memref<1x125xi32, #tpu.memory_space<vmem>>
      %dma_wait3A_193 = tpu.memref_squeeze %dma_wait3A_192 : memref<1x125xi32, #tpu.memory_space<vmem>> -> memref<125xi32, #tpu.memory_space<vmem>>
      %dma_wait3A_194 = arith.constant 0 : i32
      %dma_wait3A_195 = tpu.memref_slice %arg9[%dma_wait3A_194] : memref<10240xf32, #tpu.memory_space<vmem_shared>> -> memref<10240xf32, #tpu.memory_space<vmem_shared>>
      tpu.wait_indirect_dma semaphore(%arg14 : memref<!tpu.dma_semaphore, #tpu.memory_space<semaphore_mem>>) src(%arg7 : memref<125xf32, #tpu.memory_space<vmem>>) dst(%dma_wait3A_195 : memref<10240xf32, #tpu.memory_space<vmem_shared>>)
      %mul3A_196 = arith.constant 4 : i32
      %mul3A_197 = arith.muli %scan3A_143, %mul3A_196 : i32
      %add3A_198 = arith.constant 1 : i32
      %add3A_199 = arith.addi %mul3A_197, %add3A_198 : i32
      %dma_start3A_200 = arith.constant 0 : i32
      %dma_start3A_201 = tpu.memref_slice %arg6[%add3A_199, %dma_start3A_200] : memref<80x125xi32, #tpu.memory_space<vmem>> -> memref<1x125xi32, #tpu.memory_space<vmem>>
      %dma_start3A_202 = tpu.memref_squeeze %dma_start3A_201 : memref<1x125xi32, #tpu.memory_space<vmem>> -> memref<125xi32, #tpu.memory_space<vmem>>
      %dma_start3A_203 = arith.constant 0 : i32
      %dma_start3A_204 = tpu.memref_slice %arg10[%dma_start3A_203] : memref<10240xf32, #tpu.memory_space<vmem_shared>> -> memref<10240xf32, #tpu.memory_space<vmem_shared>>
      tpu.enqueue_indirect_dma source(%arg7 : memref<125xf32, #tpu.memory_space<vmem>>) target(%dma_start3A_204 : memref<10240xf32, #tpu.memory_space<vmem_shared>>) offsets(%dma_start3A_202 : memref<125xi32, #tpu.memory_space<vmem>>) semaphore(%arg14 : memref<!tpu.dma_semaphore, #tpu.memory_space<semaphore_mem>>) {add = true}
      %dma_wait3A_205 = arith.constant 0 : i32
      %dma_wait3A_206 = arith.constant 0 : i32
      %dma_wait3A_207 = tpu.memref_slice %arg5[%dma_wait3A_205, %dma_wait3A_206] : memref<80x125xi32, #tpu.memory_space<vmem>> -> memref<1x125xi32, #tpu.memory_space<vmem>>
      %dma_wait3A_208 = tpu.memref_squeeze %dma_wait3A_207 : memref<1x125xi32, #tpu.memory_space<vmem>> -> memref<125xi32, #tpu.memory_space<vmem>>
      %dma_wait3A_209 = arith.constant 0 : i32
      %dma_wait3A_210 = tpu.memref_slice %arg9[%dma_wait3A_209] : memref<10240xf32, #tpu.memory_space<vmem_shared>> -> memref<10240xf32, #tpu.memory_space<vmem_shared>>
      tpu.wait_indirect_dma semaphore(%arg15 : memref<!tpu.dma_semaphore, #tpu.memory_space<semaphore_mem>>) src(%arg7 : memref<125xf32, #tpu.memory_space<vmem>>) dst(%dma_wait3A_210 : memref<10240xf32, #tpu.memory_space<vmem_shared>>)
      %mul3A_211 = arith.constant 4 : i32
      %mul3A_212 = arith.muli %scan3A_143, %mul3A_211 : i32
      %add3A_213 = arith.constant 2 : i32
      %add3A_214 = arith.addi %mul3A_212, %add3A_213 : i32
      %dma_start3A_215 = arith.constant 0 : i32
      %dma_start3A_216 = tpu.memref_slice %arg5[%add3A_214, %dma_start3A_215] : memref<80x125xi32, #tpu.memory_space<vmem>> -> memref<1x125xi32, #tpu.memory_space<vmem>>
      %dma_start3A_217 = tpu.memref_squeeze %dma_start3A_216 : memref<1x125xi32, #tpu.memory_space<vmem>> -> memref<125xi32, #tpu.memory_space<vmem>>
      %dma_start3A_218 = arith.constant 0 : i32
      %dma_start3A_219 = tpu.memref_slice %arg9[%dma_start3A_218] : memref<10240xf32, #tpu.memory_space<vmem_shared>> -> memref<10240xf32, #tpu.memory_space<vmem_shared>>
      tpu.enqueue_indirect_dma source(%arg7 : memref<125xf32, #tpu.memory_space<vmem>>) target(%dma_start3A_219 : memref<10240xf32, #tpu.memory_space<vmem_shared>>) offsets(%dma_start3A_217 : memref<125xi32, #tpu.memory_space<vmem>>) semaphore(%arg15 : memref<!tpu.dma_semaphore, #tpu.memory_space<semaphore_mem>>) {add = true}
      %dma_wait3A_220 = arith.constant 0 : i32
      %dma_wait3A_221 = arith.constant 0 : i32
      %dma_wait3A_222 = tpu.memref_slice %arg5[%dma_wait3A_220, %dma_wait3A_221] : memref<80x125xi32, #tpu.memory_space<vmem>> -> memref<1x125xi32, #tpu.memory_space<vmem>>
      %dma_wait3A_223 = tpu.memref_squeeze %dma_wait3A_222 : memref<1x125xi32, #tpu.memory_space<vmem>> -> memref<125xi32, #tpu.memory_space<vmem>>
      %dma_wait3A_224 = arith.constant 0 : i32
      %dma_wait3A_225 = tpu.memref_slice %arg9[%dma_wait3A_224] : memref<10240xf32, #tpu.memory_space<vmem_shared>> -> memref<10240xf32, #tpu.memory_space<vmem_shared>>
      tpu.wait_indirect_dma semaphore(%arg16 : memref<!tpu.dma_semaphore, #tpu.memory_space<semaphore_mem>>) src(%arg7 : memref<125xf32, #tpu.memory_space<vmem>>) dst(%dma_wait3A_225 : memref<10240xf32, #tpu.memory_space<vmem_shared>>)
      %mul3A_226 = arith.constant 4 : i32
      %mul3A_227 = arith.muli %scan3A_143, %mul3A_226 : i32
      %add3A_228 = arith.constant 2 : i32
      %add3A_229 = arith.addi %mul3A_227, %add3A_228 : i32
      %dma_start3A_230 = arith.constant 0 : i32
      %dma_start3A_231 = tpu.memref_slice %arg6[%add3A_229, %dma_start3A_230] : memref<80x125xi32, #tpu.memory_space<vmem>> -> memref<1x125xi32, #tpu.memory_space<vmem>>
      %dma_start3A_232 = tpu.memref_squeeze %dma_start3A_231 : memref<1x125xi32, #tpu.memory_space<vmem>> -> memref<125xi32, #tpu.memory_space<vmem>>
      %dma_start3A_233 = arith.constant 0 : i32
      %dma_start3A_234 = tpu.memref_slice %arg10[%dma_start3A_233] : memref<10240xf32, #tpu.memory_space<vmem_shared>> -> memref<10240xf32, #tpu.memory_space<vmem_shared>>
      tpu.enqueue_indirect_dma source(%arg7 : memref<125xf32, #tpu.memory_space<vmem>>) target(%dma_start3A_234 : memref<10240xf32, #tpu.memory_space<vmem_shared>>) offsets(%dma_start3A_232 : memref<125xi32, #tpu.memory_space<vmem>>) semaphore(%arg16 : memref<!tpu.dma_semaphore, #tpu.memory_space<semaphore_mem>>) {add = true}
      %dma_wait3A_235 = arith.constant 0 : i32
      %dma_wait3A_236 = arith.constant 0 : i32
      %dma_wait3A_237 = tpu.memref_slice %arg5[%dma_wait3A_235, %dma_wait3A_236] : memref<80x125xi32, #tpu.memory_space<vmem>> -> memref<1x125xi32, #tpu.memory_space<vmem>>
      %dma_wait3A_238 = tpu.memref_squeeze %dma_wait3A_237 : memref<1x125xi32, #tpu.memory_space<vmem>> -> memref<125xi32, #tpu.memory_space<vmem>>
      %dma_wait3A_239 = arith.constant 0 : i32
      %dma_wait3A_240 = tpu.memref_slice %arg9[%dma_wait3A_239] : memref<10240xf32, #tpu.memory_space<vmem_shared>> -> memref<10240xf32, #tpu.memory_space<vmem_shared>>
      tpu.wait_indirect_dma semaphore(%arg17 : memref<!tpu.dma_semaphore, #tpu.memory_space<semaphore_mem>>) src(%arg7 : memref<125xf32, #tpu.memory_space<vmem>>) dst(%dma_wait3A_240 : memref<10240xf32, #tpu.memory_space<vmem_shared>>)
      %mul3A_241 = arith.constant 4 : i32
      %mul3A_242 = arith.muli %scan3A_143, %mul3A_241 : i32
      %add3A_243 = arith.constant 3 : i32
      %add3A_244 = arith.addi %mul3A_242, %add3A_243 : i32
      %dma_start3A_245 = arith.constant 0 : i32
      %dma_start3A_246 = tpu.memref_slice %arg5[%add3A_244, %dma_start3A_245] : memref<80x125xi32, #tpu.memory_space<vmem>> -> memref<1x125xi32, #tpu.memory_space<vmem>>
      %dma_start3A_247 = tpu.memref_squeeze %dma_start3A_246 : memref<1x125xi32, #tpu.memory_space<vmem>> -> memref<125xi32, #tpu.memory_space<vmem>>
      %dma_start3A_248 = arith.constant 0 : i32
      %dma_start3A_249 = tpu.memref_slice %arg9[%dma_start3A_248] : memref<10240xf32, #tpu.memory_space<vmem_shared>> -> memref<10240xf32, #tpu.memory_space<vmem_shared>>
      tpu.enqueue_indirect_dma source(%arg7 : memref<125xf32, #tpu.memory_space<vmem>>) target(%dma_start3A_249 : memref<10240xf32, #tpu.memory_space<vmem_shared>>) offsets(%dma_start3A_247 : memref<125xi32, #tpu.memory_space<vmem>>) semaphore(%arg17 : memref<!tpu.dma_semaphore, #tpu.memory_space<semaphore_mem>>) {add = true}
      %dma_wait3A_250 = arith.constant 0 : i32
      %dma_wait3A_251 = arith.constant 0 : i32
      %dma_wait3A_252 = tpu.memref_slice %arg5[%dma_wait3A_250, %dma_wait3A_251] : memref<80x125xi32, #tpu.memory_space<vmem>> -> memref<1x125xi32, #tpu.memory_space<vmem>>
      %dma_wait3A_253 = tpu.memref_squeeze %dma_wait3A_252 : memref<1x125xi32, #tpu.memory_space<vmem>> -> memref<125xi32, #tpu.memory_space<vmem>>
      %dma_wait3A_254 = arith.constant 0 : i32
      %dma_wait3A_255 = tpu.memref_slice %arg9[%dma_wait3A_254] : memref<10240xf32, #tpu.memory_space<vmem_shared>> -> memref<10240xf32, #tpu.memory_space<vmem_shared>>
      tpu.wait_indirect_dma semaphore(%arg18 : memref<!tpu.dma_semaphore, #tpu.memory_space<semaphore_mem>>) src(%arg7 : memref<125xf32, #tpu.memory_space<vmem>>) dst(%dma_wait3A_255 : memref<10240xf32, #tpu.memory_space<vmem_shared>>)
      %mul3A_256 = arith.constant 4 : i32
      %mul3A_257 = arith.muli %scan3A_143, %mul3A_256 : i32
      %add3A_258 = arith.constant 3 : i32
      %add3A_259 = arith.addi %mul3A_257, %add3A_258 : i32
      %dma_start3A_260 = arith.constant 0 : i32
      %dma_start3A_261 = tpu.memref_slice %arg6[%add3A_259, %dma_start3A_260] : memref<80x125xi32, #tpu.memory_space<vmem>> -> memref<1x125xi32, #tpu.memory_space<vmem>>
      %dma_start3A_262 = tpu.memref_squeeze %dma_start3A_261 : memref<1x125xi32, #tpu.memory_space<vmem>> -> memref<125xi32, #tpu.memory_space<vmem>>
      %dma_start3A_263 = arith.constant 0 : i32
      %dma_start3A_264 = tpu.memref_slice %arg10[%dma_start3A_263] : memref<10240xf32, #tpu.memory_space<vmem_shared>> -> memref<10240xf32, #tpu.memory_space<vmem_shared>>
      tpu.enqueue_indirect_dma source(%arg7 : memref<125xf32, #tpu.memory_space<vmem>>) target(%dma_start3A_264 : memref<10240xf32, #tpu.memory_space<vmem_shared>>) offsets(%dma_start3A_262 : memref<125xi32, #tpu.memory_space<vmem>>) semaphore(%arg18 : memref<!tpu.dma_semaphore, #tpu.memory_space<semaphore_mem>>) {add = true}
      %scan3A_265 = arith.constant 0 : i32
      scf.yield %scan3A_265 : i32
    }
    %scan3A_81 = arith.constant 19 : i32
    %dma_wait3A = arith.constant 0 : i32
    %dma_wait3A_82 = arith.constant 0 : i32
    %dma_wait3A_83 = tpu.memref_slice %arg5[%dma_wait3A, %dma_wait3A_82] : memref<80x125xi32, #tpu.memory_space<vmem>> -> memref<1x125xi32, #tpu.memory_space<vmem>>
    %dma_wait3A_84 = tpu.memref_squeeze %dma_wait3A_83 : memref<1x125xi32, #tpu.memory_space<vmem>> -> memref<125xi32, #tpu.memory_space<vmem>>
    %dma_wait3A_85 = arith.constant 0 : i32
    %dma_wait3A_86 = tpu.memref_slice %arg9[%dma_wait3A_85] : memref<10240xf32, #tpu.memory_space<vmem_shared>> -> memref<10240xf32, #tpu.memory_space<vmem_shared>>
    tpu.wait_indirect_dma semaphore(%arg11 : memref<!tpu.dma_semaphore, #tpu.memory_space<semaphore_mem>>) src(%arg7 : memref<125xf32, #tpu.memory_space<vmem>>) dst(%dma_wait3A_86 : memref<10240xf32, #tpu.memory_space<vmem_shared>>)
    %dma_wait3A_87 = arith.constant 0 : i32
    %dma_wait3A_88 = arith.constant 0 : i32
    %dma_wait3A_89 = tpu.memref_slice %arg5[%dma_wait3A_87, %dma_wait3A_88] : memref<80x125xi32, #tpu.memory_space<vmem>> -> memref<1x125xi32, #tpu.memory_space<vmem>>
    %dma_wait3A_90 = tpu.memref_squeeze %dma_wait3A_89 : memref<1x125xi32, #tpu.memory_space<vmem>> -> memref<125xi32, #tpu.memory_space<vmem>>
    %dma_wait3A_91 = arith.constant 0 : i32
    %dma_wait3A_92 = tpu.memref_slice %arg9[%dma_wait3A_91] : memref<10240xf32, #tpu.memory_space<vmem_shared>> -> memref<10240xf32, #tpu.memory_space<vmem_shared>>
    tpu.wait_indirect_dma semaphore(%arg12 : memref<!tpu.dma_semaphore, #tpu.memory_space<semaphore_mem>>) src(%arg7 : memref<125xf32, #tpu.memory_space<vmem>>) dst(%dma_wait3A_92 : memref<10240xf32, #tpu.memory_space<vmem_shared>>)
    %dma_wait3A_93 = arith.constant 0 : i32
    %dma_wait3A_94 = arith.constant 0 : i32
    %dma_wait3A_95 = tpu.memref_slice %arg5[%dma_wait3A_93, %dma_wait3A_94] : memref<80x125xi32, #tpu.memory_space<vmem>> -> memref<1x125xi32, #tpu.memory_space<vmem>>
    %dma_wait3A_96 = tpu.memref_squeeze %dma_wait3A_95 : memref<1x125xi32, #tpu.memory_space<vmem>> -> memref<125xi32, #tpu.memory_space<vmem>>
    %dma_wait3A_97 = arith.constant 0 : i32
    %dma_wait3A_98 = tpu.memref_slice %arg9[%dma_wait3A_97] : memref<10240xf32, #tpu.memory_space<vmem_shared>> -> memref<10240xf32, #tpu.memory_space<vmem_shared>>
    tpu.wait_indirect_dma semaphore(%arg13 : memref<!tpu.dma_semaphore, #tpu.memory_space<semaphore_mem>>) src(%arg7 : memref<125xf32, #tpu.memory_space<vmem>>) dst(%dma_wait3A_98 : memref<10240xf32, #tpu.memory_space<vmem_shared>>)
    %dma_wait3A_99 = arith.constant 0 : i32
    %dma_wait3A_100 = arith.constant 0 : i32
    %dma_wait3A_101 = tpu.memref_slice %arg5[%dma_wait3A_99, %dma_wait3A_100] : memref<80x125xi32, #tpu.memory_space<vmem>> -> memref<1x125xi32, #tpu.memory_space<vmem>>
    %dma_wait3A_102 = tpu.memref_squeeze %dma_wait3A_101 : memref<1x125xi32, #tpu.memory_space<vmem>> -> memref<125xi32, #tpu.memory_space<vmem>>
    %dma_wait3A_103 = arith.constant 0 : i32
    %dma_wait3A_104 = tpu.memref_slice %arg9[%dma_wait3A_103] : memref<10240xf32, #tpu.memory_space<vmem_shared>> -> memref<10240xf32, #tpu.memory_space<vmem_shared>>
    tpu.wait_indirect_dma semaphore(%arg14 : memref<!tpu.dma_semaphore, #tpu.memory_space<semaphore_mem>>) src(%arg7 : memref<125xf32, #tpu.memory_space<vmem>>) dst(%dma_wait3A_104 : memref<10240xf32, #tpu.memory_space<vmem_shared>>)
    %dma_wait3A_105 = arith.constant 0 : i32
    %dma_wait3A_106 = arith.constant 0 : i32
    %dma_wait3A_107 = tpu.memref_slice %arg5[%dma_wait3A_105, %dma_wait3A_106] : memref<80x125xi32, #tpu.memory_space<vmem>> -> memref<1x125xi32, #tpu.memory_space<vmem>>
    %dma_wait3A_108 = tpu.memref_squeeze %dma_wait3A_107 : memref<1x125xi32, #tpu.memory_space<vmem>> -> memref<125xi32, #tpu.memory_space<vmem>>
    %dma_wait3A_109 = arith.constant 0 : i32
    %dma_wait3A_110 = tpu.memref_slice %arg9[%dma_wait3A_109] : memref<10240xf32, #tpu.memory_space<vmem_shared>> -> memref<10240xf32, #tpu.memory_space<vmem_shared>>
    tpu.wait_indirect_dma semaphore(%arg15 : memref<!tpu.dma_semaphore, #tpu.memory_space<semaphore_mem>>) src(%arg7 : memref<125xf32, #tpu.memory_space<vmem>>) dst(%dma_wait3A_110 : memref<10240xf32, #tpu.memory_space<vmem_shared>>)
    %dma_wait3A_111 = arith.constant 0 : i32
    %dma_wait3A_112 = arith.constant 0 : i32
    %dma_wait3A_113 = tpu.memref_slice %arg5[%dma_wait3A_111, %dma_wait3A_112] : memref<80x125xi32, #tpu.memory_space<vmem>> -> memref<1x125xi32, #tpu.memory_space<vmem>>
    %dma_wait3A_114 = tpu.memref_squeeze %dma_wait3A_113 : memref<1x125xi32, #tpu.memory_space<vmem>> -> memref<125xi32, #tpu.memory_space<vmem>>
    %dma_wait3A_115 = arith.constant 0 : i32
    %dma_wait3A_116 = tpu.memref_slice %arg9[%dma_wait3A_115] : memref<10240xf32, #tpu.memory_space<vmem_shared>> -> memref<10240xf32, #tpu.memory_space<vmem_shared>>
    tpu.wait_indirect_dma semaphore(%arg16 : memref<!tpu.dma_semaphore, #tpu.memory_space<semaphore_mem>>) src(%arg7 : memref<125xf32, #tpu.memory_space<vmem>>) dst(%dma_wait3A_116 : memref<10240xf32, #tpu.memory_space<vmem_shared>>)
    %dma_wait3A_117 = arith.constant 0 : i32
    %dma_wait3A_118 = arith.constant 0 : i32
    %dma_wait3A_119 = tpu.memref_slice %arg5[%dma_wait3A_117, %dma_wait3A_118] : memref<80x125xi32, #tpu.memory_space<vmem>> -> memref<1x125xi32, #tpu.memory_space<vmem>>
    %dma_wait3A_120 = tpu.memref_squeeze %dma_wait3A_119 : memref<1x125xi32, #tpu.memory_space<vmem>> -> memref<125xi32, #tpu.memory_space<vmem>>
    %dma_wait3A_121 = arith.constant 0 : i32
    %dma_wait3A_122 = tpu.memref_slice %arg9[%dma_wait3A_121] : memref<10240xf32, #tpu.memory_space<vmem_shared>> -> memref<10240xf32, #tpu.memory_space<vmem_shared>>
    tpu.wait_indirect_dma semaphore(%arg17 : memref<!tpu.dma_semaphore, #tpu.memory_space<semaphore_mem>>) src(%arg7 : memref<125xf32, #tpu.memory_space<vmem>>) dst(%dma_wait3A_122 : memref<10240xf32, #tpu.memory_space<vmem_shared>>)
    %dma_wait3A_123 = arith.constant 0 : i32
    %dma_wait3A_124 = arith.constant 0 : i32
    %dma_wait3A_125 = tpu.memref_slice %arg5[%dma_wait3A_123, %dma_wait3A_124] : memref<80x125xi32, #tpu.memory_space<vmem>> -> memref<1x125xi32, #tpu.memory_space<vmem>>
    %dma_wait3A_126 = tpu.memref_squeeze %dma_wait3A_125 : memref<1x125xi32, #tpu.memory_space<vmem>> -> memref<125xi32, #tpu.memory_space<vmem>>
    %dma_wait3A_127 = arith.constant 0 : i32
    %dma_wait3A_128 = tpu.memref_slice %arg9[%dma_wait3A_127] : memref<10240xf32, #tpu.memory_space<vmem_shared>> -> memref<10240xf32, #tpu.memory_space<vmem_shared>>
    tpu.wait_indirect_dma semaphore(%arg18 : memref<!tpu.dma_semaphore, #tpu.memory_space<semaphore_mem>>) src(%arg7 : memref<125xf32, #tpu.memory_space<vmem>>) dst(%dma_wait3A_128 : memref<10240xf32, #tpu.memory_space<vmem_shared>>)
    %barrier3A_129 = arith.constant 0 : index
    tpu.barrier barrier_id(%barrier3A_129)
    %mul3A_130 = arith.constant 2 : i32
    %mul3A_131 = arith.muli %arg0, %mul3A_130 : i32
    %mul3A_132 = arith.constant 10240 : i32
    %mul3A_133 = arith.muli %mul3A_131, %mul3A_132 : i32
    %mul3A_134 = arith.constant 640 : i32
    %mul3A_135 = arith.muli %arg1, %mul3A_134 : i32
    %add3A_136 = arith.addi %mul3A_133, %mul3A_135 : i32
    %mul3A_137 = arith.constant 640 : i32
    %mul3A_138 = arith.muli %arg1, %mul3A_137 : i32
    "tpu.region"() ({
      %run_scoped3A = tpu.sem_alloc : memref<!tpu.dma_semaphore, #tpu.memory_space<semaphore_mem>>
      %dma_start3A_143 = tpu.memref_slice %arg4[%add3A_136] : memref<40960xf32, #tpu.memory_space<hbm>> -> memref<640xf32, #tpu.memory_space<hbm>>
      %dma_start3A_144 = tpu.memref_slice %arg9[%mul3A_138] : memref<10240xf32, #tpu.memory_space<vmem_shared>> -> memref<640xf32, #tpu.memory_space<vmem_shared>>
      tpu.enqueue_dma source(%dma_start3A_144 : memref<640xf32, #tpu.memory_space<vmem_shared>>) target(%dma_start3A_143 : memref<640xf32, #tpu.memory_space<hbm>>) target_semaphore(%run_scoped3A : memref<!tpu.dma_semaphore, #tpu.memory_space<semaphore_mem>>)
      %dma_wait3A_145 = tpu.memref_slice %arg4[%add3A_136] : memref<40960xf32, #tpu.memory_space<hbm>> -> memref<640xf32, #tpu.memory_space<hbm>>
      %dma_wait3A_146 = tpu.memref_slice %arg9[%mul3A_138] : memref<10240xf32, #tpu.memory_space<vmem_shared>> -> memref<640xf32, #tpu.memory_space<vmem_shared>>
      tpu.wait_dma2 semaphore(%run_scoped3A : memref<!tpu.dma_semaphore, #tpu.memory_space<semaphore_mem>>) src(%dma_wait3A_146 : memref<640xf32, #tpu.memory_space<vmem_shared>>) dst(%dma_wait3A_145 : memref<640xf32, #tpu.memory_space<hbm>>)
      tpu.yield
    }) : () -> ()
    %mul3A_139 = arith.constant 640 : i32
    %mul3A_140 = arith.muli %arg1, %mul3A_139 : i32
    %add3A_141 = arith.constant 10240 : i32
    %add3A_142 = arith.addi %add3A_136, %add3A_141 : i32
    "tpu.region"() ({
      %run_scoped3A = tpu.sem_alloc : memref<!tpu.dma_semaphore, #tpu.memory_space<semaphore_mem>>
      %dma_start3A_143 = tpu.memref_slice %arg4[%add3A_142] : memref<40960xf32, #tpu.memory_space<hbm>> -> memref<640xf32, #tpu.memory_space<hbm>>
      %dma_start3A_144 = tpu.memref_slice %arg10[%mul3A_140] : memref<10240xf32, #tpu.memory_space<vmem_shared>> -> memref<640xf32, #tpu.memory_space<vmem_shared>>
      tpu.enqueue_dma source(%dma_start3A_144 : memref<640xf32, #tpu.memory_space<vmem_shared>>) target(%dma_start3A_143 : memref<640xf32, #tpu.memory_space<hbm>>) target_semaphore(%run_scoped3A : memref<!tpu.dma_semaphore, #tpu.memory_space<semaphore_mem>>)
      %dma_wait3A_145 = tpu.memref_slice %arg4[%add3A_142] : memref<40960xf32, #tpu.memory_space<hbm>> -> memref<640xf32, #tpu.memory_space<hbm>>
      %dma_wait3A_146 = tpu.memref_slice %arg10[%mul3A_140] : memref<10240xf32, #tpu.memory_space<vmem_shared>> -> memref<640xf32, #tpu.memory_space<vmem_shared>>
      tpu.wait_dma2 semaphore(%run_scoped3A : memref<!tpu.dma_semaphore, #tpu.memory_space<semaphore_mem>>) src(%dma_wait3A_146 : memref<640xf32, #tpu.memory_space<vmem_shared>>) dst(%dma_wait3A_145 : memref<640xf32, #tpu.memory_space<hbm>>)
      tpu.yield
    }) : () -> ()
    return
  }
}

module attributes {stable_mosaic.version = 14 : i64} {
  func.func @_tc0_body(%arg0: memref<10000x128xf32, #tpu.memory_space<vmem>>, %arg1: memref<128x128xf32, #tpu.memory_space<vmem>>, %arg2: memref<10000x128xf32, #tpu.memory_space<vmem>>) attributes {dimension_semantics = [], scalar_prefetch = 0 : i64, scratch_operands = 0 : i64, tpu.core_type = #tpu.core_type<tc>} {
    %get3A = arith.constant 0 : index
    %get3A_0 = arith.constant 0 : index
    %get3A_1 = vector.load %arg0[%get3A, %get3A_0] : memref<10000x128xf32, #tpu.memory_space<vmem>>, vector<10000x128xf32>
    %get3A_2 = arith.constant 0 : index
    %get3A_3 = arith.constant 0 : index
    %get3A_4 = vector.load %arg1[%get3A_2, %get3A_3] : memref<128x128xf32, #tpu.memory_space<vmem>>, vector<128x128xf32>
    %dot_general3A = arith.constant dense<0.000000e+00> : vector<10000x128xf32>
    %dot_general3A_5 = tpu.matmul %get3A_1, %get3A_4, %dot_general3A {dimension_numbers = #tpu.dot_dimension_numbers<[1], [0], [0], [1], [0, 0, 1, 1], [], []>, transpose_lhs_hint = false} : vector<10000x128xf32>, vector<128x128xf32>, vector<10000x128xf32> -> vector<10000x128xf32>
    %swap3A = arith.constant 0 : index
    %swap3A_6 = arith.constant 0 : index
    %swap3A_7 = vector.load %arg2[%swap3A, %swap3A_6] : memref<10000x128xf32, #tpu.memory_space<vmem>>, vector<10000x128xf32>
    tpu.vector_store %arg2[%swap3A, %swap3A_6], %dot_general3A_5 {strides = array<i32>} : memref<10000x128xf32, #tpu.memory_space<vmem>>, vector<10000x128xf32>,
    return
  }
}

module attributes {stable_mosaic.version = 14 : i64} {
  func.func @_tc1s_body(%arg0: memref<10000x128xf32, #tpu.memory_space<vmem>>, %arg1: memref<10240x4xf32, #tpu.memory_space<vmem>>, %arg2: memref<10000x64xf32, #tpu.memory_space<vmem>>, %arg3: memref<10000x64xf32, #tpu.memory_space<vmem>>) attributes {dimension_semantics = [], scalar_prefetch = 0 : i64, scratch_operands = 0 : i64, tpu.core_type = #tpu.core_type<tc>} {
    %get3A = arith.constant 0 : index
    %get3A_0 = arith.constant 0 : index
    %get3A_1 = vector.load %arg1[%get3A, %get3A_0] : memref<10240x4xf32, #tpu.memory_space<vmem>>, vector<10240x1xf32>
    %get3A_2 = arith.constant 0 : index
    %get3A_3 = arith.constant 2 : index
    %get3A_4 = vector.load %arg1[%get3A_2, %get3A_3] : memref<10240x4xf32, #tpu.memory_space<vmem>>, vector<10240x1xf32>
    %add3A = arith.addf %get3A_1, %get3A_4 : vector<10240x1xf32>
    %gt3A = arith.constant 0.000000e+00 : f32
    %gt3A_5 = vector.broadcast %gt3A : f32 to vector<10240x1xf32>
    %gt3A_6 = arith.cmpf ogt, %add3A, %gt3A_5 : vector<10240x1xf32>
    %max3A = arith.constant 1.000000e+00 : f32
    %max3A_7 = vector.broadcast %max3A : f32 to vector<10240x1xf32>
    %max3A_8 = arith.maximumf %add3A, %max3A_7 : vector<10240x1xf32>
    %rsqrt3A = math.rsqrt %max3A_8 : vector<10240x1xf32>
    %jit3A = arith.constant 0.000000e+00 : f32
    %broadcast_in_dim3A = vector.broadcast %jit3A : f32 to vector<10240x1xf32>
    %select_n3A = arith.select %gt3A_6, %rsqrt3A, %broadcast_in_dim3A : vector<10240x1xi1>, vector<10240x1xf32>
    %get3A_9 = arith.constant 0 : index
    %get3A_10 = arith.constant 0 : index
    %get3A_11 = vector.load %arg0[%get3A_9, %get3A_10] : memref<10000x128xf32, #tpu.memory_space<vmem>>, vector<10000x128xf32>
    %slice3A = vector.extract_strided_slice %select_n3A {offsets = [0, 0], sizes = [10000, 1], strides = [1, 1]} : vector<10240x1xf32> to vector<10000x1xf32>
    %mul3A = vector.broadcast %slice3A : vector<10000x1xf32> to vector<10000x128xf32>
    %mul3A_12 = arith.mulf %get3A_11, %mul3A : vector<10000x128xf32>
    %slice3A_13 = vector.extract_strided_slice %mul3A_12 {offsets = [0, 0], sizes = [10000, 64], strides = [1, 1]} : vector<10000x128xf32> to vector<10000x64xf32>
    %swap3A = arith.constant 0 : index
    %swap3A_14 = arith.constant 0 : index
    %swap3A_15 = vector.load %arg2[%swap3A, %swap3A_14] : memref<10000x64xf32, #tpu.memory_space<vmem>>, vector<10000x64xf32>
    tpu.vector_store %arg2[%swap3A, %swap3A_14], %slice3A_13 {strides = array<i32>} : memref<10000x64xf32, #tpu.memory_space<vmem>>, vector<10000x64xf32>,
    %slice3A_16 = vector.extract_strided_slice %mul3A_12 {offsets = [0, 64], sizes = [10000, 64], strides = [1, 1]} : vector<10000x128xf32> to vector<10000x64xf32>
    %swap3A_17 = arith.constant 0 : index
    %swap3A_18 = arith.constant 0 : index
    %swap3A_19 = vector.load %arg3[%swap3A_17, %swap3A_18] : memref<10000x64xf32, #tpu.memory_space<vmem>>, vector<10000x64xf32>
    tpu.vector_store %arg3[%swap3A_17, %swap3A_18], %slice3A_16 {strides = array<i32>} : memref<10000x64xf32, #tpu.memory_space<vmem>>, vector<10000x64xf32>,
    return
  }
}

module attributes {stable_mosaic.version = 14 : i64} {
  func.func @_tc2_body(%arg0: memref<2x10240x64xf32, #tpu.memory_space<vmem>>, %arg1: memref<10240x4xf32, #tpu.memory_space<vmem>>, %arg2: memref<128x64xf32, #tpu.memory_space<vmem>>, %arg3: memref<1x128xf32, #tpu.memory_space<vmem>>, %arg4: memref<10000x32xf32, #tpu.memory_space<vmem>>, %arg5: memref<10000x32xf32, #tpu.memory_space<vmem>>) attributes {dimension_semantics = [], scalar_prefetch = 0 : i64, scratch_operands = 0 : i64, tpu.core_type = #tpu.core_type<tc>} {
    %get3A = arith.constant 0 : index
    %get3A_0 = arith.constant 0 : index
    %get3A_1 = vector.load %arg1[%get3A, %get3A_0] : memref<10240x4xf32, #tpu.memory_space<vmem>>, vector<10240x1xf32>
    %get3A_2 = arith.constant 0 : index
    %get3A_3 = arith.constant 2 : index
    %get3A_4 = vector.load %arg1[%get3A_2, %get3A_3] : memref<10240x4xf32, #tpu.memory_space<vmem>>, vector<10240x1xf32>
    %add3A = arith.addf %get3A_1, %get3A_4 : vector<10240x1xf32>
    %get3A_5 = arith.constant 0 : index
    %get3A_6 = arith.constant 1 : index
    %get3A_7 = vector.load %arg1[%get3A_5, %get3A_6] : memref<10240x4xf32, #tpu.memory_space<vmem>>, vector<10240x1xf32>
    %get3A_8 = arith.constant 0 : index
    %get3A_9 = arith.constant 3 : index
    %get3A_10 = vector.load %arg1[%get3A_8, %get3A_9] : memref<10240x4xf32, #tpu.memory_space<vmem>>, vector<10240x1xf32>
    %add3A_11 = arith.addf %get3A_7, %get3A_10 : vector<10240x1xf32>
    %gt3A = arith.constant 0.000000e+00 : f32
    %gt3A_12 = vector.broadcast %gt3A : f32 to vector<10240x1xf32>
    %gt3A_13 = arith.cmpf ogt, %add3A, %gt3A_12 : vector<10240x1xf32>
    %max3A = arith.constant 1.000000e+00 : f32
    %max3A_14 = vector.broadcast %max3A : f32 to vector<10240x1xf32>
    %max3A_15 = arith.maximumf %add3A, %max3A_14 : vector<10240x1xf32>
    %rsqrt3A = math.rsqrt %max3A_15 : vector<10240x1xf32>
    %jit3A = arith.constant 0.000000e+00 : f32
    %broadcast_in_dim3A = vector.broadcast %jit3A : f32 to vector<10240x1xf32>
    %select_n3A = arith.select %gt3A_13, %rsqrt3A, %broadcast_in_dim3A : vector<10240x1xi1>, vector<10240x1xf32>
    %gt3A_16 = arith.constant 0.000000e+00 : f32
    %gt3A_17 = vector.broadcast %gt3A_16 : f32 to vector<10240x1xf32>
    %gt3A_18 = arith.cmpf ogt, %add3A_11, %gt3A_17 : vector<10240x1xf32>
    %max3A_19 = arith.constant 1.000000e+00 : f32
    %max3A_20 = vector.broadcast %max3A_19 : f32 to vector<10240x1xf32>
    %max3A_21 = arith.maximumf %add3A_11, %max3A_20 : vector<10240x1xf32>
    %rsqrt3A_22 = math.rsqrt %max3A_21 : vector<10240x1xf32>
    %jit3A_23 = arith.constant 0.000000e+00 : f32
    %broadcast_in_dim3A_24 = vector.broadcast %jit3A_23 : f32 to vector<10240x1xf32>
    %select_n3A_25 = arith.select %gt3A_18, %rsqrt3A_22, %broadcast_in_dim3A_24 : vector<10240x1xi1>, vector<10240x1xf32>
    %get3A_26 = arith.constant 0 : index
    %get3A_27 = arith.constant 0 : index
    %get3A_28 = arith.constant 0 : index
    %get3A_29 = vector.load %arg0[%get3A_26, %get3A_27, %get3A_28] : memref<2x10240x64xf32, #tpu.memory_space<vmem>>, vector<1x10240x64xf32>
    %get3A_30 = vector.shape_cast %get3A_29 : vector<1x10240x64xf32> to vector<10240x64xf32>
    %get3A_31 = arith.constant 1 : index
    %get3A_32 = arith.constant 0 : index
    %get3A_33 = arith.constant 0 : index
    %get3A_34 = vector.load %arg0[%get3A_31, %get3A_32, %get3A_33] : memref<2x10240x64xf32, #tpu.memory_space<vmem>>, vector<1x10240x64xf32>
    %get3A_35 = vector.shape_cast %get3A_34 : vector<1x10240x64xf32> to vector<10240x64xf32>
    %concatenate3A = tpu.concatenate %get3A_30, %get3A_35 in 1 : vector<10240x64xf32>, vector<10240x64xf32> -> vector<10240x128xf32>
    %mul3A = vector.broadcast %select_n3A_25 : vector<10240x1xf32> to vector<10240x128xf32>
    %mul3A_36 = arith.mulf %concatenate3A, %mul3A : vector<10240x128xf32>
    %get3A_37 = arith.constant 0 : index
    %get3A_38 = arith.constant 0 : index
    %get3A_39 = vector.load %arg3[%get3A_37, %get3A_38] : memref<1x128xf32, #tpu.memory_space<vmem>>, vector<1x128xf32>
    %add3A_40 = vector.broadcast %get3A_39 : vector<1x128xf32> to vector<10240x128xf32>
    %add3A_41 = arith.addf %mul3A_36, %add3A_40 : vector<10240x128xf32>
    %max3A_42 = arith.constant 0.000000e+00 : f32
    %max3A_43 = vector.broadcast %max3A_42 : f32 to vector<10240x128xf32>
    %max3A_44 = arith.maximumf %add3A_41, %max3A_43 : vector<10240x128xf32>
    %get3A_45 = arith.constant 0 : index
    %get3A_46 = arith.constant 0 : index
    %get3A_47 = vector.load %arg2[%get3A_45, %get3A_46] : memref<128x64xf32, #tpu.memory_space<vmem>>, vector<128x64xf32>
    %dot_general3A = arith.constant dense<0.000000e+00> : vector<10240x64xf32>
    %dot_general3A_48 = tpu.matmul %max3A_44, %get3A_47, %dot_general3A {dimension_numbers = #tpu.dot_dimension_numbers<[1], [0], [0], [1], [0, 0, 1, 1], [], []>, transpose_lhs_hint = false} : vector<10240x128xf32>, vector<128x64xf32>, vector<10240x64xf32> -> vector<10240x64xf32>
    %mul3A_49 = vector.broadcast %select_n3A : vector<10240x1xf32> to vector<10240x64xf32>
    %mul3A_50 = arith.mulf %dot_general3A_48, %mul3A_49 : vector<10240x64xf32>
    %slice3A = vector.extract_strided_slice %mul3A_50 {offsets = [0, 0], sizes = [10000, 32], strides = [1, 1]} : vector<10240x64xf32> to vector<10000x32xf32>
    %swap3A = arith.constant 0 : index
    %swap3A_51 = arith.constant 0 : index
    %swap3A_52 = vector.load %arg4[%swap3A, %swap3A_51] : memref<10000x32xf32, #tpu.memory_space<vmem>>, vector<10000x32xf32>
    tpu.vector_store %arg4[%swap3A, %swap3A_51], %slice3A {strides = array<i32>} : memref<10000x32xf32, #tpu.memory_space<vmem>>, vector<10000x32xf32>,
    %slice3A_53 = vector.extract_strided_slice %mul3A_50 {offsets = [0, 32], sizes = [10000, 32], strides = [1, 1]} : vector<10240x64xf32> to vector<10000x32xf32>
    %swap3A_54 = arith.constant 0 : index
    %swap3A_55 = arith.constant 0 : index
    %swap3A_56 = vector.load %arg5[%swap3A_54, %swap3A_55] : memref<10000x32xf32, #tpu.memory_space<vmem>>, vector<10000x32xf32>
    tpu.vector_store %arg5[%swap3A_54, %swap3A_55], %slice3A_53 {strides = array<i32>} : memref<10000x32xf32, #tpu.memory_space<vmem>>, vector<10000x32xf32>,
    return
  }
}

module attributes {stable_mosaic.version = 14 : i64} {
  func.func @_tc3_body(%arg0: memref<2x10240x32xf32, #tpu.memory_space<vmem>>, %arg1: memref<10240x4xf32, #tpu.memory_space<vmem>>, %arg2: memref<1x64xf32, #tpu.memory_space<vmem>>, %arg3: memref<10000x64xf32, #tpu.memory_space<vmem>>) attributes {dimension_semantics = [], scalar_prefetch = 0 : i64, scratch_operands = 0 : i64, tpu.core_type = #tpu.core_type<tc>} {
    %get3A = arith.constant 0 : index
    %get3A_0 = arith.constant 1 : index
    %get3A_1 = vector.load %arg1[%get3A, %get3A_0] : memref<10240x4xf32, #tpu.memory_space<vmem>>, vector<10240x1xf32>
    %get3A_2 = arith.constant 0 : index
    %get3A_3 = arith.constant 3 : index
    %get3A_4 = vector.load %arg1[%get3A_2, %get3A_3] : memref<10240x4xf32, #tpu.memory_space<vmem>>, vector<10240x1xf32>
    %add3A = arith.addf %get3A_1, %get3A_4 : vector<10240x1xf32>
    %gt3A = arith.constant 0.000000e+00 : f32
    %gt3A_5 = vector.broadcast %gt3A : f32 to vector<10240x1xf32>
    %gt3A_6 = arith.cmpf ogt, %add3A, %gt3A_5 : vector<10240x1xf32>
    %max3A = arith.constant 1.000000e+00 : f32
    %max3A_7 = vector.broadcast %max3A : f32 to vector<10240x1xf32>
    %max3A_8 = arith.maximumf %add3A, %max3A_7 : vector<10240x1xf32>
    %rsqrt3A = math.rsqrt %max3A_8 : vector<10240x1xf32>
    %jit3A = arith.constant 0.000000e+00 : f32
    %broadcast_in_dim3A = vector.broadcast %jit3A : f32 to vector<10240x1xf32>
    %select_n3A = arith.select %gt3A_6, %rsqrt3A, %broadcast_in_dim3A : vector<10240x1xi1>, vector<10240x1xf32>
    %get3A_9 = arith.constant 0 : index
    %get3A_10 = arith.constant 0 : index
    %get3A_11 = arith.constant 0 : index
    %get3A_12 = vector.load %arg0[%get3A_9, %get3A_10, %get3A_11] : memref<2x10240x32xf32, #tpu.memory_space<vmem>>, vector<1x10240x32xf32>
    %get3A_13 = vector.shape_cast %get3A_12 : vector<1x10240x32xf32> to vector<10240x32xf32>
    %get3A_14 = arith.constant 1 : index
    %get3A_15 = arith.constant 0 : index
    %get3A_16 = arith.constant 0 : index
    %get3A_17 = vector.load %arg0[%get3A_14, %get3A_15, %get3A_16] : memref<2x10240x32xf32, #tpu.memory_space<vmem>>, vector<1x10240x32xf32>
    %get3A_18 = vector.shape_cast %get3A_17 : vector<1x10240x32xf32> to vector<10240x32xf32>
    %concatenate3A = tpu.concatenate %get3A_13, %get3A_18 in 1 : vector<10240x32xf32>, vector<10240x32xf32> -> vector<10240x64xf32>
    %mul3A = vector.broadcast %select_n3A : vector<10240x1xf32> to vector<10240x64xf32>
    %mul3A_19 = arith.mulf %concatenate3A, %mul3A : vector<10240x64xf32>
    %get3A_20 = arith.constant 0 : index
    %get3A_21 = arith.constant 0 : index
    %get3A_22 = vector.load %arg2[%get3A_20, %get3A_21] : memref<1x64xf32, #tpu.memory_space<vmem>>, vector<1x64xf32>
    %add3A_23 = vector.broadcast %get3A_22 : vector<1x64xf32> to vector<10240x64xf32>
    %add3A_24 = arith.addf %mul3A_19, %add3A_23 : vector<10240x64xf32>
    %slice3A = vector.extract_strided_slice %add3A_24 {offsets = [0, 0], sizes = [10000, 64], strides = [1, 1]} : vector<10240x64xf32> to vector<10000x64xf32>
    %swap3A = arith.constant 0 : index
    %swap3A_25 = arith.constant 0 : index
    %swap3A_26 = vector.load %arg3[%swap3A, %swap3A_25] : memref<10000x64xf32, #tpu.memory_space<vmem>>, vector<10000x64xf32>
    tpu.vector_store %arg3[%swap3A, %swap3A_25], %slice3A {strides = array<i32>} : memref<10000x64xf32, #tpu.memory_space<vmem>>, vector<10000x64xf32>,
    return
  }
}

</mosaic_0001>

<sc_bundles>
// kernel: kernel.12.cloned.1.call-start
scs
__scs_entry_jumppad:
0x0: {  	(pc) =	sbr.rel $0x88, $3  }
0x1: {  	(tag) =	ssettag $0x0;
	lr =	simm.s32 $0x1  }
0x2: {  	[smem:$0x3F9B] =	sst lr;
	_ =	strace $0xD0000000  }
0x3: {  	_ = 	snop  }
0x4: {  	_ = 	snop  }
0x5: {  	_ = 	snop  }
0x6: {  	_ = 	snop  }
0x7: {  	_ = 	snop  }
__scs_overlays_trampoline_lowered:
0x8: {  	[smem:$0x3FAA] =	sst s0  }
0x9: {  	[smem:$0x3FAB] =	sst s1  }
0xa: {  	[smem:$0x3FAC] =	sst s2  }
0xb: {  	[smem:$0x3FAD] =	sst s3  }
0xc: {  	[smem:$0x3FAE] =	sst s4  }
0xd: {  	[smem:$0x3FAF] =	sst s5  }
0xe: {  	[smem:$0x3FB0] =	sst s6  }
0xf: {  	[smem:$0x3FB1] =	sst s7  }
0x10: {  	[smem:$0x3FB2] =	sst s8  }
0x11: {  	[smem:$0x3FB3] =	sst s9;
	s0 =	simm.s32 @!p0 $0x0  }
0x12: {  	s1 =	sld [smem:$0x3F99];
	s0 =	simm.s32 @p0 $0x1  }
0x13: {  	[smem:$0x3FB4] =	sst s0;
	s0 =	simm.s32 @!p1 $0x0  }
0x14: {  	s2 =	sld [smem:$0x3F98];
	s0 =	simm.s32 @p1 $0x1  }
0x15: {  	[smem:$0x3FB5] =	sst s0;
	s0 =	simm.s32 @!p2 $0x0  }
0x16: {  	s3 =	sld [smem:$0x3FDB];
	s0 =	simm.s32 @p2 $0x1  }
0x17: {  	s4 =	simm.s32 $0x1BF5;
	[smem:$0x3FB7] =	sst s0  }
0x18: {  	s0 =	sld [smem:$0x3F9A];
	_ =	swait.ge [sflag:s4], $0x0  }
0x19: {  	s7 =	sld [smem:$0x3F9B]  }
0x1a: {  	s8 =	sadd.s32 $0xFFFFE003, lr  }
0x1b: {  	s9 =	sadd.s32 $0xFFFFFEF7, lr;
	s5 =	simm.s32 $0xFFFFFFFF;
	p2 =	slt.u32 s8, $0xFFFFF086  }
0x1c: {  	p1 =	slt.u32 s9, $0xF7A;
	s5 =	simm.s32 @!p2 $0x0  }
0x1d: {  	s5 =	simm.s32 @p1 $0x1;
	p0 =	seq.s32 s7, s2  }
0x1e: {  	s7 =	smul.u32 @!p0 $0xF7A, s2;
	p2 =	seq.s32 @!p0 s5, $0x0  }
0x1f: {  	s9 =	smul.u32 $0xF7A, s1;
	s8 =	simm.s32 @!p0 $0x1BF5;
	p2 =	por !p2, p0  }
0x20: {  	[sflag:s8] =	ssyncset.s32 @!p0 $0xFFFFF086;
	s6 =	sadd.s32 @!p0 s3, s7;
	s7 =	simm.s32 @!p0 $0x108  }
0x21: {  	s3 =	sadd.s32 s3, s9;
	s6 =	sadd.s32 @!p0 $0x88, s6;
	s7 =	simm.s32 @p2 $0x1082  }
0x22: {  	[simem:s7], [sflag:s8] =	dma.local @!p0 [hbm:s6], $0xF7A  }
0x23: {  	s9 =	sor.u32 $0xD0000000, s2;
	s6 =	simm.s32 $0x108;
	_ =	swait.ge @!p0 [sflag:s8], $0x0  }
0x24: {  	s3 =	sadd.s32 $0x88, s3;
	s6 =	simm.s32 @!p1 $0x1082;
	[sflag:s4] =	ssyncset.s32 $0xFFFFF086  }
0x25: {  	[simem:s6], [sflag:s4] =	dma.local [hbm:s3], $0xF7A  }
0x26: {  	[smem:$0x3F9B] =	sst s1;
	(tag) =	ssettag s2;
	_ =	strace s9  }
0x27: {  	s1 =	sld [smem:$0x3FAB]  }
0x28: {  	s2 =	sld [smem:$0x3FAC]  }
0x29: {  	s4 =	sld [smem:$0x3FAE]  }
0x2a: {  	p0 =	seq.s32 s5, $0x0;
	s5 =	sld [smem:$0x3FAF]  }
0x2b: {  	s6 =	sld [smem:$0x3FB0]  }
0x2c: {  	s7 =	sld [smem:$0x3FB1]  }
0x2d: {  	s3 =	simm.s32 $0x108;
	s8 =	sld [smem:$0x3FB2]  }
0x2e: {  	s3 =	simm.s32 @!p0 $0x1082;
	s9 =	sld [smem:$0x3FB3]  }
0x2f: {  	lr =	sadd.s32 s0, s3;
	s0 =	sld [smem:$0x3FAA]  }
0x30: {  	s3 =	sld [smem:$0x3FAD]  }
0x31: {  	[smem:$0x3FB6] =	sst s10  }
0x32: {  	s10 =	sld [smem:$0x3FB4];
	_ =	sdelay $0x3  }
0x33: {  	p0 =	seq.s32 s10, $0x1;
	s10 =	sld [smem:$0x3FB6];
	_ =	sdelay $0x3  }
0x34: {  	[smem:$0x3FB6] =	sst s10  }
0x35: {  	s10 =	sld [smem:$0x3FB5];
	_ =	sdelay $0x3  }
0x36: {  	p1 =	seq.s32 s10, $0x1;
	s10 =	sld [smem:$0x3FB6];
	_ =	sdelay $0x3  }
0x37: {  	[smem:$0x3FB6] =	sst s10  }
0x38: {  	s10 =	sld [smem:$0x3FB7]  }
0x39: {  	_ = 	snop;
	(pc) =	sbr.ind lr, $3  }
0x3a: {  	_ = 	snop  }
0x3b: {  	_ = 	snop  }
0x3c: {  	p2 =	seq.s32 s10, $0x1;
	s10 =	sld [smem:$0x3FB6]  }
0x3d: {  	_ =	shalt  }
0x3e: {  	_ =	shalt  }
0x3f: {  	_ =	shalt  }
0x40: {  	_ =	shalt  }
0x41: {  	_ =	shalt  }
0x42: {  	_ =	shalt  }
0x43: {  	_ =	shalt  }
0x44: {  	_ =	shalt  }
0x45: {  	_ =	shalt  }
0x46: {  	_ =	shalt  }
0x47: {  	_ =	shalt  }
0x48: {  	_ =	shalt  }
0x49: {  	_ =	shalt  }
0x4a: {  	_ =	shalt  }
0x4b: {  	_ =	shalt  }
0x4c: {  	_ =	shalt  }
0x4d: {  	_ =	shalt  }
0x4e: {  	_ =	shalt  }
0x4f: {  	_ =	shalt  }
0x50: {  	_ =	shalt  }
0x51: {  	_ =	shalt  }
0x52: {  	_ =	shalt  }
0x53: {  	_ =	shalt  }
0x54: {  	_ =	shalt  }
0x55: {  	_ =	shalt  }
0x56: {  	_ =	shalt  }
0x57: {  	_ =	shalt  }
0x58: {  	_ =	shalt  }
0x59: {  	_ =	shalt  }
0x5a: {  	_ =	shalt  }
0x5b: {  	_ =	shalt  }
0x5c: {  	_ =	shalt  }
0x5d: {  	_ =	shalt  }
0x5e: {  	_ =	shalt  }
0x5f: {  	_ =	shalt  }
0x60: {  	_ =	shalt  }
0x61: {  	_ =	shalt  }
0x62: {  	_ =	shalt  }
0x63: {  	_ =	shalt  }
0x64: {  	_ =	shalt  }
0x65: {  	_ =	shalt  }
0x66: {  	_ =	shalt  }
0x67: {  	_ =	shalt  }
0x68: {  	_ =	shalt  }
0x69: {  	_ =	shalt  }
0x6a: {  	_ =	shalt  }
0x6b: {  	_ =	shalt  }
0x6c: {  	_ =	shalt  }
0x6d: {  	_ =	shalt  }
0x6e: {  	_ =	shalt  }
0x6f: {  	_ =	shalt  }
0x70: {  	_ =	shalt  }
0x71: {  	_ =	shalt  }
0x72: {  	_ =	shalt  }
0x73: {  	_ =	shalt  }
0x74: {  	_ =	shalt  }
0x75: {  	_ =	shalt  }
0x76: {  	_ =	shalt  }
0x77: {  	_ =	shalt  }
0x78: {  	_ =	shalt  }
0x79: {  	_ =	shalt  }
0x7a: {  	_ =	shalt  }
0x7b: {  	_ =	shalt  }
0x7c: {  	_ =	shalt  }
0x7d: {  	_ =	shalt  }
0x7e: {  	_ =	shalt  }
0x7f: {  	_ =	shalt  }
0x80: {  	_ =	shalt  }
0x81: {  	_ =	shalt  }
0x82: {  	_ =	shalt  }
0x83: {  	_ =	shalt  }
0x84: {  	_ =	shalt  }
0x85: {  	_ =	shalt  }
0x86: {  	_ =	shalt  }
0x87: {  	_ =	shalt  }
.Lfunc_end0:
.L_simem_size_0:
called_computation.1_lowered:
.L_overlay_start_0:
0x88: {  	s2 =	sld [smem:$0x3FD9]  }
0x89: {  	s3 =	sld [smem:$0x3FFE];
	_ =	sdelay $0x1  }
0x8a: {  	s1 =	srdreg.scid  }
0x8b: {  	s0 =	sand.u32 $0x1, s1  }
0x8c: {  	s17 =	sshll.u32 s0, $0xA;
	s2 =	sadd.s32 s3, s2  }
0x8d: {  	s2 =	sadd.s32 s2, s17  }
0x8e: {  	[smem:$0x3FC2] =	sst s2  }
0x8f: {  	_ = 	snop  }
0x90: {  	s2 =	sld [smem:$0x3FD0];
	(tm) =	ssettm $0x1  }
0x91: {  	s18 =	sld [smem:$0x3FFB];
	_ =	sdelay $0x3  }
0x92: {  	_ =	strace s18  }
0x93: {  	s3 =	sld [smem:$0x3FFC];
	_ =	sdelay $0x3  }
0x94: {  	_ =	strace s3  }
0x95: {  	s3 =	sld [smem:$0x3FFD];
	_ =	sdelay $0x3  }
0x96: {  	_ =	strace s3  }
0x97: {  	_ =	strace $0x8FFFFFFF  }
0x98: {  	s19 =	sld [smem:$0x3FDB];
	_ =	sdelay $0x1  }
0x99: {  	s4 =	simm.s32 $_scs_section_size  }
0x9a: {  	s5 =	simm.s32 $_size__tile_overlayer_lowered;
	s6 =	simm.s32 $_tile_overlayer_lowered  }
0x9b: {  	s22 =	simm.s32 $0x1BFF;
	s21 =	sshll.u32 s6, $0x1;
	s3 =	sadd.s32 s4, s19  }
0x9c: {  	s7 =	simm.s32 $0x0;
	s20 =	sshll.u32 s5, $0x1;
	s5 =	sadd.s32 s21, s3  }
0x9d: {  	[timem:s7], [sflag:s22] =	dma.local [hbm:s5], s20  }
0x9e: {  	_ =	swait.ge [sflag:s22], s20  }
0x9f: {  	s4 =	ssub.s32 $0x0, s20;
	[sflag:s22] =	ssyncset.done $0x0  }
0xa0: {  	[sflag:s22] =	ssyncadd.s32 s4;
	_ =	sdelay $0x1  }
0xa1: {  	s23 =	simm.s32 $0x1B8B  }
0xa2: {  	_ =	swait.ge [sflag:s23], $0x1  }
0xa3: {  	[sflag:s23] =	ssyncset.done $0x0  }
0xa4: {  	s25 =	simm.s32 $0x1B8E;
	s24 =	sld [smem:$0x3FFE];
	[sflag:s23] =	ssyncadd.s32 $0xFFFFFFFF  }
0xa5: {  	s26 =	simm.s32 $execute0_lowered;
	[smem:$0x3FD2] =	sst s25  }
0xa6: {  	s5 =	sshll.u32 s26, $0x1;
	_ =	strace $0x80000049;
	[dreg:$0x1] =	wrdreg $0xFFFFFFFF  }
0xa7: {  	s28 =	simm.s32 $_size_execute0_lowered;
	s3 =	sadd.s32 s3, s5;
	[dreg:$0x0] =	wrdreg $0x0  }
0xa8: {  	s5 =	sshll.u32 s28, $0x1;
	[dreg:$0x2] =	wrdreg s3  }
0xa9: {  	[dreg:$0x3] =	wrdreg s5  }
0xaa: {  	[dreg:$0x4] =	wrdreg $0xC0  }
0xab: {  	_ =	task [dreg:s7], $0x5FFFF  }
0xac: {  	[dreg:$0x1] =	wrdreg $0xFFFFFFFF  }
0xad: {  	[dreg:$0x0] =	wrdreg $0x60  }
0xae: {  	[dreg:$0x2] =	wrdreg s2  }
0xaf: {  	[dreg:$0x3] =	wrdreg s24  }
0xb0: {  	[dreg:$0x4] =	wrdreg $0x15B800  }
0xb1: {  	[dreg:$0x5] =	wrdreg $0x9  }
0xb2: {  	_ =	task.clear_ibuf [dreg:s7], $0x6FFFF;
	_ =	strace $0x90000049  }
0xb3: {  	s29 =	simm.s32 $0x9;
	_ =	strace $0x8000004B  }
0xb4: {  	_ =	swait.ge [sflag:s29], $0x1  }
0xb5: {  	[sflag:s29] =	ssyncadd.s32 $0xFFFFFFFF  }
0xb6: {  	_ =	strace $0x9000004B  }
0xb7: {  	_ =	sfence  }
0xb8: {  	s30 =	sld [smem:$0x0];
	_ =	sdelay $0x2  }
0xb9: {  	s31 =	sshll.u32 s1, $0xD;
	s1 =	sshrl.u32 s1, $0x2  }
0xba: {  	s3 =	sand.u32 $0x4000, s31;
	s1 =	sadd.s32 s1, s30  }
0xbb: {  	s0 =	sor.u32 s3, s0;
	s1 =	sshll.u32 s1, $0x11  }
0xbc: {  	s0 =	sor.u32 s1, s0  }
0xbd: {  	s0 =	sadd.s32 $0x8F2B, s0  }
0xbe: {  	[sflag:s0] =	ssyncadd.remote.s32 $0x1  }
0xbf: {  	_ =	sfence.sel $0xFFFF  }
0xc0: {  	[dreg:$0x0] =	wrdreg $0xFFFFFFFF;
	(pc) =	sbr.abs _section_cstart, $3  }
0xc1: {  	[dreg:$0x1] =	wrdreg $0xFFFFFFFF  }
0xc2: {  	_ =	task.clear_ibuf [dreg:s7], $0x2FFFF;
	_ =	strace $0x9FFFFFFF  }
0xc3: {  	(tm) =	ssettm $0x7FFFFFFF  }
tec
execute0_lowered:
.L_overlay_start_1:
0x0: {  	(tag) =	ssettag $0x1  }
0x1: {  	s0 =	rddreg [dreg:$0x0]  }
0x2: {  	s1 =	rddreg [dreg:$0x1]  }
0x3: {  	s2 =	rddreg [dreg:$0x2]  }
0x4: {  	s9 =	stileid.u32;
	s4 =	srdreg.scid  }
0x5: {  	s3 =	simm.s32 $0x0;
	s15 =	simm.s32 $0xD;
	s17 =	simm.s32 $0xA000  }
0x6: {  	s28 =	simm.s32 $0x11D00;
	s29 =	simm.s32 $0x2;
	s5 =	smul.u32 $0xA00, s9  }
0x7: {  	s31 =	simm.s32 $0x8;
	s30 =	simm.s32 $0x6;
	s7 =	smul.u32 $0x280, s9  }
0x8: {  	s6 =	sand.u32 $0x1, s4;
	[smem:$0x7FF] =	sst s3;
	s9 =	smul.u32 $0x28000, s9  }
0x9: {  	s4 =	sadd.s32 $0x15800, s1;
	s8 =	smul.u32 $0x2800, s6;
	_ =	strace $0x8000004A  }
0xa: {  	s19 =	ssub.s32 $0x2, s6;
	p0 =	seq.s32 s6, $0x0;
	s6 =	simm.s32 $0xA  }
0xb: {  	s10 =	sadd.s32 s5, s1;
	s20 =	sshrl.u32 s19, $0x1;
	s9 =	sshrl.u32 s9, $0x2  }
0xc: {  	s4 =	smov.u32 @p0 s0;
	s0 =	simm.s32 $0x13C40;
	s18 =	sadd.s32 s7, s8  }
0xd: {  	s7 =	ssub.s32 s19, s20;
	s21 =	sadd.s32 $0xB800, s10;
	s22 =	sadd.s32 $0x1800, s10  }
0xe: {  	s20 =	simm.s32 $0xBF40;
	s19 =	simm.s32 $0x3;
	[dreg:$0x4] =	wrdreg s21  }
0xf: {  	s8 =	simm.s32 $0xC;
	s5 =	sshll.u32 s18, $0x3;
	[dreg:$0x5] =	wrdreg s22  }
0x10: {  	s24 =	smax.u32 s7, $0x1;
	s18 =	simm.s32 $0x7D;
	s22 =	simm.s32 $0xDE80  }
0x11: {  	s21 =	simm.s32 $0x9;
	s1 =	sadd.s32 s5, s1;
	s5 =	sadd.s32 s9, s2  }
0x12: {  	s7 =	simm.s32 $0xB;
	[dreg:$0x8] =	wrdreg s24;
	s23 =	sadd.s32 $0x9C40, s5  }
0x13: {  	s24 =	simm.s32 $0xFDC0;
	s1 =	sadd.s32 $0x29200, s1;
	[dreg:$0x6] =	wrdreg s23  }
0x14: {  	s9 =	simm.s32 $0x0;
	s25 =	sadd.s32 $0x1F40, s5;
	[dreg:$0x7] =	wrdreg s1  }
0x15: {  	s26 =	sadd.s32 $0x3E80, s5;
	s13 =	sadd.s32 $0x5DC0, s5;
	[dreg:$0x9] =	wrdreg s25  }
0x16: {  	s14 =	sadd.s32 $0x7D00, s5;
	[dreg:$0xa] =	wrdreg s26;
	s25 =	simm.s32 $0x1  }
0x17: {  	v0 =	vimm.f32 $0.0e+00;
	s23 =	simm.s32 $0x7;
	s1 =	simm.s32 $0x4;
	s26 =	simm.s32 $0x5  }
.LBB2_1:
0x18: {  	s10 =	rddreg [dreg:$0x4]  }
0x19: {  	[tilespmem:s3], [sflag:$0xD] =	stream.linear.gather [hbm4b:s10+s3], $0x5000, $0x38;
	[tilespmem:$0x1FB80] =	vst v63  }
0x1a: {  	_ =	swait.ge [sflag:s15], $0x5000  }
0x1b: {  	[sflag:s15] =	ssyncset.done $0x0  }
0x1c: {  	s11 =	simm.s32 $0x5000;
	s16 =	rddreg [dreg:$0x5];
	[sflag:s15] =	ssyncadd.s32 $0xFFFFB000  }
0x1d: {  	[tilespmem:s11], [sflag:$0xD] =	stream.linear.gather [hbm4b:s16+s3], $0x5000, $0x38;
	[tilespmem:$0x1FB80] =	vst v63  }
0x1e: {  	s12 =	sand.u32 $0x30, s3;
	s11 =	sand.u32 $0x7F00, s3;
	_ =	swait.ge [sflag:s15], $0x5000  }
0x1f: {  	s10 =	simm.s32 $0x40;
	s16 =	sshrl.u32 s11, $0x2;
	[sflag:s15] =	ssyncset.done $0x0  }
0x20: {  	s11 =	sor.u32 s12, s16;
	s16 =	simm.s32 $0x0;
	[sflag:s15] =	ssyncadd.s32 $0xFFFFB000  }
.LBB2_2:
0x21: {  	p0 =	sne.s32 s10, $0x7CC0  }
0x22: {  	[tilespmem:s11+$0xA000] =	vst v0;
	s16 =	sadd.s32 $0x10, s16;
	s11 =	smov.u32 s10;
	s10 =	sadd.s32 $0x40, s10  }
.Ltmp0:
0x23: {  	(pc) =	sbr.rel @p0 .LBB2_2-.Ltmp0, $4  }
0x24: {  	_ = 	snop  }
0x25: {  	s11 =	sand.u32 $0x7F00, s11  }
0x26: {  	s12 =	sand.u32 $0x30, s16;
	s11 =	sshrl.u32 s11, $0x2  }
0x27: {  	s11 =	sor.u32 s12, s11  }
0x28: {  	[tilespmem:s11+$0xA000] =	vst v0  }
0x29: {  	[spmem:s5] =	stream.linear.scatter [tilespmem:s17], [sflag:$0xD], $0x1F40, $0x38;
	[tilespmem:$0x1FB80] =	vst v63  }
0x2a: {  	_ =	swait.ge [sflag:s15], $0x1F40  }
0x2b: {  	[sflag:s15] =	ssyncset.done $0x0  }
0x2c: {  	s10 =	rddreg [dreg:$0x9];
	[sflag:s15] =	ssyncadd.s32 $0xFFFFE0C0  }
0x2d: {  	[spmem:s10] =	stream.linear.scatter [tilespmem:s17], [sflag:$0xD], $0x1F40, $0x38;
	[tilespmem:$0x1FB80] =	vst v63  }
0x2e: {  	_ =	swait.ge [sflag:s15], $0x1F40  }
0x2f: {  	[sflag:s15] =	ssyncset.done $0x0  }
0x30: {  	s12 =	rddreg [dreg:$0xa];
	[sflag:s15] =	ssyncadd.s32 $0xFFFFE0C0  }
0x31: {  	[spmem:s12] =	stream.linear.scatter [tilespmem:s17], [sflag:$0xD], $0x1F40, $0x38;
	[tilespmem:$0x1FB80] =	vst v63  }
0x32: {  	_ =	swait.ge [sflag:s15], $0x1F40  }
0x33: {  	[sflag:s15] =	ssyncset.done $0x0  }
0x34: {  	[sflag:s15] =	ssyncadd.s32 $0xFFFFE0C0  }
0x35: {  	[spmem:s13] =	stream.linear.scatter [tilespmem:s17], [sflag:$0xD], $0x1F40, $0x38;
	[tilespmem:$0x1FB80] =	vst v63  }
0x36: {  	_ =	swait.ge [sflag:s15], $0x1F40  }
0x37: {  	[sflag:s15] =	ssyncset.done $0x0  }
0x38: {  	[sflag:s15] =	ssyncadd.s32 $0xFFFFE0C0  }
0x39: {  	[spmem:s14] =	stream.linear.scatter [tilespmem:s17], [sflag:$0xD], $0x1F40, $0x38;
	[tilespmem:$0x1FB80] =	vst v63  }
0x3a: {  	_ =	swait.ge [sflag:s15], $0x1F40  }
0x3b: {  	[sflag:s15] =	ssyncset.done $0x0  }
0x3c: {  	s16 =	rddreg [dreg:$0x6];
	[sflag:s15] =	ssyncadd.s32 $0xFFFFE0C0  }
0x3d: {  	[spmem:s16] =	stream.linear.scatter [tilespmem:s17], [sflag:$0xD], $0x3C0, $0x38;
	[tilespmem:$0x1FB80] =	vst v63  }
0x3e: {  	_ =	swait.ge [sflag:s15], $0x3C0  }
0x3f: {  	[sflag:s15] =	ssyncset.done $0x0  }
0x40: {  	[sflag:s15] =	ssyncadd.s32 $0xFFFFFC40  }
0x41: {  	s11 =	simm.s32 $0x0;
	[bflag:$0x0] =	sbarrier.arrive $0xFFFF  }
0x42: {  	[tilespmem:s17], [sflag:$0x1] =	stream.indirect.gather [hbm4b:s4+s18], $0x40, s11, s18, $0xb8;
	[tilespmem:$0x1FB80] =	vst v63  }
0x43: {  	s12 =	simm.s32 $0x80  }
0x44: {  	[tilespmem:s20], [sflag:$0x2] =	stream.indirect.gather [hbm4b:s4+s18], $0x40, s12, s18, $0xb8;
	[tilespmem:$0x1FB80] =	vst v63  }
0x45: {  	s16 =	simm.s32 $0x100  }
0x46: {  	[tilespmem:s22], [sflag:$0x3] =	stream.indirect.gather [hbm4b:s4+s18], $0x40, s16, s18, $0xb8;
	[tilespmem:$0x1FB80] =	vst v63  }
0x47: {  	s11 =	simm.s32 $0x180  }
0x48: {  	[tilespmem:s24], [sflag:$0x4] =	stream.indirect.gather [hbm4b:s4+s18], $0x40, s11, s18, $0xb8;
	[tilespmem:$0x1FB80] =	vst v63  }
0x49: {  	_ =	swait.ge [sflag:s25], $0x1F40  }
0x4a: {  	[sflag:s25] =	ssyncset.done $0x0  }
0x4b: {  	s12 =	simm.s32 $0x5000;
	[sflag:s25] =	ssyncadd.s32 $0xFFFFE0C0  }
0x4c: {  	[spmem:s2] =	stream.indirect.scatter.add.f32 [tilespmem:s17], [sflag:$0x7], $0x40, s12, s18, $0xb8;
	[tilespmem:$0x1FB80] =	vst v63  }
0x4d: {  	s16 =	simm.s32 $0x200  }
0x4e: {  	[tilespmem:s28], [sflag:$0x5] =	stream.indirect.gather [hbm4b:s4+s18], $0x40, s16, s18, $0xb8;
	[tilespmem:$0x1FB80] =	vst v63  }
0x4f: {  	_ =	swait.ge [sflag:s29], $0x1F40  }
0x50: {  	[sflag:s29] =	ssyncset.done $0x0  }
0x51: {  	s11 =	simm.s32 $0x5080;
	[sflag:s29] =	ssyncadd.s32 $0xFFFFE0C0  }
0x52: {  	[spmem:s2] =	stream.indirect.scatter.add.f32 [tilespmem:s20], [sflag:$0x8], $0x40, s11, s18, $0xb8;
	[tilespmem:$0x1FB80] =	vst v63  }
0x53: {  	s12 =	simm.s32 $0x280  }
0x54: {  	[tilespmem:s0], [sflag:$0x6] =	stream.indirect.gather [hbm4b:s4+s18], $0x40, s12, s18, $0xb8;
	[tilespmem:$0x1FB80] =	vst v63  }
0x55: {  	_ =	swait.ge [sflag:s19], $0x1F40  }
0x56: {  	[sflag:s19] =	ssyncset.done $0x0  }
0x57: {  	s16 =	simm.s32 $0x5100;
	[sflag:s19] =	ssyncadd.s32 $0xFFFFE0C0  }
0x58: {  	[spmem:s2] =	stream.indirect.scatter.add.f32 [tilespmem:s22], [sflag:$0x9], $0x40, s16, s18, $0xb8;
	[tilespmem:$0x1FB80] =	vst v63  }
0x59: {  	_ =	swait.ge [sflag:s23], $0x1F40  }
0x5a: {  	[sflag:s23] =	ssyncset.done $0x0  }
0x5b: {  	s11 =	simm.s32 $0x300;
	[sflag:s23] =	ssyncadd.s32 $0xFFFFE0C0  }
0x5c: {  	[tilespmem:s17], [sflag:$0x1] =	stream.indirect.gather [hbm4b:s4+s18], $0x40, s11, s18, $0xb8;
	[tilespmem:$0x1FB80] =	vst v63  }
0x5d: {  	_ =	swait.ge [sflag:s1], $0x1F40  }
0x5e: {  	[sflag:s1] =	ssyncset.done $0x0  }
0x5f: {  	s12 =	simm.s32 $0x5180;
	[sflag:s1] =	ssyncadd.s32 $0xFFFFE0C0  }
0x60: {  	[spmem:s2] =	stream.indirect.scatter.add.f32 [tilespmem:s24], [sflag:$0xA], $0x40, s12, s18, $0xb8;
	[tilespmem:$0x1FB80] =	vst v63  }
0x61: {  	_ =	swait.ge [sflag:s31], $0x1F40  }
0x62: {  	[sflag:s31] =	ssyncset.done $0x0  }
0x63: {  	s16 =	simm.s32 $0x380;
	[sflag:s31] =	ssyncadd.s32 $0xFFFFE0C0  }
0x64: {  	[tilespmem:s20], [sflag:$0x2] =	stream.indirect.gather [hbm4b:s4+s18], $0x40, s16, s18, $0xb8;
	[tilespmem:$0x1FB80] =	vst v63  }
0x65: {  	_ =	swait.ge [sflag:s26], $0x1F40  }
0x66: {  	[sflag:s26] =	ssyncset.done $0x0  }
0x67: {  	s11 =	simm.s32 $0x5200;
	[sflag:s26] =	ssyncadd.s32 $0xFFFFE0C0  }
0x68: {  	[spmem:s2] =	stream.indirect.scatter.add.f32 [tilespmem:s28], [sflag:$0xB], $0x40, s11, s18, $0xb8;
	[tilespmem:$0x1FB80] =	vst v63  }
0x69: {  	_ =	swait.ge [sflag:s21], $0x1F40  }
0x6a: {  	[sflag:s21] =	ssyncset.done $0x0  }
0x6b: {  	s12 =	simm.s32 $0x400;
	[sflag:s21] =	ssyncadd.s32 $0xFFFFE0C0  }
0x6c: {  	[tilespmem:s22], [sflag:$0x3] =	stream.indirect.gather [hbm4b:s4+s18], $0x40, s12, s18, $0xb8;
	[tilespmem:$0x1FB80] =	vst v63  }
0x6d: {  	_ =	swait.ge [sflag:s30], $0x1F40  }
0x6e: {  	[sflag:s30] =	ssyncset.done $0x0  }
0x6f: {  	s16 =	simm.s32 $0x5280;
	[sflag:s30] =	ssyncadd.s32 $0xFFFFE0C0  }
0x70: {  	[spmem:s2] =	stream.indirect.scatter.add.f32 [tilespmem:s0], [sflag:$0xC], $0x40, s16, s18, $0xb8;
	[tilespmem:$0x1FB80] =	vst v63  }
0x71: {  	_ =	swait.ge [sflag:s6], $0x1F40  }
0x72: {  	[sflag:s6] =	ssyncset.done $0x0  }
0x73: {  	s11 =	simm.s32 $0x480;
	[sflag:s6] =	ssyncadd.s32 $0xFFFFE0C0  }
0x74: {  	[tilespmem:s24], [sflag:$0x4] =	stream.indirect.gather [hbm4b:s4+s18], $0x40, s11, s18, $0xb8;
	[tilespmem:$0x1FB80] =	vst v63  }
0x75: {  	_ =	swait.ge [sflag:s25], $0x1F40  }
0x76: {  	[sflag:s25] =	ssyncset.done $0x0  }
0x77: {  	s12 =	simm.s32 $0x5300;
	[sflag:s25] =	ssyncadd.s32 $0xFFFFE0C0  }
0x78: {  	[spmem:s2] =	stream.indirect.scatter.add.f32 [tilespmem:s17], [sflag:$0x7], $0x40, s12, s18, $0xb8;
	[tilespmem:$0x1FB80] =	vst v63  }
0x79: {  	_ =	swait.ge [sflag:s7], $0x1F40  }
0x7a: {  	[sflag:s7] =	ssyncset.done $0x0  }
0x7b: {  	s16 =	simm.s32 $0x500;
	[sflag:s7] =	ssyncadd.s32 $0xFFFFE0C0  }
0x7c: {  	[tilespmem:s28], [sflag:$0x5] =	stream.indirect.gather [hbm4b:s4+s18], $0x40, s16, s18, $0xb8;
	[tilespmem:$0x1FB80] =	vst v63  }
0x7d: {  	_ =	swait.ge [sflag:s29], $0x1F40  }
0x7e: {  	[sflag:s29] =	ssyncset.done $0x0  }
0x7f: {  	s11 =	simm.s32 $0x5380;
	[sflag:s29] =	ssyncadd.s32 $0xFFFFE0C0  }
0x80: {  	[spmem:s2] =	stream.indirect.scatter.add.f32 [tilespmem:s20], [sflag:$0x8], $0x40, s11, s18, $0xb8;
	[tilespmem:$0x1FB80] =	vst v63  }
0x81: {  	_ =	swait.ge [sflag:s8], $0x1F40  }
0x82: {  	[sflag:s8] =	ssyncset.done $0x0  }
0x83: {  	s12 =	simm.s32 $0x580;
	[sflag:s8] =	ssyncadd.s32 $0xFFFFE0C0  }
0x84: {  	[tilespmem:s0], [sflag:$0x6] =	stream.indirect.gather [hbm4b:s4+s18], $0x40, s12, s18, $0xb8;
	[tilespmem:$0x1FB80] =	vst v63  }
0x85: {  	_ =	swait.ge [sflag:s19], $0x1F40  }
0x86: {  	[sflag:s19] =	ssyncset.done $0x0  }
0x87: {  	s16 =	simm.s32 $0x5400;
	[sflag:s19] =	ssyncadd.s32 $0xFFFFE0C0  }
0x88: {  	[spmem:s2] =	stream.indirect.scatter.add.f32 [tilespmem:s22], [sflag:$0x9], $0x40, s16, s18, $0xb8;
	[tilespmem:$0x1FB80] =	vst v63  }
0x89: {  	_ =	swait.ge [sflag:s23], $0x1F40  }
0x8a: {  	[sflag:s23] =	ssyncset.done $0x0  }
0x8b: {  	s11 =	simm.s32 $0x600;
	[sflag:s23] =	ssyncadd.s32 $0xFFFFE0C0  }
0x8c: {  	[tilespmem:s17], [sflag:$0x1] =	stream.indirect.gather [hbm4b:s4+s18], $0x40, s11, s18, $0xb8;
	[tilespmem:$0x1FB80] =	vst v63  }
0x8d: {  	_ =	swait.ge [sflag:s1], $0x1F40  }
0x8e: {  	[sflag:s1] =	ssyncset.done $0x0  }
0x8f: {  	s12 =	simm.s32 $0x5480;
	[sflag:s1] =	ssyncadd.s32 $0xFFFFE0C0  }
0x90: {  	[spmem:s2] =	stream.indirect.scatter.add.f32 [tilespmem:s24], [sflag:$0xA], $0x40, s12, s18, $0xb8;
	[tilespmem:$0x1FB80] =	vst v63  }
0x91: {  	_ =	swait.ge [sflag:s31], $0x1F40  }
0x92: {  	[sflag:s31] =	ssyncset.done $0x0  }
0x93: {  	s16 =	simm.s32 $0x680;
	[sflag:s31] =	ssyncadd.s32 $0xFFFFE0C0  }
0x94: {  	[tilespmem:s20], [sflag:$0x2] =	stream.indirect.gather [hbm4b:s4+s18], $0x40, s16, s18, $0xb8;
	[tilespmem:$0x1FB80] =	vst v63  }
0x95: {  	_ =	swait.ge [sflag:s26], $0x1F40  }
0x96: {  	[sflag:s26] =	ssyncset.done $0x0  }
0x97: {  	s11 =	simm.s32 $0x5500;
	[sflag:s26] =	ssyncadd.s32 $0xFFFFE0C0  }
0x98: {  	[spmem:s2] =	stream.indirect.scatter.add.f32 [tilespmem:s28], [sflag:$0xB], $0x40, s11, s18, $0xb8;
	[tilespmem:$0x1FB80] =	vst v63  }
0x99: {  	_ =	swait.ge [sflag:s21], $0x1F40  }
0x9a: {  	[sflag:s21] =	ssyncset.done $0x0  }
0x9b: {  	s12 =	simm.s32 $0x700;
	[sflag:s21] =	ssyncadd.s32 $0xFFFFE0C0  }
0x9c: {  	[tilespmem:s22], [sflag:$0x3] =	stream.indirect.gather [hbm4b:s4+s18], $0x40, s12, s18, $0xb8;
	[tilespmem:$0x1FB80] =	vst v63  }
0x9d: {  	_ =	swait.ge [sflag:s30], $0x1F40  }
0x9e: {  	[sflag:s30] =	ssyncset.done $0x0  }
0x9f: {  	s16 =	simm.s32 $0x5580;
	[sflag:s30] =	ssyncadd.s32 $0xFFFFE0C0  }
0xa0: {  	[spmem:s2] =	stream.indirect.scatter.add.f32 [tilespmem:s0], [sflag:$0xC], $0x40, s16, s18, $0xb8;
	[tilespmem:$0x1FB80] =	vst v63  }
0xa1: {  	_ =	swait.ge [sflag:s6], $0x1F40  }
0xa2: {  	[sflag:s6] =	ssyncset.done $0x0  }
0xa3: {  	s10 =	simm.s32 $0xC00;
	s11 =	simm.s32 $0x780;
	[sflag:s6] =	ssyncadd.s32 $0xFFFFE0C0  }
.LBB2_4:
0xa4: {  	[tilespmem:s24], [sflag:$0x4] =	stream.indirect.gather [hbm4b:s4+s18], $0x40, s11, s18, $0xb8;
	[tilespmem:$0x1FB80] =	vst v63  }
0xa5: {  	s11 =	smov.u32 s10  }
0xa6: {  	p0 =	sne.s32 s10, $0x12000;
	s10 =	sadd.s32 $0xC00, s10;
	_ =	swait.ge [sflag:s25], $0x1F40  }
0xa7: {  	s16 =	sshra.s32 s11, $0x2;
	[sflag:s25] =	ssyncset.done $0x0  }
0xa8: {  	s11 =	sadd.s32 $0x5300, s16;
	[sflag:s25] =	ssyncadd.s32 $0xFFFFE0C0  }
0xa9: {  	[spmem:s2] =	stream.indirect.scatter.add.f32 [tilespmem:s17], [sflag:$0x7], $0x40, s11, s18, $0xb8;
	[tilespmem:$0x1FB80] =	vst v63  }
0xaa: {  	_ =	swait.ge [sflag:s7], $0x1F40  }
0xab: {  	[sflag:s7] =	ssyncset.done $0x0  }
0xac: {  	s11 =	sadd.s32 $0x500, s16;
	[sflag:s7] =	ssyncadd.s32 $0xFFFFE0C0  }
0xad: {  	[tilespmem:s28], [sflag:$0x5] =	stream.indirect.gather [hbm4b:s4+s18], $0x40, s11, s18, $0xb8;
	[tilespmem:$0x1FB80] =	vst v63  }
0xae: {  	_ =	swait.ge [sflag:s29], $0x1F40  }
0xaf: {  	[sflag:s29] =	ssyncset.done $0x0  }
0xb0: {  	s11 =	sadd.s32 $0x5380, s16;
	[sflag:s29] =	ssyncadd.s32 $0xFFFFE0C0  }
0xb1: {  	[spmem:s2] =	stream.indirect.scatter.add.f32 [tilespmem:s20], [sflag:$0x8], $0x40, s11, s18, $0xb8;
	[tilespmem:$0x1FB80] =	vst v63  }
0xb2: {  	_ =	swait.ge [sflag:s8], $0x1F40  }
0xb3: {  	[sflag:s8] =	ssyncset.done $0x0  }
0xb4: {  	s11 =	sadd.s32 $0x580, s16;
	[sflag:s8] =	ssyncadd.s32 $0xFFFFE0C0  }
0xb5: {  	[tilespmem:s0], [sflag:$0x6] =	stream.indirect.gather [hbm4b:s4+s18], $0x40, s11, s18, $0xb8;
	[tilespmem:$0x1FB80] =	vst v63  }
0xb6: {  	_ =	swait.ge [sflag:s19], $0x1F40  }
0xb7: {  	[sflag:s19] =	ssyncset.done $0x0  }
0xb8: {  	s11 =	sadd.s32 $0x5400, s16;
	[sflag:s19] =	ssyncadd.s32 $0xFFFFE0C0  }
0xb9: {  	[spmem:s2] =	stream.indirect.scatter.add.f32 [tilespmem:s22], [sflag:$0x9], $0x40, s11, s18, $0xb8;
	[tilespmem:$0x1FB80] =	vst v63  }
0xba: {  	_ =	swait.ge [sflag:s23], $0x1F40  }
0xbb: {  	[sflag:s23] =	ssyncset.done $0x0  }
0xbc: {  	s11 =	sadd.s32 $0x600, s16;
	[sflag:s23] =	ssyncadd.s32 $0xFFFFE0C0  }
0xbd: {  	[tilespmem:s17], [sflag:$0x1] =	stream.indirect.gather [hbm4b:s4+s18], $0x40, s11, s18, $0xb8;
	[tilespmem:$0x1FB80] =	vst v63  }
0xbe: {  	_ =	swait.ge [sflag:s1], $0x1F40  }
0xbf: {  	[sflag:s1] =	ssyncset.done $0x0  }
0xc0: {  	s11 =	sadd.s32 $0x5480, s16;
	[sflag:s1] =	ssyncadd.s32 $0xFFFFE0C0  }
0xc1: {  	[spmem:s2] =	stream.indirect.scatter.add.f32 [tilespmem:s24], [sflag:$0xA], $0x40, s11, s18, $0xb8;
	[tilespmem:$0x1FB80] =	vst v63  }
0xc2: {  	_ =	swait.ge [sflag:s31], $0x1F40  }
0xc3: {  	[sflag:s31] =	ssyncset.done $0x0  }
0xc4: {  	s11 =	sadd.s32 $0x680, s16;
	[sflag:s31] =	ssyncadd.s32 $0xFFFFE0C0  }
0xc5: {  	[tilespmem:s20], [sflag:$0x2] =	stream.indirect.gather [hbm4b:s4+s18], $0x40, s11, s18, $0xb8;
	[tilespmem:$0x1FB80] =	vst v63  }
0xc6: {  	_ =	swait.ge [sflag:s26], $0x1F40  }
0xc7: {  	[sflag:s26] =	ssyncset.done $0x0  }
0xc8: {  	s11 =	sadd.s32 $0x5500, s16;
	[sflag:s26] =	ssyncadd.s32 $0xFFFFE0C0  }
0xc9: {  	[spmem:s2] =	stream.indirect.scatter.add.f32 [tilespmem:s28], [sflag:$0xB], $0x40, s11, s18, $0xb8;
	[tilespmem:$0x1FB80] =	vst v63  }
0xca: {  	_ =	swait.ge [sflag:s21], $0x1F40  }
0xcb: {  	[sflag:s21] =	ssyncset.done $0x0  }
0xcc: {  	s11 =	sadd.s32 $0x700, s16;
	[sflag:s21] =	ssyncadd.s32 $0xFFFFE0C0  }
0xcd: {  	[tilespmem:s22], [sflag:$0x3] =	stream.indirect.gather [hbm4b:s4+s18], $0x40, s11, s18, $0xb8;
	[tilespmem:$0x1FB80] =	vst v63  }
0xce: {  	_ =	swait.ge [sflag:s30], $0x1F40  }
0xcf: {  	[sflag:s30] =	ssyncset.done $0x0  }
.Ltmp1:
0xd0: {  	s11 =	sadd.s32 $0x5580, s16;
	[sflag:s30] =	ssyncadd.s32 $0xFFFFE0C0;
	(pc) =	sbr.rel @p0 .LBB2_4-.Ltmp1, $4  }
0xd1: {  	[spmem:s2] =	stream.indirect.scatter.add.f32 [tilespmem:s0], [sflag:$0xC], $0x40, s11, s18, $0xb8;
	[tilespmem:$0x1FB80] =	vst v63  }
0xd2: {  	_ =	swait.ge [sflag:s6], $0x1F40  }
0xd3: {  	[sflag:s6] =	ssyncset.done $0x0  }
0xd4: {  	s11 =	sadd.s32 $0x780, s16;
	[sflag:s6] =	ssyncadd.s32 $0xFFFFE0C0  }
0xd5: {  	[tilespmem:s24], [sflag:$0x4] =	stream.indirect.gather [hbm4b:s4+s18], $0x40, s11, s18, $0xb8;
	[tilespmem:$0x1FB80] =	vst v63  }
0xd6: {  	_ =	swait.ge [sflag:s25], $0x1F40  }
0xd7: {  	[sflag:s25] =	ssyncset.done $0x0  }
0xd8: {  	s10 =	simm.s32 $0x9E00;
	[sflag:s25] =	ssyncadd.s32 $0xFFFFE0C0  }
0xd9: {  	[spmem:s2] =	stream.indirect.scatter.add.f32 [tilespmem:s17], [sflag:$0x7], $0x40, s10, s18, $0xb8;
	[tilespmem:$0x1FB80] =	vst v63  }
0xda: {  	_ =	swait.ge [sflag:s29], $0x1F40  }
0xdb: {  	[sflag:s29] =	ssyncset.done $0x0  }
0xdc: {  	s12 =	simm.s32 $0x9E80;
	[sflag:s29] =	ssyncadd.s32 $0xFFFFE0C0  }
0xdd: {  	[spmem:s2] =	stream.indirect.scatter.add.f32 [tilespmem:s20], [sflag:$0x8], $0x40, s12, s18, $0xb8;
	[tilespmem:$0x1FB80] =	vst v63  }
0xde: {  	_ =	swait.ge [sflag:s19], $0x1F40  }
0xdf: {  	[sflag:s19] =	ssyncset.done $0x0  }
0xe0: {  	s16 =	simm.s32 $0x9F00;
	[sflag:s19] =	ssyncadd.s32 $0xFFFFE0C0  }
0xe1: {  	[spmem:s2] =	stream.indirect.scatter.add.f32 [tilespmem:s22], [sflag:$0x9], $0x40, s16, s18, $0xb8;
	[tilespmem:$0x1FB80] =	vst v63  }
0xe2: {  	_ =	swait.ge [sflag:s1], $0x1F40  }
0xe3: {  	[sflag:s1] =	ssyncset.done $0x0  }
0xe4: {  	s11 =	simm.s32 $0x9F80;
	[sflag:s1] =	ssyncadd.s32 $0xFFFFE0C0  }
0xe5: {  	[spmem:s2] =	stream.indirect.scatter.add.f32 [tilespmem:s24], [sflag:$0xA], $0x40, s11, s18, $0xb8;
	[tilespmem:$0x1FB80] =	vst v63  }
0xe6: {  	_ =	swait.ge [sflag:s23], $0x1F40  }
0xe7: {  	[sflag:s23] =	ssyncset.done $0x0  }
0xe8: {  	[sflag:s23] =	ssyncadd.s32 $0xFFFFE0C0  }
0xe9: {  	_ =	swait.ge [sflag:s31], $0x1F40  }
0xea: {  	[sflag:s31] =	ssyncset.done $0x0  }
0xeb: {  	[sflag:s31] =	ssyncadd.s32 $0xFFFFE0C0  }
0xec: {  	_ =	swait.ge [sflag:s21], $0x1F40  }
0xed: {  	[sflag:s21] =	ssyncset.done $0x0  }
0xee: {  	[sflag:s21] =	ssyncadd.s32 $0xFFFFE0C0  }
0xef: {  	_ =	swait.ge [sflag:s6], $0x1F40  }
0xf0: {  	[sflag:s6] =	ssyncset.done $0x0  }
0xf1: {  	[sflag:s6] =	ssyncadd.s32 $0xFFFFE0C0  }
0xf2: {  	_ =	swait.ge [sflag:s7], $0x1F40  }
0xf3: {  	[sflag:s7] =	ssyncset.done $0x0  }
0xf4: {  	[sflag:s7] =	ssyncadd.s32 $0xFFFFE0C0  }
0xf5: {  	_ =	swait.ge [sflag:s8], $0x1F40  }
0xf6: {  	[sflag:s8] =	ssyncset.done $0x0  }
0xf7: {  	s12 =	stileid.u32;
	[sflag:s8] =	ssyncadd.s32 $0xFFFFE0C0  }
0xf8: {  	s10 =	sshll.u32 s12, $0x6;
	[bflag:$0x0] =	sbarrier.arrive $0xFFFF  }
0xf9: {  	s10 =	sor.u32 $0x1C0D, s10;
	s16 =	sshrl.u32 s5, $0x3;
	s12 =	rddreg [dreg:$0x7]  }
0xfa: {  	[hbm:s12], [sflag:s10] =	dma.local [spmem:s16], $0x1400  }
0xfb: {  	_ =	swait.ge [sflag:s15], $0x1400  }
0xfc: {  	s9 =	sadd.s32 $0x1, s9;
	s16 =	rddreg [dreg:$0x8]  }
0xfd: {  	p0 =	sne.s32 s9, s16  }
.Ltmp2:
0xfe: {  	_ = 	snop;
	(pc) =	sbr.rel @p0 .LBB2_1-.Ltmp2, $3  }
0xff: {  	_ =	sdelay $0x1  }
0x100: {  	[sflag:s15] =	ssyncset.done $0x0  }
0x101: {  	[sflag:s15] =	ssyncadd.s32 $0xFFFFEC00  }
0x102: {  	_ =	sfence.sel $0x180000  }
0x103: {  	[bflag:$0x0] =	sbarrier.arrive $0xFFFF  }
0x104: {  	_ =	strace $0x9000004A  }
0x105: {  	s0 =	stileid.u32;
	[bflag:$0x2] =	sbarrier.arrive $0xFFFF  }
0x106: {  	p0 =	sne.s32 s0, $0x0;
	s0 =	rddreg [dreg:$0x3]  }
0x107: {  	s0 =	sadd.s32 @!p0 $0x100000, s0  }
0x108: {  	[sflag:s0] =	ssyncadd.tile.s32 @!p0 $0x1;
	_ =	shalt  }
.Lfunc_end2:
_tile_overlayer_lowered:
.L_overlay_start_2:
0x109: {  	(tag) =	ssettag $0x2  }
0x10a: {  	s0 =	rddreg [dreg:$0x0];
	s2 =	stileid.u32  }
0x10b: {  	s1 =	rddreg [dreg:$0x1];
	p0 =	sne.s32 s2, $0x0  }
0x10c: {  	s3 =	rddreg [dreg:$0x2];
	[bflag:$0x3] =	sbarrier.arrive $0xFFFF;
	s2 =	simm.s32 @!p0 $0x1C0D  }
0x10d: {  	[timem:s3], [sflag:s2] =	dma.local @!p0 [hbm:s0], s1  }
0x10e: {  	s0 =	simm.s32 @!p0 $0xD  }
0x10f: {  	_ =	swait.ge @!p0 [sflag:s0], s1  }
0x110: {  	s1 =	ssub.s32 @!p0 $0x0, s1;
	[sflag:s0] =	ssyncset.done @!p0 $0x0  }
0x111: {  	[sflag:s0] =	ssyncadd.s32 @!p0 s1  }
0x112: {  	[bflag:$0x3] =	sbarrier.arrive $0xFFFF  }
0x113: {  	_ =	shalt  }

// kernel: kernel.15.cloned.1.call-start
scs
__scs_entry_jumppad:
0x0: {  	(pc) =	sbr.rel $0x88, $3  }
0x1: {  	(tag) =	ssettag $0x0;
	lr =	simm.s32 $0x1  }
0x2: {  	[smem:$0x3F9B] =	sst lr;
	_ =	strace $0xD0000000  }
0x3: {  	_ = 	snop  }
0x4: {  	_ = 	snop  }
0x5: {  	_ = 	snop  }
0x6: {  	_ = 	snop  }
0x7: {  	_ = 	snop  }
__scs_overlays_trampoline_lowered:
0x8: {  	[smem:$0x3FAA] =	sst s0  }
0x9: {  	[smem:$0x3FAB] =	sst s1  }
0xa: {  	[smem:$0x3FAC] =	sst s2  }
0xb: {  	[smem:$0x3FAD] =	sst s3  }
0xc: {  	[smem:$0x3FAE] =	sst s4  }
0xd: {  	[smem:$0x3FAF] =	sst s5  }
0xe: {  	[smem:$0x3FB0] =	sst s6  }
0xf: {  	[smem:$0x3FB1] =	sst s7  }
0x10: {  	[smem:$0x3FB2] =	sst s8  }
0x11: {  	[smem:$0x3FB3] =	sst s9;
	s0 =	simm.s32 @!p0 $0x0  }
0x12: {  	s1 =	sld [smem:$0x3F99];
	s0 =	simm.s32 @p0 $0x1  }
0x13: {  	[smem:$0x3FB4] =	sst s0;
	s0 =	simm.s32 @!p1 $0x0  }
0x14: {  	s2 =	sld [smem:$0x3F98];
	s0 =	simm.s32 @p1 $0x1  }
0x15: {  	[smem:$0x3FB5] =	sst s0;
	s0 =	simm.s32 @!p2 $0x0  }
0x16: {  	s3 =	sld [smem:$0x3FDB];
	s0 =	simm.s32 @p2 $0x1  }
0x17: {  	s4 =	simm.s32 $0x1BF5;
	[smem:$0x3FB7] =	sst s0  }
0x18: {  	s0 =	sld [smem:$0x3F9A];
	_ =	swait.ge [sflag:s4], $0x0  }
0x19: {  	s7 =	sld [smem:$0x3F9B]  }
0x1a: {  	s8 =	sadd.s32 $0xFFFFE003, lr  }
0x1b: {  	s9 =	sadd.s32 $0xFFFFFEF7, lr;
	s5 =	simm.s32 $0xFFFFFFFF;
	p2 =	slt.u32 s8, $0xFFFFF086  }
0x1c: {  	p1 =	slt.u32 s9, $0xF7A;
	s5 =	simm.s32 @!p2 $0x0  }
0x1d: {  	s5 =	simm.s32 @p1 $0x1;
	p0 =	seq.s32 s7, s2  }
0x1e: {  	s7 =	smul.u32 @!p0 $0xF7A, s2;
	p2 =	seq.s32 @!p0 s5, $0x0  }
0x1f: {  	s9 =	smul.u32 $0xF7A, s1;
	s8 =	simm.s32 @!p0 $0x1BF5;
	p2 =	por !p2, p0  }
0x20: {  	[sflag:s8] =	ssyncset.s32 @!p0 $0xFFFFF086;
	s6 =	sadd.s32 @!p0 s3, s7;
	s7 =	simm.s32 @!p0 $0x108  }
0x21: {  	s3 =	sadd.s32 s3, s9;
	s6 =	sadd.s32 @!p0 $0x88, s6;
	s7 =	simm.s32 @p2 $0x1082  }
0x22: {  	[simem:s7], [sflag:s8] =	dma.local @!p0 [hbm:s6], $0xF7A  }
0x23: {  	s9 =	sor.u32 $0xD0000000, s2;
	s6 =	simm.s32 $0x108;
	_ =	swait.ge @!p0 [sflag:s8], $0x0  }
0x24: {  	s3 =	sadd.s32 $0x88, s3;
	s6 =	simm.s32 @!p1 $0x1082;
	[sflag:s4] =	ssyncset.s32 $0xFFFFF086  }
0x25: {  	[simem:s6], [sflag:s4] =	dma.local [hbm:s3], $0xF7A  }
0x26: {  	[smem:$0x3F9B] =	sst s1;
	(tag) =	ssettag s2;
	_ =	strace s9  }
0x27: {  	s1 =	sld [smem:$0x3FAB]  }
0x28: {  	s2 =	sld [smem:$0x3FAC]  }
0x29: {  	s4 =	sld [smem:$0x3FAE]  }
0x2a: {  	p0 =	seq.s32 s5, $0x0;
	s5 =	sld [smem:$0x3FAF]  }
0x2b: {  	s6 =	sld [smem:$0x3FB0]  }
0x2c: {  	s7 =	sld [smem:$0x3FB1]  }
0x2d: {  	s3 =	simm.s32 $0x108;
	s8 =	sld [smem:$0x3FB2]  }
0x2e: {  	s3 =	simm.s32 @!p0 $0x1082;
	s9 =	sld [smem:$0x3FB3]  }
0x2f: {  	lr =	sadd.s32 s0, s3;
	s0 =	sld [smem:$0x3FAA]  }
0x30: {  	s3 =	sld [smem:$0x3FAD]  }
0x31: {  	[smem:$0x3FB6] =	sst s10  }
0x32: {  	s10 =	sld [smem:$0x3FB4];
	_ =	sdelay $0x3  }
0x33: {  	p0 =	seq.s32 s10, $0x1;
	s10 =	sld [smem:$0x3FB6];
	_ =	sdelay $0x3  }
0x34: {  	[smem:$0x3FB6] =	sst s10  }
0x35: {  	s10 =	sld [smem:$0x3FB5];
	_ =	sdelay $0x3  }
0x36: {  	p1 =	seq.s32 s10, $0x1;
	s10 =	sld [smem:$0x3FB6];
	_ =	sdelay $0x3  }
0x37: {  	[smem:$0x3FB6] =	sst s10  }
0x38: {  	s10 =	sld [smem:$0x3FB7]  }
0x39: {  	_ = 	snop;
	(pc) =	sbr.ind lr, $3  }
0x3a: {  	_ = 	snop  }
0x3b: {  	_ = 	snop  }
0x3c: {  	p2 =	seq.s32 s10, $0x1;
	s10 =	sld [smem:$0x3FB6]  }
0x3d: {  	_ =	shalt  }
0x3e: {  	_ =	shalt  }
0x3f: {  	_ =	shalt  }
0x40: {  	_ =	shalt  }
0x41: {  	_ =	shalt  }
0x42: {  	_ =	shalt  }
0x43: {  	_ =	shalt  }
0x44: {  	_ =	shalt  }
0x45: {  	_ =	shalt  }
0x46: {  	_ =	shalt  }
0x47: {  	_ =	shalt  }
0x48: {  	_ =	shalt  }
0x49: {  	_ =	shalt  }
0x4a: {  	_ =	shalt  }
0x4b: {  	_ =	shalt  }
0x4c: {  	_ =	shalt  }
0x4d: {  	_ =	shalt  }
0x4e: {  	_ =	shalt  }
0x4f: {  	_ =	shalt  }
0x50: {  	_ =	shalt  }
0x51: {  	_ =	shalt  }
0x52: {  	_ =	shalt  }
0x53: {  	_ =	shalt  }
0x54: {  	_ =	shalt  }
0x55: {  	_ =	shalt  }
0x56: {  	_ =	shalt  }
0x57: {  	_ =	shalt  }
0x58: {  	_ =	shalt  }
0x59: {  	_ =	shalt  }
0x5a: {  	_ =	shalt  }
0x5b: {  	_ =	shalt  }
0x5c: {  	_ =	shalt  }
0x5d: {  	_ =	shalt  }
0x5e: {  	_ =	shalt  }
0x5f: {  	_ =	shalt  }
0x60: {  	_ =	shalt  }
0x61: {  	_ =	shalt  }
0x62: {  	_ =	shalt  }
0x63: {  	_ =	shalt  }
0x64: {  	_ =	shalt  }
0x65: {  	_ =	shalt  }
0x66: {  	_ =	shalt  }
0x67: {  	_ =	shalt  }
0x68: {  	_ =	shalt  }
0x69: {  	_ =	shalt  }
0x6a: {  	_ =	shalt  }
0x6b: {  	_ =	shalt  }
0x6c: {  	_ =	shalt  }
0x6d: {  	_ =	shalt  }
0x6e: {  	_ =	shalt  }
0x6f: {  	_ =	shalt  }
0x70: {  	_ =	shalt  }
0x71: {  	_ =	shalt  }
0x72: {  	_ =	shalt  }
0x73: {  	_ =	shalt  }
0x74: {  	_ =	shalt  }
0x75: {  	_ =	shalt  }
0x76: {  	_ =	shalt  }
0x77: {  	_ =	shalt  }
0x78: {  	_ =	shalt  }
0x79: {  	_ =	shalt  }
0x7a: {  	_ =	shalt  }
0x7b: {  	_ =	shalt  }
0x7c: {  	_ =	shalt  }
0x7d: {  	_ =	shalt  }
0x7e: {  	_ =	shalt  }
0x7f: {  	_ =	shalt  }
0x80: {  	_ =	shalt  }
0x81: {  	_ =	shalt  }
0x82: {  	_ =	shalt  }
0x83: {  	_ =	shalt  }
0x84: {  	_ =	shalt  }
0x85: {  	_ =	shalt  }
0x86: {  	_ =	shalt  }
0x87: {  	_ =	shalt  }
.Lfunc_end0:
.L_simem_size_0:
called_computation.2_lowered:
.L_overlay_start_0:
0x88: {  	s2 =	sld [smem:$0x3FD9]  }
0x89: {  	s3 =	sld [smem:$0x3FFE];
	_ =	sdelay $0x1  }
0x8a: {  	s1 =	srdreg.scid  }
0x8b: {  	s0 =	sand.u32 $0x1, s1  }
0x8c: {  	s17 =	sshll.u32 s0, $0xA;
	s2 =	sadd.s32 s3, s2  }
0x8d: {  	s2 =	sadd.s32 s2, s17  }
0x8e: {  	[smem:$0x3FC2] =	sst s2  }
0x8f: {  	_ = 	snop  }
0x90: {  	s2 =	sld [smem:$0x3FD0];
	(tm) =	ssettm $0x1  }
0x91: {  	s18 =	sld [smem:$0x3FFB];
	_ =	sdelay $0x3  }
0x92: {  	_ =	strace s18  }
0x93: {  	s3 =	sld [smem:$0x3FFC];
	_ =	sdelay $0x3  }
0x94: {  	_ =	strace s3  }
0x95: {  	s3 =	sld [smem:$0x3FFD];
	_ =	sdelay $0x3  }
0x96: {  	_ =	strace s3  }
0x97: {  	_ =	strace $0x8FFFFFFF  }
0x98: {  	s19 =	sld [smem:$0x3FDB];
	_ =	sdelay $0x1  }
0x99: {  	s4 =	simm.s32 $_scs_section_size  }
0x9a: {  	s5 =	simm.s32 $_size__tile_overlayer_lowered;
	s6 =	simm.s32 $_tile_overlayer_lowered  }
0x9b: {  	s22 =	simm.s32 $0x1BFF;
	s21 =	sshll.u32 s6, $0x1;
	s3 =	sadd.s32 s4, s19  }
0x9c: {  	s7 =	simm.s32 $0x0;
	s20 =	sshll.u32 s5, $0x1;
	s5 =	sadd.s32 s21, s3  }
0x9d: {  	[timem:s7], [sflag:s22] =	dma.local [hbm:s5], s20  }
0x9e: {  	_ =	swait.ge [sflag:s22], s20  }
0x9f: {  	s4 =	ssub.s32 $0x0, s20;
	[sflag:s22] =	ssyncset.done $0x0  }
0xa0: {  	[sflag:s22] =	ssyncadd.s32 s4;
	_ =	sdelay $0x1  }
0xa1: {  	s23 =	simm.s32 $0x1B8B  }
0xa2: {  	_ =	swait.ge [sflag:s23], $0x1  }
0xa3: {  	[sflag:s23] =	ssyncset.done $0x0  }
0xa4: {  	s25 =	simm.s32 $0x1B8E;
	s24 =	sld [smem:$0x3FFE];
	[sflag:s23] =	ssyncadd.s32 $0xFFFFFFFF  }
0xa5: {  	s26 =	simm.s32 $execute0_lowered;
	[smem:$0x3FD2] =	sst s25  }
0xa6: {  	s5 =	sshll.u32 s26, $0x1;
	_ =	strace $0x8000004C;
	[dreg:$0x1] =	wrdreg $0xFFFFFFFF  }
0xa7: {  	s28 =	simm.s32 $_size_execute0_lowered;
	s3 =	sadd.s32 s3, s5;
	[dreg:$0x0] =	wrdreg $0x0  }
0xa8: {  	s5 =	sshll.u32 s28, $0x1;
	[dreg:$0x2] =	wrdreg s3  }
0xa9: {  	[dreg:$0x3] =	wrdreg s5  }
0xaa: {  	[dreg:$0x4] =	wrdreg $0xC0  }
0xab: {  	_ =	task [dreg:s7], $0x5FFFF  }
0xac: {  	[dreg:$0x1] =	wrdreg $0xFFFFFFFF  }
0xad: {  	[dreg:$0x0] =	wrdreg $0x60  }
0xae: {  	[dreg:$0x2] =	wrdreg s2  }
0xaf: {  	[dreg:$0x3] =	wrdreg s24  }
0xb0: {  	[dreg:$0x4] =	wrdreg $0x13C400  }
0xb1: {  	[dreg:$0x5] =	wrdreg $0x9  }
0xb2: {  	_ =	task.clear_ibuf [dreg:s7], $0x6FFFF;
	_ =	strace $0x9000004C  }
0xb3: {  	s29 =	simm.s32 $0x9;
	_ =	strace $0x8000004E  }
0xb4: {  	_ =	swait.ge [sflag:s29], $0x1  }
0xb5: {  	[sflag:s29] =	ssyncadd.s32 $0xFFFFFFFF  }
0xb6: {  	_ =	strace $0x9000004E  }
0xb7: {  	_ =	sfence  }
0xb8: {  	s30 =	sld [smem:$0x0];
	_ =	sdelay $0x2  }
0xb9: {  	s31 =	sshll.u32 s1, $0xD;
	s1 =	sshrl.u32 s1, $0x2  }
0xba: {  	s3 =	sand.u32 $0x4000, s31;
	s1 =	sadd.s32 s1, s30  }
0xbb: {  	s0 =	sor.u32 s3, s0;
	s1 =	sshll.u32 s1, $0x11  }
0xbc: {  	s0 =	sor.u32 s1, s0  }
0xbd: {  	s0 =	sadd.s32 $0x8F2B, s0  }
0xbe: {  	[sflag:s0] =	ssyncadd.remote.s32 $0x1  }
0xbf: {  	_ =	sfence.sel $0xFFFF  }
0xc0: {  	[dreg:$0x0] =	wrdreg $0xFFFFFFFF;
	(pc) =	sbr.abs _section_cstart, $3  }
0xc1: {  	[dreg:$0x1] =	wrdreg $0xFFFFFFFF  }
0xc2: {  	_ =	task.clear_ibuf [dreg:s7], $0x2FFFF;
	_ =	strace $0x9FFFFFFF  }
0xc3: {  	(tm) =	ssettm $0x7FFFFFFF  }
tec
execute0_lowered:
.L_overlay_start_1:
0x0: {  	(tag) =	ssettag $0x1  }
0x1: {  	s2 =	rddreg [dreg:$0x0]  }
0x2: {  	s0 =	rddreg [dreg:$0x1]  }
0x3: {  	s3 =	rddreg [dreg:$0x2]  }
0x4: {  	s8 =	stileid.u32;
	s1 =	srdreg.scid  }
0x5: {  	s4 =	simm.s32 $0x0;
	s28 =	simm.s32 $0xCEE0;
	s30 =	simm.s32 $0xDE80  }
0x6: {  	s29 =	simm.s32 $0x11D00;
	s31 =	simm.s32 $0x4;
	s9 =	simm.s32 $0x5  }
0x7: {  	s10 =	simm.s32 $0x7;
	s11 =	simm.s32 $0x9;
	s14 =	smul.u32 $0x280, s8  }
0x8: {  	s12 =	simm.s32 $0xA;
	s13 =	simm.s32 $0xF;
	s7 =	smul.u32 $0xA00, s8  }
0x9: {  	s5 =	sand.u32 $0x1, s1;
	[smem:$0x7FF] =	sst s4;
	s16 =	smul.u32 $0x14000, s8  }
0xa: {  	s6 =	sadd.s32 $0x15800, s0;
	s15 =	smul.u32 $0x2800, s5;
	_ =	strace $0x8000004D  }
0xb: {  	s17 =	ssub.s32 $0x2, s5;
	p0 =	seq.s32 s5, $0x0;
	s7 =	sadd.s32 s7, s0  }
0xc: {  	s18 =	sshrl.u32 s17, $0x1;
	s4 =	sshrl.u32 s16, $0x2;
	s19 =	sadd.s32 $0xB800, s7  }
0xd: {  	s1 =	sadd.s32 s14, s15;
	s20 =	sadd.s32 $0x1800, s7;
	[dreg:$0x4] =	wrdreg s19  }
0xe: {  	s7 =	simm.s32 $0x12CA0;
	s1 =	sshll.u32 s1, $0x2;
	[dreg:$0x6] =	wrdreg s20  }
0xf: {  	s0 =	sadd.s32 s1, s0;
	s1 =	ssub.s32 s17, s18;
	s18 =	sadd.s32 s4, s3  }
0x10: {  	s14 =	simm.s32 $0x10;
	s21 =	sadd.s32 $0x4E20, s18;
	[dreg:$0x5] =	wrdreg s18  }
0x11: {  	s20 =	simm.s32 $0xA000;
	s0 =	sadd.s32 $0x1F600, s0;
	[dreg:$0x7] =	wrdreg s21  }
0x12: {  	s19 =	simm.s32 $0x1;
	s22 =	smax.u32 s1, $0x1;
	[dreg:$0x8] =	wrdreg s0  }
0x13: {  	s17 =	smov.u32 s6;
	s23 =	sadd.s32 $0xFA0, s18;
	[dreg:$0x9] =	wrdreg s22  }
.Ltmp0:
0x14: {  	s24 =	sadd.s32 $0x1F40, s18;
	[dreg:$0xa] =	wrdreg s23;
	(pc) =	sbr.rel .LBB2_1-.Ltmp0, $4  }
0x15: {  	s4 =	simm.s32 $0x0;
	s25 =	sadd.s32 $0x2EE0, s18;
	[dreg:$0xb] =	wrdreg s24  }
0x16: {  	s26 =	sadd.s32 $0x3E80, s18;
	s17 =	smov.u32 @p0 s2;
	[dreg:$0xc] =	wrdreg s25  }
0x17: {  	s1 =	simm.s32 $0xFDC0;
	[dreg:$0xd] =	wrdreg s26;
	s23 =	simm.s32 $0x15  }
0x18: {  	v0 =	vimm.f32 $0.0e+00;
	s21 =	simm.s32 $0x7D;
	s22 =	simm.s32 $0x2;
	s26 =	simm.s32 $0x3  }
.LBB2_6:
0x19: {  	_ =	swait.ge [sflag:s12], $0xFA0  }
0x1a: {  	[sflag:s12] =	ssyncset.done $0x0  }
0x1b: {  	s0 =	simm.s32 $0x9F80;
	s23 =	simm.s32 $0xB;
	[sflag:s12] =	ssyncadd.s32 $0xFFFFF060  }
0x1c: {  	[spmem:s3] =	stream.indirect.scatter.add.f32 [tilespmem:s7], [sflag:$0x14], $0x20, s0, s21, $0xb8;
	[tilespmem:$0x18C40] =	vst v63  }
0x1d: {  	_ =	swait.ge [sflag:s23], $0xFA0  }
0x1e: {  	[sflag:s23] =	ssyncset.done $0x0  }
0x1f: {  	s24 =	simm.s32 $0xC;
	[sflag:s23] =	ssyncadd.s32 $0xFFFFF060  }
0x20: {  	_ =	swait.ge [sflag:s24], $0xFA0  }
0x21: {  	[sflag:s24] =	ssyncset.done $0x0  }
0x22: {  	s25 =	simm.s32 $0xD;
	[sflag:s24] =	ssyncadd.s32 $0xFFFFF060  }
0x23: {  	_ =	swait.ge [sflag:s25], $0xFA0  }
0x24: {  	[sflag:s25] =	ssyncset.done $0x0  }
0x25: {  	s4 =	simm.s32 $0xE;
	[sflag:s25] =	ssyncadd.s32 $0xFFFFF060  }
0x26: {  	_ =	swait.ge [sflag:s4], $0xFA0  }
0x27: {  	[sflag:s4] =	ssyncset.done $0x0  }
0x28: {  	[sflag:s4] =	ssyncadd.s32 $0xFFFFF060  }
0x29: {  	_ =	swait.ge [sflag:s13], $0xFA0  }
0x2a: {  	[sflag:s13] =	ssyncset.done $0x0  }
0x2b: {  	[sflag:s13] =	ssyncadd.s32 $0xFFFFF060  }
0x2c: {  	_ =	swait.ge [sflag:s14], $0xFA0  }
0x2d: {  	[sflag:s14] =	ssyncset.done $0x0  }
0x2e: {  	s8 =	simm.s32 $0x11;
	[sflag:s14] =	ssyncadd.s32 $0xFFFFF060  }
0x2f: {  	_ =	swait.ge [sflag:s8], $0xFA0  }
0x30: {  	[sflag:s8] =	ssyncset.done $0x0  }
0x31: {  	s15 =	simm.s32 $0x12;
	[sflag:s8] =	ssyncadd.s32 $0xFFFFF060  }
0x32: {  	_ =	swait.ge [sflag:s15], $0xFA0  }
0x33: {  	[sflag:s15] =	ssyncset.done $0x0  }
0x34: {  	s16 =	simm.s32 $0x13;
	[sflag:s15] =	ssyncadd.s32 $0xFFFFF060  }
0x35: {  	_ =	swait.ge [sflag:s16], $0xFA0  }
0x36: {  	[sflag:s16] =	ssyncset.done $0x0  }
0x37: {  	s18 =	simm.s32 $0x14;
	[sflag:s16] =	ssyncadd.s32 $0xFFFFF060  }
0x38: {  	_ =	swait.ge [sflag:s18], $0xFA0  }
0x39: {  	[sflag:s18] =	ssyncset.done $0x0  }
0x3a: {  	[sflag:s18] =	ssyncadd.s32 $0xFFFFF060  }
0x3b: {  	s23 =	stileid.u32;
	[bflag:$0x0] =	sbarrier.arrive $0xFFFF  }
0x3c: {  	s0 =	sshll.u32 s23, $0x6;
	s23 =	simm.s32 $0x15;
	s18 =	rddreg [dreg:$0x5]  }
0x3d: {  	s0 =	sor.u32 $0x1C15, s0;
	s8 =	rddreg [dreg:$0x8];
	s4 =	sshrl.u32 s18, $0x3  }
0x3e: {  	[hbm:s8], [sflag:s0] =	dma.local [spmem:s4], $0xA00  }
0x3f: {  	_ =	swait.ge [sflag:s23], $0xA00  }
0x40: {  	s24 =	rddreg [dreg:$0xe]  }
0x41: {  	s25 =	rddreg [dreg:$0x9];
	s4 =	sadd.s32 $0x1, s24  }
0x42: {  	p0 =	sne.s32 s4, s25  }
.Ltmp1:
0x43: {  	_ = 	snop;
	(pc) =	sbr.rel @!p0 .LBB2_7-.Ltmp1, $3  }
0x44: {  	_ =	sdelay $0x1  }
0x45: {  	[sflag:s23] =	ssyncset.done $0x0  }
0x46: {  	[sflag:s23] =	ssyncadd.s32 $0xFFFFF600  }
.LBB2_1:
0x47: {  	[dreg:$0xe] =	wrdreg s4  }
0x48: {  	s0 =	simm.s32 $0x0;
	s15 =	rddreg [dreg:$0x4]  }
0x49: {  	[tilespmem:s0], [sflag:$0x15] =	stream.linear.gather [hbm4b:s15+s0], $0x5000, $0x38;
	[tilespmem:$0x18C40] =	vst v63  }
0x4a: {  	_ =	swait.ge [sflag:s23], $0x5000  }
0x4b: {  	[sflag:s23] =	ssyncset.done $0x0  }
0x4c: {  	s8 =	simm.s32 $0x5000;
	s16 =	rddreg [dreg:$0x6];
	[sflag:s23] =	ssyncadd.s32 $0xFFFFB000  }
0x4d: {  	[tilespmem:s8], [sflag:$0x15] =	stream.linear.gather [hbm4b:s16+s0], $0x5000, $0x38;
	[tilespmem:$0x18C40] =	vst v63  }
0x4e: {  	s4 =	simm.s32 $0x40;
	s24 =	sand.u32 $0x3F80, s0;
	_ =	swait.ge [sflag:s23], $0x5000  }
0x4f: {  	s25 =	sand.u32 $0x10, s0;
	s16 =	sshrl.u32 s24, $0x2;
	[sflag:s23] =	ssyncset.done $0x0  }
0x50: {  	s8 =	sor.u32 s25, s16;
	s16 =	simm.s32 $0x0;
	[sflag:s23] =	ssyncadd.s32 $0xFFFFB000  }
.LBB2_2:
0x51: {  	p0 =	sne.s32 s4, $0x3E40  }
0x52: {  	[tilespmem:s8+$0xA000] =	vst v0;
	s16 =	sadd.s32 $0x10, s16;
	s8 =	smov.u32 s4;
	s4 =	sadd.s32 $0x40, s4  }
.Ltmp2:
0x53: {  	(pc) =	sbr.rel @p0 .LBB2_2-.Ltmp2, $4  }
0x54: {  	_ = 	snop  }
0x55: {  	s8 =	sand.u32 $0x3F80, s8  }
0x56: {  	s15 =	sand.u32 $0x10, s16;
	s8 =	sshrl.u32 s8, $0x2  }
0x57: {  	s8 =	sor.u32 s15, s8  }
0x58: {  	[tilespmem:s8+$0xA000] =	vst v0  }
0x59: {  	[spmem:s18] =	stream.linear.scatter [tilespmem:s20], [sflag:$0x15], $0xFA0, $0x38;
	[tilespmem:$0x18C40] =	vst v63  }
0x5a: {  	_ =	swait.ge [sflag:s23], $0xFA0  }
0x5b: {  	[sflag:s23] =	ssyncset.done $0x0  }
0x5c: {  	s0 =	rddreg [dreg:$0xa];
	[sflag:s23] =	ssyncadd.s32 $0xFFFFF060  }
0x5d: {  	[spmem:s0] =	stream.linear.scatter [tilespmem:s20], [sflag:$0x15], $0xFA0, $0x38;
	[tilespmem:$0x18C40] =	vst v63  }
0x5e: {  	_ =	swait.ge [sflag:s23], $0xFA0  }
0x5f: {  	[sflag:s23] =	ssyncset.done $0x0  }
0x60: {  	s15 =	rddreg [dreg:$0xb];
	[sflag:s23] =	ssyncadd.s32 $0xFFFFF060  }
0x61: {  	[spmem:s15] =	stream.linear.scatter [tilespmem:s20], [sflag:$0x15], $0xFA0, $0x38;
	[tilespmem:$0x18C40] =	vst v63  }
0x62: {  	_ =	swait.ge [sflag:s23], $0xFA0  }
0x63: {  	[sflag:s23] =	ssyncset.done $0x0  }
0x64: {  	s16 =	rddreg [dreg:$0xc];
	[sflag:s23] =	ssyncadd.s32 $0xFFFFF060  }
0x65: {  	[spmem:s16] =	stream.linear.scatter [tilespmem:s20], [sflag:$0x15], $0xFA0, $0x38;
	[tilespmem:$0x18C40] =	vst v63  }
0x66: {  	_ =	swait.ge [sflag:s23], $0xFA0  }
0x67: {  	[sflag:s23] =	ssyncset.done $0x0  }
0x68: {  	s18 =	rddreg [dreg:$0xd];
	[sflag:s23] =	ssyncadd.s32 $0xFFFFF060  }
0x69: {  	[spmem:s18] =	stream.linear.scatter [tilespmem:s20], [sflag:$0x15], $0xFA0, $0x38;
	[tilespmem:$0x18C40] =	vst v63  }
0x6a: {  	_ =	swait.ge [sflag:s23], $0xFA0  }
0x6b: {  	[sflag:s23] =	ssyncset.done $0x0  }
0x6c: {  	s24 =	rddreg [dreg:$0x7];
	[sflag:s23] =	ssyncadd.s32 $0xFFFFF060  }
0x6d: {  	[spmem:s24] =	stream.linear.scatter [tilespmem:s20], [sflag:$0x15], $0x1E0, $0x38;
	[tilespmem:$0x18C40] =	vst v63  }
0x6e: {  	_ =	swait.ge [sflag:s23], $0x1E0  }
0x6f: {  	[sflag:s23] =	ssyncset.done $0x0  }
0x70: {  	[sflag:s23] =	ssyncadd.s32 $0xFFFFFE20  }
0x71: {  	s16 =	simm.s32 $0x0;
	[bflag:$0x0] =	sbarrier.arrive $0xFFFF  }
0x72: {  	[tilespmem:s20], [sflag:$0x1] =	stream.indirect.gather [hbm4b:s17+s21], $0x20, s16, s21, $0xb8;
	[tilespmem:$0x18C40] =	vst v63  }
0x73: {  	s25 =	simm.s32 $0x80;
	s4 =	simm.s32 $0xAFA0  }
0x74: {  	[tilespmem:s4], [sflag:$0x2] =	stream.indirect.gather [hbm4b:s17+s21], $0x20, s25, s21, $0xb8;
	[tilespmem:$0x18C40] =	vst v63  }
0x75: {  	s8 =	simm.s32 $0x100;
	s15 =	simm.s32 $0xBF40  }
0x76: {  	[tilespmem:s15], [sflag:$0x3] =	stream.indirect.gather [hbm4b:s17+s21], $0x20, s8, s21, $0xb8;
	[tilespmem:$0x18C40] =	vst v63  }
0x77: {  	s18 =	simm.s32 $0x180  }
0x78: {  	[tilespmem:s28], [sflag:$0x4] =	stream.indirect.gather [hbm4b:s17+s21], $0x20, s18, s21, $0xb8;
	[tilespmem:$0x18C40] =	vst v63  }
0x79: {  	s23 =	simm.s32 $0x200  }
0x7a: {  	[tilespmem:s30], [sflag:$0x5] =	stream.indirect.gather [hbm4b:s17+s21], $0x20, s23, s21, $0xb8;
	[tilespmem:$0x18C40] =	vst v63  }
0x7b: {  	s24 =	simm.s32 $0x280;
	s25 =	simm.s32 $0xEE20  }
0x7c: {  	[tilespmem:s25], [sflag:$0x6] =	stream.indirect.gather [hbm4b:s17+s21], $0x20, s24, s21, $0xb8;
	[tilespmem:$0x18C40] =	vst v63  }
.LBB2_4:
0x7d: {  	_ =	swait.ge [sflag:s19], $0xFA0  }
0x7e: {  	s4 =	sshra.s32 s16, $0x2;
	[sflag:s19] =	ssyncset.done $0x0  }
0x7f: {  	p0 =	seq.s32 s16, $0x0;
	s8 =	sadd.s32 $0x5000, s4;
	[sflag:s19] =	ssyncadd.s32 $0xFFFFF060  }
0x80: {  	[spmem:s3] =	stream.indirect.scatter.add.f32 [tilespmem:s20], [sflag:$0xB], $0x20, s8, s21, $0xb8;
	[tilespmem:$0x18C40] =	vst v63  }
0x81: {  	s8 =	simm.s32 @!p0 $0x11  }
0x82: {  	_ =	swait.ge @!p0 [sflag:s8], $0xFA0  }
0x83: {  	[sflag:s8] =	ssyncset.done @!p0 $0x0  }
0x84: {  	s0 =	sadd.s32 $0x300, s4;
	[sflag:s8] =	ssyncadd.s32 @!p0 $0xFFFFF060  }
0x85: {  	[tilespmem:s1], [sflag:$0x7] =	stream.indirect.gather [hbm4b:s17+s21], $0x20, s0, s21, $0xb8;
	[tilespmem:$0x18C40] =	vst v63  }
0x86: {  	_ =	swait.ge [sflag:s22], $0xFA0  }
0x87: {  	s15 =	sadd.s32 $0x5080, s4;
	[sflag:s22] =	ssyncset.done $0x0  }
0x88: {  	s8 =	simm.s32 @!p0 $0x12;
	s0 =	simm.s32 $0xAFA0;
	[sflag:s22] =	ssyncadd.s32 $0xFFFFF060  }
0x89: {  	[spmem:s3] =	stream.indirect.scatter.add.f32 [tilespmem:s0], [sflag:$0xC], $0x20, s15, s21, $0xb8;
	[tilespmem:$0x18C40] =	vst v63  }
0x8a: {  	_ =	swait.ge @!p0 [sflag:s8], $0xFA0  }
0x8b: {  	[sflag:s8] =	ssyncset.done @!p0 $0x0  }
0x8c: {  	s23 =	simm.s32 $0x10D60;
	s18 =	sadd.s32 $0x380, s4;
	[sflag:s8] =	ssyncadd.s32 @!p0 $0xFFFFF060  }
0x8d: {  	[tilespmem:s23], [sflag:$0x8] =	stream.indirect.gather [hbm4b:s17+s21], $0x20, s18, s21, $0xb8;
	[tilespmem:$0x18C40] =	vst v63  }
0x8e: {  	_ =	swait.ge [sflag:s26], $0xFA0  }
0x8f: {  	s25 =	simm.s32 $0xBF40;
	[sflag:s26] =	ssyncset.done $0x0  }
0x90: {  	s24 =	sadd.s32 $0x5100, s4;
	s8 =	simm.s32 @!p0 $0x13;
	[sflag:s26] =	ssyncadd.s32 $0xFFFFF060  }
0x91: {  	[spmem:s3] =	stream.indirect.scatter.add.f32 [tilespmem:s25], [sflag:$0xD], $0x20, s24, s21, $0xb8;
	[tilespmem:$0x18C40] =	vst v63  }
0x92: {  	_ =	swait.ge @!p0 [sflag:s8], $0xFA0  }
0x93: {  	[sflag:s8] =	ssyncset.done @!p0 $0x0  }
0x94: {  	s0 =	sadd.s32 $0x400, s4;
	[sflag:s8] =	ssyncadd.s32 @!p0 $0xFFFFF060  }
0x95: {  	[tilespmem:s29], [sflag:$0x9] =	stream.indirect.gather [hbm4b:s17+s21], $0x20, s0, s21, $0xb8;
	[tilespmem:$0x18C40] =	vst v63  }
0x96: {  	_ =	swait.ge [sflag:s31], $0xFA0  }
0x97: {  	[sflag:s31] =	ssyncset.done $0x0  }
0x98: {  	s15 =	sadd.s32 $0x5180, s4;
	s8 =	simm.s32 @!p0 $0x14;
	[sflag:s31] =	ssyncadd.s32 $0xFFFFF060  }
0x99: {  	[spmem:s3] =	stream.indirect.scatter.add.f32 [tilespmem:s28], [sflag:$0xE], $0x20, s15, s21, $0xb8;
	[tilespmem:$0x18C40] =	vst v63  }
0x9a: {  	_ =	swait.ge @!p0 [sflag:s8], $0xFA0  }
0x9b: {  	[sflag:s8] =	ssyncset.done @!p0 $0x0  }
0x9c: {  	s18 =	sadd.s32 $0x480, s4;
	[sflag:s8] =	ssyncadd.s32 @!p0 $0xFFFFF060  }
0x9d: {  	[tilespmem:s7], [sflag:$0xA] =	stream.indirect.gather [hbm4b:s17+s21], $0x20, s18, s21, $0xb8;
	[tilespmem:$0x18C40] =	vst v63  }
0x9e: {  	_ =	swait.ge [sflag:s9], $0xFA0  }
0x9f: {  	p0 =	seq.s32 s16, $0x12C00;
	[sflag:s9] =	ssyncset.done $0x0  }
0xa0: {  	s23 =	sadd.s32 $0x5200, s4;
	s8 =	simm.s32 @p0 $0x6;
	[sflag:s9] =	ssyncadd.s32 $0xFFFFF060  }
0xa1: {  	[spmem:s3] =	stream.indirect.scatter.add.f32 [tilespmem:s30], [sflag:$0xF], $0x20, s23, s21, $0xb8;
	[tilespmem:$0x18C40] =	vst v63  }
0xa2: {  	_ =	swait.ge @p0 [sflag:s8], $0xFA0  }
0xa3: {  	[sflag:s8] =	ssyncset.done @p0 $0x0  }
0xa4: {  	[sflag:s8] =	ssyncadd.s32 @p0 $0xFFFFF060;
	s8 =	sshra.s32 @p0 s16, $0x2  }
0xa5: {  	s15 =	simm.s32 @p0 $0x7D;
	s18 =	simm.s32 @p0 $0xEE20;
	s8 =	sadd.s32 @p0 $0x5280, s8  }
0xa6: {  	[spmem:s3] =	stream.indirect.scatter.add.f32 @p0 [tilespmem:s18], [sflag:$0x10], $0x20, s8, s15, $0xb8;
	[tilespmem:$0x18C40] =	vst v63  }
0xa7: {  	s8 =	simm.s32 @!p0 $0xB  }
0xa8: {  	_ =	swait.ge @!p0 [sflag:s8], $0xFA0  }
0xa9: {  	[sflag:s8] =	ssyncset.done @!p0 $0x0  }
0xaa: {  	[sflag:s8] =	ssyncadd.s32 @!p0 $0xFFFFF060;
	s8 =	sshra.s32 @!p0 s16, $0x2  }
0xab: {  	s0 =	simm.s32 @!p0 $0x7D;
	s23 =	simm.s32 @!p0 $0xA000;
	s18 =	sadd.s32 @!p0 $0x500, s8  }
0xac: {  	[tilespmem:s23], [sflag:$0x1] =	stream.indirect.gather @!p0 [hbm4b:s17+s0], $0x20, s18, s0, $0xb8;
	[tilespmem:$0x18C40] =	vst v63  }
0xad: {  	s18 =	simm.s32 @!p0 $0x6  }
0xae: {  	_ =	swait.ge @!p0 [sflag:s18], $0xFA0  }
0xaf: {  	[sflag:s18] =	ssyncset.done @!p0 $0x0  }
0xb0: {  	s23 =	simm.s32 @!p0 $0xEE20;
	[sflag:s18] =	ssyncadd.s32 @!p0 $0xFFFFF060;
	s18 =	sadd.s32 @!p0 $0x5280, s8  }
0xb1: {  	[spmem:s3] =	stream.indirect.scatter.add.f32 @!p0 [tilespmem:s23], [sflag:$0x10], $0x20, s18, s0, $0xb8;
	[tilespmem:$0x18C40] =	vst v63  }
0xb2: {  	p2 =	sne.s32 @!p0 s5, $0x0;
	s18 =	simm.s32 @!p0 $0xC  }
0xb3: {  	p1 =	por !p2, p0;
	_ =	swait.ge @!p0 [sflag:s18], $0xFA0  }
0xb4: {  	p2 =	por p2, p0;
	s25 =	simm.s32 @!p1 $0xAFA0;
	[sflag:s18] =	ssyncset.done @!p0 $0x0  }
0xb5: {  	s23 =	simm.s32 @!p1 $0x7D;
	[sflag:s18] =	ssyncadd.s32 @!p0 $0xFFFFF060;
	s18 =	sadd.s32 @!p0 $0x580, s8  }
0xb6: {  	[tilespmem:s25], [sflag:$0x2] =	stream.indirect.gather @!p1 [hbm4b:s6+s23], $0x20, s18, s23, $0xb8;
	[tilespmem:$0x18C40] =	vst v63  }
0xb7: {  	s24 =	simm.s32 @!p2 $0xAFA0;
	s25 =	simm.s32 @!p2 $0x7D  }
0xb8: {  	[tilespmem:s24], [sflag:$0x2] =	stream.indirect.gather @!p2 [hbm4b:s2+s25], $0x20, s18, s25, $0xb8;
	[tilespmem:$0x18C40] =	vst v63  }
0xb9: {  	_ =	swait.ge [sflag:s10], $0xFA0  }
0xba: {  	[sflag:s10] =	ssyncset.done $0x0  }
0xbb: {  	s24 =	sadd.s32 $0x5300, s4;
	s18 =	simm.s32 @p0 $0x8;
	[sflag:s10] =	ssyncadd.s32 $0xFFFFF060  }
0xbc: {  	[spmem:s3] =	stream.indirect.scatter.add.f32 [tilespmem:s1], [sflag:$0x11], $0x20, s24, s21, $0xb8;
	[tilespmem:$0x18C40] =	vst v63  }
0xbd: {  	_ =	swait.ge @p0 [sflag:s18], $0xFA0  }
0xbe: {  	[sflag:s18] =	ssyncset.done @p0 $0x0  }
0xbf: {  	s24 =	simm.s32 @p0 $0x10D60;
	[sflag:s18] =	ssyncadd.s32 @p0 $0xFFFFF060;
	s18 =	simm.s32 @p0 $0x9E80  }
0xc0: {  	[spmem:s3] =	stream.indirect.scatter.add.f32 @p0 [tilespmem:s24], [sflag:$0x12], $0x20, s18, s15, $0xb8;
	[tilespmem:$0x18C40] =	vst v63  }
0xc1: {  	s15 =	simm.s32 @!p0 $0xD  }
0xc2: {  	_ =	swait.ge @!p0 [sflag:s15], $0xFA0  }
0xc3: {  	[sflag:s15] =	ssyncset.done @!p0 $0x0  }
0xc4: {  	s18 =	simm.s32 @!p0 $0xBF40;
	[sflag:s15] =	ssyncadd.s32 @!p0 $0xFFFFF060;
	s15 =	sadd.s32 @!p0 $0x600, s8  }
0xc5: {  	[tilespmem:s18], [sflag:$0x3] =	stream.indirect.gather @!p0 [hbm4b:s17+s0], $0x20, s15, s0, $0xb8;
	[tilespmem:$0x18C40] =	vst v63  }
0xc6: {  	s15 =	simm.s32 @!p0 $0x8  }
0xc7: {  	_ =	swait.ge @!p0 [sflag:s15], $0xFA0  }
0xc8: {  	[sflag:s15] =	ssyncset.done @!p0 $0x0  }
0xc9: {  	s18 =	simm.s32 @!p0 $0x10D60;
	[sflag:s15] =	ssyncadd.s32 @!p0 $0xFFFFF060;
	s15 =	sadd.s32 @!p0 $0x5380, s8  }
0xca: {  	[spmem:s3] =	stream.indirect.scatter.add.f32 @!p0 [tilespmem:s18], [sflag:$0x12], $0x20, s15, s0, $0xb8;
	[tilespmem:$0x18C40] =	vst v63  }
0xcb: {  	s0 =	simm.s32 @!p0 $0xE  }
0xcc: {  	_ =	swait.ge @!p0 [sflag:s0], $0xFA0  }
0xcd: {  	[sflag:s0] =	ssyncset.done @!p0 $0x0  }
0xce: {  	[sflag:s0] =	ssyncadd.s32 @!p0 $0xFFFFF060;
	s0 =	sadd.s32 @!p0 $0x680, s8;
	s8 =	simm.s32 @!p1 $0xCEE0  }
0xcf: {  	[tilespmem:s8], [sflag:$0x4] =	stream.indirect.gather @!p1 [hbm4b:s6+s23], $0x20, s0, s23, $0xb8;
	[tilespmem:$0x18C40] =	vst v63  }
0xd0: {  	s8 =	simm.s32 @!p2 $0xCEE0  }
0xd1: {  	[tilespmem:s8], [sflag:$0x4] =	stream.indirect.gather @!p2 [hbm4b:s2+s25], $0x20, s0, s25, $0xb8;
	[tilespmem:$0x18C40] =	vst v63  }
.Ltmp3:
0xd2: {  	_ = 	snop;
	(pc) =	sbr.rel @p0 .LBB2_6-.Ltmp3, $4  }
0xd3: {  	_ =	swait.ge [sflag:s11], $0xFA0  }
0xd4: {  	[sflag:s11] =	ssyncset.done $0x0  }
0xd5: {  	s25 =	sadd.s32 $0x5400, s4;
	[sflag:s11] =	ssyncadd.s32 $0xFFFFF060  }
0xd6: {  	[spmem:s3] =	stream.indirect.scatter.add.f32 [tilespmem:s29], [sflag:$0x13], $0x20, s25, s21, $0xb8;
	[tilespmem:$0x18C40] =	vst v63  }
0xd7: {  	_ =	swait.ge [sflag:s13], $0xFA0  }
0xd8: {  	[sflag:s13] =	ssyncset.done $0x0  }
0xd9: {  	s0 =	sadd.s32 $0x700, s4;
	[sflag:s13] =	ssyncadd.s32 $0xFFFFF060  }
0xda: {  	[tilespmem:s30], [sflag:$0x5] =	stream.indirect.gather [hbm4b:s17+s21], $0x20, s0, s21, $0xb8;
	[tilespmem:$0x18C40] =	vst v63  }
0xdb: {  	_ =	swait.ge [sflag:s12], $0xFA0  }
0xdc: {  	[sflag:s12] =	ssyncset.done $0x0  }
0xdd: {  	s23 =	sadd.s32 $0x5480, s4;
	[sflag:s12] =	ssyncadd.s32 $0xFFFFF060  }
0xde: {  	[spmem:s3] =	stream.indirect.scatter.add.f32 [tilespmem:s7], [sflag:$0x14], $0x20, s23, s21, $0xb8;
	[tilespmem:$0x18C40] =	vst v63  }
.Ltmp4:
0xdf: {  	_ = 	snop;
	(pc) =	sbr.rel .LBB2_4-.Ltmp4, $4  }
0xe0: {  	_ =	swait.ge [sflag:s14], $0xFA0  }
0xe1: {  	s24 =	sadd.s32 $0x780, s4;
	[sflag:s14] =	ssyncset.done $0x0  }
0xe2: {  	s25 =	simm.s32 $0xEE20;
	s16 =	sadd.s32 $0x1400, s16;
	[sflag:s14] =	ssyncadd.s32 $0xFFFFF060  }
0xe3: {  	[tilespmem:s25], [sflag:$0x6] =	stream.indirect.gather [hbm4b:s17+s21], $0x20, s24, s21, $0xb8;
	[tilespmem:$0x18C40] =	vst v63  }
.LBB2_7:
0xe4: {  	_ =	sfence.sel $0x180000  }
0xe5: {  	[bflag:$0x0] =	sbarrier.arrive $0xFFFF  }
0xe6: {  	_ =	strace $0x9000004D  }
0xe7: {  	s0 =	stileid.u32;
	[bflag:$0x2] =	sbarrier.arrive $0xFFFF  }
0xe8: {  	p0 =	sne.s32 s0, $0x0;
	s0 =	rddreg [dreg:$0x3]  }
0xe9: {  	s0 =	sadd.s32 @!p0 $0x100000, s0  }
0xea: {  	[sflag:s0] =	ssyncadd.tile.s32 @!p0 $0x1;
	_ =	shalt  }
.Lfunc_end2:
_tile_overlayer_lowered:
.L_overlay_start_2:
0xeb: {  	(tag) =	ssettag $0x2  }
0xec: {  	s0 =	rddreg [dreg:$0x0];
	s2 =	stileid.u32  }
0xed: {  	s1 =	rddreg [dreg:$0x1];
	p0 =	sne.s32 s2, $0x0  }
0xee: {  	s3 =	rddreg [dreg:$0x2];
	[bflag:$0x3] =	sbarrier.arrive $0xFFFF;
	s2 =	simm.s32 @!p0 $0x1C15  }
0xef: {  	[timem:s3], [sflag:s2] =	dma.local @!p0 [hbm:s0], s1  }
0xf0: {  	s0 =	simm.s32 @!p0 $0x15  }
0xf1: {  	_ =	swait.ge @!p0 [sflag:s0], s1  }
0xf2: {  	s1 =	ssub.s32 @!p0 $0x0, s1;
	[sflag:s0] =	ssyncset.done @!p0 $0x0  }
0xf3: {  	[sflag:s0] =	ssyncadd.s32 @!p0 s1  }
0xf4: {  	[bflag:$0x3] =	sbarrier.arrive $0xFFFF  }
0xf5: {  	_ =	shalt  }

// kernel: kernel.9.cloned.1.call-start
scs
__scs_entry_jumppad:
0x0: {  	(pc) =	sbr.rel $0x88, $3  }
0x1: {  	(tag) =	ssettag $0x0;
	lr =	simm.s32 $0x1  }
0x2: {  	[smem:$0x3F9B] =	sst lr;
	_ =	strace $0xD0000000  }
0x3: {  	_ = 	snop  }
0x4: {  	_ = 	snop  }
0x5: {  	_ = 	snop  }
0x6: {  	_ = 	snop  }
0x7: {  	_ = 	snop  }
__scs_overlays_trampoline_lowered:
0x8: {  	[smem:$0x3FAA] =	sst s0  }
0x9: {  	[smem:$0x3FAB] =	sst s1  }
0xa: {  	[smem:$0x3FAC] =	sst s2  }
0xb: {  	[smem:$0x3FAD] =	sst s3  }
0xc: {  	[smem:$0x3FAE] =	sst s4  }
0xd: {  	[smem:$0x3FAF] =	sst s5  }
0xe: {  	[smem:$0x3FB0] =	sst s6  }
0xf: {  	[smem:$0x3FB1] =	sst s7  }
0x10: {  	[smem:$0x3FB2] =	sst s8  }
0x11: {  	[smem:$0x3FB3] =	sst s9;
	s0 =	simm.s32 @!p0 $0x0  }
0x12: {  	s1 =	sld [smem:$0x3F99];
	s0 =	simm.s32 @p0 $0x1  }
0x13: {  	[smem:$0x3FB4] =	sst s0;
	s0 =	simm.s32 @!p1 $0x0  }
0x14: {  	s2 =	sld [smem:$0x3F98];
	s0 =	simm.s32 @p1 $0x1  }
0x15: {  	[smem:$0x3FB5] =	sst s0;
	s0 =	simm.s32 @!p2 $0x0  }
0x16: {  	s3 =	sld [smem:$0x3FDB];
	s0 =	simm.s32 @p2 $0x1  }
0x17: {  	s4 =	simm.s32 $0x1BF5;
	[smem:$0x3FB7] =	sst s0  }
0x18: {  	s0 =	sld [smem:$0x3F9A];
	_ =	swait.ge [sflag:s4], $0x0  }
0x19: {  	s7 =	sld [smem:$0x3F9B]  }
0x1a: {  	s8 =	sadd.s32 $0xFFFFE003, lr  }
0x1b: {  	s9 =	sadd.s32 $0xFFFFFEF7, lr;
	s5 =	simm.s32 $0xFFFFFFFF;
	p2 =	slt.u32 s8, $0xFFFFF086  }
0x1c: {  	p1 =	slt.u32 s9, $0xF7A;
	s5 =	simm.s32 @!p2 $0x0  }
0x1d: {  	s5 =	simm.s32 @p1 $0x1;
	p0 =	seq.s32 s7, s2  }
0x1e: {  	s7 =	smul.u32 @!p0 $0xF7A, s2;
	p2 =	seq.s32 @!p0 s5, $0x0  }
0x1f: {  	s9 =	smul.u32 $0xF7A, s1;
	s8 =	simm.s32 @!p0 $0x1BF5;
	p2 =	por !p2, p0  }
0x20: {  	[sflag:s8] =	ssyncset.s32 @!p0 $0xFFFFF086;
	s6 =	sadd.s32 @!p0 s3, s7;
	s7 =	simm.s32 @!p0 $0x108  }
0x21: {  	s3 =	sadd.s32 s3, s9;
	s6 =	sadd.s32 @!p0 $0x88, s6;
	s7 =	simm.s32 @p2 $0x1082  }
0x22: {  	[simem:s7], [sflag:s8] =	dma.local @!p0 [hbm:s6], $0xF7A  }
0x23: {  	s9 =	sor.u32 $0xD0000000, s2;
	s6 =	simm.s32 $0x108;
	_ =	swait.ge @!p0 [sflag:s8], $0x0  }
0x24: {  	s3 =	sadd.s32 $0x88, s3;
	s6 =	simm.s32 @!p1 $0x1082;
	[sflag:s4] =	ssyncset.s32 $0xFFFFF086  }
0x25: {  	[simem:s6], [sflag:s4] =	dma.local [hbm:s3], $0xF7A  }
0x26: {  	[smem:$0x3F9B] =	sst s1;
	(tag) =	ssettag s2;
	_ =	strace s9  }
0x27: {  	s1 =	sld [smem:$0x3FAB]  }
0x28: {  	s2 =	sld [smem:$0x3FAC]  }
0x29: {  	s4 =	sld [smem:$0x3FAE]  }
0x2a: {  	p0 =	seq.s32 s5, $0x0;
	s5 =	sld [smem:$0x3FAF]  }
0x2b: {  	s6 =	sld [smem:$0x3FB0]  }
0x2c: {  	s7 =	sld [smem:$0x3FB1]  }
0x2d: {  	s3 =	simm.s32 $0x108;
	s8 =	sld [smem:$0x3FB2]  }
0x2e: {  	s3 =	simm.s32 @!p0 $0x1082;
	s9 =	sld [smem:$0x3FB3]  }
0x2f: {  	lr =	sadd.s32 s0, s3;
	s0 =	sld [smem:$0x3FAA]  }
0x30: {  	s3 =	sld [smem:$0x3FAD]  }
0x31: {  	[smem:$0x3FB6] =	sst s10  }
0x32: {  	s10 =	sld [smem:$0x3FB4];
	_ =	sdelay $0x3  }
0x33: {  	p0 =	seq.s32 s10, $0x1;
	s10 =	sld [smem:$0x3FB6];
	_ =	sdelay $0x3  }
0x34: {  	[smem:$0x3FB6] =	sst s10  }
0x35: {  	s10 =	sld [smem:$0x3FB5];
	_ =	sdelay $0x3  }
0x36: {  	p1 =	seq.s32 s10, $0x1;
	s10 =	sld [smem:$0x3FB6];
	_ =	sdelay $0x3  }
0x37: {  	[smem:$0x3FB6] =	sst s10  }
0x38: {  	s10 =	sld [smem:$0x3FB7]  }
0x39: {  	_ = 	snop;
	(pc) =	sbr.ind lr, $3  }
0x3a: {  	_ = 	snop  }
0x3b: {  	_ = 	snop  }
0x3c: {  	p2 =	seq.s32 s10, $0x1;
	s10 =	sld [smem:$0x3FB6]  }
0x3d: {  	_ =	shalt  }
0x3e: {  	_ =	shalt  }
0x3f: {  	_ =	shalt  }
0x40: {  	_ =	shalt  }
0x41: {  	_ =	shalt  }
0x42: {  	_ =	shalt  }
0x43: {  	_ =	shalt  }
0x44: {  	_ =	shalt  }
0x45: {  	_ =	shalt  }
0x46: {  	_ =	shalt  }
0x47: {  	_ =	shalt  }
0x48: {  	_ =	shalt  }
0x49: {  	_ =	shalt  }
0x4a: {  	_ =	shalt  }
0x4b: {  	_ =	shalt  }
0x4c: {  	_ =	shalt  }
0x4d: {  	_ =	shalt  }
0x4e: {  	_ =	shalt  }
0x4f: {  	_ =	shalt  }
0x50: {  	_ =	shalt  }
0x51: {  	_ =	shalt  }
0x52: {  	_ =	shalt  }
0x53: {  	_ =	shalt  }
0x54: {  	_ =	shalt  }
0x55: {  	_ =	shalt  }
0x56: {  	_ =	shalt  }
0x57: {  	_ =	shalt  }
0x58: {  	_ =	shalt  }
0x59: {  	_ =	shalt  }
0x5a: {  	_ =	shalt  }
0x5b: {  	_ =	shalt  }
0x5c: {  	_ =	shalt  }
0x5d: {  	_ =	shalt  }
0x5e: {  	_ =	shalt  }
0x5f: {  	_ =	shalt  }
0x60: {  	_ =	shalt  }
0x61: {  	_ =	shalt  }
0x62: {  	_ =	shalt  }
0x63: {  	_ =	shalt  }
0x64: {  	_ =	shalt  }
0x65: {  	_ =	shalt  }
0x66: {  	_ =	shalt  }
0x67: {  	_ =	shalt  }
0x68: {  	_ =	shalt  }
0x69: {  	_ =	shalt  }
0x6a: {  	_ =	shalt  }
0x6b: {  	_ =	shalt  }
0x6c: {  	_ =	shalt  }
0x6d: {  	_ =	shalt  }
0x6e: {  	_ =	shalt  }
0x6f: {  	_ =	shalt  }
0x70: {  	_ =	shalt  }
0x71: {  	_ =	shalt  }
0x72: {  	_ =	shalt  }
0x73: {  	_ =	shalt  }
0x74: {  	_ =	shalt  }
0x75: {  	_ =	shalt  }
0x76: {  	_ =	shalt  }
0x77: {  	_ =	shalt  }
0x78: {  	_ =	shalt  }
0x79: {  	_ =	shalt  }
0x7a: {  	_ =	shalt  }
0x7b: {  	_ =	shalt  }
0x7c: {  	_ =	shalt  }
0x7d: {  	_ =	shalt  }
0x7e: {  	_ =	shalt  }
0x7f: {  	_ =	shalt  }
0x80: {  	_ =	shalt  }
0x81: {  	_ =	shalt  }
0x82: {  	_ =	shalt  }
0x83: {  	_ =	shalt  }
0x84: {  	_ =	shalt  }
0x85: {  	_ =	shalt  }
0x86: {  	_ =	shalt  }
0x87: {  	_ =	shalt  }
.Lfunc_end0:
.L_simem_size_0:
called_computation_lowered:
.L_overlay_start_0:
0x88: {  	s2 =	sld [smem:$0x3FD9]  }
0x89: {  	s3 =	sld [smem:$0x3FFE];
	_ =	sdelay $0x1  }
0x8a: {  	s1 =	srdreg.scid  }
0x8b: {  	s0 =	sand.u32 $0x1, s1  }
0x8c: {  	s17 =	sshll.u32 s0, $0xA;
	s2 =	sadd.s32 s3, s2  }
0x8d: {  	s2 =	sadd.s32 s2, s17  }
0x8e: {  	[smem:$0x3FC2] =	sst s2  }
0x8f: {  	_ = 	snop  }
0x90: {  	s2 =	sld [smem:$0x3FD0];
	(tm) =	ssettm $0x1  }
0x91: {  	s18 =	sld [smem:$0x3FFB];
	_ =	sdelay $0x3  }
0x92: {  	_ =	strace s18  }
0x93: {  	s3 =	sld [smem:$0x3FFC];
	_ =	sdelay $0x3  }
0x94: {  	_ =	strace s3  }
0x95: {  	s3 =	sld [smem:$0x3FFD];
	_ =	sdelay $0x3  }
0x96: {  	_ =	strace s3  }
0x97: {  	_ =	strace $0x8FFFFFFF  }
0x98: {  	s19 =	sld [smem:$0x3FDB];
	_ =	sdelay $0x1  }
0x99: {  	s4 =	simm.s32 $_scs_section_size  }
0x9a: {  	s5 =	simm.s32 $_size__tile_overlayer_lowered;
	s6 =	simm.s32 $_tile_overlayer_lowered  }
0x9b: {  	s22 =	simm.s32 $0x1BFF;
	s21 =	sshll.u32 s6, $0x1;
	s3 =	sadd.s32 s4, s19  }
0x9c: {  	s7 =	simm.s32 $0x0;
	s20 =	sshll.u32 s5, $0x1;
	s5 =	sadd.s32 s21, s3  }
0x9d: {  	[timem:s7], [sflag:s22] =	dma.local [hbm:s5], s20  }
0x9e: {  	_ =	swait.ge [sflag:s22], s20  }
0x9f: {  	s4 =	ssub.s32 $0x0, s20;
	[sflag:s22] =	ssyncset.done $0x0  }
0xa0: {  	[sflag:s22] =	ssyncadd.s32 s4;
	_ =	sdelay $0x1  }
0xa1: {  	s23 =	simm.s32 $0x1B8B  }
0xa2: {  	_ =	swait.ge [sflag:s23], $0x1  }
0xa3: {  	[sflag:s23] =	ssyncset.done $0x0  }
0xa4: {  	s25 =	simm.s32 $0x1B8E;
	s24 =	sld [smem:$0x3FFE];
	[sflag:s23] =	ssyncadd.s32 $0xFFFFFFFF  }
0xa5: {  	s26 =	simm.s32 $execute0_lowered;
	[smem:$0x3FD2] =	sst s25  }
0xa6: {  	s5 =	sshll.u32 s26, $0x1;
	_ =	strace $0x80000046;
	[dreg:$0x1] =	wrdreg $0xFFFFFFFF  }
0xa7: {  	s28 =	simm.s32 $_size_execute0_lowered;
	s3 =	sadd.s32 s3, s5;
	[dreg:$0x0] =	wrdreg $0x0  }
0xa8: {  	s5 =	sshll.u32 s28, $0x1;
	[dreg:$0x2] =	wrdreg s3  }
0xa9: {  	[dreg:$0x3] =	wrdreg s5  }
0xaa: {  	[dreg:$0x4] =	wrdreg $0xC0  }
0xab: {  	_ =	task [dreg:s7], $0x5FFFF  }
0xac: {  	[dreg:$0x1] =	wrdreg $0xFFFFFFFF  }
0xad: {  	[dreg:$0x0] =	wrdreg $0x60  }
0xae: {  	[dreg:$0x2] =	wrdreg s24  }
0xaf: {  	[dreg:$0x3] =	wrdreg s2  }
0xb0: {  	[dreg:$0x4] =	wrdreg $0x55800  }
0xb1: {  	[dreg:$0x5] =	wrdreg $0x58000  }
0xb2: {  	[dreg:$0x6] =	wrdreg $0x9  }
0xb3: {  	_ =	task.clear_ibuf [dreg:s7], $0x7FFFF;
	_ =	strace $0x90000046  }
0xb4: {  	s29 =	simm.s32 $0x9;
	_ =	strace $0x80000048  }
0xb5: {  	_ =	swait.ge [sflag:s29], $0x1  }
0xb6: {  	[sflag:s29] =	ssyncadd.s32 $0xFFFFFFFF  }
0xb7: {  	_ =	strace $0x90000048  }
0xb8: {  	_ =	sfence  }
0xb9: {  	s30 =	sld [smem:$0x0];
	_ =	sdelay $0x2  }
0xba: {  	s31 =	sshll.u32 s1, $0xD;
	s1 =	sshrl.u32 s1, $0x2  }
0xbb: {  	s3 =	sand.u32 $0x4000, s31;
	s1 =	sadd.s32 s1, s30  }
0xbc: {  	s0 =	sor.u32 s3, s0;
	s1 =	sshll.u32 s1, $0x11  }
0xbd: {  	s0 =	sor.u32 s1, s0  }
0xbe: {  	s0 =	sadd.s32 $0x8F2B, s0  }
0xbf: {  	[sflag:s0] =	ssyncadd.remote.s32 $0x1  }
0xc0: {  	_ =	sfence.sel $0xFFFF  }
0xc1: {  	[dreg:$0x0] =	wrdreg $0xFFFFFFFF;
	(pc) =	sbr.abs _section_cstart, $3  }
0xc2: {  	[dreg:$0x1] =	wrdreg $0xFFFFFFFF  }
0xc3: {  	_ =	task.clear_ibuf [dreg:s7], $0x2FFFF;
	_ =	strace $0x9FFFFFFF  }
0xc4: {  	(tm) =	ssettm $0x7FFFFFFF  }
0xc5: {  	_ =	shalt  }
tec
execute0_lowered:
.L_overlay_start_1:
0x0: {  	(tag) =	ssettag $0x1  }
0x1: {  	s0 =	rddreg [dreg:$0x0]  }
0x2: {  	s1 =	rddreg [dreg:$0x1]  }
0x3: {  	s2 =	rddreg [dreg:$0x2];
	s4 =	srdreg.scid  }
0x4: {  	s3 =	rddreg [dreg:$0x3];
	s7 =	stileid.u32;
	s12 =	simm.s32 $0x9  }
0x5: {  	s13 =	simm.s32 $0x2800;
	s14 =	simm.s32 $0x5080;
	s15 =	simm.s32 $0x7D  }
0x6: {  	s16 =	simm.s32 $0x5000;
	s19 =	simm.s32 $0x100;
	s20 =	simm.s32 $0x2900  }
0x7: {  	s21 =	simm.s32 $0x180;
	s22 =	simm.s32 $0x2980;
	s23 =	simm.s32 $0x1  }
0x8: {  	s24 =	simm.s32 $0x2;
	s25 =	simm.s32 $0x3;
	s28 =	simm.s32 $0x5  }
0x9: {  	s29 =	simm.s32 $0x6;
	s30 =	simm.s32 $0x7;
	s31 =	simm.s32 $0x8  }
0xa: {  	s5 =	sand.u32 $0x1, s4;
	s9 =	smul.u32 $0x280, s7;
	s4 =	simm.s32 $0x0  }
0xb: {  	s6 =	sshll.u32 s5, $0x4;
	s26 =	smul.u32 $0x5000, s5;
	[smem:$0x7FF] =	sst s4  }
0xc: {  	s5 =	ssub.s32 $0x2, s5;
	s6 =	sor.u32 s7, s6;
	_ =	strace $0x80000047  }
0xd: {  	s8 =	sshrl.u32 s5, $0x1;
	s6 =	smul.u32 $0x500, s6;
	s7 =	sadd.s32 s9, s26  }
0xe: {  	s11 =	ssub.s32 s5, s8;
	s8 =	sadd.s32 s9, s2;
	s9 =	sadd.s32 s9, s3  }
0xf: {  	s26 =	simm.s32 $0x4;
	s7 =	sshrl.u32 s7, $0x3;
	s0 =	sadd.s32 s6, s0  }
0x10: {  	s11 =	smax.u32 s11, $0x1;
	s7 =	sadd.s32 s1, s7;
	s5 =	sadd.s32 $0xB800, s0  }
0x11: {  	v0 =	vimm.f32 $1.000000000e+00;
	v1 =	vimm.f32 $0.0e+00;
	s6 =	sadd.s32 $0x1800, s0;
	s10 =	sadd.s32 $0x500, s7;
	s0 =	simm.s32 $0x0  }
.LBB2_1:
0x12: {  	[tilespmem:s4], [sflag:$0x9] =	stream.linear.gather [hbm4b:s5+s4], $0x2800, $0x38;
	[tilespmem:$0x5A80] =	vst v63  }
0x13: {  	_ =	swait.ge [sflag:s12], $0x2800  }
0x14: {  	[sflag:s12] =	ssyncset.done $0x0  }
0x15: {  	[sflag:s12] =	ssyncadd.s32 $0xFFFFD800  }
0x16: {  	[tilespmem:s13], [sflag:$0x9] =	stream.linear.gather [hbm4b:s6+s4], $0x2800, $0x38;
	[tilespmem:$0x5A80] =	vst v63  }
0x17: {  	_ =	swait.ge [sflag:s12], $0x2800  }
0x18: {  	[sflag:s12] =	ssyncset.done $0x0  }
0x19: {  	[sflag:s12] =	ssyncadd.s32 $0xFFFFD800  }
0x1a: {  	[tilespmem:$0x5000] =	vst v0  }
0x1b: {  	[tilespmem:$0x5010] =	vst v0  }
0x1c: {  	[tilespmem:$0x5020] =	vst v0  }
0x1d: {  	[tilespmem:$0x5030] =	vst v0  }
0x1e: {  	[tilespmem:$0x5040] =	vst v0  }
0x1f: {  	[tilespmem:$0x5050] =	vst v0  }
0x20: {  	[tilespmem:$0x5060] =	vst v0  }
0x21: {  	s1 =	simm.s32 $0x40;
	s17 =	simm.s32 $0x0;
	[tilespmem:$0x506D] =	vst v0  }
.LBB2_2:
0x22: {  	p0 =	sne.s32 s1, $0x13C0;
	[tilespmem:s17+$0x5080] =	vst v1;
	s17 =	smov.u32 s1;
	s1 =	sadd.s32 $0x40, s1  }
.Ltmp0:
0x23: {  	(pc) =	sbr.rel @p0 .LBB2_2-.Ltmp0, $2  }
0x24: {  	_ =	sdelay $0x2  }
0x25: {  	s17 =	sshra.s32 s17, $0x2  }
0x26: {  	[tilespmem:s17+$0x5080] =	vst v1  }
0x27: {  	[spmem:s8] =	stream.linear.scatter [tilespmem:s14], [sflag:$0x9], $0x280, $0x38;
	[tilespmem:$0x5A80] =	vst v63  }
0x28: {  	_ =	swait.ge [sflag:s12], $0x280  }
0x29: {  	[sflag:s12] =	ssyncset.done $0x0  }
0x2a: {  	[sflag:s12] =	ssyncadd.s32 $0xFFFFFD80  }
0x2b: {  	[spmem:s9] =	stream.linear.scatter [tilespmem:s14], [sflag:$0x9], $0x280, $0x38;
	[tilespmem:$0x5A80] =	vst v63  }
0x2c: {  	_ =	swait.ge [sflag:s12], $0x280  }
0x2d: {  	[sflag:s12] =	ssyncset.done $0x0  }
0x2e: {  	[sflag:s12] =	ssyncadd.s32 $0xFFFFFD80  }
0x2f: {  	s1 =	simm.s32 $0x0;
	[bflag:$0x0] =	sbarrier.arrive $0xFFFF  }
0x30: {  	[spmem:s2] =	stream.indirect.scatter.add.f32 [tilespmem:s16], [sflag:$0x1], $0x1, s1, s15, $0xb8;
	[tilespmem:$0x5A80] =	vst v63  }
0x31: {  	_ = 	snop  }
0x32: {  	[spmem:s3] =	stream.indirect.scatter.add.f32 [tilespmem:s16], [sflag:$0x2], $0x1, s13, s15, $0xb8;
	[tilespmem:$0x5A80] =	vst v63  }
0x33: {  	s18 =	simm.s32 $0x80  }
0x34: {  	[spmem:s2] =	stream.indirect.scatter.add.f32 [tilespmem:s16], [sflag:$0x3], $0x1, s18, s15, $0xb8;
	[tilespmem:$0x5A80] =	vst v63  }
0x35: {  	s17 =	simm.s32 $0x2880  }
0x36: {  	[spmem:s3] =	stream.indirect.scatter.add.f32 [tilespmem:s16], [sflag:$0x4], $0x1, s17, s15, $0xb8;
	[tilespmem:$0x5A80] =	vst v63  }
0x37: {  	_ = 	snop  }
0x38: {  	[spmem:s2] =	stream.indirect.scatter.add.f32 [tilespmem:s16], [sflag:$0x5], $0x1, s19, s15, $0xb8;
	[tilespmem:$0x5A80] =	vst v63  }
0x39: {  	_ = 	snop  }
0x3a: {  	[spmem:s3] =	stream.indirect.scatter.add.f32 [tilespmem:s16], [sflag:$0x6], $0x1, s20, s15, $0xb8;
	[tilespmem:$0x5A80] =	vst v63  }
0x3b: {  	_ = 	snop  }
0x3c: {  	[spmem:s2] =	stream.indirect.scatter.add.f32 [tilespmem:s16], [sflag:$0x7], $0x1, s21, s15, $0xb8;
	[tilespmem:$0x5A80] =	vst v63  }
0x3d: {  	_ = 	snop  }
0x3e: {  	[spmem:s3] =	stream.indirect.scatter.add.f32 [tilespmem:s16], [sflag:$0x8], $0x1, s22, s15, $0xb8;
	[tilespmem:$0x5A80] =	vst v63  }
0x3f: {  	_ =	swait.ge [sflag:s23], $0x7D  }
0x40: {  	[sflag:s23] =	ssyncset.done $0x0  }
0x41: {  	s18 =	simm.s32 $0x200;
	[sflag:s23] =	ssyncadd.s32 $0xFFFFFF83  }
0x42: {  	[spmem:s2] =	stream.indirect.scatter.add.f32 [tilespmem:s16], [sflag:$0x1], $0x1, s18, s15, $0xb8;
	[tilespmem:$0x5A80] =	vst v63  }
0x43: {  	_ =	swait.ge [sflag:s24], $0x7D  }
0x44: {  	[sflag:s24] =	ssyncset.done $0x0  }
0x45: {  	s17 =	simm.s32 $0x2A00;
	[sflag:s24] =	ssyncadd.s32 $0xFFFFFF83  }
0x46: {  	[spmem:s3] =	stream.indirect.scatter.add.f32 [tilespmem:s16], [sflag:$0x2], $0x1, s17, s15, $0xb8;
	[tilespmem:$0x5A80] =	vst v63  }
0x47: {  	_ =	swait.ge [sflag:s25], $0x7D  }
0x48: {  	[sflag:s25] =	ssyncset.done $0x0  }
0x49: {  	s18 =	simm.s32 $0x280;
	[sflag:s25] =	ssyncadd.s32 $0xFFFFFF83  }
0x4a: {  	[spmem:s2] =	stream.indirect.scatter.add.f32 [tilespmem:s16], [sflag:$0x3], $0x1, s18, s15, $0xb8;
	[tilespmem:$0x5A80] =	vst v63  }
0x4b: {  	_ =	swait.ge [sflag:s26], $0x7D  }
0x4c: {  	[sflag:s26] =	ssyncset.done $0x0  }
0x4d: {  	s17 =	simm.s32 $0x2A80;
	[sflag:s26] =	ssyncadd.s32 $0xFFFFFF83  }
0x4e: {  	[spmem:s3] =	stream.indirect.scatter.add.f32 [tilespmem:s16], [sflag:$0x4], $0x1, s17, s15, $0xb8;
	[tilespmem:$0x5A80] =	vst v63  }
0x4f: {  	_ =	swait.ge [sflag:s28], $0x7D  }
0x50: {  	[sflag:s28] =	ssyncset.done $0x0  }
0x51: {  	s18 =	simm.s32 $0x300;
	[sflag:s28] =	ssyncadd.s32 $0xFFFFFF83  }
0x52: {  	[spmem:s2] =	stream.indirect.scatter.add.f32 [tilespmem:s16], [sflag:$0x5], $0x1, s18, s15, $0xb8;
	[tilespmem:$0x5A80] =	vst v63  }
0x53: {  	_ =	swait.ge [sflag:s29], $0x7D  }
0x54: {  	[sflag:s29] =	ssyncset.done $0x0  }
0x55: {  	s17 =	simm.s32 $0x2B00;
	[sflag:s29] =	ssyncadd.s32 $0xFFFFFF83  }
0x56: {  	[spmem:s3] =	stream.indirect.scatter.add.f32 [tilespmem:s16], [sflag:$0x6], $0x1, s17, s15, $0xb8;
	[tilespmem:$0x5A80] =	vst v63  }
0x57: {  	_ =	swait.ge [sflag:s30], $0x7D  }
0x58: {  	[sflag:s30] =	ssyncset.done $0x0  }
0x59: {  	s18 =	simm.s32 $0x380;
	[sflag:s30] =	ssyncadd.s32 $0xFFFFFF83  }
0x5a: {  	[spmem:s2] =	stream.indirect.scatter.add.f32 [tilespmem:s16], [sflag:$0x7], $0x1, s18, s15, $0xb8;
	[tilespmem:$0x5A80] =	vst v63  }
0x5b: {  	_ =	swait.ge [sflag:s31], $0x7D  }
0x5c: {  	[sflag:s31] =	ssyncset.done $0x0  }
0x5d: {  	s1 =	simm.s32 $0x800;
	s17 =	simm.s32 $0x2B80;
	[sflag:s31] =	ssyncadd.s32 $0xFFFFFF83  }
.LBB2_4:
0x5e: {  	[spmem:s3] =	stream.indirect.scatter.add.f32 [tilespmem:s16], [sflag:$0x8], $0x1, s17, s15, $0xb8;
	[tilespmem:$0x5A80] =	vst v63  }
0x5f: {  	s17 =	smov.u32 s1  }
0x60: {  	p0 =	sne.s32 s1, $0x9000;
	s1 =	sadd.s32 $0x800, s1;
	_ =	swait.ge [sflag:s23], $0x7D  }
0x61: {  	s17 =	sshra.s32 s17, $0x2;
	[sflag:s23] =	ssyncset.done $0x0  }
0x62: {  	s18 =	sadd.s32 $0x200, s17;
	[sflag:s23] =	ssyncadd.s32 $0xFFFFFF83  }
0x63: {  	[spmem:s2] =	stream.indirect.scatter.add.f32 [tilespmem:s16], [sflag:$0x1], $0x1, s18, s15, $0xb8;
	[tilespmem:$0x5A80] =	vst v63  }
0x64: {  	_ =	swait.ge [sflag:s24], $0x7D  }
0x65: {  	[sflag:s24] =	ssyncset.done $0x0  }
0x66: {  	s18 =	sadd.s32 $0x2A00, s17;
	[sflag:s24] =	ssyncadd.s32 $0xFFFFFF83  }
0x67: {  	[spmem:s3] =	stream.indirect.scatter.add.f32 [tilespmem:s16], [sflag:$0x2], $0x1, s18, s15, $0xb8;
	[tilespmem:$0x5A80] =	vst v63  }
0x68: {  	_ =	swait.ge [sflag:s25], $0x7D  }
0x69: {  	[sflag:s25] =	ssyncset.done $0x0  }
0x6a: {  	s18 =	sadd.s32 $0x280, s17;
	[sflag:s25] =	ssyncadd.s32 $0xFFFFFF83  }
0x6b: {  	[spmem:s2] =	stream.indirect.scatter.add.f32 [tilespmem:s16], [sflag:$0x3], $0x1, s18, s15, $0xb8;
	[tilespmem:$0x5A80] =	vst v63  }
0x6c: {  	_ =	swait.ge [sflag:s26], $0x7D  }
0x6d: {  	[sflag:s26] =	ssyncset.done $0x0  }
0x6e: {  	s18 =	sadd.s32 $0x2A80, s17;
	[sflag:s26] =	ssyncadd.s32 $0xFFFFFF83  }
0x6f: {  	[spmem:s3] =	stream.indirect.scatter.add.f32 [tilespmem:s16], [sflag:$0x4], $0x1, s18, s15, $0xb8;
	[tilespmem:$0x5A80] =	vst v63  }
0x70: {  	_ =	swait.ge [sflag:s28], $0x7D  }
0x71: {  	[sflag:s28] =	ssyncset.done $0x0  }
0x72: {  	s18 =	sadd.s32 $0x300, s17;
	[sflag:s28] =	ssyncadd.s32 $0xFFFFFF83  }
0x73: {  	[spmem:s2] =	stream.indirect.scatter.add.f32 [tilespmem:s16], [sflag:$0x5], $0x1, s18, s15, $0xb8;
	[tilespmem:$0x5A80] =	vst v63  }
0x74: {  	_ =	swait.ge [sflag:s29], $0x7D  }
0x75: {  	[sflag:s29] =	ssyncset.done $0x0  }
0x76: {  	s18 =	sadd.s32 $0x2B00, s17;
	[sflag:s29] =	ssyncadd.s32 $0xFFFFFF83  }
0x77: {  	[spmem:s3] =	stream.indirect.scatter.add.f32 [tilespmem:s16], [sflag:$0x6], $0x1, s18, s15, $0xb8;
	[tilespmem:$0x5A80] =	vst v63  }
0x78: {  	_ =	swait.ge [sflag:s30], $0x7D  }
0x79: {  	[sflag:s30] =	ssyncset.done $0x0  }
.Ltmp1:
0x7a: {  	s18 =	sadd.s32 $0x380, s17;
	[sflag:s30] =	ssyncadd.s32 $0xFFFFFF83;
	(pc) =	sbr.rel @p0 .LBB2_4-.Ltmp1, $4  }
0x7b: {  	[spmem:s2] =	stream.indirect.scatter.add.f32 [tilespmem:s16], [sflag:$0x7], $0x1, s18, s15, $0xb8;
	[tilespmem:$0x5A80] =	vst v63  }
0x7c: {  	_ =	swait.ge [sflag:s31], $0x7D  }
0x7d: {  	[sflag:s31] =	ssyncset.done $0x0  }
0x7e: {  	s17 =	sadd.s32 $0x2B80, s17;
	[sflag:s31] =	ssyncadd.s32 $0xFFFFFF83  }
0x7f: {  	[spmem:s3] =	stream.indirect.scatter.add.f32 [tilespmem:s16], [sflag:$0x8], $0x1, s17, s15, $0xb8;
	[tilespmem:$0x5A80] =	vst v63  }
0x80: {  	_ =	swait.ge [sflag:s23], $0x7D  }
0x81: {  	[sflag:s23] =	ssyncset.done $0x0  }
0x82: {  	[sflag:s23] =	ssyncadd.s32 $0xFFFFFF83  }
0x83: {  	_ =	swait.ge [sflag:s24], $0x7D  }
0x84: {  	[sflag:s24] =	ssyncset.done $0x0  }
0x85: {  	[sflag:s24] =	ssyncadd.s32 $0xFFFFFF83  }
0x86: {  	_ =	swait.ge [sflag:s25], $0x7D  }
0x87: {  	[sflag:s25] =	ssyncset.done $0x0  }
0x88: {  	[sflag:s25] =	ssyncadd.s32 $0xFFFFFF83  }
0x89: {  	_ =	swait.ge [sflag:s26], $0x7D  }
0x8a: {  	[sflag:s26] =	ssyncset.done $0x0  }
0x8b: {  	[sflag:s26] =	ssyncadd.s32 $0xFFFFFF83  }
0x8c: {  	_ =	swait.ge [sflag:s28], $0x7D  }
0x8d: {  	[sflag:s28] =	ssyncset.done $0x0  }
0x8e: {  	[sflag:s28] =	ssyncadd.s32 $0xFFFFFF83  }
0x8f: {  	_ =	swait.ge [sflag:s29], $0x7D  }
0x90: {  	[sflag:s29] =	ssyncset.done $0x0  }
0x91: {  	[sflag:s29] =	ssyncadd.s32 $0xFFFFFF83  }
0x92: {  	_ =	swait.ge [sflag:s30], $0x7D  }
0x93: {  	[sflag:s30] =	ssyncset.done $0x0  }
0x94: {  	[sflag:s30] =	ssyncadd.s32 $0xFFFFFF83  }
0x95: {  	_ =	swait.ge [sflag:s31], $0x7D  }
0x96: {  	s1 =	stileid.u32;
	[sflag:s31] =	ssyncset.done $0x0  }
0x97: {  	s1 =	sshll.u32 s1, $0x6;
	[sflag:s31] =	ssyncadd.s32 $0xFFFFFF83  }
0x98: {  	s18 =	sshrl.u32 s8, $0x3;
	s1 =	sor.u32 $0x1C09, s1;
	[bflag:$0x0] =	sbarrier.arrive $0xFFFF  }
0x99: {  	[hbm:s7], [sflag:s1] =	dma.local [spmem:s18], $0x50  }
0x9a: {  	s0 =	sadd.s32 $0x1, s0;
	_ =	swait.ge [sflag:s12], $0x50  }
0x9b: {  	p0 =	sne.s32 s0, s11;
	[sflag:s12] =	ssyncset.done $0x0  }
.Ltmp2:
0x9c: {  	s18 =	sshrl.u32 s9, $0x3;
	[sflag:s12] =	ssyncadd.s32 $0xFFFFFFB0;
	(pc) =	sbr.rel @p0 .LBB2_1-.Ltmp2, $4  }
0x9d: {  	[hbm:s10], [sflag:s1] =	dma.local [spmem:s18], $0x50  }
0x9e: {  	_ =	swait.ge [sflag:s12], $0x50  }
0x9f: {  	[sflag:s12] =	ssyncset.done $0x0  }
0xa0: {  	[sflag:s12] =	ssyncadd.s32 $0xFFFFFFB0  }
0xa1: {  	_ =	sfence.sel $0x180000  }
0xa2: {  	[bflag:$0x0] =	sbarrier.arrive $0xFFFF  }
0xa3: {  	_ =	strace $0x90000047  }
0xa4: {  	s0 =	stileid.u32;
	[bflag:$0x2] =	sbarrier.arrive $0xFFFF  }
0xa5: {  	p0 =	sne.s32 s0, $0x0;
	s0 =	rddreg [dreg:$0x4]  }
0xa6: {  	s0 =	sadd.s32 @!p0 $0x100000, s0  }
0xa7: {  	[sflag:s0] =	ssyncadd.tile.s32 @!p0 $0x1;
	_ =	shalt  }
.Lfunc_end2:
_tile_overlayer_lowered:
.L_overlay_start_2:
0xa8: {  	(tag) =	ssettag $0x2  }
0xa9: {  	s0 =	rddreg [dreg:$0x0];
	s2 =	stileid.u32  }
0xaa: {  	s1 =	rddreg [dreg:$0x1];
	p0 =	sne.s32 s2, $0x0  }
0xab: {  	s3 =	rddreg [dreg:$0x2];
	[bflag:$0x3] =	sbarrier.arrive $0xFFFF;
	s2 =	simm.s32 @!p0 $0x1C09  }
0xac: {  	[timem:s3], [sflag:s2] =	dma.local @!p0 [hbm:s0], s1  }
0xad: {  	s0 =	simm.s32 @!p0 $0x9  }
0xae: {  	_ =	swait.ge @!p0 [sflag:s0], s1  }
0xaf: {  	s1 =	ssub.s32 @!p0 $0x0, s1;
	[sflag:s0] =	ssyncset.done @!p0 $0x0  }
0xb0: {  	[sflag:s0] =	ssyncadd.s32 @!p0 s1  }
0xb1: {  	[bflag:$0x3] =	sbarrier.arrive $0xFFFF  }
0xb2: {  	_ =	shalt  }

</sc_bundles>
